<compile_context>
chip_gen: v7x
topology: tpu7x:2x2x1
jax: 0.10.2.dev20260603
libtpu: 0.0.44.dev20260713+nightly
codegen_flags: <defaults>
</compile_context>

<pallas_src>
import functools

import jax
import jax.numpy as jnp
from jax import lax
from jax.experimental import pallas as pl
from jax.experimental.pallas import tpu as pltpu
from jax.experimental.pallas import tpu_sc as plsc

_NC = 2
_NS = 16
_NW = _NC * _NS

_F = 16
_PK = 8
_G = 64

_CH = 128
_GRP = 8
_GE = _CH * _GRP
_NGRP = 5
_EPW = _GE * _NGRP
_EPAD = _NW * _EPW

_NROWS = 10016
_RPT = _NROWS // _NS
_NPL = _NROWS // _PK


def _sc_mesh():
    return plsc.VectorSubcoreMesh(core_axis_name="c", subcore_axis_name="s")


def _sc_gather(table_p, idx2d):
    @functools.partial(
        pl.kernel,
        mesh=_sc_mesh(),
        compiler_params=pltpu.CompilerParams(use_tc_tiling_on_sc=False),
        out_type=jax.ShapeDtypeStruct((_EPAD, _F), jnp.float32),
        scratch_types=[
            pltpu.VMEM((_NGRP * _GRP, _CH), jnp.int32),
            pltpu.VMEM((_GE, _F), jnp.float32),
            pltpu.VMEM_SHARED((_NROWS, _F), jnp.float32),
            pltpu.SemaphoreType.DMA,
        ],
    )
    def gk(tab_hbm, idx_hbm, out_hbm, idx_v, rows_v, tabs, sem):
        c = lax.axis_index("c")
        s = lax.axis_index("s")
        wid = s * _NC + c
        ebase = wid * _EPW
        rbase = wid * (_EPW // _CH)

        pltpu.sync_copy(tab_hbm.at[pl.ds(s * _RPT, _RPT)],
                        tabs.at[pl.ds(s * _RPT, _RPT)])
        pltpu.sync_copy(idx_hbm.at[pl.ds(rbase, _NGRP * _GRP)], idx_v)
        plsc.subcore_barrier()

        def body(g, carry):
            cps = [
                pltpu.async_copy(
                    tabs.at[idx_v.at[g * _GRP + j]],
                    rows_v.at[pl.ds(j * _CH, _CH)],
                    sem,
                )
                for j in range(_GRP)
            ]
            for cp in cps:
                cp.wait()
            pltpu.sync_copy(rows_v, out_hbm.at[pl.ds(ebase + g * _GE, _GE)])
            return carry

        lax.fori_loop(0, _NGRP, body, 0)

    return gk(table_p.reshape(_NROWS, _F), idx2d).reshape(_EPAD // _PK, _PK * _F)


def _sc_scatter(msg_p, dst2d, zrows):
    @functools.partial(
        pl.kernel,
        mesh=_sc_mesh(),
        compiler_params=pltpu.CompilerParams(use_tc_tiling_on_sc=False),
        out_type=jax.ShapeDtypeStruct((_NC, _NROWS, _F), jnp.float32),
        scratch_types=[
            pltpu.VMEM((_NGRP * _GRP, _CH), jnp.int32),
            pltpu.VMEM((_GE, _F), jnp.float32),
            pltpu.VMEM_SHARED((_NROWS, _F), jnp.float32),
            pltpu.SemaphoreType.DMA,
        ],
    )
    def sk(msg_hbm, dst_hbm, z_hbm, s_out, idx_v, rows_v, acc, sem):
        c = lax.axis_index("c")
        s = lax.axis_index("s")
        wid = s * _NC + c
        ebase = wid * _EPW
        rbase = wid * (_EPW // _CH)

        pltpu.sync_copy(z_hbm, acc.at[pl.ds(s * _RPT, _RPT)])
        pltpu.sync_copy(dst_hbm.at[pl.ds(rbase, _NGRP * _GRP)], idx_v)
        plsc.subcore_barrier()

        def body(g, carry):
            pltpu.sync_copy(msg_hbm.at[pl.ds(ebase + g * _GE, _GE)], rows_v)
            cps = [
                pltpu.async_copy(
                    rows_v.at[pl.ds(j * _CH, _CH)],
                    acc.at[idx_v.at[g * _GRP + j]],
                    sem,
                    add=True,
                )
                for j in range(_GRP)
            ]
            for cp in cps:
                cp.wait()
            return carry

        lax.fori_loop(0, _NGRP, body, 0)
        plsc.subcore_barrier()

        pltpu.sync_copy(
            acc.at[pl.ds(s * _RPT, _RPT)],
            s_out.at[c, pl.ds(s * _RPT, _RPT)],
        )

    res = sk(msg_p.reshape(_EPAD, _F), dst2d, zrows)
    return res.reshape(_NC, _NPL, _PK * _F)


def _sc_count(dst2d, zrows, orows):
    @functools.partial(
        pl.kernel,
        mesh=_sc_mesh(),
        compiler_params=pltpu.CompilerParams(use_tc_tiling_on_sc=False),
        out_type=jax.ShapeDtypeStruct((_NC, _NROWS, _F), jnp.float32),
        scratch_types=[
            pltpu.VMEM((_NGRP * _GRP, _CH), jnp.int32),
            pltpu.VMEM((_CH, _F), jnp.float32),
            pltpu.VMEM_SHARED((_NROWS, _F), jnp.float32),
            pltpu.SemaphoreType.DMA,
        ],
    )
    def ck(dst_hbm, z_hbm, o_hbm, c_out, idx_v, one_v, cacc, sem):
        c = lax.axis_index("c")
        s = lax.axis_index("s")
        wid = s * _NC + c
        rbase = wid * (_EPW // _CH)

        pltpu.sync_copy(z_hbm, cacc.at[pl.ds(s * _RPT, _RPT)])
        pltpu.sync_copy(dst_hbm.at[pl.ds(rbase, _NGRP * _GRP)], idx_v)
        pltpu.sync_copy(o_hbm, one_v)
        plsc.subcore_barrier()

        def body(g, carry):
            cps = [
                pltpu.async_copy(
                    one_v,
                    cacc.at[idx_v.at[g * _GRP + j]],
                    sem,
                    add=True,
                )
                for j in range(_GRP)
            ]
            for cp in cps:
                cp.wait()
            return carry

        lax.fori_loop(0, _NGRP, body, 0)
        plsc.subcore_barrier()

        pltpu.sync_copy(
            cacc.at[pl.ds(s * _RPT, _RPT)],
            c_out.at[c, pl.ds(s * _RPT, _RPT)],
        )

    return _sc_count_post(ck(dst2d, zrows, orows))


def _sc_count_post(r):
    return r.reshape(_NC, _NPL, _PK * _F)


_BR = 2048
_BE = _BR * _PK


def _tc_msg(ea_t, xsrc_p, w1a, w2, b2r, tmat, smat):
    nb = xsrc_p.shape[0] * _PK // _BE

    def body(ea_ref, xs_ref, w1_ref, w2_ref, b2_ref, t_ref, s_ref,
             out_ref):
        ea_b = jnp.transpose(ea_ref[...])
        h = jnp.maximum(
            jnp.dot(ea_b, w1_ref[...], preferred_element_type=jnp.float32),
            0.0,
        )
        w = jnp.dot(h, w2_ref[...], preferred_element_type=jnp.float32) \
            + b2_ref[...]
        xs128 = xs_ref[...]
        outs = []
        for k in range(_PK):
            xs_k = xs128[:, k * _F:(k + 1) * _F]
            xjt = jnp.dot(xs_k, t_ref[...],
                          preferred_element_type=jnp.float32)
            p_k = w[k * _BR:(k + 1) * _BR, :] * xjt
            outs.append(jnp.dot(p_k.astype(jnp.bfloat16), s_ref[...],
                                preferred_element_type=jnp.float32))
        out_ref[...] = jnp.concatenate(outs, axis=1)

    full = lambda shape: pl.BlockSpec(shape, lambda i: (0, 0))
    return pl.pallas_call(
        body,
        grid=(nb,),
        in_specs=[
            pl.BlockSpec((3, _BE), lambda i: (0, i)),
            pl.BlockSpec((_BR, _PK * _F), lambda i: (i, 0)),
            full((3, 32)),
            full((32, _F * _F)),
            full((1, _F * _F)),
            full((_F, _F * _F)),
            full((_F * _F, _F)),
        ],
        out_specs=pl.BlockSpec((_BR, _PK * _F), lambda i: (i, 0)),
        out_shape=jax.ShapeDtypeStruct((xsrc_p.shape[0], _PK * _F),
                                       jnp.float32),
    )(ea_t, xsrc_p, w1a, w2, b2r, tmat, smat)


def _tc_update_first(sp, cp, fp, r128, b128):
    def body(sp_ref, cp_ref, f_ref, r_ref, b_ref, out_ref, ic_ref):
        cnt = cp_ref[0] + cp_ref[1]
        ic = 1.0 / jnp.maximum(cnt, 1.0)
        ic_ref[...] = ic
        ssum = sp_ref[0] + sp_ref[1]
        upd = ssum * ic + jnp.dot(f_ref[...], r_ref[...],
                                  preferred_element_type=jnp.float32) \
            + b_ref[...]
        out_ref[...] = jnp.maximum(upd, 0.0)

    return pl.pallas_call(
        body,
        out_shape=[
            jax.ShapeDtypeStruct((_NPL, _PK * _F), jnp.float32),
            jax.ShapeDtypeStruct((_NPL, _PK * _F), jnp.float32),
        ],
    )(sp, cp, fp, r128, b128)


def _tc_update(sp, ic, fp, r128, b128):
    def body(sp_ref, ic_ref, f_ref, r_ref, b_ref, out_ref):
        ssum = sp_ref[0] + sp_ref[1]
        upd = ssum * ic_ref[...] + jnp.dot(f_ref[...], r_ref[...],
                                           preferred_element_type=jnp.float32) \
            + b_ref[...]
        out_ref[...] = jnp.maximum(upd, 0.0)

    return pl.pallas_call(
        body,
        out_shape=jax.ShapeDtypeStruct((_NPL, _PK * _F), jnp.float32),
    )(sp, ic, fp, r128, b128)


def _tc_update_pool(sp, ic, fp, r128, b128, batch_t):

    def body(sp_ref, ic_ref, f_ref, r_ref, b_ref, batch_ref, out_ref):
        ssum = sp_ref[0] + sp_ref[1]
        upd = ssum * ic_ref[...] + jnp.dot(f_ref[...], r_ref[...],
                                           preferred_element_type=jnp.float32) \
            + b_ref[...]
        h3 = jnp.maximum(upd, 0.0)
        gids = lax.broadcasted_iota(jnp.int32, (_G, _NPL), 0)
        pool_s = jnp.zeros((_G, _F), jnp.float32)
        cnt = jnp.zeros((_G, 1), jnp.float32)
        for k in range(_PK):
            onehot = (gids == batch_ref[k:k + 1, :]).astype(jnp.float32)
            pool_s = pool_s + jnp.dot(onehot, h3[:, k * _F:(k + 1) * _F],
                                      preferred_element_type=jnp.float32)
            cnt = cnt + jnp.sum(onehot, axis=1, keepdims=True)
        out_ref[...] = pool_s / jnp.maximum(cnt, 1.0)

    return pl.pallas_call(
        body,
        out_shape=jax.ShapeDtypeStruct((_G, _F), jnp.float32),
    )(sp, ic, fp, r128, b128, batch_t)


def kernel(x, edge_index, edge_attr, batch,
           w1_1, b1_1, w2_1, b2_1, root1, bias1,
           w1_2, b1_2, w2_2, b2_2, root2, bias2,
           w1_3, b1_3, w2_3, b2_3, root3, bias3):
    n = x.shape[0]
    e = edge_index.shape[1]
    pad = _EPAD - e
    nb = _EPAD // _BE

    src_p = jnp.concatenate(
        [edge_index[0], jnp.zeros((pad,), jnp.int32)]).reshape(-1, _CH)
    dst_p = jnp.concatenate(
        [edge_index[1], jnp.full((pad,), n, jnp.int32)]).reshape(-1, _CH)
    ea01 = jnp.pad(jnp.transpose(edge_attr), ((0, 0), (0, pad))) \
        .reshape(2, nb, _BR, _PK).transpose(0, 1, 3, 2).reshape(2, _EPAD)
    ea_t = jnp.concatenate([ea01, jnp.ones((1, _EPAD), jnp.float32)])

    x_p = jnp.concatenate(
        [x, jnp.zeros((_NROWS - n, _F), jnp.float32)]).reshape(_NPL, _PK * _F)
    batch_t = jnp.concatenate(
        [batch.astype(jnp.int32),
         jnp.full((_NROWS - n,), jnp.int32(2 ** 30), jnp.int32)]) \
        .reshape(_NPL, _PK).transpose(1, 0)

    tmat = jnp.repeat(jnp.eye(_F, dtype=jnp.float32), _F, axis=1)
    smat = jnp.tile(jnp.eye(_F, dtype=jnp.bfloat16), (_F, 1))
    zrows = jnp.zeros((_RPT, _F), jnp.float32)
    orows = jnp.ones((_CH, _F), jnp.float32)
    eye8 = jnp.eye(_PK, dtype=jnp.float32)

    w1s = (w1_1, w1_2, w1_3)
    b1s = (b1_1, b1_2, b1_3)
    w2s = (w2_1, w2_2, w2_3)
    b2s = (b2_1, b2_2, b2_3)
    roots = (root1, root2, root3)
    biases = (bias1, bias2, bias3)

    fp = x_p
    ic = None
    out = None
    cp = _sc_count(dst_p, zrows, orows)
    for layer in range(3):
        r128 = jnp.kron(eye8, roots[layer])
        b128 = jnp.tile(biases[layer], _PK).reshape(1, _PK * _F)
        w1a = jnp.concatenate([w1s[layer], b1s[layer].reshape(1, -1)], axis=0)
        xsrc = _sc_gather(fp, src_p)
        msg = _tc_msg(ea_t, xsrc, w1a, w2s[layer],
                      b2s[layer].reshape(1, -1), tmat, smat)
        sp = _sc_scatter(msg, dst_p, zrows)
        if layer == 0:
            fp, ic = _tc_update_first(sp, cp, fp, r128, b128)
        elif layer == 1:
            fp = _tc_update(sp, ic, fp, r128, b128)
        else:
            out = _tc_update_pool(sp, ic, fp, r128, b128, batch_t)
    return out

# --- scband reference (transcript-rebuilt; emitter-appended) ---
"""Pipeline reference for scband-nnconv-encoder-6923487282686 (READ-ONLY COPY).

The authoritative reference and input builder live on the scoring server;
editing this copy changes nothing except your own understanding.
"""

import jax, jax.numpy as jnp
import numpy as np

N = 10000
E = 160000
IN = 16
H = 16
ED = 2
G = 64  # number of graphs in batch


def setup_inputs(seed: int = 0) -> dict:
    key = jax.random.key(seed)
    ks = jax.random.split(key, 24)
    inp = {}
    inp["x"] = jax.random.normal(ks[0], (N, IN), dtype=jnp.float32)
    inp["edge_index"] = jax.random.randint(ks[1], (2, E), 0, N, dtype=jnp.int32)
    inp["edge_attr"] = jax.random.uniform(ks[2], (E, ED), dtype=jnp.float32)
    inp["batch"] = jnp.sort(jax.random.randint(ks[3], (N,), 0, G, dtype=jnp.int32))
    # layer 1: edge MLP 2->32->IN*H, root [IN,H], bias [H]
    inp["w1_1"] = jax.random.normal(ks[4], (ED, 32), dtype=jnp.float32) * 0.1
    inp["b1_1"] = jnp.zeros((32,), dtype=jnp.float32)
    inp["w2_1"] = jax.random.normal(ks[5], (32, IN * H), dtype=jnp.float32) * 0.05
    inp["b2_1"] = jnp.zeros((IN * H,), dtype=jnp.float32)
    inp["root1"] = jax.random.normal(ks[6], (IN, H), dtype=jnp.float32) * 0.1
    inp["bias1"] = jnp.zeros((H,), dtype=jnp.float32)
    # layer 2: edge MLP 2->32->H*H
    inp["w1_2"] = jax.random.normal(ks[7], (ED, 32), dtype=jnp.float32) * 0.1
    inp["b1_2"] = jnp.zeros((32,), dtype=jnp.float32)
    inp["w2_2"] = jax.random.normal(ks[8], (32, H * H), dtype=jnp.float32) * 0.05
    inp["b2_2"] = jnp.zeros((H * H,), dtype=jnp.float32)
    inp["root2"] = jax.random.normal(ks[9], (H, H), dtype=jnp.float32) * 0.1
    inp["bias2"] = jnp.zeros((H,), dtype=jnp.float32)
    # layer 3: edge MLP 2->32->H*H
    inp["w1_3"] = jax.random.normal(ks[10], (ED, 32), dtype=jnp.float32) * 0.1
    inp["b1_3"] = jnp.zeros((32,), dtype=jnp.float32)
    inp["w2_3"] = jax.random.normal(ks[11], (32, H * H), dtype=jnp.float32) * 0.05
    inp["b2_3"] = jnp.zeros((H * H,), dtype=jnp.float32)
    inp["root3"] = jax.random.normal(ks[12], (H, H), dtype=jnp.float32) * 0.1
    inp["bias3"] = jnp.zeros((H,), dtype=jnp.float32)
    return inp


def _nnconv(x, edge_index, edge_attr, w1, b1, w2, b2, root, bias, in_ch, out_ch):
    # PyG NNConv with aggr='mean': msg_ij = x_j @ reshape(edge_nn(e_ij), (in,out))
    # out_i = mean_j(msg_ij) + x_i @ root + bias
    src = edge_index[0]
    dst = edge_index[1]
    h = jax.nn.relu(edge_attr @ w1 + b1)
    w = (h @ w2 + b2).reshape(-1, in_ch, out_ch)
    x_j = jnp.take(x, src, axis=0)
    msg = jnp.einsum('ei,eio->eo', x_j, w)
    s = jax.ops.segment_sum(msg, dst, num_segments=x.shape[0])
    cnt = jax.ops.segment_sum(jnp.ones((edge_index.shape[1],), dtype=msg.dtype), dst, num_segments=x.shape[0])
    mean = s / jnp.maximum(cnt, 1.0)[:, None]
    return mean + x @ root + bias


def _global_mean_pool(x, batch, num_graphs):
    s = jax.ops.segment_sum(x, batch, num_segments=num_graphs)
    cnt = jax.ops.segment_sum(jnp.ones((x.shape[0],), dtype=x.dtype), batch, num_segments=num_graphs)
    return s / jnp.maximum(cnt, 1.0)[:, None]


def reference(x, edge_index, edge_attr, batch,
              w1_1, b1_1, w2_1, b2_1, root1, bias1,
              w1_2, b1_2, w2_2, b2_2, root2, bias2,
              w1_3, b1_3, w2_3, b2_3, root3, bias3):
    # dropout omitted (eval mode / deterministic reference)
    h1 = jax.nn.relu(_nnconv(x, edge_index, edge_attr, w1_1, b1_1, w2_1, b2_1, root1, bias1, IN, H))
    h2 = jax.nn.relu(_nnconv(h1, edge_index, edge_attr, w1_2, b1_2, w2_2, b2_2, root2, bias2, H, H))
    h3 = jax.nn.relu(_nnconv(h2, edge_index, edge_attr, w1_3, b1_3, w2_3, b2_3, root3, bias3, H, H))
    return _global_mean_pool(h3, batch, G)

if __name__ == "__main__":
    import jax
    _d = setup_inputs()
    print(jax.jit(kernel)(*tuple(_d.values())))

</pallas_src>

<mosaic_0001>
#map = affine_map<(d0, d1) -> (0, 0)>
module attributes {stable_mosaic.version = 14 : i64} {
  func.func @gk(%arg0: i32, %arg1: i32, %arg2: memref<10016x16xf32, #tpu.memory_space<hbm>>, %arg3: memref<1280x128xi32, #tpu.memory_space<hbm>>, %arg4: memref<163840x16xf32, #tpu.memory_space<hbm>>, %arg5: memref<40x128xi32, #tpu.memory_space<vmem>>, %arg6: memref<1024x16xf32, #tpu.memory_space<vmem>>, %arg7: memref<10016x16xf32, #tpu.memory_space<vmem_shared>>, %arg8: memref<!tpu.dma_semaphore, #tpu.memory_space<semaphore_mem>>) attributes {dimension_semantics = [#tpu.dimension_semantics<core_parallel>, #tpu.dimension_semantics<subcore_parallel>], iteration_bounds = array<i64: 2, 16>, scalar_prefetch = 0 : i64, scratch_operands = 4 : i64, tpu.core_type = #tpu.core_type<sc_vector_subcore>, window_params = [{transform_indices = #map}, {transform_indices = #map}, {transform_indices = #map}]} {
    %mul3A = arith.constant 2 : i32
    %mul3A_0 = arith.muli %arg1, %mul3A : i32
    %add3A = arith.addi %mul3A_0, %arg0 : i32
    %mul3A_1 = arith.constant 5120 : i32
    %mul3A_2 = arith.muli %add3A, %mul3A_1 : i32
    %mul3A_3 = arith.constant 40 : i32
    %mul3A_4 = arith.muli %add3A, %mul3A_3 : i32
    %mul3A_5 = arith.constant 626 : i32
    %mul3A_6 = arith.muli %arg1, %mul3A_5 : i32
    %mul3A_7 = arith.constant 626 : i32
    %mul3A_8 = arith.muli %arg1, %mul3A_7 : i32
    "tpu.region"() ({
      %run_scoped3A = tpu.sem_alloc : memref<!tpu.dma_semaphore, #tpu.memory_space<semaphore_mem>>
      %dma_start3A = arith.constant 0 : i32
      %dma_start3A_14 = tpu.memref_slice %arg7[%mul3A_8, %dma_start3A] : memref<10016x16xf32, #tpu.memory_space<vmem_shared>> -> memref<626x16xf32, #tpu.memory_space<vmem_shared>>
      %dma_start3A_15 = arith.constant 0 : i32
      %dma_start3A_16 = tpu.memref_slice %arg2[%mul3A_6, %dma_start3A_15] : memref<10016x16xf32, #tpu.memory_space<hbm>> -> memref<626x16xf32, #tpu.memory_space<hbm>>
      tpu.enqueue_dma source(%dma_start3A_16 : memref<626x16xf32, #tpu.memory_space<hbm>>) target(%dma_start3A_14 : memref<626x16xf32, #tpu.memory_space<vmem_shared>>) target_semaphore(%run_scoped3A : memref<!tpu.dma_semaphore, #tpu.memory_space<semaphore_mem>>)
      %dma_wait3A = arith.constant 0 : i32
      %dma_wait3A_17 = tpu.memref_slice %arg7[%mul3A_8, %dma_wait3A] : memref<10016x16xf32, #tpu.memory_space<vmem_shared>> -> memref<626x16xf32, #tpu.memory_space<vmem_shared>>
      %dma_wait3A_18 = arith.constant 0 : i32
      %dma_wait3A_19 = tpu.memref_slice %arg2[%mul3A_6, %dma_wait3A_18] : memref<10016x16xf32, #tpu.memory_space<hbm>> -> memref<626x16xf32, #tpu.memory_space<hbm>>
      tpu.wait_dma2 semaphore(%run_scoped3A : memref<!tpu.dma_semaphore, #tpu.memory_space<semaphore_mem>>) src(%dma_wait3A_19 : memref<626x16xf32, #tpu.memory_space<hbm>>) dst(%dma_wait3A_17 : memref<626x16xf32, #tpu.memory_space<vmem_shared>>)
      tpu.yield
    }) : () -> ()
    "tpu.region"() ({
      %run_scoped3A = tpu.sem_alloc : memref<!tpu.dma_semaphore, #tpu.memory_space<semaphore_mem>>
      %dma_start3A = arith.constant 0 : i32
      %dma_start3A_14 = tpu.memref_slice %arg3[%mul3A_4, %dma_start3A] : memref<1280x128xi32, #tpu.memory_space<hbm>> -> memref<40x128xi32, #tpu.memory_space<hbm>>
      %dma_start3A_15 = arith.constant 0 : i32
      %dma_start3A_16 = tpu.memref_slice %arg3[%mul3A_4, %dma_start3A_15] : memref<1280x128xi32, #tpu.memory_space<hbm>> -> memref<40x128xi32, #tpu.memory_space<hbm>>
      tpu.enqueue_dma source(%dma_start3A_16 : memref<40x128xi32, #tpu.memory_space<hbm>>) target(%arg5 : memref<40x128xi32, #tpu.memory_space<vmem>>) target_semaphore(%run_scoped3A : memref<!tpu.dma_semaphore, #tpu.memory_space<semaphore_mem>>)
      %dma_wait3A = arith.constant 0 : i32
      %dma_wait3A_17 = tpu.memref_slice %arg3[%mul3A_4, %dma_wait3A] : memref<1280x128xi32, #tpu.memory_space<hbm>> -> memref<40x128xi32, #tpu.memory_space<hbm>>
      %dma_wait3A_18 = arith.constant 0 : i32
      %dma_wait3A_19 = tpu.memref_slice %arg3[%mul3A_4, %dma_wait3A_18] : memref<1280x128xi32, #tpu.memory_space<hbm>> -> memref<40x128xi32, #tpu.memory_space<hbm>>
      tpu.wait_dma2 semaphore(%run_scoped3A : memref<!tpu.dma_semaphore, #tpu.memory_space<semaphore_mem>>) src(%dma_wait3A_19 : memref<40x128xi32, #tpu.memory_space<hbm>>) dst(%arg5 : memref<40x128xi32, #tpu.memory_space<vmem>>)
      tpu.yield
    }) : () -> ()
    %barrier3A = arith.constant 0 : index
    tpu.barrier barrier_id(%barrier3A)
    %scan3A = arith.constant 0 : i32
    %scan3A_9 = arith.constant 0 : i32
    %scan3A_10 = arith.constant 5 : i32
    %scan3A_11 = arith.addi %scan3A_9, %scan3A_10 : i32
    %scan3A_12 = arith.constant 1 : i32
    scf.for %scan3A_14 = %scan3A_9 to %scan3A_11 step %scan3A_12  : i32 {
      %mul3A_15 = arith.constant 8 : i32
      %mul3A_16 = arith.muli %scan3A_14, %mul3A_15 : i32
      %add3A_17 = arith.constant 0 : i32
      %add3A_18 = arith.addi %mul3A_16, %add3A_17 : i32
      %dma_start3A = arith.constant 0 : i32
      %dma_start3A_19 = arith.constant 0 : i32
      %dma_start3A_20 = tpu.memref_slice %arg6[%dma_start3A, %dma_start3A_19] : memref<1024x16xf32, #tpu.memory_space<vmem>> -> memref<128x16xf32, #tpu.memory_space<vmem>>
      %dma_start3A_21 = arith.constant 0 : i32
      %dma_start3A_22 = tpu.memref_slice %arg5[%add3A_18, %dma_start3A_21] : memref<40x128xi32, #tpu.memory_space<vmem>> -> memref<1x128xi32, #tpu.memory_space<vmem>>
      %dma_start3A_23 = tpu.memref_squeeze %dma_start3A_22 : memref<1x128xi32, #tpu.memory_space<vmem>> -> memref<128xi32, #tpu.memory_space<vmem>>
      %dma_start3A_24 = arith.constant 0 : i32
      %dma_start3A_25 = arith.constant 0 : i32
      %dma_start3A_26 = tpu.memref_slice %arg7[%dma_start3A_24, %dma_start3A_25] : memref<10016x16xf32, #tpu.memory_space<vmem_shared>> -> memref<10016x16xf32, #tpu.memory_space<vmem_shared>>
      tpu.enqueue_indirect_dma source(%dma_start3A_26 : memref<10016x16xf32, #tpu.memory_space<vmem_shared>>) target(%dma_start3A_20 : memref<128x16xf32, #tpu.memory_space<vmem>>) offsets(%dma_start3A_23 : memref<128xi32, #tpu.memory_space<vmem>>) semaphore(%arg8 : memref<!tpu.dma_semaphore, #tpu.memory_space<semaphore_mem>>)
      %mul3A_27 = arith.constant 8 : i32
      %mul3A_28 = arith.muli %scan3A_14, %mul3A_27 : i32
      %add3A_29 = arith.constant 1 : i32
      %add3A_30 = arith.addi %mul3A_28, %add3A_29 : i32
      %dma_start3A_31 = arith.constant 128 : i32
      %dma_start3A_32 = arith.constant 0 : i32
      %dma_start3A_33 = tpu.memref_slice %arg6[%dma_start3A_31, %dma_start3A_32] : memref<1024x16xf32, #tpu.memory_space<vmem>> -> memref<128x16xf32, #tpu.memory_space<vmem>>
      %dma_start3A_34 = arith.constant 0 : i32
      %dma_start3A_35 = tpu.memref_slice %arg5[%add3A_30, %dma_start3A_34] : memref<40x128xi32, #tpu.memory_space<vmem>> -> memref<1x128xi32, #tpu.memory_space<vmem>>
      %dma_start3A_36 = tpu.memref_squeeze %dma_start3A_35 : memref<1x128xi32, #tpu.memory_space<vmem>> -> memref<128xi32, #tpu.memory_space<vmem>>
      %dma_start3A_37 = arith.constant 0 : i32
      %dma_start3A_38 = arith.constant 0 : i32
      %dma_start3A_39 = tpu.memref_slice %arg7[%dma_start3A_37, %dma_start3A_38] : memref<10016x16xf32, #tpu.memory_space<vmem_shared>> -> memref<10016x16xf32, #tpu.memory_space<vmem_shared>>
      tpu.enqueue_indirect_dma source(%dma_start3A_39 : memref<10016x16xf32, #tpu.memory_space<vmem_shared>>) target(%dma_start3A_33 : memref<128x16xf32, #tpu.memory_space<vmem>>) offsets(%dma_start3A_36 : memref<128xi32, #tpu.memory_space<vmem>>) semaphore(%arg8 : memref<!tpu.dma_semaphore, #tpu.memory_space<semaphore_mem>>)
      %mul3A_40 = arith.constant 8 : i32
      %mul3A_41 = arith.muli %scan3A_14, %mul3A_40 : i32
      %add3A_42 = arith.constant 2 : i32
      %add3A_43 = arith.addi %mul3A_41, %add3A_42 : i32
      %dma_start3A_44 = arith.constant 256 : i32
      %dma_start3A_45 = arith.constant 0 : i32
      %dma_start3A_46 = tpu.memref_slice %arg6[%dma_start3A_44, %dma_start3A_45] : memref<1024x16xf32, #tpu.memory_space<vmem>> -> memref<128x16xf32, #tpu.memory_space<vmem>>
      %dma_start3A_47 = arith.constant 0 : i32
      %dma_start3A_48 = tpu.memref_slice %arg5[%add3A_43, %dma_start3A_47] : memref<40x128xi32, #tpu.memory_space<vmem>> -> memref<1x128xi32, #tpu.memory_space<vmem>>
      %dma_start3A_49 = tpu.memref_squeeze %dma_start3A_48 : memref<1x128xi32, #tpu.memory_space<vmem>> -> memref<128xi32, #tpu.memory_space<vmem>>
      %dma_start3A_50 = arith.constant 0 : i32
      %dma_start3A_51 = arith.constant 0 : i32
      %dma_start3A_52 = tpu.memref_slice %arg7[%dma_start3A_50, %dma_start3A_51] : memref<10016x16xf32, #tpu.memory_space<vmem_shared>> -> memref<10016x16xf32, #tpu.memory_space<vmem_shared>>
      tpu.enqueue_indirect_dma source(%dma_start3A_52 : memref<10016x16xf32, #tpu.memory_space<vmem_shared>>) target(%dma_start3A_46 : memref<128x16xf32, #tpu.memory_space<vmem>>) offsets(%dma_start3A_49 : memref<128xi32, #tpu.memory_space<vmem>>) semaphore(%arg8 : memref<!tpu.dma_semaphore, #tpu.memory_space<semaphore_mem>>)
      %mul3A_53 = arith.constant 8 : i32
      %mul3A_54 = arith.muli %scan3A_14, %mul3A_53 : i32
      %add3A_55 = arith.constant 3 : i32
      %add3A_56 = arith.addi %mul3A_54, %add3A_55 : i32
      %dma_start3A_57 = arith.constant 384 : i32
      %dma_start3A_58 = arith.constant 0 : i32
      %dma_start3A_59 = tpu.memref_slice %arg6[%dma_start3A_57, %dma_start3A_58] : memref<1024x16xf32, #tpu.memory_space<vmem>> -> memref<128x16xf32, #tpu.memory_space<vmem>>
      %dma_start3A_60 = arith.constant 0 : i32
      %dma_start3A_61 = tpu.memref_slice %arg5[%add3A_56, %dma_start3A_60] : memref<40x128xi32, #tpu.memory_space<vmem>> -> memref<1x128xi32, #tpu.memory_space<vmem>>
      %dma_start3A_62 = tpu.memref_squeeze %dma_start3A_61 : memref<1x128xi32, #tpu.memory_space<vmem>> -> memref<128xi32, #tpu.memory_space<vmem>>
      %dma_start3A_63 = arith.constant 0 : i32
      %dma_start3A_64 = arith.constant 0 : i32
      %dma_start3A_65 = tpu.memref_slice %arg7[%dma_start3A_63, %dma_start3A_64] : memref<10016x16xf32, #tpu.memory_space<vmem_shared>> -> memref<10016x16xf32, #tpu.memory_space<vmem_shared>>
      tpu.enqueue_indirect_dma source(%dma_start3A_65 : memref<10016x16xf32, #tpu.memory_space<vmem_shared>>) target(%dma_start3A_59 : memref<128x16xf32, #tpu.memory_space<vmem>>) offsets(%dma_start3A_62 : memref<128xi32, #tpu.memory_space<vmem>>) semaphore(%arg8 : memref<!tpu.dma_semaphore, #tpu.memory_space<semaphore_mem>>)
      %mul3A_66 = arith.constant 8 : i32
      %mul3A_67 = arith.muli %scan3A_14, %mul3A_66 : i32
      %add3A_68 = arith.constant 4 : i32
      %add3A_69 = arith.addi %mul3A_67, %add3A_68 : i32
      %dma_start3A_70 = arith.constant 512 : i32
      %dma_start3A_71 = arith.constant 0 : i32
      %dma_start3A_72 = tpu.memref_slice %arg6[%dma_start3A_70, %dma_start3A_71] : memref<1024x16xf32, #tpu.memory_space<vmem>> -> memref<128x16xf32, #tpu.memory_space<vmem>>
      %dma_start3A_73 = arith.constant 0 : i32
      %dma_start3A_74 = tpu.memref_slice %arg5[%add3A_69, %dma_start3A_73] : memref<40x128xi32, #tpu.memory_space<vmem>> -> memref<1x128xi32, #tpu.memory_space<vmem>>
      %dma_start3A_75 = tpu.memref_squeeze %dma_start3A_74 : memref<1x128xi32, #tpu.memory_space<vmem>> -> memref<128xi32, #tpu.memory_space<vmem>>
      %dma_start3A_76 = arith.constant 0 : i32
      %dma_start3A_77 = arith.constant 0 : i32
      %dma_start3A_78 = tpu.memref_slice %arg7[%dma_start3A_76, %dma_start3A_77] : memref<10016x16xf32, #tpu.memory_space<vmem_shared>> -> memref<10016x16xf32, #tpu.memory_space<vmem_shared>>
      tpu.enqueue_indirect_dma source(%dma_start3A_78 : memref<10016x16xf32, #tpu.memory_space<vmem_shared>>) target(%dma_start3A_72 : memref<128x16xf32, #tpu.memory_space<vmem>>) offsets(%dma_start3A_75 : memref<128xi32, #tpu.memory_space<vmem>>) semaphore(%arg8 : memref<!tpu.dma_semaphore, #tpu.memory_space<semaphore_mem>>)
      %mul3A_79 = arith.constant 8 : i32
      %mul3A_80 = arith.muli %scan3A_14, %mul3A_79 : i32
      %add3A_81 = arith.constant 5 : i32
      %add3A_82 = arith.addi %mul3A_80, %add3A_81 : i32
      %dma_start3A_83 = arith.constant 640 : i32
      %dma_start3A_84 = arith.constant 0 : i32
      %dma_start3A_85 = tpu.memref_slice %arg6[%dma_start3A_83, %dma_start3A_84] : memref<1024x16xf32, #tpu.memory_space<vmem>> -> memref<128x16xf32, #tpu.memory_space<vmem>>
      %dma_start3A_86 = arith.constant 0 : i32
      %dma_start3A_87 = tpu.memref_slice %arg5[%add3A_82, %dma_start3A_86] : memref<40x128xi32, #tpu.memory_space<vmem>> -> memref<1x128xi32, #tpu.memory_space<vmem>>
      %dma_start3A_88 = tpu.memref_squeeze %dma_start3A_87 : memref<1x128xi32, #tpu.memory_space<vmem>> -> memref<128xi32, #tpu.memory_space<vmem>>
      %dma_start3A_89 = arith.constant 0 : i32
      %dma_start3A_90 = arith.constant 0 : i32
      %dma_start3A_91 = tpu.memref_slice %arg7[%dma_start3A_89, %dma_start3A_90] : memref<10016x16xf32, #tpu.memory_space<vmem_shared>> -> memref<10016x16xf32, #tpu.memory_space<vmem_shared>>
      tpu.enqueue_indirect_dma source(%dma_start3A_91 : memref<10016x16xf32, #tpu.memory_space<vmem_shared>>) target(%dma_start3A_85 : memref<128x16xf32, #tpu.memory_space<vmem>>) offsets(%dma_start3A_88 : memref<128xi32, #tpu.memory_space<vmem>>) semaphore(%arg8 : memref<!tpu.dma_semaphore, #tpu.memory_space<semaphore_mem>>)
      %mul3A_92 = arith.constant 8 : i32
      %mul3A_93 = arith.muli %scan3A_14, %mul3A_92 : i32
      %add3A_94 = arith.constant 6 : i32
      %add3A_95 = arith.addi %mul3A_93, %add3A_94 : i32
      %dma_start3A_96 = arith.constant 768 : i32
      %dma_start3A_97 = arith.constant 0 : i32
      %dma_start3A_98 = tpu.memref_slice %arg6[%dma_start3A_96, %dma_start3A_97] : memref<1024x16xf32, #tpu.memory_space<vmem>> -> memref<128x16xf32, #tpu.memory_space<vmem>>
      %dma_start3A_99 = arith.constant 0 : i32
      %dma_start3A_100 = tpu.memref_slice %arg5[%add3A_95, %dma_start3A_99] : memref<40x128xi32, #tpu.memory_space<vmem>> -> memref<1x128xi32, #tpu.memory_space<vmem>>
      %dma_start3A_101 = tpu.memref_squeeze %dma_start3A_100 : memref<1x128xi32, #tpu.memory_space<vmem>> -> memref<128xi32, #tpu.memory_space<vmem>>
      %dma_start3A_102 = arith.constant 0 : i32
      %dma_start3A_103 = arith.constant 0 : i32
      %dma_start3A_104 = tpu.memref_slice %arg7[%dma_start3A_102, %dma_start3A_103] : memref<10016x16xf32, #tpu.memory_space<vmem_shared>> -> memref<10016x16xf32, #tpu.memory_space<vmem_shared>>
      tpu.enqueue_indirect_dma source(%dma_start3A_104 : memref<10016x16xf32, #tpu.memory_space<vmem_shared>>) target(%dma_start3A_98 : memref<128x16xf32, #tpu.memory_space<vmem>>) offsets(%dma_start3A_101 : memref<128xi32, #tpu.memory_space<vmem>>) semaphore(%arg8 : memref<!tpu.dma_semaphore, #tpu.memory_space<semaphore_mem>>)
      %mul3A_105 = arith.constant 8 : i32
      %mul3A_106 = arith.muli %scan3A_14, %mul3A_105 : i32
      %add3A_107 = arith.constant 7 : i32
      %add3A_108 = arith.addi %mul3A_106, %add3A_107 : i32
      %dma_start3A_109 = arith.constant 896 : i32
      %dma_start3A_110 = arith.constant 0 : i32
      %dma_start3A_111 = tpu.memref_slice %arg6[%dma_start3A_109, %dma_start3A_110] : memref<1024x16xf32, #tpu.memory_space<vmem>> -> memref<128x16xf32, #tpu.memory_space<vmem>>
      %dma_start3A_112 = arith.constant 0 : i32
      %dma_start3A_113 = tpu.memref_slice %arg5[%add3A_108, %dma_start3A_112] : memref<40x128xi32, #tpu.memory_space<vmem>> -> memref<1x128xi32, #tpu.memory_space<vmem>>
      %dma_start3A_114 = tpu.memref_squeeze %dma_start3A_113 : memref<1x128xi32, #tpu.memory_space<vmem>> -> memref<128xi32, #tpu.memory_space<vmem>>
      %dma_start3A_115 = arith.constant 0 : i32
      %dma_start3A_116 = arith.constant 0 : i32
      %dma_start3A_117 = tpu.memref_slice %arg7[%dma_start3A_115, %dma_start3A_116] : memref<10016x16xf32, #tpu.memory_space<vmem_shared>> -> memref<10016x16xf32, #tpu.memory_space<vmem_shared>>
      tpu.enqueue_indirect_dma source(%dma_start3A_117 : memref<10016x16xf32, #tpu.memory_space<vmem_shared>>) target(%dma_start3A_111 : memref<128x16xf32, #tpu.memory_space<vmem>>) offsets(%dma_start3A_114 : memref<128xi32, #tpu.memory_space<vmem>>) semaphore(%arg8 : memref<!tpu.dma_semaphore, #tpu.memory_space<semaphore_mem>>)
      %dma_wait3A = arith.constant 0 : i32
      %dma_wait3A_118 = arith.constant 0 : i32
      %dma_wait3A_119 = tpu.memref_slice %arg6[%dma_wait3A, %dma_wait3A_118] : memref<1024x16xf32, #tpu.memory_space<vmem>> -> memref<128x16xf32, #tpu.memory_space<vmem>>
      %dma_wait3A_120 = arith.constant 0 : i32
      %dma_wait3A_121 = tpu.memref_slice %arg5[%add3A_18, %dma_wait3A_120] : memref<40x128xi32, #tpu.memory_space<vmem>> -> memref<1x128xi32, #tpu.memory_space<vmem>>
      %dma_wait3A_122 = tpu.memref_squeeze %dma_wait3A_121 : memref<1x128xi32, #tpu.memory_space<vmem>> -> memref<128xi32, #tpu.memory_space<vmem>>
      %dma_wait3A_123 = arith.constant 0 : i32
      %dma_wait3A_124 = arith.constant 0 : i32
      %dma_wait3A_125 = tpu.memref_slice %arg7[%dma_wait3A_123, %dma_wait3A_124] : memref<10016x16xf32, #tpu.memory_space<vmem_shared>> -> memref<10016x16xf32, #tpu.memory_space<vmem_shared>>
      tpu.wait_indirect_dma semaphore(%arg8 : memref<!tpu.dma_semaphore, #tpu.memory_space<semaphore_mem>>) src(%dma_wait3A_125 : memref<10016x16xf32, #tpu.memory_space<vmem_shared>>) dst(%dma_wait3A_119 : memref<128x16xf32, #tpu.memory_space<vmem>>)
      %dma_wait3A_126 = arith.constant 128 : i32
      %dma_wait3A_127 = arith.constant 0 : i32
      %dma_wait3A_128 = tpu.memref_slice %arg6[%dma_wait3A_126, %dma_wait3A_127] : memref<1024x16xf32, #tpu.memory_space<vmem>> -> memref<128x16xf32, #tpu.memory_space<vmem>>
      %dma_wait3A_129 = arith.constant 0 : i32
      %dma_wait3A_130 = tpu.memref_slice %arg5[%add3A_30, %dma_wait3A_129] : memref<40x128xi32, #tpu.memory_space<vmem>> -> memref<1x128xi32, #tpu.memory_space<vmem>>
      %dma_wait3A_131 = tpu.memref_squeeze %dma_wait3A_130 : memref<1x128xi32, #tpu.memory_space<vmem>> -> memref<128xi32, #tpu.memory_space<vmem>>
      %dma_wait3A_132 = arith.constant 0 : i32
      %dma_wait3A_133 = arith.constant 0 : i32
      %dma_wait3A_134 = tpu.memref_slice %arg7[%dma_wait3A_132, %dma_wait3A_133] : memref<10016x16xf32, #tpu.memory_space<vmem_shared>> -> memref<10016x16xf32, #tpu.memory_space<vmem_shared>>
      tpu.wait_indirect_dma semaphore(%arg8 : memref<!tpu.dma_semaphore, #tpu.memory_space<semaphore_mem>>) src(%dma_wait3A_134 : memref<10016x16xf32, #tpu.memory_space<vmem_shared>>) dst(%dma_wait3A_128 : memref<128x16xf32, #tpu.memory_space<vmem>>)
      %dma_wait3A_135 = arith.constant 256 : i32
      %dma_wait3A_136 = arith.constant 0 : i32
      %dma_wait3A_137 = tpu.memref_slice %arg6[%dma_wait3A_135, %dma_wait3A_136] : memref<1024x16xf32, #tpu.memory_space<vmem>> -> memref<128x16xf32, #tpu.memory_space<vmem>>
      %dma_wait3A_138 = arith.constant 0 : i32
      %dma_wait3A_139 = tpu.memref_slice %arg5[%add3A_43, %dma_wait3A_138] : memref<40x128xi32, #tpu.memory_space<vmem>> -> memref<1x128xi32, #tpu.memory_space<vmem>>
      %dma_wait3A_140 = tpu.memref_squeeze %dma_wait3A_139 : memref<1x128xi32, #tpu.memory_space<vmem>> -> memref<128xi32, #tpu.memory_space<vmem>>
      %dma_wait3A_141 = arith.constant 0 : i32
      %dma_wait3A_142 = arith.constant 0 : i32
      %dma_wait3A_143 = tpu.memref_slice %arg7[%dma_wait3A_141, %dma_wait3A_142] : memref<10016x16xf32, #tpu.memory_space<vmem_shared>> -> memref<10016x16xf32, #tpu.memory_space<vmem_shared>>
      tpu.wait_indirect_dma semaphore(%arg8 : memref<!tpu.dma_semaphore, #tpu.memory_space<semaphore_mem>>) src(%dma_wait3A_143 : memref<10016x16xf32, #tpu.memory_space<vmem_shared>>) dst(%dma_wait3A_137 : memref<128x16xf32, #tpu.memory_space<vmem>>)
      %dma_wait3A_144 = arith.constant 384 : i32
      %dma_wait3A_145 = arith.constant 0 : i32
      %dma_wait3A_146 = tpu.memref_slice %arg6[%dma_wait3A_144, %dma_wait3A_145] : memref<1024x16xf32, #tpu.memory_space<vmem>> -> memref<128x16xf32, #tpu.memory_space<vmem>>
      %dma_wait3A_147 = arith.constant 0 : i32
      %dma_wait3A_148 = tpu.memref_slice %arg5[%add3A_56, %dma_wait3A_147] : memref<40x128xi32, #tpu.memory_space<vmem>> -> memref<1x128xi32, #tpu.memory_space<vmem>>
      %dma_wait3A_149 = tpu.memref_squeeze %dma_wait3A_148 : memref<1x128xi32, #tpu.memory_space<vmem>> -> memref<128xi32, #tpu.memory_space<vmem>>
      %dma_wait3A_150 = arith.constant 0 : i32
      %dma_wait3A_151 = arith.constant 0 : i32
      %dma_wait3A_152 = tpu.memref_slice %arg7[%dma_wait3A_150, %dma_wait3A_151] : memref<10016x16xf32, #tpu.memory_space<vmem_shared>> -> memref<10016x16xf32, #tpu.memory_space<vmem_shared>>
      tpu.wait_indirect_dma semaphore(%arg8 : memref<!tpu.dma_semaphore, #tpu.memory_space<semaphore_mem>>) src(%dma_wait3A_152 : memref<10016x16xf32, #tpu.memory_space<vmem_shared>>) dst(%dma_wait3A_146 : memref<128x16xf32, #tpu.memory_space<vmem>>)
      %dma_wait3A_153 = arith.constant 512 : i32
      %dma_wait3A_154 = arith.constant 0 : i32
      %dma_wait3A_155 = tpu.memref_slice %arg6[%dma_wait3A_153, %dma_wait3A_154] : memref<1024x16xf32, #tpu.memory_space<vmem>> -> memref<128x16xf32, #tpu.memory_space<vmem>>
      %dma_wait3A_156 = arith.constant 0 : i32
      %dma_wait3A_157 = tpu.memref_slice %arg5[%add3A_69, %dma_wait3A_156] : memref<40x128xi32, #tpu.memory_space<vmem>> -> memref<1x128xi32, #tpu.memory_space<vmem>>
      %dma_wait3A_158 = tpu.memref_squeeze %dma_wait3A_157 : memref<1x128xi32, #tpu.memory_space<vmem>> -> memref<128xi32, #tpu.memory_space<vmem>>
      %dma_wait3A_159 = arith.constant 0 : i32
      %dma_wait3A_160 = arith.constant 0 : i32
      %dma_wait3A_161 = tpu.memref_slice %arg7[%dma_wait3A_159, %dma_wait3A_160] : memref<10016x16xf32, #tpu.memory_space<vmem_shared>> -> memref<10016x16xf32, #tpu.memory_space<vmem_shared>>
      tpu.wait_indirect_dma semaphore(%arg8 : memref<!tpu.dma_semaphore, #tpu.memory_space<semaphore_mem>>) src(%dma_wait3A_161 : memref<10016x16xf32, #tpu.memory_space<vmem_shared>>) dst(%dma_wait3A_155 : memref<128x16xf32, #tpu.memory_space<vmem>>)
      %dma_wait3A_162 = arith.constant 640 : i32
      %dma_wait3A_163 = arith.constant 0 : i32
      %dma_wait3A_164 = tpu.memref_slice %arg6[%dma_wait3A_162, %dma_wait3A_163] : memref<1024x16xf32, #tpu.memory_space<vmem>> -> memref<128x16xf32, #tpu.memory_space<vmem>>
      %dma_wait3A_165 = arith.constant 0 : i32
      %dma_wait3A_166 = tpu.memref_slice %arg5[%add3A_82, %dma_wait3A_165] : memref<40x128xi32, #tpu.memory_space<vmem>> -> memref<1x128xi32, #tpu.memory_space<vmem>>
      %dma_wait3A_167 = tpu.memref_squeeze %dma_wait3A_166 : memref<1x128xi32, #tpu.memory_space<vmem>> -> memref<128xi32, #tpu.memory_space<vmem>>
      %dma_wait3A_168 = arith.constant 0 : i32
      %dma_wait3A_169 = arith.constant 0 : i32
      %dma_wait3A_170 = tpu.memref_slice %arg7[%dma_wait3A_168, %dma_wait3A_169] : memref<10016x16xf32, #tpu.memory_space<vmem_shared>> -> memref<10016x16xf32, #tpu.memory_space<vmem_shared>>
      tpu.wait_indirect_dma semaphore(%arg8 : memref<!tpu.dma_semaphore, #tpu.memory_space<semaphore_mem>>) src(%dma_wait3A_170 : memref<10016x16xf32, #tpu.memory_space<vmem_shared>>) dst(%dma_wait3A_164 : memref<128x16xf32, #tpu.memory_space<vmem>>)
      %dma_wait3A_171 = arith.constant 768 : i32
      %dma_wait3A_172 = arith.constant 0 : i32
      %dma_wait3A_173 = tpu.memref_slice %arg6[%dma_wait3A_171, %dma_wait3A_172] : memref<1024x16xf32, #tpu.memory_space<vmem>> -> memref<128x16xf32, #tpu.memory_space<vmem>>
      %dma_wait3A_174 = arith.constant 0 : i32
      %dma_wait3A_175 = tpu.memref_slice %arg5[%add3A_95, %dma_wait3A_174] : memref<40x128xi32, #tpu.memory_space<vmem>> -> memref<1x128xi32, #tpu.memory_space<vmem>>
      %dma_wait3A_176 = tpu.memref_squeeze %dma_wait3A_175 : memref<1x128xi32, #tpu.memory_space<vmem>> -> memref<128xi32, #tpu.memory_space<vmem>>
      %dma_wait3A_177 = arith.constant 0 : i32
      %dma_wait3A_178 = arith.constant 0 : i32
      %dma_wait3A_179 = tpu.memref_slice %arg7[%dma_wait3A_177, %dma_wait3A_178] : memref<10016x16xf32, #tpu.memory_space<vmem_shared>> -> memref<10016x16xf32, #tpu.memory_space<vmem_shared>>
      tpu.wait_indirect_dma semaphore(%arg8 : memref<!tpu.dma_semaphore, #tpu.memory_space<semaphore_mem>>) src(%dma_wait3A_179 : memref<10016x16xf32, #tpu.memory_space<vmem_shared>>) dst(%dma_wait3A_173 : memref<128x16xf32, #tpu.memory_space<vmem>>)
      %dma_wait3A_180 = arith.constant 896 : i32
      %dma_wait3A_181 = arith.constant 0 : i32
      %dma_wait3A_182 = tpu.memref_slice %arg6[%dma_wait3A_180, %dma_wait3A_181] : memref<1024x16xf32, #tpu.memory_space<vmem>> -> memref<128x16xf32, #tpu.memory_space<vmem>>
      %dma_wait3A_183 = arith.constant 0 : i32
      %dma_wait3A_184 = tpu.memref_slice %arg5[%add3A_108, %dma_wait3A_183] : memref<40x128xi32, #tpu.memory_space<vmem>> -> memref<1x128xi32, #tpu.memory_space<vmem>>
      %dma_wait3A_185 = tpu.memref_squeeze %dma_wait3A_184 : memref<1x128xi32, #tpu.memory_space<vmem>> -> memref<128xi32, #tpu.memory_space<vmem>>
      %dma_wait3A_186 = arith.constant 0 : i32
      %dma_wait3A_187 = arith.constant 0 : i32
      %dma_wait3A_188 = tpu.memref_slice %arg7[%dma_wait3A_186, %dma_wait3A_187] : memref<10016x16xf32, #tpu.memory_space<vmem_shared>> -> memref<10016x16xf32, #tpu.memory_space<vmem_shared>>
      tpu.wait_indirect_dma semaphore(%arg8 : memref<!tpu.dma_semaphore, #tpu.memory_space<semaphore_mem>>) src(%dma_wait3A_188 : memref<10016x16xf32, #tpu.memory_space<vmem_shared>>) dst(%dma_wait3A_182 : memref<128x16xf32, #tpu.memory_space<vmem>>)
      %mul3A_189 = arith.constant 1024 : i32
      %mul3A_190 = arith.muli %scan3A_14, %mul3A_189 : i32
      %add3A_191 = arith.addi %mul3A_2, %mul3A_190 : i32
      "tpu.region"() ({
        %run_scoped3A = tpu.sem_alloc : memref<!tpu.dma_semaphore, #tpu.memory_space<semaphore_mem>>
        %dma_start3A_192 = arith.constant 0 : i32
        %dma_start3A_193 = tpu.memref_slice %arg4[%add3A_191, %dma_start3A_192] : memref<163840x16xf32, #tpu.memory_space<hbm>> -> memref<1024x16xf32, #tpu.memory_space<hbm>>
        %dma_start3A_194 = arith.constant 0 : i32
        %dma_start3A_195 = tpu.memref_slice %arg4[%add3A_191, %dma_start3A_194] : memref<163840x16xf32, #tpu.memory_space<hbm>> -> memref<1024x16xf32, #tpu.memory_space<hbm>>
        tpu.enqueue_dma source(%arg6 : memref<1024x16xf32, #tpu.memory_space<vmem>>) target(%dma_start3A_195 : memref<1024x16xf32, #tpu.memory_space<hbm>>) target_semaphore(%run_scoped3A : memref<!tpu.dma_semaphore, #tpu.memory_space<semaphore_mem>>)
        %dma_wait3A_196 = arith.constant 0 : i32
        %dma_wait3A_197 = tpu.memref_slice %arg4[%add3A_191, %dma_wait3A_196] : memref<163840x16xf32, #tpu.memory_space<hbm>> -> memref<1024x16xf32, #tpu.memory_space<hbm>>
        %dma_wait3A_198 = arith.constant 0 : i32
        %dma_wait3A_199 = tpu.memref_slice %arg4[%add3A_191, %dma_wait3A_198] : memref<163840x16xf32, #tpu.memory_space<hbm>> -> memref<1024x16xf32, #tpu.memory_space<hbm>>
        tpu.wait_dma2 semaphore(%run_scoped3A : memref<!tpu.dma_semaphore, #tpu.memory_space<semaphore_mem>>) src(%arg6 : memref<1024x16xf32, #tpu.memory_space<vmem>>) dst(%dma_wait3A_199 : memref<1024x16xf32, #tpu.memory_space<hbm>>)
        tpu.yield
      }) : () -> ()
    }
    %scan3A_13 = arith.constant 5 : i32
    return
  }
}

#map = affine_map<(d0, d1) -> (0, 0)>
module attributes {stable_mosaic.version = 14 : i64} {
  func.func @gk(%arg0: i32, %arg1: i32, %arg2: memref<10016x16xf32, #tpu.memory_space<hbm>>, %arg3: memref<1280x128xi32, #tpu.memory_space<hbm>>, %arg4: memref<163840x16xf32, #tpu.memory_space<hbm>>, %arg5: memref<40x128xi32, #tpu.memory_space<vmem>>, %arg6: memref<1024x16xf32, #tpu.memory_space<vmem>>, %arg7: memref<10016x16xf32, #tpu.memory_space<vmem_shared>>, %arg8: memref<!tpu.dma_semaphore, #tpu.memory_space<semaphore_mem>>) attributes {dimension_semantics = [#tpu.dimension_semantics<core_parallel>, #tpu.dimension_semantics<subcore_parallel>], iteration_bounds = array<i64: 2, 16>, scalar_prefetch = 0 : i64, scratch_operands = 4 : i64, tpu.core_type = #tpu.core_type<sc_vector_subcore>, window_params = [{transform_indices = #map}, {transform_indices = #map}, {transform_indices = #map}]} {
    %mul3A = arith.constant 2 : i32
    %mul3A_0 = arith.muli %arg1, %mul3A : i32
    %add3A = arith.addi %mul3A_0, %arg0 : i32
    %mul3A_1 = arith.constant 5120 : i32
    %mul3A_2 = arith.muli %add3A, %mul3A_1 : i32
    %mul3A_3 = arith.constant 40 : i32
    %mul3A_4 = arith.muli %add3A, %mul3A_3 : i32
    %mul3A_5 = arith.constant 626 : i32
    %mul3A_6 = arith.muli %arg1, %mul3A_5 : i32
    %mul3A_7 = arith.constant 626 : i32
    %mul3A_8 = arith.muli %arg1, %mul3A_7 : i32
    "tpu.region"() ({
      %run_scoped3A = tpu.sem_alloc : memref<!tpu.dma_semaphore, #tpu.memory_space<semaphore_mem>>
      %dma_start3A = arith.constant 0 : i32
      %dma_start3A_14 = tpu.memref_slice %arg7[%mul3A_8, %dma_start3A] : memref<10016x16xf32, #tpu.memory_space<vmem_shared>> -> memref<626x16xf32, #tpu.memory_space<vmem_shared>>
      %dma_start3A_15 = arith.constant 0 : i32
      %dma_start3A_16 = tpu.memref_slice %arg2[%mul3A_6, %dma_start3A_15] : memref<10016x16xf32, #tpu.memory_space<hbm>> -> memref<626x16xf32, #tpu.memory_space<hbm>>
      tpu.enqueue_dma source(%dma_start3A_16 : memref<626x16xf32, #tpu.memory_space<hbm>>) target(%dma_start3A_14 : memref<626x16xf32, #tpu.memory_space<vmem_shared>>) target_semaphore(%run_scoped3A : memref<!tpu.dma_semaphore, #tpu.memory_space<semaphore_mem>>)
      %dma_wait3A = arith.constant 0 : i32
      %dma_wait3A_17 = tpu.memref_slice %arg7[%mul3A_8, %dma_wait3A] : memref<10016x16xf32, #tpu.memory_space<vmem_shared>> -> memref<626x16xf32, #tpu.memory_space<vmem_shared>>
      %dma_wait3A_18 = arith.constant 0 : i32
      %dma_wait3A_19 = tpu.memref_slice %arg2[%mul3A_6, %dma_wait3A_18] : memref<10016x16xf32, #tpu.memory_space<hbm>> -> memref<626x16xf32, #tpu.memory_space<hbm>>
      tpu.wait_dma2 semaphore(%run_scoped3A : memref<!tpu.dma_semaphore, #tpu.memory_space<semaphore_mem>>) src(%dma_wait3A_19 : memref<626x16xf32, #tpu.memory_space<hbm>>) dst(%dma_wait3A_17 : memref<626x16xf32, #tpu.memory_space<vmem_shared>>)
      tpu.yield
    }) : () -> ()
    "tpu.region"() ({
      %run_scoped3A = tpu.sem_alloc : memref<!tpu.dma_semaphore, #tpu.memory_space<semaphore_mem>>
      %dma_start3A = arith.constant 0 : i32
      %dma_start3A_14 = tpu.memref_slice %arg3[%mul3A_4, %dma_start3A] : memref<1280x128xi32, #tpu.memory_space<hbm>> -> memref<40x128xi32, #tpu.memory_space<hbm>>
      %dma_start3A_15 = arith.constant 0 : i32
      %dma_start3A_16 = tpu.memref_slice %arg3[%mul3A_4, %dma_start3A_15] : memref<1280x128xi32, #tpu.memory_space<hbm>> -> memref<40x128xi32, #tpu.memory_space<hbm>>
      tpu.enqueue_dma source(%dma_start3A_16 : memref<40x128xi32, #tpu.memory_space<hbm>>) target(%arg5 : memref<40x128xi32, #tpu.memory_space<vmem>>) target_semaphore(%run_scoped3A : memref<!tpu.dma_semaphore, #tpu.memory_space<semaphore_mem>>)
      %dma_wait3A = arith.constant 0 : i32
      %dma_wait3A_17 = tpu.memref_slice %arg3[%mul3A_4, %dma_wait3A] : memref<1280x128xi32, #tpu.memory_space<hbm>> -> memref<40x128xi32, #tpu.memory_space<hbm>>
      %dma_wait3A_18 = arith.constant 0 : i32
      %dma_wait3A_19 = tpu.memref_slice %arg3[%mul3A_4, %dma_wait3A_18] : memref<1280x128xi32, #tpu.memory_space<hbm>> -> memref<40x128xi32, #tpu.memory_space<hbm>>
      tpu.wait_dma2 semaphore(%run_scoped3A : memref<!tpu.dma_semaphore, #tpu.memory_space<semaphore_mem>>) src(%dma_wait3A_19 : memref<40x128xi32, #tpu.memory_space<hbm>>) dst(%arg5 : memref<40x128xi32, #tpu.memory_space<vmem>>)
      tpu.yield
    }) : () -> ()
    %barrier3A = arith.constant 0 : index
    tpu.barrier barrier_id(%barrier3A)
    %scan3A = arith.constant 0 : i32
    %scan3A_9 = arith.constant 0 : i32
    %scan3A_10 = arith.constant 5 : i32
    %scan3A_11 = arith.addi %scan3A_9, %scan3A_10 : i32
    %scan3A_12 = arith.constant 1 : i32
    scf.for %scan3A_14 = %scan3A_9 to %scan3A_11 step %scan3A_12  : i32 {
      %mul3A_15 = arith.constant 8 : i32
      %mul3A_16 = arith.muli %scan3A_14, %mul3A_15 : i32
      %add3A_17 = arith.constant 0 : i32
      %add3A_18 = arith.addi %mul3A_16, %add3A_17 : i32
      %dma_start3A = arith.constant 0 : i32
      %dma_start3A_19 = arith.constant 0 : i32
      %dma_start3A_20 = tpu.memref_slice %arg6[%dma_start3A, %dma_start3A_19] : memref<1024x16xf32, #tpu.memory_space<vmem>> -> memref<128x16xf32, #tpu.memory_space<vmem>>
      %dma_start3A_21 = arith.constant 0 : i32
      %dma_start3A_22 = tpu.memref_slice %arg5[%add3A_18, %dma_start3A_21] : memref<40x128xi32, #tpu.memory_space<vmem>> -> memref<1x128xi32, #tpu.memory_space<vmem>>
      %dma_start3A_23 = tpu.memref_squeeze %dma_start3A_22 : memref<1x128xi32, #tpu.memory_space<vmem>> -> memref<128xi32, #tpu.memory_space<vmem>>
      %dma_start3A_24 = arith.constant 0 : i32
      %dma_start3A_25 = arith.constant 0 : i32
      %dma_start3A_26 = tpu.memref_slice %arg7[%dma_start3A_24, %dma_start3A_25] : memref<10016x16xf32, #tpu.memory_space<vmem_shared>> -> memref<10016x16xf32, #tpu.memory_space<vmem_shared>>
      tpu.enqueue_indirect_dma source(%dma_start3A_26 : memref<10016x16xf32, #tpu.memory_space<vmem_shared>>) target(%dma_start3A_20 : memref<128x16xf32, #tpu.memory_space<vmem>>) offsets(%dma_start3A_23 : memref<128xi32, #tpu.memory_space<vmem>>) semaphore(%arg8 : memref<!tpu.dma_semaphore, #tpu.memory_space<semaphore_mem>>)
      %mul3A_27 = arith.constant 8 : i32
      %mul3A_28 = arith.muli %scan3A_14, %mul3A_27 : i32
      %add3A_29 = arith.constant 1 : i32
      %add3A_30 = arith.addi %mul3A_28, %add3A_29 : i32
      %dma_start3A_31 = arith.constant 128 : i32
      %dma_start3A_32 = arith.constant 0 : i32
      %dma_start3A_33 = tpu.memref_slice %arg6[%dma_start3A_31, %dma_start3A_32] : memref<1024x16xf32, #tpu.memory_space<vmem>> -> memref<128x16xf32, #tpu.memory_space<vmem>>
      %dma_start3A_34 = arith.constant 0 : i32
      %dma_start3A_35 = tpu.memref_slice %arg5[%add3A_30, %dma_start3A_34] : memref<40x128xi32, #tpu.memory_space<vmem>> -> memref<1x128xi32, #tpu.memory_space<vmem>>
      %dma_start3A_36 = tpu.memref_squeeze %dma_start3A_35 : memref<1x128xi32, #tpu.memory_space<vmem>> -> memref<128xi32, #tpu.memory_space<vmem>>
      %dma_start3A_37 = arith.constant 0 : i32
      %dma_start3A_38 = arith.constant 0 : i32
      %dma_start3A_39 = tpu.memref_slice %arg7[%dma_start3A_37, %dma_start3A_38] : memref<10016x16xf32, #tpu.memory_space<vmem_shared>> -> memref<10016x16xf32, #tpu.memory_space<vmem_shared>>
      tpu.enqueue_indirect_dma source(%dma_start3A_39 : memref<10016x16xf32, #tpu.memory_space<vmem_shared>>) target(%dma_start3A_33 : memref<128x16xf32, #tpu.memory_space<vmem>>) offsets(%dma_start3A_36 : memref<128xi32, #tpu.memory_space<vmem>>) semaphore(%arg8 : memref<!tpu.dma_semaphore, #tpu.memory_space<semaphore_mem>>)
      %mul3A_40 = arith.constant 8 : i32
      %mul3A_41 = arith.muli %scan3A_14, %mul3A_40 : i32
      %add3A_42 = arith.constant 2 : i32
      %add3A_43 = arith.addi %mul3A_41, %add3A_42 : i32
      %dma_start3A_44 = arith.constant 256 : i32
      %dma_start3A_45 = arith.constant 0 : i32
      %dma_start3A_46 = tpu.memref_slice %arg6[%dma_start3A_44, %dma_start3A_45] : memref<1024x16xf32, #tpu.memory_space<vmem>> -> memref<128x16xf32, #tpu.memory_space<vmem>>
      %dma_start3A_47 = arith.constant 0 : i32
      %dma_start3A_48 = tpu.memref_slice %arg5[%add3A_43, %dma_start3A_47] : memref<40x128xi32, #tpu.memory_space<vmem>> -> memref<1x128xi32, #tpu.memory_space<vmem>>
      %dma_start3A_49 = tpu.memref_squeeze %dma_start3A_48 : memref<1x128xi32, #tpu.memory_space<vmem>> -> memref<128xi32, #tpu.memory_space<vmem>>
      %dma_start3A_50 = arith.constant 0 : i32
      %dma_start3A_51 = arith.constant 0 : i32
      %dma_start3A_52 = tpu.memref_slice %arg7[%dma_start3A_50, %dma_start3A_51] : memref<10016x16xf32, #tpu.memory_space<vmem_shared>> -> memref<10016x16xf32, #tpu.memory_space<vmem_shared>>
      tpu.enqueue_indirect_dma source(%dma_start3A_52 : memref<10016x16xf32, #tpu.memory_space<vmem_shared>>) target(%dma_start3A_46 : memref<128x16xf32, #tpu.memory_space<vmem>>) offsets(%dma_start3A_49 : memref<128xi32, #tpu.memory_space<vmem>>) semaphore(%arg8 : memref<!tpu.dma_semaphore, #tpu.memory_space<semaphore_mem>>)
      %mul3A_53 = arith.constant 8 : i32
      %mul3A_54 = arith.muli %scan3A_14, %mul3A_53 : i32
      %add3A_55 = arith.constant 3 : i32
      %add3A_56 = arith.addi %mul3A_54, %add3A_55 : i32
      %dma_start3A_57 = arith.constant 384 : i32
      %dma_start3A_58 = arith.constant 0 : i32
      %dma_start3A_59 = tpu.memref_slice %arg6[%dma_start3A_57, %dma_start3A_58] : memref<1024x16xf32, #tpu.memory_space<vmem>> -> memref<128x16xf32, #tpu.memory_space<vmem>>
      %dma_start3A_60 = arith.constant 0 : i32
      %dma_start3A_61 = tpu.memref_slice %arg5[%add3A_56, %dma_start3A_60] : memref<40x128xi32, #tpu.memory_space<vmem>> -> memref<1x128xi32, #tpu.memory_space<vmem>>
      %dma_start3A_62 = tpu.memref_squeeze %dma_start3A_61 : memref<1x128xi32, #tpu.memory_space<vmem>> -> memref<128xi32, #tpu.memory_space<vmem>>
      %dma_start3A_63 = arith.constant 0 : i32
      %dma_start3A_64 = arith.constant 0 : i32
      %dma_start3A_65 = tpu.memref_slice %arg7[%dma_start3A_63, %dma_start3A_64] : memref<10016x16xf32, #tpu.memory_space<vmem_shared>> -> memref<10016x16xf32, #tpu.memory_space<vmem_shared>>
      tpu.enqueue_indirect_dma source(%dma_start3A_65 : memref<10016x16xf32, #tpu.memory_space<vmem_shared>>) target(%dma_start3A_59 : memref<128x16xf32, #tpu.memory_space<vmem>>) offsets(%dma_start3A_62 : memref<128xi32, #tpu.memory_space<vmem>>) semaphore(%arg8 : memref<!tpu.dma_semaphore, #tpu.memory_space<semaphore_mem>>)
      %mul3A_66 = arith.constant 8 : i32
      %mul3A_67 = arith.muli %scan3A_14, %mul3A_66 : i32
      %add3A_68 = arith.constant 4 : i32
      %add3A_69 = arith.addi %mul3A_67, %add3A_68 : i32
      %dma_start3A_70 = arith.constant 512 : i32
      %dma_start3A_71 = arith.constant 0 : i32
      %dma_start3A_72 = tpu.memref_slice %arg6[%dma_start3A_70, %dma_start3A_71] : memref<1024x16xf32, #tpu.memory_space<vmem>> -> memref<128x16xf32, #tpu.memory_space<vmem>>
      %dma_start3A_73 = arith.constant 0 : i32
      %dma_start3A_74 = tpu.memref_slice %arg5[%add3A_69, %dma_start3A_73] : memref<40x128xi32, #tpu.memory_space<vmem>> -> memref<1x128xi32, #tpu.memory_space<vmem>>
      %dma_start3A_75 = tpu.memref_squeeze %dma_start3A_74 : memref<1x128xi32, #tpu.memory_space<vmem>> -> memref<128xi32, #tpu.memory_space<vmem>>
      %dma_start3A_76 = arith.constant 0 : i32
      %dma_start3A_77 = arith.constant 0 : i32
      %dma_start3A_78 = tpu.memref_slice %arg7[%dma_start3A_76, %dma_start3A_77] : memref<10016x16xf32, #tpu.memory_space<vmem_shared>> -> memref<10016x16xf32, #tpu.memory_space<vmem_shared>>
      tpu.enqueue_indirect_dma source(%dma_start3A_78 : memref<10016x16xf32, #tpu.memory_space<vmem_shared>>) target(%dma_start3A_72 : memref<128x16xf32, #tpu.memory_space<vmem>>) offsets(%dma_start3A_75 : memref<128xi32, #tpu.memory_space<vmem>>) semaphore(%arg8 : memref<!tpu.dma_semaphore, #tpu.memory_space<semaphore_mem>>)
      %mul3A_79 = arith.constant 8 : i32
      %mul3A_80 = arith.muli %scan3A_14, %mul3A_79 : i32
      %add3A_81 = arith.constant 5 : i32
      %add3A_82 = arith.addi %mul3A_80, %add3A_81 : i32
      %dma_start3A_83 = arith.constant 640 : i32
      %dma_start3A_84 = arith.constant 0 : i32
      %dma_start3A_85 = tpu.memref_slice %arg6[%dma_start3A_83, %dma_start3A_84] : memref<1024x16xf32, #tpu.memory_space<vmem>> -> memref<128x16xf32, #tpu.memory_space<vmem>>
      %dma_start3A_86 = arith.constant 0 : i32
      %dma_start3A_87 = tpu.memref_slice %arg5[%add3A_82, %dma_start3A_86] : memref<40x128xi32, #tpu.memory_space<vmem>> -> memref<1x128xi32, #tpu.memory_space<vmem>>
      %dma_start3A_88 = tpu.memref_squeeze %dma_start3A_87 : memref<1x128xi32, #tpu.memory_space<vmem>> -> memref<128xi32, #tpu.memory_space<vmem>>
      %dma_start3A_89 = arith.constant 0 : i32
      %dma_start3A_90 = arith.constant 0 : i32
      %dma_start3A_91 = tpu.memref_slice %arg7[%dma_start3A_89, %dma_start3A_90] : memref<10016x16xf32, #tpu.memory_space<vmem_shared>> -> memref<10016x16xf32, #tpu.memory_space<vmem_shared>>
      tpu.enqueue_indirect_dma source(%dma_start3A_91 : memref<10016x16xf32, #tpu.memory_space<vmem_shared>>) target(%dma_start3A_85 : memref<128x16xf32, #tpu.memory_space<vmem>>) offsets(%dma_start3A_88 : memref<128xi32, #tpu.memory_space<vmem>>) semaphore(%arg8 : memref<!tpu.dma_semaphore, #tpu.memory_space<semaphore_mem>>)
      %mul3A_92 = arith.constant 8 : i32
      %mul3A_93 = arith.muli %scan3A_14, %mul3A_92 : i32
      %add3A_94 = arith.constant 6 : i32
      %add3A_95 = arith.addi %mul3A_93, %add3A_94 : i32
      %dma_start3A_96 = arith.constant 768 : i32
      %dma_start3A_97 = arith.constant 0 : i32
      %dma_start3A_98 = tpu.memref_slice %arg6[%dma_start3A_96, %dma_start3A_97] : memref<1024x16xf32, #tpu.memory_space<vmem>> -> memref<128x16xf32, #tpu.memory_space<vmem>>
      %dma_start3A_99 = arith.constant 0 : i32
      %dma_start3A_100 = tpu.memref_slice %arg5[%add3A_95, %dma_start3A_99] : memref<40x128xi32, #tpu.memory_space<vmem>> -> memref<1x128xi32, #tpu.memory_space<vmem>>
      %dma_start3A_101 = tpu.memref_squeeze %dma_start3A_100 : memref<1x128xi32, #tpu.memory_space<vmem>> -> memref<128xi32, #tpu.memory_space<vmem>>
      %dma_start3A_102 = arith.constant 0 : i32
      %dma_start3A_103 = arith.constant 0 : i32
      %dma_start3A_104 = tpu.memref_slice %arg7[%dma_start3A_102, %dma_start3A_103] : memref<10016x16xf32, #tpu.memory_space<vmem_shared>> -> memref<10016x16xf32, #tpu.memory_space<vmem_shared>>
      tpu.enqueue_indirect_dma source(%dma_start3A_104 : memref<10016x16xf32, #tpu.memory_space<vmem_shared>>) target(%dma_start3A_98 : memref<128x16xf32, #tpu.memory_space<vmem>>) offsets(%dma_start3A_101 : memref<128xi32, #tpu.memory_space<vmem>>) semaphore(%arg8 : memref<!tpu.dma_semaphore, #tpu.memory_space<semaphore_mem>>)
      %mul3A_105 = arith.constant 8 : i32
      %mul3A_106 = arith.muli %scan3A_14, %mul3A_105 : i32
      %add3A_107 = arith.constant 7 : i32
      %add3A_108 = arith.addi %mul3A_106, %add3A_107 : i32
      %dma_start3A_109 = arith.constant 896 : i32
      %dma_start3A_110 = arith.constant 0 : i32
      %dma_start3A_111 = tpu.memref_slice %arg6[%dma_start3A_109, %dma_start3A_110] : memref<1024x16xf32, #tpu.memory_space<vmem>> -> memref<128x16xf32, #tpu.memory_space<vmem>>
      %dma_start3A_112 = arith.constant 0 : i32
      %dma_start3A_113 = tpu.memref_slice %arg5[%add3A_108, %dma_start3A_112] : memref<40x128xi32, #tpu.memory_space<vmem>> -> memref<1x128xi32, #tpu.memory_space<vmem>>
      %dma_start3A_114 = tpu.memref_squeeze %dma_start3A_113 : memref<1x128xi32, #tpu.memory_space<vmem>> -> memref<128xi32, #tpu.memory_space<vmem>>
      %dma_start3A_115 = arith.constant 0 : i32
      %dma_start3A_116 = arith.constant 0 : i32
      %dma_start3A_117 = tpu.memref_slice %arg7[%dma_start3A_115, %dma_start3A_116] : memref<10016x16xf32, #tpu.memory_space<vmem_shared>> -> memref<10016x16xf32, #tpu.memory_space<vmem_shared>>
      tpu.enqueue_indirect_dma source(%dma_start3A_117 : memref<10016x16xf32, #tpu.memory_space<vmem_shared>>) target(%dma_start3A_111 : memref<128x16xf32, #tpu.memory_space<vmem>>) offsets(%dma_start3A_114 : memref<128xi32, #tpu.memory_space<vmem>>) semaphore(%arg8 : memref<!tpu.dma_semaphore, #tpu.memory_space<semaphore_mem>>)
      %dma_wait3A = arith.constant 0 : i32
      %dma_wait3A_118 = arith.constant 0 : i32
      %dma_wait3A_119 = tpu.memref_slice %arg6[%dma_wait3A, %dma_wait3A_118] : memref<1024x16xf32, #tpu.memory_space<vmem>> -> memref<128x16xf32, #tpu.memory_space<vmem>>
      %dma_wait3A_120 = arith.constant 0 : i32
      %dma_wait3A_121 = tpu.memref_slice %arg5[%add3A_18, %dma_wait3A_120] : memref<40x128xi32, #tpu.memory_space<vmem>> -> memref<1x128xi32, #tpu.memory_space<vmem>>
      %dma_wait3A_122 = tpu.memref_squeeze %dma_wait3A_121 : memref<1x128xi32, #tpu.memory_space<vmem>> -> memref<128xi32, #tpu.memory_space<vmem>>
      %dma_wait3A_123 = arith.constant 0 : i32
      %dma_wait3A_124 = arith.constant 0 : i32
      %dma_wait3A_125 = tpu.memref_slice %arg7[%dma_wait3A_123, %dma_wait3A_124] : memref<10016x16xf32, #tpu.memory_space<vmem_shared>> -> memref<10016x16xf32, #tpu.memory_space<vmem_shared>>
      tpu.wait_indirect_dma semaphore(%arg8 : memref<!tpu.dma_semaphore, #tpu.memory_space<semaphore_mem>>) src(%dma_wait3A_125 : memref<10016x16xf32, #tpu.memory_space<vmem_shared>>) dst(%dma_wait3A_119 : memref<128x16xf32, #tpu.memory_space<vmem>>)
      %dma_wait3A_126 = arith.constant 128 : i32
      %dma_wait3A_127 = arith.constant 0 : i32
      %dma_wait3A_128 = tpu.memref_slice %arg6[%dma_wait3A_126, %dma_wait3A_127] : memref<1024x16xf32, #tpu.memory_space<vmem>> -> memref<128x16xf32, #tpu.memory_space<vmem>>
      %dma_wait3A_129 = arith.constant 0 : i32
      %dma_wait3A_130 = tpu.memref_slice %arg5[%add3A_30, %dma_wait3A_129] : memref<40x128xi32, #tpu.memory_space<vmem>> -> memref<1x128xi32, #tpu.memory_space<vmem>>
      %dma_wait3A_131 = tpu.memref_squeeze %dma_wait3A_130 : memref<1x128xi32, #tpu.memory_space<vmem>> -> memref<128xi32, #tpu.memory_space<vmem>>
      %dma_wait3A_132 = arith.constant 0 : i32
      %dma_wait3A_133 = arith.constant 0 : i32
      %dma_wait3A_134 = tpu.memref_slice %arg7[%dma_wait3A_132, %dma_wait3A_133] : memref<10016x16xf32, #tpu.memory_space<vmem_shared>> -> memref<10016x16xf32, #tpu.memory_space<vmem_shared>>
      tpu.wait_indirect_dma semaphore(%arg8 : memref<!tpu.dma_semaphore, #tpu.memory_space<semaphore_mem>>) src(%dma_wait3A_134 : memref<10016x16xf32, #tpu.memory_space<vmem_shared>>) dst(%dma_wait3A_128 : memref<128x16xf32, #tpu.memory_space<vmem>>)
      %dma_wait3A_135 = arith.constant 256 : i32
      %dma_wait3A_136 = arith.constant 0 : i32
      %dma_wait3A_137 = tpu.memref_slice %arg6[%dma_wait3A_135, %dma_wait3A_136] : memref<1024x16xf32, #tpu.memory_space<vmem>> -> memref<128x16xf32, #tpu.memory_space<vmem>>
      %dma_wait3A_138 = arith.constant 0 : i32
      %dma_wait3A_139 = tpu.memref_slice %arg5[%add3A_43, %dma_wait3A_138] : memref<40x128xi32, #tpu.memory_space<vmem>> -> memref<1x128xi32, #tpu.memory_space<vmem>>
      %dma_wait3A_140 = tpu.memref_squeeze %dma_wait3A_139 : memref<1x128xi32, #tpu.memory_space<vmem>> -> memref<128xi32, #tpu.memory_space<vmem>>
      %dma_wait3A_141 = arith.constant 0 : i32
      %dma_wait3A_142 = arith.constant 0 : i32
      %dma_wait3A_143 = tpu.memref_slice %arg7[%dma_wait3A_141, %dma_wait3A_142] : memref<10016x16xf32, #tpu.memory_space<vmem_shared>> -> memref<10016x16xf32, #tpu.memory_space<vmem_shared>>
      tpu.wait_indirect_dma semaphore(%arg8 : memref<!tpu.dma_semaphore, #tpu.memory_space<semaphore_mem>>) src(%dma_wait3A_143 : memref<10016x16xf32, #tpu.memory_space<vmem_shared>>) dst(%dma_wait3A_137 : memref<128x16xf32, #tpu.memory_space<vmem>>)
      %dma_wait3A_144 = arith.constant 384 : i32
      %dma_wait3A_145 = arith.constant 0 : i32
      %dma_wait3A_146 = tpu.memref_slice %arg6[%dma_wait3A_144, %dma_wait3A_145] : memref<1024x16xf32, #tpu.memory_space<vmem>> -> memref<128x16xf32, #tpu.memory_space<vmem>>
      %dma_wait3A_147 = arith.constant 0 : i32
      %dma_wait3A_148 = tpu.memref_slice %arg5[%add3A_56, %dma_wait3A_147] : memref<40x128xi32, #tpu.memory_space<vmem>> -> memref<1x128xi32, #tpu.memory_space<vmem>>
      %dma_wait3A_149 = tpu.memref_squeeze %dma_wait3A_148 : memref<1x128xi32, #tpu.memory_space<vmem>> -> memref<128xi32, #tpu.memory_space<vmem>>
      %dma_wait3A_150 = arith.constant 0 : i32
      %dma_wait3A_151 = arith.constant 0 : i32
      %dma_wait3A_152 = tpu.memref_slice %arg7[%dma_wait3A_150, %dma_wait3A_151] : memref<10016x16xf32, #tpu.memory_space<vmem_shared>> -> memref<10016x16xf32, #tpu.memory_space<vmem_shared>>
      tpu.wait_indirect_dma semaphore(%arg8 : memref<!tpu.dma_semaphore, #tpu.memory_space<semaphore_mem>>) src(%dma_wait3A_152 : memref<10016x16xf32, #tpu.memory_space<vmem_shared>>) dst(%dma_wait3A_146 : memref<128x16xf32, #tpu.memory_space<vmem>>)
      %dma_wait3A_153 = arith.constant 512 : i32
      %dma_wait3A_154 = arith.constant 0 : i32
      %dma_wait3A_155 = tpu.memref_slice %arg6[%dma_wait3A_153, %dma_wait3A_154] : memref<1024x16xf32, #tpu.memory_space<vmem>> -> memref<128x16xf32, #tpu.memory_space<vmem>>
      %dma_wait3A_156 = arith.constant 0 : i32
      %dma_wait3A_157 = tpu.memref_slice %arg5[%add3A_69, %dma_wait3A_156] : memref<40x128xi32, #tpu.memory_space<vmem>> -> memref<1x128xi32, #tpu.memory_space<vmem>>
      %dma_wait3A_158 = tpu.memref_squeeze %dma_wait3A_157 : memref<1x128xi32, #tpu.memory_space<vmem>> -> memref<128xi32, #tpu.memory_space<vmem>>
      %dma_wait3A_159 = arith.constant 0 : i32
      %dma_wait3A_160 = arith.constant 0 : i32
      %dma_wait3A_161 = tpu.memref_slice %arg7[%dma_wait3A_159, %dma_wait3A_160] : memref<10016x16xf32, #tpu.memory_space<vmem_shared>> -> memref<10016x16xf32, #tpu.memory_space<vmem_shared>>
      tpu.wait_indirect_dma semaphore(%arg8 : memref<!tpu.dma_semaphore, #tpu.memory_space<semaphore_mem>>) src(%dma_wait3A_161 : memref<10016x16xf32, #tpu.memory_space<vmem_shared>>) dst(%dma_wait3A_155 : memref<128x16xf32, #tpu.memory_space<vmem>>)
      %dma_wait3A_162 = arith.constant 640 : i32
      %dma_wait3A_163 = arith.constant 0 : i32
      %dma_wait3A_164 = tpu.memref_slice %arg6[%dma_wait3A_162, %dma_wait3A_163] : memref<1024x16xf32, #tpu.memory_space<vmem>> -> memref<128x16xf32, #tpu.memory_space<vmem>>
      %dma_wait3A_165 = arith.constant 0 : i32
      %dma_wait3A_166 = tpu.memref_slice %arg5[%add3A_82, %dma_wait3A_165] : memref<40x128xi32, #tpu.memory_space<vmem>> -> memref<1x128xi32, #tpu.memory_space<vmem>>
      %dma_wait3A_167 = tpu.memref_squeeze %dma_wait3A_166 : memref<1x128xi32, #tpu.memory_space<vmem>> -> memref<128xi32, #tpu.memory_space<vmem>>
      %dma_wait3A_168 = arith.constant 0 : i32
      %dma_wait3A_169 = arith.constant 0 : i32
      %dma_wait3A_170 = tpu.memref_slice %arg7[%dma_wait3A_168, %dma_wait3A_169] : memref<10016x16xf32, #tpu.memory_space<vmem_shared>> -> memref<10016x16xf32, #tpu.memory_space<vmem_shared>>
      tpu.wait_indirect_dma semaphore(%arg8 : memref<!tpu.dma_semaphore, #tpu.memory_space<semaphore_mem>>) src(%dma_wait3A_170 : memref<10016x16xf32, #tpu.memory_space<vmem_shared>>) dst(%dma_wait3A_164 : memref<128x16xf32, #tpu.memory_space<vmem>>)
      %dma_wait3A_171 = arith.constant 768 : i32
      %dma_wait3A_172 = arith.constant 0 : i32
      %dma_wait3A_173 = tpu.memref_slice %arg6[%dma_wait3A_171, %dma_wait3A_172] : memref<1024x16xf32, #tpu.memory_space<vmem>> -> memref<128x16xf32, #tpu.memory_space<vmem>>
      %dma_wait3A_174 = arith.constant 0 : i32
      %dma_wait3A_175 = tpu.memref_slice %arg5[%add3A_95, %dma_wait3A_174] : memref<40x128xi32, #tpu.memory_space<vmem>> -> memref<1x128xi32, #tpu.memory_space<vmem>>
      %dma_wait3A_176 = tpu.memref_squeeze %dma_wait3A_175 : memref<1x128xi32, #tpu.memory_space<vmem>> -> memref<128xi32, #tpu.memory_space<vmem>>
      %dma_wait3A_177 = arith.constant 0 : i32
      %dma_wait3A_178 = arith.constant 0 : i32
      %dma_wait3A_179 = tpu.memref_slice %arg7[%dma_wait3A_177, %dma_wait3A_178] : memref<10016x16xf32, #tpu.memory_space<vmem_shared>> -> memref<10016x16xf32, #tpu.memory_space<vmem_shared>>
      tpu.wait_indirect_dma semaphore(%arg8 : memref<!tpu.dma_semaphore, #tpu.memory_space<semaphore_mem>>) src(%dma_wait3A_179 : memref<10016x16xf32, #tpu.memory_space<vmem_shared>>) dst(%dma_wait3A_173 : memref<128x16xf32, #tpu.memory_space<vmem>>)
      %dma_wait3A_180 = arith.constant 896 : i32
      %dma_wait3A_181 = arith.constant 0 : i32
      %dma_wait3A_182 = tpu.memref_slice %arg6[%dma_wait3A_180, %dma_wait3A_181] : memref<1024x16xf32, #tpu.memory_space<vmem>> -> memref<128x16xf32, #tpu.memory_space<vmem>>
      %dma_wait3A_183 = arith.constant 0 : i32
      %dma_wait3A_184 = tpu.memref_slice %arg5[%add3A_108, %dma_wait3A_183] : memref<40x128xi32, #tpu.memory_space<vmem>> -> memref<1x128xi32, #tpu.memory_space<vmem>>
      %dma_wait3A_185 = tpu.memref_squeeze %dma_wait3A_184 : memref<1x128xi32, #tpu.memory_space<vmem>> -> memref<128xi32, #tpu.memory_space<vmem>>
      %dma_wait3A_186 = arith.constant 0 : i32
      %dma_wait3A_187 = arith.constant 0 : i32
      %dma_wait3A_188 = tpu.memref_slice %arg7[%dma_wait3A_186, %dma_wait3A_187] : memref<10016x16xf32, #tpu.memory_space<vmem_shared>> -> memref<10016x16xf32, #tpu.memory_space<vmem_shared>>
      tpu.wait_indirect_dma semaphore(%arg8 : memref<!tpu.dma_semaphore, #tpu.memory_space<semaphore_mem>>) src(%dma_wait3A_188 : memref<10016x16xf32, #tpu.memory_space<vmem_shared>>) dst(%dma_wait3A_182 : memref<128x16xf32, #tpu.memory_space<vmem>>)
      %mul3A_189 = arith.constant 1024 : i32
      %mul3A_190 = arith.muli %scan3A_14, %mul3A_189 : i32
      %add3A_191 = arith.addi %mul3A_2, %mul3A_190 : i32
      "tpu.region"() ({
        %run_scoped3A = tpu.sem_alloc : memref<!tpu.dma_semaphore, #tpu.memory_space<semaphore_mem>>
        %dma_start3A_192 = arith.constant 0 : i32
        %dma_start3A_193 = tpu.memref_slice %arg4[%add3A_191, %dma_start3A_192] : memref<163840x16xf32, #tpu.memory_space<hbm>> -> memref<1024x16xf32, #tpu.memory_space<hbm>>
        %dma_start3A_194 = arith.constant 0 : i32
        %dma_start3A_195 = tpu.memref_slice %arg4[%add3A_191, %dma_start3A_194] : memref<163840x16xf32, #tpu.memory_space<hbm>> -> memref<1024x16xf32, #tpu.memory_space<hbm>>
        tpu.enqueue_dma source(%arg6 : memref<1024x16xf32, #tpu.memory_space<vmem>>) target(%dma_start3A_195 : memref<1024x16xf32, #tpu.memory_space<hbm>>) target_semaphore(%run_scoped3A : memref<!tpu.dma_semaphore, #tpu.memory_space<semaphore_mem>>)
        %dma_wait3A_196 = arith.constant 0 : i32
        %dma_wait3A_197 = tpu.memref_slice %arg4[%add3A_191, %dma_wait3A_196] : memref<163840x16xf32, #tpu.memory_space<hbm>> -> memref<1024x16xf32, #tpu.memory_space<hbm>>
        %dma_wait3A_198 = arith.constant 0 : i32
        %dma_wait3A_199 = tpu.memref_slice %arg4[%add3A_191, %dma_wait3A_198] : memref<163840x16xf32, #tpu.memory_space<hbm>> -> memref<1024x16xf32, #tpu.memory_space<hbm>>
        tpu.wait_dma2 semaphore(%run_scoped3A : memref<!tpu.dma_semaphore, #tpu.memory_space<semaphore_mem>>) src(%arg6 : memref<1024x16xf32, #tpu.memory_space<vmem>>) dst(%dma_wait3A_199 : memref<1024x16xf32, #tpu.memory_space<hbm>>)
        tpu.yield
      }) : () -> ()
    }
    %scan3A_13 = arith.constant 5 : i32
    return
  }
}

#map = affine_map<(d0, d1) -> (0, 0)>
#map1 = affine_map<(d0, d1) -> (0, 0, 0)>
module attributes {stable_mosaic.version = 14 : i64} {
  func.func @sk(%arg0: i32, %arg1: i32, %arg2: memref<163840x16xf32, #tpu.memory_space<hbm>>, %arg3: memref<1280x128xi32, #tpu.memory_space<hbm>>, %arg4: memref<626x16xf32, #tpu.memory_space<hbm>>, %arg5: memref<2x10016x16xf32, #tpu.memory_space<hbm>>, %arg6: memref<40x128xi32, #tpu.memory_space<vmem>>, %arg7: memref<1024x16xf32, #tpu.memory_space<vmem>>, %arg8: memref<10016x16xf32, #tpu.memory_space<vmem_shared>>, %arg9: memref<!tpu.dma_semaphore, #tpu.memory_space<semaphore_mem>>) attributes {dimension_semantics = [#tpu.dimension_semantics<core_parallel>, #tpu.dimension_semantics<subcore_parallel>], iteration_bounds = array<i64: 2, 16>, scalar_prefetch = 0 : i64, scratch_operands = 4 : i64, tpu.core_type = #tpu.core_type<sc_vector_subcore>, window_params = [{transform_indices = #map}, {transform_indices = #map}, {transform_indices = #map}, {transform_indices = #map1}]} {
    %mul3A = arith.constant 2 : i32
    %mul3A_0 = arith.muli %arg1, %mul3A : i32
    %add3A = arith.addi %mul3A_0, %arg0 : i32
    %mul3A_1 = arith.constant 5120 : i32
    %mul3A_2 = arith.muli %add3A, %mul3A_1 : i32
    %mul3A_3 = arith.constant 40 : i32
    %mul3A_4 = arith.muli %add3A, %mul3A_3 : i32
    %mul3A_5 = arith.constant 626 : i32
    %mul3A_6 = arith.muli %arg1, %mul3A_5 : i32
    "tpu.region"() ({
      %run_scoped3A = tpu.sem_alloc : memref<!tpu.dma_semaphore, #tpu.memory_space<semaphore_mem>>
      %dma_start3A = arith.constant 0 : i32
      %dma_start3A_17 = tpu.memref_slice %arg8[%mul3A_6, %dma_start3A] : memref<10016x16xf32, #tpu.memory_space<vmem_shared>> -> memref<626x16xf32, #tpu.memory_space<vmem_shared>>
      tpu.enqueue_dma source(%arg4 : memref<626x16xf32, #tpu.memory_space<hbm>>) target(%dma_start3A_17 : memref<626x16xf32, #tpu.memory_space<vmem_shared>>) target_semaphore(%run_scoped3A : memref<!tpu.dma_semaphore, #tpu.memory_space<semaphore_mem>>)
      %dma_wait3A = arith.constant 0 : i32
      %dma_wait3A_18 = tpu.memref_slice %arg8[%mul3A_6, %dma_wait3A] : memref<10016x16xf32, #tpu.memory_space<vmem_shared>> -> memref<626x16xf32, #tpu.memory_space<vmem_shared>>
      tpu.wait_dma2 semaphore(%run_scoped3A : memref<!tpu.dma_semaphore, #tpu.memory_space<semaphore_mem>>) src(%arg4 : memref<626x16xf32, #tpu.memory_space<hbm>>) dst(%dma_wait3A_18 : memref<626x16xf32, #tpu.memory_space<vmem_shared>>)
      tpu.yield
    }) : () -> ()
    "tpu.region"() ({
      %run_scoped3A = tpu.sem_alloc : memref<!tpu.dma_semaphore, #tpu.memory_space<semaphore_mem>>
      %dma_start3A = arith.constant 0 : i32
      %dma_start3A_17 = tpu.memref_slice %arg3[%mul3A_4, %dma_start3A] : memref<1280x128xi32, #tpu.memory_space<hbm>> -> memref<40x128xi32, #tpu.memory_space<hbm>>
      %dma_start3A_18 = arith.constant 0 : i32
      %dma_start3A_19 = tpu.memref_slice %arg3[%mul3A_4, %dma_start3A_18] : memref<1280x128xi32, #tpu.memory_space<hbm>> -> memref<40x128xi32, #tpu.memory_space<hbm>>
      tpu.enqueue_dma source(%dma_start3A_19 : memref<40x128xi32, #tpu.memory_space<hbm>>) target(%arg6 : memref<40x128xi32, #tpu.memory_space<vmem>>) target_semaphore(%run_scoped3A : memref<!tpu.dma_semaphore, #tpu.memory_space<semaphore_mem>>)
      %dma_wait3A = arith.constant 0 : i32
      %dma_wait3A_20 = tpu.memref_slice %arg3[%mul3A_4, %dma_wait3A] : memref<1280x128xi32, #tpu.memory_space<hbm>> -> memref<40x128xi32, #tpu.memory_space<hbm>>
      %dma_wait3A_21 = arith.constant 0 : i32
      %dma_wait3A_22 = tpu.memref_slice %arg3[%mul3A_4, %dma_wait3A_21] : memref<1280x128xi32, #tpu.memory_space<hbm>> -> memref<40x128xi32, #tpu.memory_space<hbm>>
      tpu.wait_dma2 semaphore(%run_scoped3A : memref<!tpu.dma_semaphore, #tpu.memory_space<semaphore_mem>>) src(%dma_wait3A_22 : memref<40x128xi32, #tpu.memory_space<hbm>>) dst(%arg6 : memref<40x128xi32, #tpu.memory_space<vmem>>)
      tpu.yield
    }) : () -> ()
    %barrier3A = arith.constant 0 : index
    tpu.barrier barrier_id(%barrier3A)
    %scan3A = arith.constant 0 : i32
    %scan3A_7 = arith.constant 0 : i32
    %scan3A_8 = arith.constant 5 : i32
    %scan3A_9 = arith.addi %scan3A_7, %scan3A_8 : i32
    %scan3A_10 = arith.constant 1 : i32
    scf.for %scan3A_17 = %scan3A_7 to %scan3A_9 step %scan3A_10  : i32 {
      %mul3A_18 = arith.constant 1024 : i32
      %mul3A_19 = arith.muli %scan3A_17, %mul3A_18 : i32
      %add3A_20 = arith.addi %mul3A_2, %mul3A_19 : i32
      "tpu.region"() ({
        %run_scoped3A = tpu.sem_alloc : memref<!tpu.dma_semaphore, #tpu.memory_space<semaphore_mem>>
        %dma_start3A_195 = arith.constant 0 : i32
        %dma_start3A_196 = tpu.memref_slice %arg2[%add3A_20, %dma_start3A_195] : memref<163840x16xf32, #tpu.memory_space<hbm>> -> memref<1024x16xf32, #tpu.memory_space<hbm>>
        %dma_start3A_197 = arith.constant 0 : i32
        %dma_start3A_198 = tpu.memref_slice %arg2[%add3A_20, %dma_start3A_197] : memref<163840x16xf32, #tpu.memory_space<hbm>> -> memref<1024x16xf32, #tpu.memory_space<hbm>>
        tpu.enqueue_dma source(%dma_start3A_198 : memref<1024x16xf32, #tpu.memory_space<hbm>>) target(%arg7 : memref<1024x16xf32, #tpu.memory_space<vmem>>) target_semaphore(%run_scoped3A : memref<!tpu.dma_semaphore, #tpu.memory_space<semaphore_mem>>)
        %dma_wait3A_199 = arith.constant 0 : i32
        %dma_wait3A_200 = tpu.memref_slice %arg2[%add3A_20, %dma_wait3A_199] : memref<163840x16xf32, #tpu.memory_space<hbm>> -> memref<1024x16xf32, #tpu.memory_space<hbm>>
        %dma_wait3A_201 = arith.constant 0 : i32
        %dma_wait3A_202 = tpu.memref_slice %arg2[%add3A_20, %dma_wait3A_201] : memref<163840x16xf32, #tpu.memory_space<hbm>> -> memref<1024x16xf32, #tpu.memory_space<hbm>>
        tpu.wait_dma2 semaphore(%run_scoped3A : memref<!tpu.dma_semaphore, #tpu.memory_space<semaphore_mem>>) src(%dma_wait3A_202 : memref<1024x16xf32, #tpu.memory_space<hbm>>) dst(%arg7 : memref<1024x16xf32, #tpu.memory_space<vmem>>)
        tpu.yield
      }) : () -> ()
      %mul3A_21 = arith.constant 8 : i32
      %mul3A_22 = arith.muli %scan3A_17, %mul3A_21 : i32
      %add3A_23 = arith.constant 0 : i32
      %add3A_24 = arith.addi %mul3A_22, %add3A_23 : i32
      %dma_start3A = arith.constant 0 : i32
      %dma_start3A_25 = arith.constant 0 : i32
      %dma_start3A_26 = tpu.memref_slice %arg7[%dma_start3A, %dma_start3A_25] : memref<1024x16xf32, #tpu.memory_space<vmem>> -> memref<128x16xf32, #tpu.memory_space<vmem>>
      %dma_start3A_27 = arith.constant 0 : i32
      %dma_start3A_28 = tpu.memref_slice %arg6[%add3A_24, %dma_start3A_27] : memref<40x128xi32, #tpu.memory_space<vmem>> -> memref<1x128xi32, #tpu.memory_space<vmem>>
      %dma_start3A_29 = tpu.memref_squeeze %dma_start3A_28 : memref<1x128xi32, #tpu.memory_space<vmem>> -> memref<128xi32, #tpu.memory_space<vmem>>
      %dma_start3A_30 = arith.constant 0 : i32
      %dma_start3A_31 = arith.constant 0 : i32
      %dma_start3A_32 = tpu.memref_slice %arg8[%dma_start3A_30, %dma_start3A_31] : memref<10016x16xf32, #tpu.memory_space<vmem_shared>> -> memref<10016x16xf32, #tpu.memory_space<vmem_shared>>
      tpu.enqueue_indirect_dma source(%dma_start3A_26 : memref<128x16xf32, #tpu.memory_space<vmem>>) target(%dma_start3A_32 : memref<10016x16xf32, #tpu.memory_space<vmem_shared>>) offsets(%dma_start3A_29 : memref<128xi32, #tpu.memory_space<vmem>>) semaphore(%arg9 : memref<!tpu.dma_semaphore, #tpu.memory_space<semaphore_mem>>) {add = true}
      %mul3A_33 = arith.constant 8 : i32
      %mul3A_34 = arith.muli %scan3A_17, %mul3A_33 : i32
      %add3A_35 = arith.constant 1 : i32
      %add3A_36 = arith.addi %mul3A_34, %add3A_35 : i32
      %dma_start3A_37 = arith.constant 128 : i32
      %dma_start3A_38 = arith.constant 0 : i32
      %dma_start3A_39 = tpu.memref_slice %arg7[%dma_start3A_37, %dma_start3A_38] : memref<1024x16xf32, #tpu.memory_space<vmem>> -> memref<128x16xf32, #tpu.memory_space<vmem>>
      %dma_start3A_40 = arith.constant 0 : i32
      %dma_start3A_41 = tpu.memref_slice %arg6[%add3A_36, %dma_start3A_40] : memref<40x128xi32, #tpu.memory_space<vmem>> -> memref<1x128xi32, #tpu.memory_space<vmem>>
      %dma_start3A_42 = tpu.memref_squeeze %dma_start3A_41 : memref<1x128xi32, #tpu.memory_space<vmem>> -> memref<128xi32, #tpu.memory_space<vmem>>
      %dma_start3A_43 = arith.constant 0 : i32
      %dma_start3A_44 = arith.constant 0 : i32
      %dma_start3A_45 = tpu.memref_slice %arg8[%dma_start3A_43, %dma_start3A_44] : memref<10016x16xf32, #tpu.memory_space<vmem_shared>> -> memref<10016x16xf32, #tpu.memory_space<vmem_shared>>
      tpu.enqueue_indirect_dma source(%dma_start3A_39 : memref<128x16xf32, #tpu.memory_space<vmem>>) target(%dma_start3A_45 : memref<10016x16xf32, #tpu.memory_space<vmem_shared>>) offsets(%dma_start3A_42 : memref<128xi32, #tpu.memory_space<vmem>>) semaphore(%arg9 : memref<!tpu.dma_semaphore, #tpu.memory_space<semaphore_mem>>) {add = true}
      %mul3A_46 = arith.constant 8 : i32
      %mul3A_47 = arith.muli %scan3A_17, %mul3A_46 : i32
      %add3A_48 = arith.constant 2 : i32
      %add3A_49 = arith.addi %mul3A_47, %add3A_48 : i32
      %dma_start3A_50 = arith.constant 256 : i32
      %dma_start3A_51 = arith.constant 0 : i32
      %dma_start3A_52 = tpu.memref_slice %arg7[%dma_start3A_50, %dma_start3A_51] : memref<1024x16xf32, #tpu.memory_space<vmem>> -> memref<128x16xf32, #tpu.memory_space<vmem>>
      %dma_start3A_53 = arith.constant 0 : i32
      %dma_start3A_54 = tpu.memref_slice %arg6[%add3A_49, %dma_start3A_53] : memref<40x128xi32, #tpu.memory_space<vmem>> -> memref<1x128xi32, #tpu.memory_space<vmem>>
      %dma_start3A_55 = tpu.memref_squeeze %dma_start3A_54 : memref<1x128xi32, #tpu.memory_space<vmem>> -> memref<128xi32, #tpu.memory_space<vmem>>
      %dma_start3A_56 = arith.constant 0 : i32
      %dma_start3A_57 = arith.constant 0 : i32
      %dma_start3A_58 = tpu.memref_slice %arg8[%dma_start3A_56, %dma_start3A_57] : memref<10016x16xf32, #tpu.memory_space<vmem_shared>> -> memref<10016x16xf32, #tpu.memory_space<vmem_shared>>
      tpu.enqueue_indirect_dma source(%dma_start3A_52 : memref<128x16xf32, #tpu.memory_space<vmem>>) target(%dma_start3A_58 : memref<10016x16xf32, #tpu.memory_space<vmem_shared>>) offsets(%dma_start3A_55 : memref<128xi32, #tpu.memory_space<vmem>>) semaphore(%arg9 : memref<!tpu.dma_semaphore, #tpu.memory_space<semaphore_mem>>) {add = true}
      %mul3A_59 = arith.constant 8 : i32
      %mul3A_60 = arith.muli %scan3A_17, %mul3A_59 : i32
      %add3A_61 = arith.constant 3 : i32
      %add3A_62 = arith.addi %mul3A_60, %add3A_61 : i32
      %dma_start3A_63 = arith.constant 384 : i32
      %dma_start3A_64 = arith.constant 0 : i32
      %dma_start3A_65 = tpu.memref_slice %arg7[%dma_start3A_63, %dma_start3A_64] : memref<1024x16xf32, #tpu.memory_space<vmem>> -> memref<128x16xf32, #tpu.memory_space<vmem>>
      %dma_start3A_66 = arith.constant 0 : i32
      %dma_start3A_67 = tpu.memref_slice %arg6[%add3A_62, %dma_start3A_66] : memref<40x128xi32, #tpu.memory_space<vmem>> -> memref<1x128xi32, #tpu.memory_space<vmem>>
      %dma_start3A_68 = tpu.memref_squeeze %dma_start3A_67 : memref<1x128xi32, #tpu.memory_space<vmem>> -> memref<128xi32, #tpu.memory_space<vmem>>
      %dma_start3A_69 = arith.constant 0 : i32
      %dma_start3A_70 = arith.constant 0 : i32
      %dma_start3A_71 = tpu.memref_slice %arg8[%dma_start3A_69, %dma_start3A_70] : memref<10016x16xf32, #tpu.memory_space<vmem_shared>> -> memref<10016x16xf32, #tpu.memory_space<vmem_shared>>
      tpu.enqueue_indirect_dma source(%dma_start3A_65 : memref<128x16xf32, #tpu.memory_space<vmem>>) target(%dma_start3A_71 : memref<10016x16xf32, #tpu.memory_space<vmem_shared>>) offsets(%dma_start3A_68 : memref<128xi32, #tpu.memory_space<vmem>>) semaphore(%arg9 : memref<!tpu.dma_semaphore, #tpu.memory_space<semaphore_mem>>) {add = true}
      %mul3A_72 = arith.constant 8 : i32
      %mul3A_73 = arith.muli %scan3A_17, %mul3A_72 : i32
      %add3A_74 = arith.constant 4 : i32
      %add3A_75 = arith.addi %mul3A_73, %add3A_74 : i32
      %dma_start3A_76 = arith.constant 512 : i32
      %dma_start3A_77 = arith.constant 0 : i32
      %dma_start3A_78 = tpu.memref_slice %arg7[%dma_start3A_76, %dma_start3A_77] : memref<1024x16xf32, #tpu.memory_space<vmem>> -> memref<128x16xf32, #tpu.memory_space<vmem>>
      %dma_start3A_79 = arith.constant 0 : i32
      %dma_start3A_80 = tpu.memref_slice %arg6[%add3A_75, %dma_start3A_79] : memref<40x128xi32, #tpu.memory_space<vmem>> -> memref<1x128xi32, #tpu.memory_space<vmem>>
      %dma_start3A_81 = tpu.memref_squeeze %dma_start3A_80 : memref<1x128xi32, #tpu.memory_space<vmem>> -> memref<128xi32, #tpu.memory_space<vmem>>
      %dma_start3A_82 = arith.constant 0 : i32
      %dma_start3A_83 = arith.constant 0 : i32
      %dma_start3A_84 = tpu.memref_slice %arg8[%dma_start3A_82, %dma_start3A_83] : memref<10016x16xf32, #tpu.memory_space<vmem_shared>> -> memref<10016x16xf32, #tpu.memory_space<vmem_shared>>
      tpu.enqueue_indirect_dma source(%dma_start3A_78 : memref<128x16xf32, #tpu.memory_space<vmem>>) target(%dma_start3A_84 : memref<10016x16xf32, #tpu.memory_space<vmem_shared>>) offsets(%dma_start3A_81 : memref<128xi32, #tpu.memory_space<vmem>>) semaphore(%arg9 : memref<!tpu.dma_semaphore, #tpu.memory_space<semaphore_mem>>) {add = true}
      %mul3A_85 = arith.constant 8 : i32
      %mul3A_86 = arith.muli %scan3A_17, %mul3A_85 : i32
      %add3A_87 = arith.constant 5 : i32
      %add3A_88 = arith.addi %mul3A_86, %add3A_87 : i32
      %dma_start3A_89 = arith.constant 640 : i32
      %dma_start3A_90 = arith.constant 0 : i32
      %dma_start3A_91 = tpu.memref_slice %arg7[%dma_start3A_89, %dma_start3A_90] : memref<1024x16xf32, #tpu.memory_space<vmem>> -> memref<128x16xf32, #tpu.memory_space<vmem>>
      %dma_start3A_92 = arith.constant 0 : i32
      %dma_start3A_93 = tpu.memref_slice %arg6[%add3A_88, %dma_start3A_92] : memref<40x128xi32, #tpu.memory_space<vmem>> -> memref<1x128xi32, #tpu.memory_space<vmem>>
      %dma_start3A_94 = tpu.memref_squeeze %dma_start3A_93 : memref<1x128xi32, #tpu.memory_space<vmem>> -> memref<128xi32, #tpu.memory_space<vmem>>
      %dma_start3A_95 = arith.constant 0 : i32
      %dma_start3A_96 = arith.constant 0 : i32
      %dma_start3A_97 = tpu.memref_slice %arg8[%dma_start3A_95, %dma_start3A_96] : memref<10016x16xf32, #tpu.memory_space<vmem_shared>> -> memref<10016x16xf32, #tpu.memory_space<vmem_shared>>
      tpu.enqueue_indirect_dma source(%dma_start3A_91 : memref<128x16xf32, #tpu.memory_space<vmem>>) target(%dma_start3A_97 : memref<10016x16xf32, #tpu.memory_space<vmem_shared>>) offsets(%dma_start3A_94 : memref<128xi32, #tpu.memory_space<vmem>>) semaphore(%arg9 : memref<!tpu.dma_semaphore, #tpu.memory_space<semaphore_mem>>) {add = true}
      %mul3A_98 = arith.constant 8 : i32
      %mul3A_99 = arith.muli %scan3A_17, %mul3A_98 : i32
      %add3A_100 = arith.constant 6 : i32
      %add3A_101 = arith.addi %mul3A_99, %add3A_100 : i32
      %dma_start3A_102 = arith.constant 768 : i32
      %dma_start3A_103 = arith.constant 0 : i32
      %dma_start3A_104 = tpu.memref_slice %arg7[%dma_start3A_102, %dma_start3A_103] : memref<1024x16xf32, #tpu.memory_space<vmem>> -> memref<128x16xf32, #tpu.memory_space<vmem>>
      %dma_start3A_105 = arith.constant 0 : i32
      %dma_start3A_106 = tpu.memref_slice %arg6[%add3A_101, %dma_start3A_105] : memref<40x128xi32, #tpu.memory_space<vmem>> -> memref<1x128xi32, #tpu.memory_space<vmem>>
      %dma_start3A_107 = tpu.memref_squeeze %dma_start3A_106 : memref<1x128xi32, #tpu.memory_space<vmem>> -> memref<128xi32, #tpu.memory_space<vmem>>
      %dma_start3A_108 = arith.constant 0 : i32
      %dma_start3A_109 = arith.constant 0 : i32
      %dma_start3A_110 = tpu.memref_slice %arg8[%dma_start3A_108, %dma_start3A_109] : memref<10016x16xf32, #tpu.memory_space<vmem_shared>> -> memref<10016x16xf32, #tpu.memory_space<vmem_shared>>
      tpu.enqueue_indirect_dma source(%dma_start3A_104 : memref<128x16xf32, #tpu.memory_space<vmem>>) target(%dma_start3A_110 : memref<10016x16xf32, #tpu.memory_space<vmem_shared>>) offsets(%dma_start3A_107 : memref<128xi32, #tpu.memory_space<vmem>>) semaphore(%arg9 : memref<!tpu.dma_semaphore, #tpu.memory_space<semaphore_mem>>) {add = true}
      %mul3A_111 = arith.constant 8 : i32
      %mul3A_112 = arith.muli %scan3A_17, %mul3A_111 : i32
      %add3A_113 = arith.constant 7 : i32
      %add3A_114 = arith.addi %mul3A_112, %add3A_113 : i32
      %dma_start3A_115 = arith.constant 896 : i32
      %dma_start3A_116 = arith.constant 0 : i32
      %dma_start3A_117 = tpu.memref_slice %arg7[%dma_start3A_115, %dma_start3A_116] : memref<1024x16xf32, #tpu.memory_space<vmem>> -> memref<128x16xf32, #tpu.memory_space<vmem>>
      %dma_start3A_118 = arith.constant 0 : i32
      %dma_start3A_119 = tpu.memref_slice %arg6[%add3A_114, %dma_start3A_118] : memref<40x128xi32, #tpu.memory_space<vmem>> -> memref<1x128xi32, #tpu.memory_space<vmem>>
      %dma_start3A_120 = tpu.memref_squeeze %dma_start3A_119 : memref<1x128xi32, #tpu.memory_space<vmem>> -> memref<128xi32, #tpu.memory_space<vmem>>
      %dma_start3A_121 = arith.constant 0 : i32
      %dma_start3A_122 = arith.constant 0 : i32
      %dma_start3A_123 = tpu.memref_slice %arg8[%dma_start3A_121, %dma_start3A_122] : memref<10016x16xf32, #tpu.memory_space<vmem_shared>> -> memref<10016x16xf32, #tpu.memory_space<vmem_shared>>
      tpu.enqueue_indirect_dma source(%dma_start3A_117 : memref<128x16xf32, #tpu.memory_space<vmem>>) target(%dma_start3A_123 : memref<10016x16xf32, #tpu.memory_space<vmem_shared>>) offsets(%dma_start3A_120 : memref<128xi32, #tpu.memory_space<vmem>>) semaphore(%arg9 : memref<!tpu.dma_semaphore, #tpu.memory_space<semaphore_mem>>) {add = true}
      %dma_wait3A = arith.constant 0 : i32
      %dma_wait3A_124 = arith.constant 0 : i32
      %dma_wait3A_125 = tpu.memref_slice %arg7[%dma_wait3A, %dma_wait3A_124] : memref<1024x16xf32, #tpu.memory_space<vmem>> -> memref<128x16xf32, #tpu.memory_space<vmem>>
      %dma_wait3A_126 = arith.constant 0 : i32
      %dma_wait3A_127 = tpu.memref_slice %arg6[%add3A_24, %dma_wait3A_126] : memref<40x128xi32, #tpu.memory_space<vmem>> -> memref<1x128xi32, #tpu.memory_space<vmem>>
      %dma_wait3A_128 = tpu.memref_squeeze %dma_wait3A_127 : memref<1x128xi32, #tpu.memory_space<vmem>> -> memref<128xi32, #tpu.memory_space<vmem>>
      %dma_wait3A_129 = arith.constant 0 : i32
      %dma_wait3A_130 = arith.constant 0 : i32
      %dma_wait3A_131 = tpu.memref_slice %arg8[%dma_wait3A_129, %dma_wait3A_130] : memref<10016x16xf32, #tpu.memory_space<vmem_shared>> -> memref<10016x16xf32, #tpu.memory_space<vmem_shared>>
      tpu.wait_indirect_dma semaphore(%arg9 : memref<!tpu.dma_semaphore, #tpu.memory_space<semaphore_mem>>) src(%dma_wait3A_125 : memref<128x16xf32, #tpu.memory_space<vmem>>) dst(%dma_wait3A_131 : memref<10016x16xf32, #tpu.memory_space<vmem_shared>>)
      %dma_wait3A_132 = arith.constant 128 : i32
      %dma_wait3A_133 = arith.constant 0 : i32
      %dma_wait3A_134 = tpu.memref_slice %arg7[%dma_wait3A_132, %dma_wait3A_133] : memref<1024x16xf32, #tpu.memory_space<vmem>> -> memref<128x16xf32, #tpu.memory_space<vmem>>
      %dma_wait3A_135 = arith.constant 0 : i32
      %dma_wait3A_136 = tpu.memref_slice %arg6[%add3A_36, %dma_wait3A_135] : memref<40x128xi32, #tpu.memory_space<vmem>> -> memref<1x128xi32, #tpu.memory_space<vmem>>
      %dma_wait3A_137 = tpu.memref_squeeze %dma_wait3A_136 : memref<1x128xi32, #tpu.memory_space<vmem>> -> memref<128xi32, #tpu.memory_space<vmem>>
      %dma_wait3A_138 = arith.constant 0 : i32
      %dma_wait3A_139 = arith.constant 0 : i32
      %dma_wait3A_140 = tpu.memref_slice %arg8[%dma_wait3A_138, %dma_wait3A_139] : memref<10016x16xf32, #tpu.memory_space<vmem_shared>> -> memref<10016x16xf32, #tpu.memory_space<vmem_shared>>
      tpu.wait_indirect_dma semaphore(%arg9 : memref<!tpu.dma_semaphore, #tpu.memory_space<semaphore_mem>>) src(%dma_wait3A_134 : memref<128x16xf32, #tpu.memory_space<vmem>>) dst(%dma_wait3A_140 : memref<10016x16xf32, #tpu.memory_space<vmem_shared>>)
      %dma_wait3A_141 = arith.constant 256 : i32
      %dma_wait3A_142 = arith.constant 0 : i32
      %dma_wait3A_143 = tpu.memref_slice %arg7[%dma_wait3A_141, %dma_wait3A_142] : memref<1024x16xf32, #tpu.memory_space<vmem>> -> memref<128x16xf32, #tpu.memory_space<vmem>>
      %dma_wait3A_144 = arith.constant 0 : i32
      %dma_wait3A_145 = tpu.memref_slice %arg6[%add3A_49, %dma_wait3A_144] : memref<40x128xi32, #tpu.memory_space<vmem>> -> memref<1x128xi32, #tpu.memory_space<vmem>>
      %dma_wait3A_146 = tpu.memref_squeeze %dma_wait3A_145 : memref<1x128xi32, #tpu.memory_space<vmem>> -> memref<128xi32, #tpu.memory_space<vmem>>
      %dma_wait3A_147 = arith.constant 0 : i32
      %dma_wait3A_148 = arith.constant 0 : i32
      %dma_wait3A_149 = tpu.memref_slice %arg8[%dma_wait3A_147, %dma_wait3A_148] : memref<10016x16xf32, #tpu.memory_space<vmem_shared>> -> memref<10016x16xf32, #tpu.memory_space<vmem_shared>>
      tpu.wait_indirect_dma semaphore(%arg9 : memref<!tpu.dma_semaphore, #tpu.memory_space<semaphore_mem>>) src(%dma_wait3A_143 : memref<128x16xf32, #tpu.memory_space<vmem>>) dst(%dma_wait3A_149 : memref<10016x16xf32, #tpu.memory_space<vmem_shared>>)
      %dma_wait3A_150 = arith.constant 384 : i32
      %dma_wait3A_151 = arith.constant 0 : i32
      %dma_wait3A_152 = tpu.memref_slice %arg7[%dma_wait3A_150, %dma_wait3A_151] : memref<1024x16xf32, #tpu.memory_space<vmem>> -> memref<128x16xf32, #tpu.memory_space<vmem>>
      %dma_wait3A_153 = arith.constant 0 : i32
      %dma_wait3A_154 = tpu.memref_slice %arg6[%add3A_62, %dma_wait3A_153] : memref<40x128xi32, #tpu.memory_space<vmem>> -> memref<1x128xi32, #tpu.memory_space<vmem>>
      %dma_wait3A_155 = tpu.memref_squeeze %dma_wait3A_154 : memref<1x128xi32, #tpu.memory_space<vmem>> -> memref<128xi32, #tpu.memory_space<vmem>>
      %dma_wait3A_156 = arith.constant 0 : i32
      %dma_wait3A_157 = arith.constant 0 : i32
      %dma_wait3A_158 = tpu.memref_slice %arg8[%dma_wait3A_156, %dma_wait3A_157] : memref<10016x16xf32, #tpu.memory_space<vmem_shared>> -> memref<10016x16xf32, #tpu.memory_space<vmem_shared>>
      tpu.wait_indirect_dma semaphore(%arg9 : memref<!tpu.dma_semaphore, #tpu.memory_space<semaphore_mem>>) src(%dma_wait3A_152 : memref<128x16xf32, #tpu.memory_space<vmem>>) dst(%dma_wait3A_158 : memref<10016x16xf32, #tpu.memory_space<vmem_shared>>)
      %dma_wait3A_159 = arith.constant 512 : i32
      %dma_wait3A_160 = arith.constant 0 : i32
      %dma_wait3A_161 = tpu.memref_slice %arg7[%dma_wait3A_159, %dma_wait3A_160] : memref<1024x16xf32, #tpu.memory_space<vmem>> -> memref<128x16xf32, #tpu.memory_space<vmem>>
      %dma_wait3A_162 = arith.constant 0 : i32
      %dma_wait3A_163 = tpu.memref_slice %arg6[%add3A_75, %dma_wait3A_162] : memref<40x128xi32, #tpu.memory_space<vmem>> -> memref<1x128xi32, #tpu.memory_space<vmem>>
      %dma_wait3A_164 = tpu.memref_squeeze %dma_wait3A_163 : memref<1x128xi32, #tpu.memory_space<vmem>> -> memref<128xi32, #tpu.memory_space<vmem>>
      %dma_wait3A_165 = arith.constant 0 : i32
      %dma_wait3A_166 = arith.constant 0 : i32
      %dma_wait3A_167 = tpu.memref_slice %arg8[%dma_wait3A_165, %dma_wait3A_166] : memref<10016x16xf32, #tpu.memory_space<vmem_shared>> -> memref<10016x16xf32, #tpu.memory_space<vmem_shared>>
      tpu.wait_indirect_dma semaphore(%arg9 : memref<!tpu.dma_semaphore, #tpu.memory_space<semaphore_mem>>) src(%dma_wait3A_161 : memref<128x16xf32, #tpu.memory_space<vmem>>) dst(%dma_wait3A_167 : memref<10016x16xf32, #tpu.memory_space<vmem_shared>>)
      %dma_wait3A_168 = arith.constant 640 : i32
      %dma_wait3A_169 = arith.constant 0 : i32
      %dma_wait3A_170 = tpu.memref_slice %arg7[%dma_wait3A_168, %dma_wait3A_169] : memref<1024x16xf32, #tpu.memory_space<vmem>> -> memref<128x16xf32, #tpu.memory_space<vmem>>
      %dma_wait3A_171 = arith.constant 0 : i32
      %dma_wait3A_172 = tpu.memref_slice %arg6[%add3A_88, %dma_wait3A_171] : memref<40x128xi32, #tpu.memory_space<vmem>> -> memref<1x128xi32, #tpu.memory_space<vmem>>
      %dma_wait3A_173 = tpu.memref_squeeze %dma_wait3A_172 : memref<1x128xi32, #tpu.memory_space<vmem>> -> memref<128xi32, #tpu.memory_space<vmem>>
      %dma_wait3A_174 = arith.constant 0 : i32
      %dma_wait3A_175 = arith.constant 0 : i32
      %dma_wait3A_176 = tpu.memref_slice %arg8[%dma_wait3A_174, %dma_wait3A_175] : memref<10016x16xf32, #tpu.memory_space<vmem_shared>> -> memref<10016x16xf32, #tpu.memory_space<vmem_shared>>
      tpu.wait_indirect_dma semaphore(%arg9 : memref<!tpu.dma_semaphore, #tpu.memory_space<semaphore_mem>>) src(%dma_wait3A_170 : memref<128x16xf32, #tpu.memory_space<vmem>>) dst(%dma_wait3A_176 : memref<10016x16xf32, #tpu.memory_space<vmem_shared>>)
      %dma_wait3A_177 = arith.constant 768 : i32
      %dma_wait3A_178 = arith.constant 0 : i32
      %dma_wait3A_179 = tpu.memref_slice %arg7[%dma_wait3A_177, %dma_wait3A_178] : memref<1024x16xf32, #tpu.memory_space<vmem>> -> memref<128x16xf32, #tpu.memory_space<vmem>>
      %dma_wait3A_180 = arith.constant 0 : i32
      %dma_wait3A_181 = tpu.memref_slice %arg6[%add3A_101, %dma_wait3A_180] : memref<40x128xi32, #tpu.memory_space<vmem>> -> memref<1x128xi32, #tpu.memory_space<vmem>>
      %dma_wait3A_182 = tpu.memref_squeeze %dma_wait3A_181 : memref<1x128xi32, #tpu.memory_space<vmem>> -> memref<128xi32, #tpu.memory_space<vmem>>
      %dma_wait3A_183 = arith.constant 0 : i32
      %dma_wait3A_184 = arith.constant 0 : i32
      %dma_wait3A_185 = tpu.memref_slice %arg8[%dma_wait3A_183, %dma_wait3A_184] : memref<10016x16xf32, #tpu.memory_space<vmem_shared>> -> memref<10016x16xf32, #tpu.memory_space<vmem_shared>>
      tpu.wait_indirect_dma semaphore(%arg9 : memref<!tpu.dma_semaphore, #tpu.memory_space<semaphore_mem>>) src(%dma_wait3A_179 : memref<128x16xf32, #tpu.memory_space<vmem>>) dst(%dma_wait3A_185 : memref<10016x16xf32, #tpu.memory_space<vmem_shared>>)
      %dma_wait3A_186 = arith.constant 896 : i32
      %dma_wait3A_187 = arith.constant 0 : i32
      %dma_wait3A_188 = tpu.memref_slice %arg7[%dma_wait3A_186, %dma_wait3A_187] : memref<1024x16xf32, #tpu.memory_space<vmem>> -> memref<128x16xf32, #tpu.memory_space<vmem>>
      %dma_wait3A_189 = arith.constant 0 : i32
      %dma_wait3A_190 = tpu.memref_slice %arg6[%add3A_114, %dma_wait3A_189] : memref<40x128xi32, #tpu.memory_space<vmem>> -> memref<1x128xi32, #tpu.memory_space<vmem>>
      %dma_wait3A_191 = tpu.memref_squeeze %dma_wait3A_190 : memref<1x128xi32, #tpu.memory_space<vmem>> -> memref<128xi32, #tpu.memory_space<vmem>>
      %dma_wait3A_192 = arith.constant 0 : i32
      %dma_wait3A_193 = arith.constant 0 : i32
      %dma_wait3A_194 = tpu.memref_slice %arg8[%dma_wait3A_192, %dma_wait3A_193] : memref<10016x16xf32, #tpu.memory_space<vmem_shared>> -> memref<10016x16xf32, #tpu.memory_space<vmem_shared>>
      tpu.wait_indirect_dma semaphore(%arg9 : memref<!tpu.dma_semaphore, #tpu.memory_space<semaphore_mem>>) src(%dma_wait3A_188 : memref<128x16xf32, #tpu.memory_space<vmem>>) dst(%dma_wait3A_194 : memref<10016x16xf32, #tpu.memory_space<vmem_shared>>)
    }
    %scan3A_11 = arith.constant 5 : i32
    %barrier3A_12 = arith.constant 0 : index
    tpu.barrier barrier_id(%barrier3A_12)
    %mul3A_13 = arith.constant 626 : i32
    %mul3A_14 = arith.muli %arg1, %mul3A_13 : i32
    %mul3A_15 = arith.constant 626 : i32
    %mul3A_16 = arith.muli %arg1, %mul3A_15 : i32
    "tpu.region"() ({
      %run_scoped3A = tpu.sem_alloc : memref<!tpu.dma_semaphore, #tpu.memory_space<semaphore_mem>>
      %dma_start3A = arith.constant 0 : i32
      %dma_start3A_17 = tpu.memref_slice %arg5[%arg0, %mul3A_16, %dma_start3A] : memref<2x10016x16xf32, #tpu.memory_space<hbm>> -> memref<1x626x16xf32, #tpu.memory_space<hbm>>
      %dma_start3A_18 = tpu.memref_squeeze %dma_start3A_17 : memref<1x626x16xf32, #tpu.memory_space<hbm>> -> memref<626x16xf32, #tpu.memory_space<hbm>>
      %dma_start3A_19 = arith.constant 0 : i32
      %dma_start3A_20 = tpu.memref_slice %arg8[%mul3A_14, %dma_start3A_19] : memref<10016x16xf32, #tpu.memory_space<vmem_shared>> -> memref<626x16xf32, #tpu.memory_space<vmem_shared>>
      tpu.enqueue_dma source(%dma_start3A_20 : memref<626x16xf32, #tpu.memory_space<vmem_shared>>) target(%dma_start3A_18 : memref<626x16xf32, #tpu.memory_space<hbm>>) target_semaphore(%run_scoped3A : memref<!tpu.dma_semaphore, #tpu.memory_space<semaphore_mem>>)
      %dma_wait3A = arith.constant 0 : i32
      %dma_wait3A_21 = tpu.memref_slice %arg5[%arg0, %mul3A_16, %dma_wait3A] : memref<2x10016x16xf32, #tpu.memory_space<hbm>> -> memref<1x626x16xf32, #tpu.memory_space<hbm>>
      %dma_wait3A_22 = tpu.memref_squeeze %dma_wait3A_21 : memref<1x626x16xf32, #tpu.memory_space<hbm>> -> memref<626x16xf32, #tpu.memory_space<hbm>>
      %dma_wait3A_23 = arith.constant 0 : i32
      %dma_wait3A_24 = tpu.memref_slice %arg8[%mul3A_14, %dma_wait3A_23] : memref<10016x16xf32, #tpu.memory_space<vmem_shared>> -> memref<626x16xf32, #tpu.memory_space<vmem_shared>>
      tpu.wait_dma2 semaphore(%run_scoped3A : memref<!tpu.dma_semaphore, #tpu.memory_space<semaphore_mem>>) src(%dma_wait3A_24 : memref<626x16xf32, #tpu.memory_space<vmem_shared>>) dst(%dma_wait3A_22 : memref<626x16xf32, #tpu.memory_space<hbm>>)
      tpu.yield
    }) : () -> ()
    return
  }
}

#map = affine_map<(d0, d1) -> (0, 0)>
#map1 = affine_map<(d0, d1) -> (0, 0, 0)>
module attributes {stable_mosaic.version = 14 : i64} {
  func.func @ck(%arg0: i32, %arg1: i32, %arg2: memref<1280x128xi32, #tpu.memory_space<hbm>>, %arg3: memref<626x16xf32, #tpu.memory_space<hbm>>, %arg4: memref<128x16xf32, #tpu.memory_space<hbm>>, %arg5: memref<2x10016x16xf32, #tpu.memory_space<hbm>>, %arg6: memref<40x128xi32, #tpu.memory_space<vmem>>, %arg7: memref<128x16xf32, #tpu.memory_space<vmem>>, %arg8: memref<10016x16xf32, #tpu.memory_space<vmem_shared>>, %arg9: memref<!tpu.dma_semaphore, #tpu.memory_space<semaphore_mem>>) attributes {dimension_semantics = [#tpu.dimension_semantics<core_parallel>, #tpu.dimension_semantics<subcore_parallel>], iteration_bounds = array<i64: 2, 16>, scalar_prefetch = 0 : i64, scratch_operands = 4 : i64, tpu.core_type = #tpu.core_type<sc_vector_subcore>, window_params = [{transform_indices = #map}, {transform_indices = #map}, {transform_indices = #map}, {transform_indices = #map1}]} {
    %mul3A = arith.constant 2 : i32
    %mul3A_0 = arith.muli %arg1, %mul3A : i32
    %add3A = arith.addi %mul3A_0, %arg0 : i32
    %mul3A_1 = arith.constant 40 : i32
    %mul3A_2 = arith.muli %add3A, %mul3A_1 : i32
    %mul3A_3 = arith.constant 626 : i32
    %mul3A_4 = arith.muli %arg1, %mul3A_3 : i32
    "tpu.region"() ({
      %run_scoped3A = tpu.sem_alloc : memref<!tpu.dma_semaphore, #tpu.memory_space<semaphore_mem>>
      %dma_start3A = arith.constant 0 : i32
      %dma_start3A_15 = tpu.memref_slice %arg8[%mul3A_4, %dma_start3A] : memref<10016x16xf32, #tpu.memory_space<vmem_shared>> -> memref<626x16xf32, #tpu.memory_space<vmem_shared>>
      tpu.enqueue_dma source(%arg3 : memref<626x16xf32, #tpu.memory_space<hbm>>) target(%dma_start3A_15 : memref<626x16xf32, #tpu.memory_space<vmem_shared>>) target_semaphore(%run_scoped3A : memref<!tpu.dma_semaphore, #tpu.memory_space<semaphore_mem>>)
      %dma_wait3A = arith.constant 0 : i32
      %dma_wait3A_16 = tpu.memref_slice %arg8[%mul3A_4, %dma_wait3A] : memref<10016x16xf32, #tpu.memory_space<vmem_shared>> -> memref<626x16xf32, #tpu.memory_space<vmem_shared>>
      tpu.wait_dma2 semaphore(%run_scoped3A : memref<!tpu.dma_semaphore, #tpu.memory_space<semaphore_mem>>) src(%arg3 : memref<626x16xf32, #tpu.memory_space<hbm>>) dst(%dma_wait3A_16 : memref<626x16xf32, #tpu.memory_space<vmem_shared>>)
      tpu.yield
    }) : () -> ()
    "tpu.region"() ({
      %run_scoped3A = tpu.sem_alloc : memref<!tpu.dma_semaphore, #tpu.memory_space<semaphore_mem>>
      %dma_start3A = arith.constant 0 : i32
      %dma_start3A_15 = tpu.memref_slice %arg2[%mul3A_2, %dma_start3A] : memref<1280x128xi32, #tpu.memory_space<hbm>> -> memref<40x128xi32, #tpu.memory_space<hbm>>
      %dma_start3A_16 = arith.constant 0 : i32
      %dma_start3A_17 = tpu.memref_slice %arg2[%mul3A_2, %dma_start3A_16] : memref<1280x128xi32, #tpu.memory_space<hbm>> -> memref<40x128xi32, #tpu.memory_space<hbm>>
      tpu.enqueue_dma source(%dma_start3A_17 : memref<40x128xi32, #tpu.memory_space<hbm>>) target(%arg6 : memref<40x128xi32, #tpu.memory_space<vmem>>) target_semaphore(%run_scoped3A : memref<!tpu.dma_semaphore, #tpu.memory_space<semaphore_mem>>)
      %dma_wait3A = arith.constant 0 : i32
      %dma_wait3A_18 = tpu.memref_slice %arg2[%mul3A_2, %dma_wait3A] : memref<1280x128xi32, #tpu.memory_space<hbm>> -> memref<40x128xi32, #tpu.memory_space<hbm>>
      %dma_wait3A_19 = arith.constant 0 : i32
      %dma_wait3A_20 = tpu.memref_slice %arg2[%mul3A_2, %dma_wait3A_19] : memref<1280x128xi32, #tpu.memory_space<hbm>> -> memref<40x128xi32, #tpu.memory_space<hbm>>
      tpu.wait_dma2 semaphore(%run_scoped3A : memref<!tpu.dma_semaphore, #tpu.memory_space<semaphore_mem>>) src(%dma_wait3A_20 : memref<40x128xi32, #tpu.memory_space<hbm>>) dst(%arg6 : memref<40x128xi32, #tpu.memory_space<vmem>>)
      tpu.yield
    }) : () -> ()
    "tpu.region"() ({
      %run_scoped3A = tpu.sem_alloc : memref<!tpu.dma_semaphore, #tpu.memory_space<semaphore_mem>>
      tpu.enqueue_dma source(%arg4 : memref<128x16xf32, #tpu.memory_space<hbm>>) target(%arg7 : memref<128x16xf32, #tpu.memory_space<vmem>>) target_semaphore(%run_scoped3A : memref<!tpu.dma_semaphore, #tpu.memory_space<semaphore_mem>>)
      tpu.wait_dma2 semaphore(%run_scoped3A : memref<!tpu.dma_semaphore, #tpu.memory_space<semaphore_mem>>) src(%arg4 : memref<128x16xf32, #tpu.memory_space<hbm>>) dst(%arg7 : memref<128x16xf32, #tpu.memory_space<vmem>>)
      tpu.yield
    }) : () -> ()
    %barrier3A = arith.constant 0 : index
    tpu.barrier barrier_id(%barrier3A)
    %scan3A = arith.constant 0 : i32
    %scan3A_5 = arith.constant 0 : i32
    %scan3A_6 = arith.constant 5 : i32
    %scan3A_7 = arith.addi %scan3A_5, %scan3A_6 : i32
    %scan3A_8 = arith.constant 1 : i32
    scf.for %scan3A_15 = %scan3A_5 to %scan3A_7 step %scan3A_8  : i32 {
      %mul3A_16 = arith.constant 8 : i32
      %mul3A_17 = arith.muli %scan3A_15, %mul3A_16 : i32
      %add3A_18 = arith.constant 0 : i32
      %add3A_19 = arith.addi %mul3A_17, %add3A_18 : i32
      %dma_start3A = arith.constant 0 : i32
      %dma_start3A_20 = tpu.memref_slice %arg6[%add3A_19, %dma_start3A] : memref<40x128xi32, #tpu.memory_space<vmem>> -> memref<1x128xi32, #tpu.memory_space<vmem>>
      %dma_start3A_21 = tpu.memref_squeeze %dma_start3A_20 : memref<1x128xi32, #tpu.memory_space<vmem>> -> memref<128xi32, #tpu.memory_space<vmem>>
      %dma_start3A_22 = arith.constant 0 : i32
      %dma_start3A_23 = arith.constant 0 : i32
      %dma_start3A_24 = tpu.memref_slice %arg8[%dma_start3A_22, %dma_start3A_23] : memref<10016x16xf32, #tpu.memory_space<vmem_shared>> -> memref<10016x16xf32, #tpu.memory_space<vmem_shared>>
      tpu.enqueue_indirect_dma source(%arg7 : memref<128x16xf32, #tpu.memory_space<vmem>>) target(%dma_start3A_24 : memref<10016x16xf32, #tpu.memory_space<vmem_shared>>) offsets(%dma_start3A_21 : memref<128xi32, #tpu.memory_space<vmem>>) semaphore(%arg9 : memref<!tpu.dma_semaphore, #tpu.memory_space<semaphore_mem>>) {add = true}
      %mul3A_25 = arith.constant 8 : i32
      %mul3A_26 = arith.muli %scan3A_15, %mul3A_25 : i32
      %add3A_27 = arith.constant 1 : i32
      %add3A_28 = arith.addi %mul3A_26, %add3A_27 : i32
      %dma_start3A_29 = arith.constant 0 : i32
      %dma_start3A_30 = tpu.memref_slice %arg6[%add3A_28, %dma_start3A_29] : memref<40x128xi32, #tpu.memory_space<vmem>> -> memref<1x128xi32, #tpu.memory_space<vmem>>
      %dma_start3A_31 = tpu.memref_squeeze %dma_start3A_30 : memref<1x128xi32, #tpu.memory_space<vmem>> -> memref<128xi32, #tpu.memory_space<vmem>>
      %dma_start3A_32 = arith.constant 0 : i32
      %dma_start3A_33 = arith.constant 0 : i32
      %dma_start3A_34 = tpu.memref_slice %arg8[%dma_start3A_32, %dma_start3A_33] : memref<10016x16xf32, #tpu.memory_space<vmem_shared>> -> memref<10016x16xf32, #tpu.memory_space<vmem_shared>>
      tpu.enqueue_indirect_dma source(%arg7 : memref<128x16xf32, #tpu.memory_space<vmem>>) target(%dma_start3A_34 : memref<10016x16xf32, #tpu.memory_space<vmem_shared>>) offsets(%dma_start3A_31 : memref<128xi32, #tpu.memory_space<vmem>>) semaphore(%arg9 : memref<!tpu.dma_semaphore, #tpu.memory_space<semaphore_mem>>) {add = true}
      %mul3A_35 = arith.constant 8 : i32
      %mul3A_36 = arith.muli %scan3A_15, %mul3A_35 : i32
      %add3A_37 = arith.constant 2 : i32
      %add3A_38 = arith.addi %mul3A_36, %add3A_37 : i32
      %dma_start3A_39 = arith.constant 0 : i32
      %dma_start3A_40 = tpu.memref_slice %arg6[%add3A_38, %dma_start3A_39] : memref<40x128xi32, #tpu.memory_space<vmem>> -> memref<1x128xi32, #tpu.memory_space<vmem>>
      %dma_start3A_41 = tpu.memref_squeeze %dma_start3A_40 : memref<1x128xi32, #tpu.memory_space<vmem>> -> memref<128xi32, #tpu.memory_space<vmem>>
      %dma_start3A_42 = arith.constant 0 : i32
      %dma_start3A_43 = arith.constant 0 : i32
      %dma_start3A_44 = tpu.memref_slice %arg8[%dma_start3A_42, %dma_start3A_43] : memref<10016x16xf32, #tpu.memory_space<vmem_shared>> -> memref<10016x16xf32, #tpu.memory_space<vmem_shared>>
      tpu.enqueue_indirect_dma source(%arg7 : memref<128x16xf32, #tpu.memory_space<vmem>>) target(%dma_start3A_44 : memref<10016x16xf32, #tpu.memory_space<vmem_shared>>) offsets(%dma_start3A_41 : memref<128xi32, #tpu.memory_space<vmem>>) semaphore(%arg9 : memref<!tpu.dma_semaphore, #tpu.memory_space<semaphore_mem>>) {add = true}
      %mul3A_45 = arith.constant 8 : i32
      %mul3A_46 = arith.muli %scan3A_15, %mul3A_45 : i32
      %add3A_47 = arith.constant 3 : i32
      %add3A_48 = arith.addi %mul3A_46, %add3A_47 : i32
      %dma_start3A_49 = arith.constant 0 : i32
      %dma_start3A_50 = tpu.memref_slice %arg6[%add3A_48, %dma_start3A_49] : memref<40x128xi32, #tpu.memory_space<vmem>> -> memref<1x128xi32, #tpu.memory_space<vmem>>
      %dma_start3A_51 = tpu.memref_squeeze %dma_start3A_50 : memref<1x128xi32, #tpu.memory_space<vmem>> -> memref<128xi32, #tpu.memory_space<vmem>>
      %dma_start3A_52 = arith.constant 0 : i32
      %dma_start3A_53 = arith.constant 0 : i32
      %dma_start3A_54 = tpu.memref_slice %arg8[%dma_start3A_52, %dma_start3A_53] : memref<10016x16xf32, #tpu.memory_space<vmem_shared>> -> memref<10016x16xf32, #tpu.memory_space<vmem_shared>>
      tpu.enqueue_indirect_dma source(%arg7 : memref<128x16xf32, #tpu.memory_space<vmem>>) target(%dma_start3A_54 : memref<10016x16xf32, #tpu.memory_space<vmem_shared>>) offsets(%dma_start3A_51 : memref<128xi32, #tpu.memory_space<vmem>>) semaphore(%arg9 : memref<!tpu.dma_semaphore, #tpu.memory_space<semaphore_mem>>) {add = true}
      %mul3A_55 = arith.constant 8 : i32
      %mul3A_56 = arith.muli %scan3A_15, %mul3A_55 : i32
      %add3A_57 = arith.constant 4 : i32
      %add3A_58 = arith.addi %mul3A_56, %add3A_57 : i32
      %dma_start3A_59 = arith.constant 0 : i32
      %dma_start3A_60 = tpu.memref_slice %arg6[%add3A_58, %dma_start3A_59] : memref<40x128xi32, #tpu.memory_space<vmem>> -> memref<1x128xi32, #tpu.memory_space<vmem>>
      %dma_start3A_61 = tpu.memref_squeeze %dma_start3A_60 : memref<1x128xi32, #tpu.memory_space<vmem>> -> memref<128xi32, #tpu.memory_space<vmem>>
      %dma_start3A_62 = arith.constant 0 : i32
      %dma_start3A_63 = arith.constant 0 : i32
      %dma_start3A_64 = tpu.memref_slice %arg8[%dma_start3A_62, %dma_start3A_63] : memref<10016x16xf32, #tpu.memory_space<vmem_shared>> -> memref<10016x16xf32, #tpu.memory_space<vmem_shared>>
      tpu.enqueue_indirect_dma source(%arg7 : memref<128x16xf32, #tpu.memory_space<vmem>>) target(%dma_start3A_64 : memref<10016x16xf32, #tpu.memory_space<vmem_shared>>) offsets(%dma_start3A_61 : memref<128xi32, #tpu.memory_space<vmem>>) semaphore(%arg9 : memref<!tpu.dma_semaphore, #tpu.memory_space<semaphore_mem>>) {add = true}
      %mul3A_65 = arith.constant 8 : i32
      %mul3A_66 = arith.muli %scan3A_15, %mul3A_65 : i32
      %add3A_67 = arith.constant 5 : i32
      %add3A_68 = arith.addi %mul3A_66, %add3A_67 : i32
      %dma_start3A_69 = arith.constant 0 : i32
      %dma_start3A_70 = tpu.memref_slice %arg6[%add3A_68, %dma_start3A_69] : memref<40x128xi32, #tpu.memory_space<vmem>> -> memref<1x128xi32, #tpu.memory_space<vmem>>
      %dma_start3A_71 = tpu.memref_squeeze %dma_start3A_70 : memref<1x128xi32, #tpu.memory_space<vmem>> -> memref<128xi32, #tpu.memory_space<vmem>>
      %dma_start3A_72 = arith.constant 0 : i32
      %dma_start3A_73 = arith.constant 0 : i32
      %dma_start3A_74 = tpu.memref_slice %arg8[%dma_start3A_72, %dma_start3A_73] : memref<10016x16xf32, #tpu.memory_space<vmem_shared>> -> memref<10016x16xf32, #tpu.memory_space<vmem_shared>>
      tpu.enqueue_indirect_dma source(%arg7 : memref<128x16xf32, #tpu.memory_space<vmem>>) target(%dma_start3A_74 : memref<10016x16xf32, #tpu.memory_space<vmem_shared>>) offsets(%dma_start3A_71 : memref<128xi32, #tpu.memory_space<vmem>>) semaphore(%arg9 : memref<!tpu.dma_semaphore, #tpu.memory_space<semaphore_mem>>) {add = true}
      %mul3A_75 = arith.constant 8 : i32
      %mul3A_76 = arith.muli %scan3A_15, %mul3A_75 : i32
      %add3A_77 = arith.constant 6 : i32
      %add3A_78 = arith.addi %mul3A_76, %add3A_77 : i32
      %dma_start3A_79 = arith.constant 0 : i32
      %dma_start3A_80 = tpu.memref_slice %arg6[%add3A_78, %dma_start3A_79] : memref<40x128xi32, #tpu.memory_space<vmem>> -> memref<1x128xi32, #tpu.memory_space<vmem>>
      %dma_start3A_81 = tpu.memref_squeeze %dma_start3A_80 : memref<1x128xi32, #tpu.memory_space<vmem>> -> memref<128xi32, #tpu.memory_space<vmem>>
      %dma_start3A_82 = arith.constant 0 : i32
      %dma_start3A_83 = arith.constant 0 : i32
      %dma_start3A_84 = tpu.memref_slice %arg8[%dma_start3A_82, %dma_start3A_83] : memref<10016x16xf32, #tpu.memory_space<vmem_shared>> -> memref<10016x16xf32, #tpu.memory_space<vmem_shared>>
      tpu.enqueue_indirect_dma source(%arg7 : memref<128x16xf32, #tpu.memory_space<vmem>>) target(%dma_start3A_84 : memref<10016x16xf32, #tpu.memory_space<vmem_shared>>) offsets(%dma_start3A_81 : memref<128xi32, #tpu.memory_space<vmem>>) semaphore(%arg9 : memref<!tpu.dma_semaphore, #tpu.memory_space<semaphore_mem>>) {add = true}
      %mul3A_85 = arith.constant 8 : i32
      %mul3A_86 = arith.muli %scan3A_15, %mul3A_85 : i32
      %add3A_87 = arith.constant 7 : i32
      %add3A_88 = arith.addi %mul3A_86, %add3A_87 : i32
      %dma_start3A_89 = arith.constant 0 : i32
      %dma_start3A_90 = tpu.memref_slice %arg6[%add3A_88, %dma_start3A_89] : memref<40x128xi32, #tpu.memory_space<vmem>> -> memref<1x128xi32, #tpu.memory_space<vmem>>
      %dma_start3A_91 = tpu.memref_squeeze %dma_start3A_90 : memref<1x128xi32, #tpu.memory_space<vmem>> -> memref<128xi32, #tpu.memory_space<vmem>>
      %dma_start3A_92 = arith.constant 0 : i32
      %dma_start3A_93 = arith.constant 0 : i32
      %dma_start3A_94 = tpu.memref_slice %arg8[%dma_start3A_92, %dma_start3A_93] : memref<10016x16xf32, #tpu.memory_space<vmem_shared>> -> memref<10016x16xf32, #tpu.memory_space<vmem_shared>>
      tpu.enqueue_indirect_dma source(%arg7 : memref<128x16xf32, #tpu.memory_space<vmem>>) target(%dma_start3A_94 : memref<10016x16xf32, #tpu.memory_space<vmem_shared>>) offsets(%dma_start3A_91 : memref<128xi32, #tpu.memory_space<vmem>>) semaphore(%arg9 : memref<!tpu.dma_semaphore, #tpu.memory_space<semaphore_mem>>) {add = true}
      %dma_wait3A = arith.constant 0 : i32
      %dma_wait3A_95 = tpu.memref_slice %arg6[%add3A_19, %dma_wait3A] : memref<40x128xi32, #tpu.memory_space<vmem>> -> memref<1x128xi32, #tpu.memory_space<vmem>>
      %dma_wait3A_96 = tpu.memref_squeeze %dma_wait3A_95 : memref<1x128xi32, #tpu.memory_space<vmem>> -> memref<128xi32, #tpu.memory_space<vmem>>
      %dma_wait3A_97 = arith.constant 0 : i32
      %dma_wait3A_98 = arith.constant 0 : i32
      %dma_wait3A_99 = tpu.memref_slice %arg8[%dma_wait3A_97, %dma_wait3A_98] : memref<10016x16xf32, #tpu.memory_space<vmem_shared>> -> memref<10016x16xf32, #tpu.memory_space<vmem_shared>>
      tpu.wait_indirect_dma semaphore(%arg9 : memref<!tpu.dma_semaphore, #tpu.memory_space<semaphore_mem>>) src(%arg7 : memref<128x16xf32, #tpu.memory_space<vmem>>) dst(%dma_wait3A_99 : memref<10016x16xf32, #tpu.memory_space<vmem_shared>>)
      %dma_wait3A_100 = arith.constant 0 : i32
      %dma_wait3A_101 = tpu.memref_slice %arg6[%add3A_28, %dma_wait3A_100] : memref<40x128xi32, #tpu.memory_space<vmem>> -> memref<1x128xi32, #tpu.memory_space<vmem>>
      %dma_wait3A_102 = tpu.memref_squeeze %dma_wait3A_101 : memref<1x128xi32, #tpu.memory_space<vmem>> -> memref<128xi32, #tpu.memory_space<vmem>>
      %dma_wait3A_103 = arith.constant 0 : i32
      %dma_wait3A_104 = arith.constant 0 : i32
      %dma_wait3A_105 = tpu.memref_slice %arg8[%dma_wait3A_103, %dma_wait3A_104] : memref<10016x16xf32, #tpu.memory_space<vmem_shared>> -> memref<10016x16xf32, #tpu.memory_space<vmem_shared>>
      tpu.wait_indirect_dma semaphore(%arg9 : memref<!tpu.dma_semaphore, #tpu.memory_space<semaphore_mem>>) src(%arg7 : memref<128x16xf32, #tpu.memory_space<vmem>>) dst(%dma_wait3A_105 : memref<10016x16xf32, #tpu.memory_space<vmem_shared>>)
      %dma_wait3A_106 = arith.constant 0 : i32
      %dma_wait3A_107 = tpu.memref_slice %arg6[%add3A_38, %dma_wait3A_106] : memref<40x128xi32, #tpu.memory_space<vmem>> -> memref<1x128xi32, #tpu.memory_space<vmem>>
      %dma_wait3A_108 = tpu.memref_squeeze %dma_wait3A_107 : memref<1x128xi32, #tpu.memory_space<vmem>> -> memref<128xi32, #tpu.memory_space<vmem>>
      %dma_wait3A_109 = arith.constant 0 : i32
      %dma_wait3A_110 = arith.constant 0 : i32
      %dma_wait3A_111 = tpu.memref_slice %arg8[%dma_wait3A_109, %dma_wait3A_110] : memref<10016x16xf32, #tpu.memory_space<vmem_shared>> -> memref<10016x16xf32, #tpu.memory_space<vmem_shared>>
      tpu.wait_indirect_dma semaphore(%arg9 : memref<!tpu.dma_semaphore, #tpu.memory_space<semaphore_mem>>) src(%arg7 : memref<128x16xf32, #tpu.memory_space<vmem>>) dst(%dma_wait3A_111 : memref<10016x16xf32, #tpu.memory_space<vmem_shared>>)
      %dma_wait3A_112 = arith.constant 0 : i32
      %dma_wait3A_113 = tpu.memref_slice %arg6[%add3A_48, %dma_wait3A_112] : memref<40x128xi32, #tpu.memory_space<vmem>> -> memref<1x128xi32, #tpu.memory_space<vmem>>
      %dma_wait3A_114 = tpu.memref_squeeze %dma_wait3A_113 : memref<1x128xi32, #tpu.memory_space<vmem>> -> memref<128xi32, #tpu.memory_space<vmem>>
      %dma_wait3A_115 = arith.constant 0 : i32
      %dma_wait3A_116 = arith.constant 0 : i32
      %dma_wait3A_117 = tpu.memref_slice %arg8[%dma_wait3A_115, %dma_wait3A_116] : memref<10016x16xf32, #tpu.memory_space<vmem_shared>> -> memref<10016x16xf32, #tpu.memory_space<vmem_shared>>
      tpu.wait_indirect_dma semaphore(%arg9 : memref<!tpu.dma_semaphore, #tpu.memory_space<semaphore_mem>>) src(%arg7 : memref<128x16xf32, #tpu.memory_space<vmem>>) dst(%dma_wait3A_117 : memref<10016x16xf32, #tpu.memory_space<vmem_shared>>)
      %dma_wait3A_118 = arith.constant 0 : i32
      %dma_wait3A_119 = tpu.memref_slice %arg6[%add3A_58, %dma_wait3A_118] : memref<40x128xi32, #tpu.memory_space<vmem>> -> memref<1x128xi32, #tpu.memory_space<vmem>>
      %dma_wait3A_120 = tpu.memref_squeeze %dma_wait3A_119 : memref<1x128xi32, #tpu.memory_space<vmem>> -> memref<128xi32, #tpu.memory_space<vmem>>
      %dma_wait3A_121 = arith.constant 0 : i32
      %dma_wait3A_122 = arith.constant 0 : i32
      %dma_wait3A_123 = tpu.memref_slice %arg8[%dma_wait3A_121, %dma_wait3A_122] : memref<10016x16xf32, #tpu.memory_space<vmem_shared>> -> memref<10016x16xf32, #tpu.memory_space<vmem_shared>>
      tpu.wait_indirect_dma semaphore(%arg9 : memref<!tpu.dma_semaphore, #tpu.memory_space<semaphore_mem>>) src(%arg7 : memref<128x16xf32, #tpu.memory_space<vmem>>) dst(%dma_wait3A_123 : memref<10016x16xf32, #tpu.memory_space<vmem_shared>>)
      %dma_wait3A_124 = arith.constant 0 : i32
      %dma_wait3A_125 = tpu.memref_slice %arg6[%add3A_68, %dma_wait3A_124] : memref<40x128xi32, #tpu.memory_space<vmem>> -> memref<1x128xi32, #tpu.memory_space<vmem>>
      %dma_wait3A_126 = tpu.memref_squeeze %dma_wait3A_125 : memref<1x128xi32, #tpu.memory_space<vmem>> -> memref<128xi32, #tpu.memory_space<vmem>>
      %dma_wait3A_127 = arith.constant 0 : i32
      %dma_wait3A_128 = arith.constant 0 : i32
      %dma_wait3A_129 = tpu.memref_slice %arg8[%dma_wait3A_127, %dma_wait3A_128] : memref<10016x16xf32, #tpu.memory_space<vmem_shared>> -> memref<10016x16xf32, #tpu.memory_space<vmem_shared>>
      tpu.wait_indirect_dma semaphore(%arg9 : memref<!tpu.dma_semaphore, #tpu.memory_space<semaphore_mem>>) src(%arg7 : memref<128x16xf32, #tpu.memory_space<vmem>>) dst(%dma_wait3A_129 : memref<10016x16xf32, #tpu.memory_space<vmem_shared>>)
      %dma_wait3A_130 = arith.constant 0 : i32
      %dma_wait3A_131 = tpu.memref_slice %arg6[%add3A_78, %dma_wait3A_130] : memref<40x128xi32, #tpu.memory_space<vmem>> -> memref<1x128xi32, #tpu.memory_space<vmem>>
      %dma_wait3A_132 = tpu.memref_squeeze %dma_wait3A_131 : memref<1x128xi32, #tpu.memory_space<vmem>> -> memref<128xi32, #tpu.memory_space<vmem>>
      %dma_wait3A_133 = arith.constant 0 : i32
      %dma_wait3A_134 = arith.constant 0 : i32
      %dma_wait3A_135 = tpu.memref_slice %arg8[%dma_wait3A_133, %dma_wait3A_134] : memref<10016x16xf32, #tpu.memory_space<vmem_shared>> -> memref<10016x16xf32, #tpu.memory_space<vmem_shared>>
      tpu.wait_indirect_dma semaphore(%arg9 : memref<!tpu.dma_semaphore, #tpu.memory_space<semaphore_mem>>) src(%arg7 : memref<128x16xf32, #tpu.memory_space<vmem>>) dst(%dma_wait3A_135 : memref<10016x16xf32, #tpu.memory_space<vmem_shared>>)
      %dma_wait3A_136 = arith.constant 0 : i32
      %dma_wait3A_137 = tpu.memref_slice %arg6[%add3A_88, %dma_wait3A_136] : memref<40x128xi32, #tpu.memory_space<vmem>> -> memref<1x128xi32, #tpu.memory_space<vmem>>
      %dma_wait3A_138 = tpu.memref_squeeze %dma_wait3A_137 : memref<1x128xi32, #tpu.memory_space<vmem>> -> memref<128xi32, #tpu.memory_space<vmem>>
      %dma_wait3A_139 = arith.constant 0 : i32
      %dma_wait3A_140 = arith.constant 0 : i32
      %dma_wait3A_141 = tpu.memref_slice %arg8[%dma_wait3A_139, %dma_wait3A_140] : memref<10016x16xf32, #tpu.memory_space<vmem_shared>> -> memref<10016x16xf32, #tpu.memory_space<vmem_shared>>
      tpu.wait_indirect_dma semaphore(%arg9 : memref<!tpu.dma_semaphore, #tpu.memory_space<semaphore_mem>>) src(%arg7 : memref<128x16xf32, #tpu.memory_space<vmem>>) dst(%dma_wait3A_141 : memref<10016x16xf32, #tpu.memory_space<vmem_shared>>)
    }
    %scan3A_9 = arith.constant 5 : i32
    %barrier3A_10 = arith.constant 0 : index
    tpu.barrier barrier_id(%barrier3A_10)
    %mul3A_11 = arith.constant 626 : i32
    %mul3A_12 = arith.muli %arg1, %mul3A_11 : i32
    %mul3A_13 = arith.constant 626 : i32
    %mul3A_14 = arith.muli %arg1, %mul3A_13 : i32
    "tpu.region"() ({
      %run_scoped3A = tpu.sem_alloc : memref<!tpu.dma_semaphore, #tpu.memory_space<semaphore_mem>>
      %dma_start3A = arith.constant 0 : i32
      %dma_start3A_15 = tpu.memref_slice %arg5[%arg0, %mul3A_14, %dma_start3A] : memref<2x10016x16xf32, #tpu.memory_space<hbm>> -> memref<1x626x16xf32, #tpu.memory_space<hbm>>
      %dma_start3A_16 = tpu.memref_squeeze %dma_start3A_15 : memref<1x626x16xf32, #tpu.memory_space<hbm>> -> memref<626x16xf32, #tpu.memory_space<hbm>>
      %dma_start3A_17 = arith.constant 0 : i32
      %dma_start3A_18 = tpu.memref_slice %arg8[%mul3A_12, %dma_start3A_17] : memref<10016x16xf32, #tpu.memory_space<vmem_shared>> -> memref<626x16xf32, #tpu.memory_space<vmem_shared>>
      tpu.enqueue_dma source(%dma_start3A_18 : memref<626x16xf32, #tpu.memory_space<vmem_shared>>) target(%dma_start3A_16 : memref<626x16xf32, #tpu.memory_space<hbm>>) target_semaphore(%run_scoped3A : memref<!tpu.dma_semaphore, #tpu.memory_space<semaphore_mem>>)
      %dma_wait3A = arith.constant 0 : i32
      %dma_wait3A_19 = tpu.memref_slice %arg5[%arg0, %mul3A_14, %dma_wait3A] : memref<2x10016x16xf32, #tpu.memory_space<hbm>> -> memref<1x626x16xf32, #tpu.memory_space<hbm>>
      %dma_wait3A_20 = tpu.memref_squeeze %dma_wait3A_19 : memref<1x626x16xf32, #tpu.memory_space<hbm>> -> memref<626x16xf32, #tpu.memory_space<hbm>>
      %dma_wait3A_21 = arith.constant 0 : i32
      %dma_wait3A_22 = tpu.memref_slice %arg8[%mul3A_12, %dma_wait3A_21] : memref<10016x16xf32, #tpu.memory_space<vmem_shared>> -> memref<626x16xf32, #tpu.memory_space<vmem_shared>>
      tpu.wait_dma2 semaphore(%run_scoped3A : memref<!tpu.dma_semaphore, #tpu.memory_space<semaphore_mem>>) src(%dma_wait3A_22 : memref<626x16xf32, #tpu.memory_space<vmem_shared>>) dst(%dma_wait3A_20 : memref<626x16xf32, #tpu.memory_space<hbm>>)
      tpu.yield
    }) : () -> ()
    return
  }
}

#map = affine_map<(d0, d1) -> (0, 0)>
#map1 = affine_map<(d0, d1) -> (0, 0, 0)>
module attributes {stable_mosaic.version = 14 : i64} {
  func.func @sk(%arg0: i32, %arg1: i32, %arg2: memref<163840x16xf32, #tpu.memory_space<hbm>>, %arg3: memref<1280x128xi32, #tpu.memory_space<hbm>>, %arg4: memref<626x16xf32, #tpu.memory_space<hbm>>, %arg5: memref<2x10016x16xf32, #tpu.memory_space<hbm>>, %arg6: memref<40x128xi32, #tpu.memory_space<vmem>>, %arg7: memref<1024x16xf32, #tpu.memory_space<vmem>>, %arg8: memref<10016x16xf32, #tpu.memory_space<vmem_shared>>, %arg9: memref<!tpu.dma_semaphore, #tpu.memory_space<semaphore_mem>>) attributes {dimension_semantics = [#tpu.dimension_semantics<core_parallel>, #tpu.dimension_semantics<subcore_parallel>], iteration_bounds = array<i64: 2, 16>, scalar_prefetch = 0 : i64, scratch_operands = 4 : i64, tpu.core_type = #tpu.core_type<sc_vector_subcore>, window_params = [{transform_indices = #map}, {transform_indices = #map}, {transform_indices = #map}, {transform_indices = #map1}]} {
    %mul3A = arith.constant 2 : i32
    %mul3A_0 = arith.muli %arg1, %mul3A : i32
    %add3A = arith.addi %mul3A_0, %arg0 : i32
    %mul3A_1 = arith.constant 5120 : i32
    %mul3A_2 = arith.muli %add3A, %mul3A_1 : i32
    %mul3A_3 = arith.constant 40 : i32
    %mul3A_4 = arith.muli %add3A, %mul3A_3 : i32
    %mul3A_5 = arith.constant 626 : i32
    %mul3A_6 = arith.muli %arg1, %mul3A_5 : i32
    "tpu.region"() ({
      %run_scoped3A = tpu.sem_alloc : memref<!tpu.dma_semaphore, #tpu.memory_space<semaphore_mem>>
      %dma_start3A = arith.constant 0 : i32
      %dma_start3A_17 = tpu.memref_slice %arg8[%mul3A_6, %dma_start3A] : memref<10016x16xf32, #tpu.memory_space<vmem_shared>> -> memref<626x16xf32, #tpu.memory_space<vmem_shared>>
      tpu.enqueue_dma source(%arg4 : memref<626x16xf32, #tpu.memory_space<hbm>>) target(%dma_start3A_17 : memref<626x16xf32, #tpu.memory_space<vmem_shared>>) target_semaphore(%run_scoped3A : memref<!tpu.dma_semaphore, #tpu.memory_space<semaphore_mem>>)
      %dma_wait3A = arith.constant 0 : i32
      %dma_wait3A_18 = tpu.memref_slice %arg8[%mul3A_6, %dma_wait3A] : memref<10016x16xf32, #tpu.memory_space<vmem_shared>> -> memref<626x16xf32, #tpu.memory_space<vmem_shared>>
      tpu.wait_dma2 semaphore(%run_scoped3A : memref<!tpu.dma_semaphore, #tpu.memory_space<semaphore_mem>>) src(%arg4 : memref<626x16xf32, #tpu.memory_space<hbm>>) dst(%dma_wait3A_18 : memref<626x16xf32, #tpu.memory_space<vmem_shared>>)
      tpu.yield
    }) : () -> ()
    "tpu.region"() ({
      %run_scoped3A = tpu.sem_alloc : memref<!tpu.dma_semaphore, #tpu.memory_space<semaphore_mem>>
      %dma_start3A = arith.constant 0 : i32
      %dma_start3A_17 = tpu.memref_slice %arg3[%mul3A_4, %dma_start3A] : memref<1280x128xi32, #tpu.memory_space<hbm>> -> memref<40x128xi32, #tpu.memory_space<hbm>>
      %dma_start3A_18 = arith.constant 0 : i32
      %dma_start3A_19 = tpu.memref_slice %arg3[%mul3A_4, %dma_start3A_18] : memref<1280x128xi32, #tpu.memory_space<hbm>> -> memref<40x128xi32, #tpu.memory_space<hbm>>
      tpu.enqueue_dma source(%dma_start3A_19 : memref<40x128xi32, #tpu.memory_space<hbm>>) target(%arg6 : memref<40x128xi32, #tpu.memory_space<vmem>>) target_semaphore(%run_scoped3A : memref<!tpu.dma_semaphore, #tpu.memory_space<semaphore_mem>>)
      %dma_wait3A = arith.constant 0 : i32
      %dma_wait3A_20 = tpu.memref_slice %arg3[%mul3A_4, %dma_wait3A] : memref<1280x128xi32, #tpu.memory_space<hbm>> -> memref<40x128xi32, #tpu.memory_space<hbm>>
      %dma_wait3A_21 = arith.constant 0 : i32
      %dma_wait3A_22 = tpu.memref_slice %arg3[%mul3A_4, %dma_wait3A_21] : memref<1280x128xi32, #tpu.memory_space<hbm>> -> memref<40x128xi32, #tpu.memory_space<hbm>>
      tpu.wait_dma2 semaphore(%run_scoped3A : memref<!tpu.dma_semaphore, #tpu.memory_space<semaphore_mem>>) src(%dma_wait3A_22 : memref<40x128xi32, #tpu.memory_space<hbm>>) dst(%arg6 : memref<40x128xi32, #tpu.memory_space<vmem>>)
      tpu.yield
    }) : () -> ()
    %barrier3A = arith.constant 0 : index
    tpu.barrier barrier_id(%barrier3A)
    %scan3A = arith.constant 0 : i32
    %scan3A_7 = arith.constant 0 : i32
    %scan3A_8 = arith.constant 5 : i32
    %scan3A_9 = arith.addi %scan3A_7, %scan3A_8 : i32
    %scan3A_10 = arith.constant 1 : i32
    scf.for %scan3A_17 = %scan3A_7 to %scan3A_9 step %scan3A_10  : i32 {
      %mul3A_18 = arith.constant 1024 : i32
      %mul3A_19 = arith.muli %scan3A_17, %mul3A_18 : i32
      %add3A_20 = arith.addi %mul3A_2, %mul3A_19 : i32
      "tpu.region"() ({
        %run_scoped3A = tpu.sem_alloc : memref<!tpu.dma_semaphore, #tpu.memory_space<semaphore_mem>>
        %dma_start3A_195 = arith.constant 0 : i32
        %dma_start3A_196 = tpu.memref_slice %arg2[%add3A_20, %dma_start3A_195] : memref<163840x16xf32, #tpu.memory_space<hbm>> -> memref<1024x16xf32, #tpu.memory_space<hbm>>
        %dma_start3A_197 = arith.constant 0 : i32
        %dma_start3A_198 = tpu.memref_slice %arg2[%add3A_20, %dma_start3A_197] : memref<163840x16xf32, #tpu.memory_space<hbm>> -> memref<1024x16xf32, #tpu.memory_space<hbm>>
        tpu.enqueue_dma source(%dma_start3A_198 : memref<1024x16xf32, #tpu.memory_space<hbm>>) target(%arg7 : memref<1024x16xf32, #tpu.memory_space<vmem>>) target_semaphore(%run_scoped3A : memref<!tpu.dma_semaphore, #tpu.memory_space<semaphore_mem>>)
        %dma_wait3A_199 = arith.constant 0 : i32
        %dma_wait3A_200 = tpu.memref_slice %arg2[%add3A_20, %dma_wait3A_199] : memref<163840x16xf32, #tpu.memory_space<hbm>> -> memref<1024x16xf32, #tpu.memory_space<hbm>>
        %dma_wait3A_201 = arith.constant 0 : i32
        %dma_wait3A_202 = tpu.memref_slice %arg2[%add3A_20, %dma_wait3A_201] : memref<163840x16xf32, #tpu.memory_space<hbm>> -> memref<1024x16xf32, #tpu.memory_space<hbm>>
        tpu.wait_dma2 semaphore(%run_scoped3A : memref<!tpu.dma_semaphore, #tpu.memory_space<semaphore_mem>>) src(%dma_wait3A_202 : memref<1024x16xf32, #tpu.memory_space<hbm>>) dst(%arg7 : memref<1024x16xf32, #tpu.memory_space<vmem>>)
        tpu.yield
      }) : () -> ()
      %mul3A_21 = arith.constant 8 : i32
      %mul3A_22 = arith.muli %scan3A_17, %mul3A_21 : i32
      %add3A_23 = arith.constant 0 : i32
      %add3A_24 = arith.addi %mul3A_22, %add3A_23 : i32
      %dma_start3A = arith.constant 0 : i32
      %dma_start3A_25 = arith.constant 0 : i32
      %dma_start3A_26 = tpu.memref_slice %arg7[%dma_start3A, %dma_start3A_25] : memref<1024x16xf32, #tpu.memory_space<vmem>> -> memref<128x16xf32, #tpu.memory_space<vmem>>
      %dma_start3A_27 = arith.constant 0 : i32
      %dma_start3A_28 = tpu.memref_slice %arg6[%add3A_24, %dma_start3A_27] : memref<40x128xi32, #tpu.memory_space<vmem>> -> memref<1x128xi32, #tpu.memory_space<vmem>>
      %dma_start3A_29 = tpu.memref_squeeze %dma_start3A_28 : memref<1x128xi32, #tpu.memory_space<vmem>> -> memref<128xi32, #tpu.memory_space<vmem>>
      %dma_start3A_30 = arith.constant 0 : i32
      %dma_start3A_31 = arith.constant 0 : i32
      %dma_start3A_32 = tpu.memref_slice %arg8[%dma_start3A_30, %dma_start3A_31] : memref<10016x16xf32, #tpu.memory_space<vmem_shared>> -> memref<10016x16xf32, #tpu.memory_space<vmem_shared>>
      tpu.enqueue_indirect_dma source(%dma_start3A_26 : memref<128x16xf32, #tpu.memory_space<vmem>>) target(%dma_start3A_32 : memref<10016x16xf32, #tpu.memory_space<vmem_shared>>) offsets(%dma_start3A_29 : memref<128xi32, #tpu.memory_space<vmem>>) semaphore(%arg9 : memref<!tpu.dma_semaphore, #tpu.memory_space<semaphore_mem>>) {add = true}
      %mul3A_33 = arith.constant 8 : i32
      %mul3A_34 = arith.muli %scan3A_17, %mul3A_33 : i32
      %add3A_35 = arith.constant 1 : i32
      %add3A_36 = arith.addi %mul3A_34, %add3A_35 : i32
      %dma_start3A_37 = arith.constant 128 : i32
      %dma_start3A_38 = arith.constant 0 : i32
      %dma_start3A_39 = tpu.memref_slice %arg7[%dma_start3A_37, %dma_start3A_38] : memref<1024x16xf32, #tpu.memory_space<vmem>> -> memref<128x16xf32, #tpu.memory_space<vmem>>
      %dma_start3A_40 = arith.constant 0 : i32
      %dma_start3A_41 = tpu.memref_slice %arg6[%add3A_36, %dma_start3A_40] : memref<40x128xi32, #tpu.memory_space<vmem>> -> memref<1x128xi32, #tpu.memory_space<vmem>>
      %dma_start3A_42 = tpu.memref_squeeze %dma_start3A_41 : memref<1x128xi32, #tpu.memory_space<vmem>> -> memref<128xi32, #tpu.memory_space<vmem>>
      %dma_start3A_43 = arith.constant 0 : i32
      %dma_start3A_44 = arith.constant 0 : i32
      %dma_start3A_45 = tpu.memref_slice %arg8[%dma_start3A_43, %dma_start3A_44] : memref<10016x16xf32, #tpu.memory_space<vmem_shared>> -> memref<10016x16xf32, #tpu.memory_space<vmem_shared>>
      tpu.enqueue_indirect_dma source(%dma_start3A_39 : memref<128x16xf32, #tpu.memory_space<vmem>>) target(%dma_start3A_45 : memref<10016x16xf32, #tpu.memory_space<vmem_shared>>) offsets(%dma_start3A_42 : memref<128xi32, #tpu.memory_space<vmem>>) semaphore(%arg9 : memref<!tpu.dma_semaphore, #tpu.memory_space<semaphore_mem>>) {add = true}
      %mul3A_46 = arith.constant 8 : i32
      %mul3A_47 = arith.muli %scan3A_17, %mul3A_46 : i32
      %add3A_48 = arith.constant 2 : i32
      %add3A_49 = arith.addi %mul3A_47, %add3A_48 : i32
      %dma_start3A_50 = arith.constant 256 : i32
      %dma_start3A_51 = arith.constant 0 : i32
      %dma_start3A_52 = tpu.memref_slice %arg7[%dma_start3A_50, %dma_start3A_51] : memref<1024x16xf32, #tpu.memory_space<vmem>> -> memref<128x16xf32, #tpu.memory_space<vmem>>
      %dma_start3A_53 = arith.constant 0 : i32
      %dma_start3A_54 = tpu.memref_slice %arg6[%add3A_49, %dma_start3A_53] : memref<40x128xi32, #tpu.memory_space<vmem>> -> memref<1x128xi32, #tpu.memory_space<vmem>>
      %dma_start3A_55 = tpu.memref_squeeze %dma_start3A_54 : memref<1x128xi32, #tpu.memory_space<vmem>> -> memref<128xi32, #tpu.memory_space<vmem>>
      %dma_start3A_56 = arith.constant 0 : i32
      %dma_start3A_57 = arith.constant 0 : i32
      %dma_start3A_58 = tpu.memref_slice %arg8[%dma_start3A_56, %dma_start3A_57] : memref<10016x16xf32, #tpu.memory_space<vmem_shared>> -> memref<10016x16xf32, #tpu.memory_space<vmem_shared>>
      tpu.enqueue_indirect_dma source(%dma_start3A_52 : memref<128x16xf32, #tpu.memory_space<vmem>>) target(%dma_start3A_58 : memref<10016x16xf32, #tpu.memory_space<vmem_shared>>) offsets(%dma_start3A_55 : memref<128xi32, #tpu.memory_space<vmem>>) semaphore(%arg9 : memref<!tpu.dma_semaphore, #tpu.memory_space<semaphore_mem>>) {add = true}
      %mul3A_59 = arith.constant 8 : i32
      %mul3A_60 = arith.muli %scan3A_17, %mul3A_59 : i32
      %add3A_61 = arith.constant 3 : i32
      %add3A_62 = arith.addi %mul3A_60, %add3A_61 : i32
      %dma_start3A_63 = arith.constant 384 : i32
      %dma_start3A_64 = arith.constant 0 : i32
      %dma_start3A_65 = tpu.memref_slice %arg7[%dma_start3A_63, %dma_start3A_64] : memref<1024x16xf32, #tpu.memory_space<vmem>> -> memref<128x16xf32, #tpu.memory_space<vmem>>
      %dma_start3A_66 = arith.constant 0 : i32
      %dma_start3A_67 = tpu.memref_slice %arg6[%add3A_62, %dma_start3A_66] : memref<40x128xi32, #tpu.memory_space<vmem>> -> memref<1x128xi32, #tpu.memory_space<vmem>>
      %dma_start3A_68 = tpu.memref_squeeze %dma_start3A_67 : memref<1x128xi32, #tpu.memory_space<vmem>> -> memref<128xi32, #tpu.memory_space<vmem>>
      %dma_start3A_69 = arith.constant 0 : i32
      %dma_start3A_70 = arith.constant 0 : i32
      %dma_start3A_71 = tpu.memref_slice %arg8[%dma_start3A_69, %dma_start3A_70] : memref<10016x16xf32, #tpu.memory_space<vmem_shared>> -> memref<10016x16xf32, #tpu.memory_space<vmem_shared>>
      tpu.enqueue_indirect_dma source(%dma_start3A_65 : memref<128x16xf32, #tpu.memory_space<vmem>>) target(%dma_start3A_71 : memref<10016x16xf32, #tpu.memory_space<vmem_shared>>) offsets(%dma_start3A_68 : memref<128xi32, #tpu.memory_space<vmem>>) semaphore(%arg9 : memref<!tpu.dma_semaphore, #tpu.memory_space<semaphore_mem>>) {add = true}
      %mul3A_72 = arith.constant 8 : i32
      %mul3A_73 = arith.muli %scan3A_17, %mul3A_72 : i32
      %add3A_74 = arith.constant 4 : i32
      %add3A_75 = arith.addi %mul3A_73, %add3A_74 : i32
      %dma_start3A_76 = arith.constant 512 : i32
      %dma_start3A_77 = arith.constant 0 : i32
      %dma_start3A_78 = tpu.memref_slice %arg7[%dma_start3A_76, %dma_start3A_77] : memref<1024x16xf32, #tpu.memory_space<vmem>> -> memref<128x16xf32, #tpu.memory_space<vmem>>
      %dma_start3A_79 = arith.constant 0 : i32
      %dma_start3A_80 = tpu.memref_slice %arg6[%add3A_75, %dma_start3A_79] : memref<40x128xi32, #tpu.memory_space<vmem>> -> memref<1x128xi32, #tpu.memory_space<vmem>>
      %dma_start3A_81 = tpu.memref_squeeze %dma_start3A_80 : memref<1x128xi32, #tpu.memory_space<vmem>> -> memref<128xi32, #tpu.memory_space<vmem>>
      %dma_start3A_82 = arith.constant 0 : i32
      %dma_start3A_83 = arith.constant 0 : i32
      %dma_start3A_84 = tpu.memref_slice %arg8[%dma_start3A_82, %dma_start3A_83] : memref<10016x16xf32, #tpu.memory_space<vmem_shared>> -> memref<10016x16xf32, #tpu.memory_space<vmem_shared>>
      tpu.enqueue_indirect_dma source(%dma_start3A_78 : memref<128x16xf32, #tpu.memory_space<vmem>>) target(%dma_start3A_84 : memref<10016x16xf32, #tpu.memory_space<vmem_shared>>) offsets(%dma_start3A_81 : memref<128xi32, #tpu.memory_space<vmem>>) semaphore(%arg9 : memref<!tpu.dma_semaphore, #tpu.memory_space<semaphore_mem>>) {add = true}
      %mul3A_85 = arith.constant 8 : i32
      %mul3A_86 = arith.muli %scan3A_17, %mul3A_85 : i32
      %add3A_87 = arith.constant 5 : i32
      %add3A_88 = arith.addi %mul3A_86, %add3A_87 : i32
      %dma_start3A_89 = arith.constant 640 : i32
      %dma_start3A_90 = arith.constant 0 : i32
      %dma_start3A_91 = tpu.memref_slice %arg7[%dma_start3A_89, %dma_start3A_90] : memref<1024x16xf32, #tpu.memory_space<vmem>> -> memref<128x16xf32, #tpu.memory_space<vmem>>
      %dma_start3A_92 = arith.constant 0 : i32
      %dma_start3A_93 = tpu.memref_slice %arg6[%add3A_88, %dma_start3A_92] : memref<40x128xi32, #tpu.memory_space<vmem>> -> memref<1x128xi32, #tpu.memory_space<vmem>>
      %dma_start3A_94 = tpu.memref_squeeze %dma_start3A_93 : memref<1x128xi32, #tpu.memory_space<vmem>> -> memref<128xi32, #tpu.memory_space<vmem>>
      %dma_start3A_95 = arith.constant 0 : i32
      %dma_start3A_96 = arith.constant 0 : i32
      %dma_start3A_97 = tpu.memref_slice %arg8[%dma_start3A_95, %dma_start3A_96] : memref<10016x16xf32, #tpu.memory_space<vmem_shared>> -> memref<10016x16xf32, #tpu.memory_space<vmem_shared>>
      tpu.enqueue_indirect_dma source(%dma_start3A_91 : memref<128x16xf32, #tpu.memory_space<vmem>>) target(%dma_start3A_97 : memref<10016x16xf32, #tpu.memory_space<vmem_shared>>) offsets(%dma_start3A_94 : memref<128xi32, #tpu.memory_space<vmem>>) semaphore(%arg9 : memref<!tpu.dma_semaphore, #tpu.memory_space<semaphore_mem>>) {add = true}
      %mul3A_98 = arith.constant 8 : i32
      %mul3A_99 = arith.muli %scan3A_17, %mul3A_98 : i32
      %add3A_100 = arith.constant 6 : i32
      %add3A_101 = arith.addi %mul3A_99, %add3A_100 : i32
      %dma_start3A_102 = arith.constant 768 : i32
      %dma_start3A_103 = arith.constant 0 : i32
      %dma_start3A_104 = tpu.memref_slice %arg7[%dma_start3A_102, %dma_start3A_103] : memref<1024x16xf32, #tpu.memory_space<vmem>> -> memref<128x16xf32, #tpu.memory_space<vmem>>
      %dma_start3A_105 = arith.constant 0 : i32
      %dma_start3A_106 = tpu.memref_slice %arg6[%add3A_101, %dma_start3A_105] : memref<40x128xi32, #tpu.memory_space<vmem>> -> memref<1x128xi32, #tpu.memory_space<vmem>>
      %dma_start3A_107 = tpu.memref_squeeze %dma_start3A_106 : memref<1x128xi32, #tpu.memory_space<vmem>> -> memref<128xi32, #tpu.memory_space<vmem>>
      %dma_start3A_108 = arith.constant 0 : i32
      %dma_start3A_109 = arith.constant 0 : i32
      %dma_start3A_110 = tpu.memref_slice %arg8[%dma_start3A_108, %dma_start3A_109] : memref<10016x16xf32, #tpu.memory_space<vmem_shared>> -> memref<10016x16xf32, #tpu.memory_space<vmem_shared>>
      tpu.enqueue_indirect_dma source(%dma_start3A_104 : memref<128x16xf32, #tpu.memory_space<vmem>>) target(%dma_start3A_110 : memref<10016x16xf32, #tpu.memory_space<vmem_shared>>) offsets(%dma_start3A_107 : memref<128xi32, #tpu.memory_space<vmem>>) semaphore(%arg9 : memref<!tpu.dma_semaphore, #tpu.memory_space<semaphore_mem>>) {add = true}
      %mul3A_111 = arith.constant 8 : i32
      %mul3A_112 = arith.muli %scan3A_17, %mul3A_111 : i32
      %add3A_113 = arith.constant 7 : i32
      %add3A_114 = arith.addi %mul3A_112, %add3A_113 : i32
      %dma_start3A_115 = arith.constant 896 : i32
      %dma_start3A_116 = arith.constant 0 : i32
      %dma_start3A_117 = tpu.memref_slice %arg7[%dma_start3A_115, %dma_start3A_116] : memref<1024x16xf32, #tpu.memory_space<vmem>> -> memref<128x16xf32, #tpu.memory_space<vmem>>
      %dma_start3A_118 = arith.constant 0 : i32
      %dma_start3A_119 = tpu.memref_slice %arg6[%add3A_114, %dma_start3A_118] : memref<40x128xi32, #tpu.memory_space<vmem>> -> memref<1x128xi32, #tpu.memory_space<vmem>>
      %dma_start3A_120 = tpu.memref_squeeze %dma_start3A_119 : memref<1x128xi32, #tpu.memory_space<vmem>> -> memref<128xi32, #tpu.memory_space<vmem>>
      %dma_start3A_121 = arith.constant 0 : i32
      %dma_start3A_122 = arith.constant 0 : i32
      %dma_start3A_123 = tpu.memref_slice %arg8[%dma_start3A_121, %dma_start3A_122] : memref<10016x16xf32, #tpu.memory_space<vmem_shared>> -> memref<10016x16xf32, #tpu.memory_space<vmem_shared>>
      tpu.enqueue_indirect_dma source(%dma_start3A_117 : memref<128x16xf32, #tpu.memory_space<vmem>>) target(%dma_start3A_123 : memref<10016x16xf32, #tpu.memory_space<vmem_shared>>) offsets(%dma_start3A_120 : memref<128xi32, #tpu.memory_space<vmem>>) semaphore(%arg9 : memref<!tpu.dma_semaphore, #tpu.memory_space<semaphore_mem>>) {add = true}
      %dma_wait3A = arith.constant 0 : i32
      %dma_wait3A_124 = arith.constant 0 : i32
      %dma_wait3A_125 = tpu.memref_slice %arg7[%dma_wait3A, %dma_wait3A_124] : memref<1024x16xf32, #tpu.memory_space<vmem>> -> memref<128x16xf32, #tpu.memory_space<vmem>>
      %dma_wait3A_126 = arith.constant 0 : i32
      %dma_wait3A_127 = tpu.memref_slice %arg6[%add3A_24, %dma_wait3A_126] : memref<40x128xi32, #tpu.memory_space<vmem>> -> memref<1x128xi32, #tpu.memory_space<vmem>>
      %dma_wait3A_128 = tpu.memref_squeeze %dma_wait3A_127 : memref<1x128xi32, #tpu.memory_space<vmem>> -> memref<128xi32, #tpu.memory_space<vmem>>
      %dma_wait3A_129 = arith.constant 0 : i32
      %dma_wait3A_130 = arith.constant 0 : i32
      %dma_wait3A_131 = tpu.memref_slice %arg8[%dma_wait3A_129, %dma_wait3A_130] : memref<10016x16xf32, #tpu.memory_space<vmem_shared>> -> memref<10016x16xf32, #tpu.memory_space<vmem_shared>>
      tpu.wait_indirect_dma semaphore(%arg9 : memref<!tpu.dma_semaphore, #tpu.memory_space<semaphore_mem>>) src(%dma_wait3A_125 : memref<128x16xf32, #tpu.memory_space<vmem>>) dst(%dma_wait3A_131 : memref<10016x16xf32, #tpu.memory_space<vmem_shared>>)
      %dma_wait3A_132 = arith.constant 128 : i32
      %dma_wait3A_133 = arith.constant 0 : i32
      %dma_wait3A_134 = tpu.memref_slice %arg7[%dma_wait3A_132, %dma_wait3A_133] : memref<1024x16xf32, #tpu.memory_space<vmem>> -> memref<128x16xf32, #tpu.memory_space<vmem>>
      %dma_wait3A_135 = arith.constant 0 : i32
      %dma_wait3A_136 = tpu.memref_slice %arg6[%add3A_36, %dma_wait3A_135] : memref<40x128xi32, #tpu.memory_space<vmem>> -> memref<1x128xi32, #tpu.memory_space<vmem>>
      %dma_wait3A_137 = tpu.memref_squeeze %dma_wait3A_136 : memref<1x128xi32, #tpu.memory_space<vmem>> -> memref<128xi32, #tpu.memory_space<vmem>>
      %dma_wait3A_138 = arith.constant 0 : i32
      %dma_wait3A_139 = arith.constant 0 : i32
      %dma_wait3A_140 = tpu.memref_slice %arg8[%dma_wait3A_138, %dma_wait3A_139] : memref<10016x16xf32, #tpu.memory_space<vmem_shared>> -> memref<10016x16xf32, #tpu.memory_space<vmem_shared>>
      tpu.wait_indirect_dma semaphore(%arg9 : memref<!tpu.dma_semaphore, #tpu.memory_space<semaphore_mem>>) src(%dma_wait3A_134 : memref<128x16xf32, #tpu.memory_space<vmem>>) dst(%dma_wait3A_140 : memref<10016x16xf32, #tpu.memory_space<vmem_shared>>)
      %dma_wait3A_141 = arith.constant 256 : i32
      %dma_wait3A_142 = arith.constant 0 : i32
      %dma_wait3A_143 = tpu.memref_slice %arg7[%dma_wait3A_141, %dma_wait3A_142] : memref<1024x16xf32, #tpu.memory_space<vmem>> -> memref<128x16xf32, #tpu.memory_space<vmem>>
      %dma_wait3A_144 = arith.constant 0 : i32
      %dma_wait3A_145 = tpu.memref_slice %arg6[%add3A_49, %dma_wait3A_144] : memref<40x128xi32, #tpu.memory_space<vmem>> -> memref<1x128xi32, #tpu.memory_space<vmem>>
      %dma_wait3A_146 = tpu.memref_squeeze %dma_wait3A_145 : memref<1x128xi32, #tpu.memory_space<vmem>> -> memref<128xi32, #tpu.memory_space<vmem>>
      %dma_wait3A_147 = arith.constant 0 : i32
      %dma_wait3A_148 = arith.constant 0 : i32
      %dma_wait3A_149 = tpu.memref_slice %arg8[%dma_wait3A_147, %dma_wait3A_148] : memref<10016x16xf32, #tpu.memory_space<vmem_shared>> -> memref<10016x16xf32, #tpu.memory_space<vmem_shared>>
      tpu.wait_indirect_dma semaphore(%arg9 : memref<!tpu.dma_semaphore, #tpu.memory_space<semaphore_mem>>) src(%dma_wait3A_143 : memref<128x16xf32, #tpu.memory_space<vmem>>) dst(%dma_wait3A_149 : memref<10016x16xf32, #tpu.memory_space<vmem_shared>>)
      %dma_wait3A_150 = arith.constant 384 : i32
      %dma_wait3A_151 = arith.constant 0 : i32
      %dma_wait3A_152 = tpu.memref_slice %arg7[%dma_wait3A_150, %dma_wait3A_151] : memref<1024x16xf32, #tpu.memory_space<vmem>> -> memref<128x16xf32, #tpu.memory_space<vmem>>
      %dma_wait3A_153 = arith.constant 0 : i32
      %dma_wait3A_154 = tpu.memref_slice %arg6[%add3A_62, %dma_wait3A_153] : memref<40x128xi32, #tpu.memory_space<vmem>> -> memref<1x128xi32, #tpu.memory_space<vmem>>
      %dma_wait3A_155 = tpu.memref_squeeze %dma_wait3A_154 : memref<1x128xi32, #tpu.memory_space<vmem>> -> memref<128xi32, #tpu.memory_space<vmem>>
      %dma_wait3A_156 = arith.constant 0 : i32
      %dma_wait3A_157 = arith.constant 0 : i32
      %dma_wait3A_158 = tpu.memref_slice %arg8[%dma_wait3A_156, %dma_wait3A_157] : memref<10016x16xf32, #tpu.memory_space<vmem_shared>> -> memref<10016x16xf32, #tpu.memory_space<vmem_shared>>
      tpu.wait_indirect_dma semaphore(%arg9 : memref<!tpu.dma_semaphore, #tpu.memory_space<semaphore_mem>>) src(%dma_wait3A_152 : memref<128x16xf32, #tpu.memory_space<vmem>>) dst(%dma_wait3A_158 : memref<10016x16xf32, #tpu.memory_space<vmem_shared>>)
      %dma_wait3A_159 = arith.constant 512 : i32
      %dma_wait3A_160 = arith.constant 0 : i32
      %dma_wait3A_161 = tpu.memref_slice %arg7[%dma_wait3A_159, %dma_wait3A_160] : memref<1024x16xf32, #tpu.memory_space<vmem>> -> memref<128x16xf32, #tpu.memory_space<vmem>>
      %dma_wait3A_162 = arith.constant 0 : i32
      %dma_wait3A_163 = tpu.memref_slice %arg6[%add3A_75, %dma_wait3A_162] : memref<40x128xi32, #tpu.memory_space<vmem>> -> memref<1x128xi32, #tpu.memory_space<vmem>>
      %dma_wait3A_164 = tpu.memref_squeeze %dma_wait3A_163 : memref<1x128xi32, #tpu.memory_space<vmem>> -> memref<128xi32, #tpu.memory_space<vmem>>
      %dma_wait3A_165 = arith.constant 0 : i32
      %dma_wait3A_166 = arith.constant 0 : i32
      %dma_wait3A_167 = tpu.memref_slice %arg8[%dma_wait3A_165, %dma_wait3A_166] : memref<10016x16xf32, #tpu.memory_space<vmem_shared>> -> memref<10016x16xf32, #tpu.memory_space<vmem_shared>>
      tpu.wait_indirect_dma semaphore(%arg9 : memref<!tpu.dma_semaphore, #tpu.memory_space<semaphore_mem>>) src(%dma_wait3A_161 : memref<128x16xf32, #tpu.memory_space<vmem>>) dst(%dma_wait3A_167 : memref<10016x16xf32, #tpu.memory_space<vmem_shared>>)
      %dma_wait3A_168 = arith.constant 640 : i32
      %dma_wait3A_169 = arith.constant 0 : i32
      %dma_wait3A_170 = tpu.memref_slice %arg7[%dma_wait3A_168, %dma_wait3A_169] : memref<1024x16xf32, #tpu.memory_space<vmem>> -> memref<128x16xf32, #tpu.memory_space<vmem>>
      %dma_wait3A_171 = arith.constant 0 : i32
      %dma_wait3A_172 = tpu.memref_slice %arg6[%add3A_88, %dma_wait3A_171] : memref<40x128xi32, #tpu.memory_space<vmem>> -> memref<1x128xi32, #tpu.memory_space<vmem>>
      %dma_wait3A_173 = tpu.memref_squeeze %dma_wait3A_172 : memref<1x128xi32, #tpu.memory_space<vmem>> -> memref<128xi32, #tpu.memory_space<vmem>>
      %dma_wait3A_174 = arith.constant 0 : i32
      %dma_wait3A_175 = arith.constant 0 : i32
      %dma_wait3A_176 = tpu.memref_slice %arg8[%dma_wait3A_174, %dma_wait3A_175] : memref<10016x16xf32, #tpu.memory_space<vmem_shared>> -> memref<10016x16xf32, #tpu.memory_space<vmem_shared>>
      tpu.wait_indirect_dma semaphore(%arg9 : memref<!tpu.dma_semaphore, #tpu.memory_space<semaphore_mem>>) src(%dma_wait3A_170 : memref<128x16xf32, #tpu.memory_space<vmem>>) dst(%dma_wait3A_176 : memref<10016x16xf32, #tpu.memory_space<vmem_shared>>)
      %dma_wait3A_177 = arith.constant 768 : i32
      %dma_wait3A_178 = arith.constant 0 : i32
      %dma_wait3A_179 = tpu.memref_slice %arg7[%dma_wait3A_177, %dma_wait3A_178] : memref<1024x16xf32, #tpu.memory_space<vmem>> -> memref<128x16xf32, #tpu.memory_space<vmem>>
      %dma_wait3A_180 = arith.constant 0 : i32
      %dma_wait3A_181 = tpu.memref_slice %arg6[%add3A_101, %dma_wait3A_180] : memref<40x128xi32, #tpu.memory_space<vmem>> -> memref<1x128xi32, #tpu.memory_space<vmem>>
      %dma_wait3A_182 = tpu.memref_squeeze %dma_wait3A_181 : memref<1x128xi32, #tpu.memory_space<vmem>> -> memref<128xi32, #tpu.memory_space<vmem>>
      %dma_wait3A_183 = arith.constant 0 : i32
      %dma_wait3A_184 = arith.constant 0 : i32
      %dma_wait3A_185 = tpu.memref_slice %arg8[%dma_wait3A_183, %dma_wait3A_184] : memref<10016x16xf32, #tpu.memory_space<vmem_shared>> -> memref<10016x16xf32, #tpu.memory_space<vmem_shared>>
      tpu.wait_indirect_dma semaphore(%arg9 : memref<!tpu.dma_semaphore, #tpu.memory_space<semaphore_mem>>) src(%dma_wait3A_179 : memref<128x16xf32, #tpu.memory_space<vmem>>) dst(%dma_wait3A_185 : memref<10016x16xf32, #tpu.memory_space<vmem_shared>>)
      %dma_wait3A_186 = arith.constant 896 : i32
      %dma_wait3A_187 = arith.constant 0 : i32
      %dma_wait3A_188 = tpu.memref_slice %arg7[%dma_wait3A_186, %dma_wait3A_187] : memref<1024x16xf32, #tpu.memory_space<vmem>> -> memref<128x16xf32, #tpu.memory_space<vmem>>
      %dma_wait3A_189 = arith.constant 0 : i32
      %dma_wait3A_190 = tpu.memref_slice %arg6[%add3A_114, %dma_wait3A_189] : memref<40x128xi32, #tpu.memory_space<vmem>> -> memref<1x128xi32, #tpu.memory_space<vmem>>
      %dma_wait3A_191 = tpu.memref_squeeze %dma_wait3A_190 : memref<1x128xi32, #tpu.memory_space<vmem>> -> memref<128xi32, #tpu.memory_space<vmem>>
      %dma_wait3A_192 = arith.constant 0 : i32
      %dma_wait3A_193 = arith.constant 0 : i32
      %dma_wait3A_194 = tpu.memref_slice %arg8[%dma_wait3A_192, %dma_wait3A_193] : memref<10016x16xf32, #tpu.memory_space<vmem_shared>> -> memref<10016x16xf32, #tpu.memory_space<vmem_shared>>
      tpu.wait_indirect_dma semaphore(%arg9 : memref<!tpu.dma_semaphore, #tpu.memory_space<semaphore_mem>>) src(%dma_wait3A_188 : memref<128x16xf32, #tpu.memory_space<vmem>>) dst(%dma_wait3A_194 : memref<10016x16xf32, #tpu.memory_space<vmem_shared>>)
    }
    %scan3A_11 = arith.constant 5 : i32
    %barrier3A_12 = arith.constant 0 : index
    tpu.barrier barrier_id(%barrier3A_12)
    %mul3A_13 = arith.constant 626 : i32
    %mul3A_14 = arith.muli %arg1, %mul3A_13 : i32
    %mul3A_15 = arith.constant 626 : i32
    %mul3A_16 = arith.muli %arg1, %mul3A_15 : i32
    "tpu.region"() ({
      %run_scoped3A = tpu.sem_alloc : memref<!tpu.dma_semaphore, #tpu.memory_space<semaphore_mem>>
      %dma_start3A = arith.constant 0 : i32
      %dma_start3A_17 = tpu.memref_slice %arg5[%arg0, %mul3A_16, %dma_start3A] : memref<2x10016x16xf32, #tpu.memory_space<hbm>> -> memref<1x626x16xf32, #tpu.memory_space<hbm>>
      %dma_start3A_18 = tpu.memref_squeeze %dma_start3A_17 : memref<1x626x16xf32, #tpu.memory_space<hbm>> -> memref<626x16xf32, #tpu.memory_space<hbm>>
      %dma_start3A_19 = arith.constant 0 : i32
      %dma_start3A_20 = tpu.memref_slice %arg8[%mul3A_14, %dma_start3A_19] : memref<10016x16xf32, #tpu.memory_space<vmem_shared>> -> memref<626x16xf32, #tpu.memory_space<vmem_shared>>
      tpu.enqueue_dma source(%dma_start3A_20 : memref<626x16xf32, #tpu.memory_space<vmem_shared>>) target(%dma_start3A_18 : memref<626x16xf32, #tpu.memory_space<hbm>>) target_semaphore(%run_scoped3A : memref<!tpu.dma_semaphore, #tpu.memory_space<semaphore_mem>>)
      %dma_wait3A = arith.constant 0 : i32
      %dma_wait3A_21 = tpu.memref_slice %arg5[%arg0, %mul3A_16, %dma_wait3A] : memref<2x10016x16xf32, #tpu.memory_space<hbm>> -> memref<1x626x16xf32, #tpu.memory_space<hbm>>
      %dma_wait3A_22 = tpu.memref_squeeze %dma_wait3A_21 : memref<1x626x16xf32, #tpu.memory_space<hbm>> -> memref<626x16xf32, #tpu.memory_space<hbm>>
      %dma_wait3A_23 = arith.constant 0 : i32
      %dma_wait3A_24 = tpu.memref_slice %arg8[%mul3A_14, %dma_wait3A_23] : memref<10016x16xf32, #tpu.memory_space<vmem_shared>> -> memref<626x16xf32, #tpu.memory_space<vmem_shared>>
      tpu.wait_dma2 semaphore(%run_scoped3A : memref<!tpu.dma_semaphore, #tpu.memory_space<semaphore_mem>>) src(%dma_wait3A_24 : memref<626x16xf32, #tpu.memory_space<vmem_shared>>) dst(%dma_wait3A_22 : memref<626x16xf32, #tpu.memory_space<hbm>>)
      tpu.yield
    }) : () -> ()
    return
  }
}

#map = affine_map<(d0, d1) -> (0, 0)>
module attributes {stable_mosaic.version = 14 : i64} {
  func.func @gk(%arg0: i32, %arg1: i32, %arg2: memref<10016x16xf32, #tpu.memory_space<hbm>>, %arg3: memref<1280x128xi32, #tpu.memory_space<hbm>>, %arg4: memref<163840x16xf32, #tpu.memory_space<hbm>>, %arg5: memref<40x128xi32, #tpu.memory_space<vmem>>, %arg6: memref<1024x16xf32, #tpu.memory_space<vmem>>, %arg7: memref<10016x16xf32, #tpu.memory_space<vmem_shared>>, %arg8: memref<!tpu.dma_semaphore, #tpu.memory_space<semaphore_mem>>) attributes {dimension_semantics = [#tpu.dimension_semantics<core_parallel>, #tpu.dimension_semantics<subcore_parallel>], iteration_bounds = array<i64: 2, 16>, scalar_prefetch = 0 : i64, scratch_operands = 4 : i64, tpu.core_type = #tpu.core_type<sc_vector_subcore>, window_params = [{transform_indices = #map}, {transform_indices = #map}, {transform_indices = #map}]} {
    %mul3A = arith.constant 2 : i32
    %mul3A_0 = arith.muli %arg1, %mul3A : i32
    %add3A = arith.addi %mul3A_0, %arg0 : i32
    %mul3A_1 = arith.constant 5120 : i32
    %mul3A_2 = arith.muli %add3A, %mul3A_1 : i32
    %mul3A_3 = arith.constant 40 : i32
    %mul3A_4 = arith.muli %add3A, %mul3A_3 : i32
    %mul3A_5 = arith.constant 626 : i32
    %mul3A_6 = arith.muli %arg1, %mul3A_5 : i32
    %mul3A_7 = arith.constant 626 : i32
    %mul3A_8 = arith.muli %arg1, %mul3A_7 : i32
    "tpu.region"() ({
      %run_scoped3A = tpu.sem_alloc : memref<!tpu.dma_semaphore, #tpu.memory_space<semaphore_mem>>
      %dma_start3A = arith.constant 0 : i32
      %dma_start3A_14 = tpu.memref_slice %arg7[%mul3A_8, %dma_start3A] : memref<10016x16xf32, #tpu.memory_space<vmem_shared>> -> memref<626x16xf32, #tpu.memory_space<vmem_shared>>
      %dma_start3A_15 = arith.constant 0 : i32
      %dma_start3A_16 = tpu.memref_slice %arg2[%mul3A_6, %dma_start3A_15] : memref<10016x16xf32, #tpu.memory_space<hbm>> -> memref<626x16xf32, #tpu.memory_space<hbm>>
      tpu.enqueue_dma source(%dma_start3A_16 : memref<626x16xf32, #tpu.memory_space<hbm>>) target(%dma_start3A_14 : memref<626x16xf32, #tpu.memory_space<vmem_shared>>) target_semaphore(%run_scoped3A : memref<!tpu.dma_semaphore, #tpu.memory_space<semaphore_mem>>)
      %dma_wait3A = arith.constant 0 : i32
      %dma_wait3A_17 = tpu.memref_slice %arg7[%mul3A_8, %dma_wait3A] : memref<10016x16xf32, #tpu.memory_space<vmem_shared>> -> memref<626x16xf32, #tpu.memory_space<vmem_shared>>
      %dma_wait3A_18 = arith.constant 0 : i32
      %dma_wait3A_19 = tpu.memref_slice %arg2[%mul3A_6, %dma_wait3A_18] : memref<10016x16xf32, #tpu.memory_space<hbm>> -> memref<626x16xf32, #tpu.memory_space<hbm>>
      tpu.wait_dma2 semaphore(%run_scoped3A : memref<!tpu.dma_semaphore, #tpu.memory_space<semaphore_mem>>) src(%dma_wait3A_19 : memref<626x16xf32, #tpu.memory_space<hbm>>) dst(%dma_wait3A_17 : memref<626x16xf32, #tpu.memory_space<vmem_shared>>)
      tpu.yield
    }) : () -> ()
    "tpu.region"() ({
      %run_scoped3A = tpu.sem_alloc : memref<!tpu.dma_semaphore, #tpu.memory_space<semaphore_mem>>
      %dma_start3A = arith.constant 0 : i32
      %dma_start3A_14 = tpu.memref_slice %arg3[%mul3A_4, %dma_start3A] : memref<1280x128xi32, #tpu.memory_space<hbm>> -> memref<40x128xi32, #tpu.memory_space<hbm>>
      %dma_start3A_15 = arith.constant 0 : i32
      %dma_start3A_16 = tpu.memref_slice %arg3[%mul3A_4, %dma_start3A_15] : memref<1280x128xi32, #tpu.memory_space<hbm>> -> memref<40x128xi32, #tpu.memory_space<hbm>>
      tpu.enqueue_dma source(%dma_start3A_16 : memref<40x128xi32, #tpu.memory_space<hbm>>) target(%arg5 : memref<40x128xi32, #tpu.memory_space<vmem>>) target_semaphore(%run_scoped3A : memref<!tpu.dma_semaphore, #tpu.memory_space<semaphore_mem>>)
      %dma_wait3A = arith.constant 0 : i32
      %dma_wait3A_17 = tpu.memref_slice %arg3[%mul3A_4, %dma_wait3A] : memref<1280x128xi32, #tpu.memory_space<hbm>> -> memref<40x128xi32, #tpu.memory_space<hbm>>
      %dma_wait3A_18 = arith.constant 0 : i32
      %dma_wait3A_19 = tpu.memref_slice %arg3[%mul3A_4, %dma_wait3A_18] : memref<1280x128xi32, #tpu.memory_space<hbm>> -> memref<40x128xi32, #tpu.memory_space<hbm>>
      tpu.wait_dma2 semaphore(%run_scoped3A : memref<!tpu.dma_semaphore, #tpu.memory_space<semaphore_mem>>) src(%dma_wait3A_19 : memref<40x128xi32, #tpu.memory_space<hbm>>) dst(%arg5 : memref<40x128xi32, #tpu.memory_space<vmem>>)
      tpu.yield
    }) : () -> ()
    %barrier3A = arith.constant 0 : index
    tpu.barrier barrier_id(%barrier3A)
    %scan3A = arith.constant 0 : i32
    %scan3A_9 = arith.constant 0 : i32
    %scan3A_10 = arith.constant 5 : i32
    %scan3A_11 = arith.addi %scan3A_9, %scan3A_10 : i32
    %scan3A_12 = arith.constant 1 : i32
    scf.for %scan3A_14 = %scan3A_9 to %scan3A_11 step %scan3A_12  : i32 {
      %mul3A_15 = arith.constant 8 : i32
      %mul3A_16 = arith.muli %scan3A_14, %mul3A_15 : i32
      %add3A_17 = arith.constant 0 : i32
      %add3A_18 = arith.addi %mul3A_16, %add3A_17 : i32
      %dma_start3A = arith.constant 0 : i32
      %dma_start3A_19 = arith.constant 0 : i32
      %dma_start3A_20 = tpu.memref_slice %arg6[%dma_start3A, %dma_start3A_19] : memref<1024x16xf32, #tpu.memory_space<vmem>> -> memref<128x16xf32, #tpu.memory_space<vmem>>
      %dma_start3A_21 = arith.constant 0 : i32
      %dma_start3A_22 = tpu.memref_slice %arg5[%add3A_18, %dma_start3A_21] : memref<40x128xi32, #tpu.memory_space<vmem>> -> memref<1x128xi32, #tpu.memory_space<vmem>>
      %dma_start3A_23 = tpu.memref_squeeze %dma_start3A_22 : memref<1x128xi32, #tpu.memory_space<vmem>> -> memref<128xi32, #tpu.memory_space<vmem>>
      %dma_start3A_24 = arith.constant 0 : i32
      %dma_start3A_25 = arith.constant 0 : i32
      %dma_start3A_26 = tpu.memref_slice %arg7[%dma_start3A_24, %dma_start3A_25] : memref<10016x16xf32, #tpu.memory_space<vmem_shared>> -> memref<10016x16xf32, #tpu.memory_space<vmem_shared>>
      tpu.enqueue_indirect_dma source(%dma_start3A_26 : memref<10016x16xf32, #tpu.memory_space<vmem_shared>>) target(%dma_start3A_20 : memref<128x16xf32, #tpu.memory_space<vmem>>) offsets(%dma_start3A_23 : memref<128xi32, #tpu.memory_space<vmem>>) semaphore(%arg8 : memref<!tpu.dma_semaphore, #tpu.memory_space<semaphore_mem>>)
      %mul3A_27 = arith.constant 8 : i32
      %mul3A_28 = arith.muli %scan3A_14, %mul3A_27 : i32
      %add3A_29 = arith.constant 1 : i32
      %add3A_30 = arith.addi %mul3A_28, %add3A_29 : i32
      %dma_start3A_31 = arith.constant 128 : i32
      %dma_start3A_32 = arith.constant 0 : i32
      %dma_start3A_33 = tpu.memref_slice %arg6[%dma_start3A_31, %dma_start3A_32] : memref<1024x16xf32, #tpu.memory_space<vmem>> -> memref<128x16xf32, #tpu.memory_space<vmem>>
      %dma_start3A_34 = arith.constant 0 : i32
      %dma_start3A_35 = tpu.memref_slice %arg5[%add3A_30, %dma_start3A_34] : memref<40x128xi32, #tpu.memory_space<vmem>> -> memref<1x128xi32, #tpu.memory_space<vmem>>
      %dma_start3A_36 = tpu.memref_squeeze %dma_start3A_35 : memref<1x128xi32, #tpu.memory_space<vmem>> -> memref<128xi32, #tpu.memory_space<vmem>>
      %dma_start3A_37 = arith.constant 0 : i32
      %dma_start3A_38 = arith.constant 0 : i32
      %dma_start3A_39 = tpu.memref_slice %arg7[%dma_start3A_37, %dma_start3A_38] : memref<10016x16xf32, #tpu.memory_space<vmem_shared>> -> memref<10016x16xf32, #tpu.memory_space<vmem_shared>>
      tpu.enqueue_indirect_dma source(%dma_start3A_39 : memref<10016x16xf32, #tpu.memory_space<vmem_shared>>) target(%dma_start3A_33 : memref<128x16xf32, #tpu.memory_space<vmem>>) offsets(%dma_start3A_36 : memref<128xi32, #tpu.memory_space<vmem>>) semaphore(%arg8 : memref<!tpu.dma_semaphore, #tpu.memory_space<semaphore_mem>>)
      %mul3A_40 = arith.constant 8 : i32
      %mul3A_41 = arith.muli %scan3A_14, %mul3A_40 : i32
      %add3A_42 = arith.constant 2 : i32
      %add3A_43 = arith.addi %mul3A_41, %add3A_42 : i32
      %dma_start3A_44 = arith.constant 256 : i32
      %dma_start3A_45 = arith.constant 0 : i32
      %dma_start3A_46 = tpu.memref_slice %arg6[%dma_start3A_44, %dma_start3A_45] : memref<1024x16xf32, #tpu.memory_space<vmem>> -> memref<128x16xf32, #tpu.memory_space<vmem>>
      %dma_start3A_47 = arith.constant 0 : i32
      %dma_start3A_48 = tpu.memref_slice %arg5[%add3A_43, %dma_start3A_47] : memref<40x128xi32, #tpu.memory_space<vmem>> -> memref<1x128xi32, #tpu.memory_space<vmem>>
      %dma_start3A_49 = tpu.memref_squeeze %dma_start3A_48 : memref<1x128xi32, #tpu.memory_space<vmem>> -> memref<128xi32, #tpu.memory_space<vmem>>
      %dma_start3A_50 = arith.constant 0 : i32
      %dma_start3A_51 = arith.constant 0 : i32
      %dma_start3A_52 = tpu.memref_slice %arg7[%dma_start3A_50, %dma_start3A_51] : memref<10016x16xf32, #tpu.memory_space<vmem_shared>> -> memref<10016x16xf32, #tpu.memory_space<vmem_shared>>
      tpu.enqueue_indirect_dma source(%dma_start3A_52 : memref<10016x16xf32, #tpu.memory_space<vmem_shared>>) target(%dma_start3A_46 : memref<128x16xf32, #tpu.memory_space<vmem>>) offsets(%dma_start3A_49 : memref<128xi32, #tpu.memory_space<vmem>>) semaphore(%arg8 : memref<!tpu.dma_semaphore, #tpu.memory_space<semaphore_mem>>)
      %mul3A_53 = arith.constant 8 : i32
      %mul3A_54 = arith.muli %scan3A_14, %mul3A_53 : i32
      %add3A_55 = arith.constant 3 : i32
      %add3A_56 = arith.addi %mul3A_54, %add3A_55 : i32
      %dma_start3A_57 = arith.constant 384 : i32
      %dma_start3A_58 = arith.constant 0 : i32
      %dma_start3A_59 = tpu.memref_slice %arg6[%dma_start3A_57, %dma_start3A_58] : memref<1024x16xf32, #tpu.memory_space<vmem>> -> memref<128x16xf32, #tpu.memory_space<vmem>>
      %dma_start3A_60 = arith.constant 0 : i32
      %dma_start3A_61 = tpu.memref_slice %arg5[%add3A_56, %dma_start3A_60] : memref<40x128xi32, #tpu.memory_space<vmem>> -> memref<1x128xi32, #tpu.memory_space<vmem>>
      %dma_start3A_62 = tpu.memref_squeeze %dma_start3A_61 : memref<1x128xi32, #tpu.memory_space<vmem>> -> memref<128xi32, #tpu.memory_space<vmem>>
      %dma_start3A_63 = arith.constant 0 : i32
      %dma_start3A_64 = arith.constant 0 : i32
      %dma_start3A_65 = tpu.memref_slice %arg7[%dma_start3A_63, %dma_start3A_64] : memref<10016x16xf32, #tpu.memory_space<vmem_shared>> -> memref<10016x16xf32, #tpu.memory_space<vmem_shared>>
      tpu.enqueue_indirect_dma source(%dma_start3A_65 : memref<10016x16xf32, #tpu.memory_space<vmem_shared>>) target(%dma_start3A_59 : memref<128x16xf32, #tpu.memory_space<vmem>>) offsets(%dma_start3A_62 : memref<128xi32, #tpu.memory_space<vmem>>) semaphore(%arg8 : memref<!tpu.dma_semaphore, #tpu.memory_space<semaphore_mem>>)
      %mul3A_66 = arith.constant 8 : i32
      %mul3A_67 = arith.muli %scan3A_14, %mul3A_66 : i32
      %add3A_68 = arith.constant 4 : i32
      %add3A_69 = arith.addi %mul3A_67, %add3A_68 : i32
      %dma_start3A_70 = arith.constant 512 : i32
      %dma_start3A_71 = arith.constant 0 : i32
      %dma_start3A_72 = tpu.memref_slice %arg6[%dma_start3A_70, %dma_start3A_71] : memref<1024x16xf32, #tpu.memory_space<vmem>> -> memref<128x16xf32, #tpu.memory_space<vmem>>
      %dma_start3A_73 = arith.constant 0 : i32
      %dma_start3A_74 = tpu.memref_slice %arg5[%add3A_69, %dma_start3A_73] : memref<40x128xi32, #tpu.memory_space<vmem>> -> memref<1x128xi32, #tpu.memory_space<vmem>>
      %dma_start3A_75 = tpu.memref_squeeze %dma_start3A_74 : memref<1x128xi32, #tpu.memory_space<vmem>> -> memref<128xi32, #tpu.memory_space<vmem>>
      %dma_start3A_76 = arith.constant 0 : i32
      %dma_start3A_77 = arith.constant 0 : i32
      %dma_start3A_78 = tpu.memref_slice %arg7[%dma_start3A_76, %dma_start3A_77] : memref<10016x16xf32, #tpu.memory_space<vmem_shared>> -> memref<10016x16xf32, #tpu.memory_space<vmem_shared>>
      tpu.enqueue_indirect_dma source(%dma_start3A_78 : memref<10016x16xf32, #tpu.memory_space<vmem_shared>>) target(%dma_start3A_72 : memref<128x16xf32, #tpu.memory_space<vmem>>) offsets(%dma_start3A_75 : memref<128xi32, #tpu.memory_space<vmem>>) semaphore(%arg8 : memref<!tpu.dma_semaphore, #tpu.memory_space<semaphore_mem>>)
      %mul3A_79 = arith.constant 8 : i32
      %mul3A_80 = arith.muli %scan3A_14, %mul3A_79 : i32
      %add3A_81 = arith.constant 5 : i32
      %add3A_82 = arith.addi %mul3A_80, %add3A_81 : i32
      %dma_start3A_83 = arith.constant 640 : i32
      %dma_start3A_84 = arith.constant 0 : i32
      %dma_start3A_85 = tpu.memref_slice %arg6[%dma_start3A_83, %dma_start3A_84] : memref<1024x16xf32, #tpu.memory_space<vmem>> -> memref<128x16xf32, #tpu.memory_space<vmem>>
      %dma_start3A_86 = arith.constant 0 : i32
      %dma_start3A_87 = tpu.memref_slice %arg5[%add3A_82, %dma_start3A_86] : memref<40x128xi32, #tpu.memory_space<vmem>> -> memref<1x128xi32, #tpu.memory_space<vmem>>
      %dma_start3A_88 = tpu.memref_squeeze %dma_start3A_87 : memref<1x128xi32, #tpu.memory_space<vmem>> -> memref<128xi32, #tpu.memory_space<vmem>>
      %dma_start3A_89 = arith.constant 0 : i32
      %dma_start3A_90 = arith.constant 0 : i32
      %dma_start3A_91 = tpu.memref_slice %arg7[%dma_start3A_89, %dma_start3A_90] : memref<10016x16xf32, #tpu.memory_space<vmem_shared>> -> memref<10016x16xf32, #tpu.memory_space<vmem_shared>>
      tpu.enqueue_indirect_dma source(%dma_start3A_91 : memref<10016x16xf32, #tpu.memory_space<vmem_shared>>) target(%dma_start3A_85 : memref<128x16xf32, #tpu.memory_space<vmem>>) offsets(%dma_start3A_88 : memref<128xi32, #tpu.memory_space<vmem>>) semaphore(%arg8 : memref<!tpu.dma_semaphore, #tpu.memory_space<semaphore_mem>>)
      %mul3A_92 = arith.constant 8 : i32
      %mul3A_93 = arith.muli %scan3A_14, %mul3A_92 : i32
      %add3A_94 = arith.constant 6 : i32
      %add3A_95 = arith.addi %mul3A_93, %add3A_94 : i32
      %dma_start3A_96 = arith.constant 768 : i32
      %dma_start3A_97 = arith.constant 0 : i32
      %dma_start3A_98 = tpu.memref_slice %arg6[%dma_start3A_96, %dma_start3A_97] : memref<1024x16xf32, #tpu.memory_space<vmem>> -> memref<128x16xf32, #tpu.memory_space<vmem>>
      %dma_start3A_99 = arith.constant 0 : i32
      %dma_start3A_100 = tpu.memref_slice %arg5[%add3A_95, %dma_start3A_99] : memref<40x128xi32, #tpu.memory_space<vmem>> -> memref<1x128xi32, #tpu.memory_space<vmem>>
      %dma_start3A_101 = tpu.memref_squeeze %dma_start3A_100 : memref<1x128xi32, #tpu.memory_space<vmem>> -> memref<128xi32, #tpu.memory_space<vmem>>
      %dma_start3A_102 = arith.constant 0 : i32
      %dma_start3A_103 = arith.constant 0 : i32
      %dma_start3A_104 = tpu.memref_slice %arg7[%dma_start3A_102, %dma_start3A_103] : memref<10016x16xf32, #tpu.memory_space<vmem_shared>> -> memref<10016x16xf32, #tpu.memory_space<vmem_shared>>
      tpu.enqueue_indirect_dma source(%dma_start3A_104 : memref<10016x16xf32, #tpu.memory_space<vmem_shared>>) target(%dma_start3A_98 : memref<128x16xf32, #tpu.memory_space<vmem>>) offsets(%dma_start3A_101 : memref<128xi32, #tpu.memory_space<vmem>>) semaphore(%arg8 : memref<!tpu.dma_semaphore, #tpu.memory_space<semaphore_mem>>)
      %mul3A_105 = arith.constant 8 : i32
      %mul3A_106 = arith.muli %scan3A_14, %mul3A_105 : i32
      %add3A_107 = arith.constant 7 : i32
      %add3A_108 = arith.addi %mul3A_106, %add3A_107 : i32
      %dma_start3A_109 = arith.constant 896 : i32
      %dma_start3A_110 = arith.constant 0 : i32
      %dma_start3A_111 = tpu.memref_slice %arg6[%dma_start3A_109, %dma_start3A_110] : memref<1024x16xf32, #tpu.memory_space<vmem>> -> memref<128x16xf32, #tpu.memory_space<vmem>>
      %dma_start3A_112 = arith.constant 0 : i32
      %dma_start3A_113 = tpu.memref_slice %arg5[%add3A_108, %dma_start3A_112] : memref<40x128xi32, #tpu.memory_space<vmem>> -> memref<1x128xi32, #tpu.memory_space<vmem>>
      %dma_start3A_114 = tpu.memref_squeeze %dma_start3A_113 : memref<1x128xi32, #tpu.memory_space<vmem>> -> memref<128xi32, #tpu.memory_space<vmem>>
      %dma_start3A_115 = arith.constant 0 : i32
      %dma_start3A_116 = arith.constant 0 : i32
      %dma_start3A_117 = tpu.memref_slice %arg7[%dma_start3A_115, %dma_start3A_116] : memref<10016x16xf32, #tpu.memory_space<vmem_shared>> -> memref<10016x16xf32, #tpu.memory_space<vmem_shared>>
      tpu.enqueue_indirect_dma source(%dma_start3A_117 : memref<10016x16xf32, #tpu.memory_space<vmem_shared>>) target(%dma_start3A_111 : memref<128x16xf32, #tpu.memory_space<vmem>>) offsets(%dma_start3A_114 : memref<128xi32, #tpu.memory_space<vmem>>) semaphore(%arg8 : memref<!tpu.dma_semaphore, #tpu.memory_space<semaphore_mem>>)
      %dma_wait3A = arith.constant 0 : i32
      %dma_wait3A_118 = arith.constant 0 : i32
      %dma_wait3A_119 = tpu.memref_slice %arg6[%dma_wait3A, %dma_wait3A_118] : memref<1024x16xf32, #tpu.memory_space<vmem>> -> memref<128x16xf32, #tpu.memory_space<vmem>>
      %dma_wait3A_120 = arith.constant 0 : i32
      %dma_wait3A_121 = tpu.memref_slice %arg5[%add3A_18, %dma_wait3A_120] : memref<40x128xi32, #tpu.memory_space<vmem>> -> memref<1x128xi32, #tpu.memory_space<vmem>>
      %dma_wait3A_122 = tpu.memref_squeeze %dma_wait3A_121 : memref<1x128xi32, #tpu.memory_space<vmem>> -> memref<128xi32, #tpu.memory_space<vmem>>
      %dma_wait3A_123 = arith.constant 0 : i32
      %dma_wait3A_124 = arith.constant 0 : i32
      %dma_wait3A_125 = tpu.memref_slice %arg7[%dma_wait3A_123, %dma_wait3A_124] : memref<10016x16xf32, #tpu.memory_space<vmem_shared>> -> memref<10016x16xf32, #tpu.memory_space<vmem_shared>>
      tpu.wait_indirect_dma semaphore(%arg8 : memref<!tpu.dma_semaphore, #tpu.memory_space<semaphore_mem>>) src(%dma_wait3A_125 : memref<10016x16xf32, #tpu.memory_space<vmem_shared>>) dst(%dma_wait3A_119 : memref<128x16xf32, #tpu.memory_space<vmem>>)
      %dma_wait3A_126 = arith.constant 128 : i32
      %dma_wait3A_127 = arith.constant 0 : i32
      %dma_wait3A_128 = tpu.memref_slice %arg6[%dma_wait3A_126, %dma_wait3A_127] : memref<1024x16xf32, #tpu.memory_space<vmem>> -> memref<128x16xf32, #tpu.memory_space<vmem>>
      %dma_wait3A_129 = arith.constant 0 : i32
      %dma_wait3A_130 = tpu.memref_slice %arg5[%add3A_30, %dma_wait3A_129] : memref<40x128xi32, #tpu.memory_space<vmem>> -> memref<1x128xi32, #tpu.memory_space<vmem>>
      %dma_wait3A_131 = tpu.memref_squeeze %dma_wait3A_130 : memref<1x128xi32, #tpu.memory_space<vmem>> -> memref<128xi32, #tpu.memory_space<vmem>>
      %dma_wait3A_132 = arith.constant 0 : i32
      %dma_wait3A_133 = arith.constant 0 : i32
      %dma_wait3A_134 = tpu.memref_slice %arg7[%dma_wait3A_132, %dma_wait3A_133] : memref<10016x16xf32, #tpu.memory_space<vmem_shared>> -> memref<10016x16xf32, #tpu.memory_space<vmem_shared>>
      tpu.wait_indirect_dma semaphore(%arg8 : memref<!tpu.dma_semaphore, #tpu.memory_space<semaphore_mem>>) src(%dma_wait3A_134 : memref<10016x16xf32, #tpu.memory_space<vmem_shared>>) dst(%dma_wait3A_128 : memref<128x16xf32, #tpu.memory_space<vmem>>)
      %dma_wait3A_135 = arith.constant 256 : i32
      %dma_wait3A_136 = arith.constant 0 : i32
      %dma_wait3A_137 = tpu.memref_slice %arg6[%dma_wait3A_135, %dma_wait3A_136] : memref<1024x16xf32, #tpu.memory_space<vmem>> -> memref<128x16xf32, #tpu.memory_space<vmem>>
      %dma_wait3A_138 = arith.constant 0 : i32
      %dma_wait3A_139 = tpu.memref_slice %arg5[%add3A_43, %dma_wait3A_138] : memref<40x128xi32, #tpu.memory_space<vmem>> -> memref<1x128xi32, #tpu.memory_space<vmem>>
      %dma_wait3A_140 = tpu.memref_squeeze %dma_wait3A_139 : memref<1x128xi32, #tpu.memory_space<vmem>> -> memref<128xi32, #tpu.memory_space<vmem>>
      %dma_wait3A_141 = arith.constant 0 : i32
      %dma_wait3A_142 = arith.constant 0 : i32
      %dma_wait3A_143 = tpu.memref_slice %arg7[%dma_wait3A_141, %dma_wait3A_142] : memref<10016x16xf32, #tpu.memory_space<vmem_shared>> -> memref<10016x16xf32, #tpu.memory_space<vmem_shared>>
      tpu.wait_indirect_dma semaphore(%arg8 : memref<!tpu.dma_semaphore, #tpu.memory_space<semaphore_mem>>) src(%dma_wait3A_143 : memref<10016x16xf32, #tpu.memory_space<vmem_shared>>) dst(%dma_wait3A_137 : memref<128x16xf32, #tpu.memory_space<vmem>>)
      %dma_wait3A_144 = arith.constant 384 : i32
      %dma_wait3A_145 = arith.constant 0 : i32
      %dma_wait3A_146 = tpu.memref_slice %arg6[%dma_wait3A_144, %dma_wait3A_145] : memref<1024x16xf32, #tpu.memory_space<vmem>> -> memref<128x16xf32, #tpu.memory_space<vmem>>
      %dma_wait3A_147 = arith.constant 0 : i32
      %dma_wait3A_148 = tpu.memref_slice %arg5[%add3A_56, %dma_wait3A_147] : memref<40x128xi32, #tpu.memory_space<vmem>> -> memref<1x128xi32, #tpu.memory_space<vmem>>
      %dma_wait3A_149 = tpu.memref_squeeze %dma_wait3A_148 : memref<1x128xi32, #tpu.memory_space<vmem>> -> memref<128xi32, #tpu.memory_space<vmem>>
      %dma_wait3A_150 = arith.constant 0 : i32
      %dma_wait3A_151 = arith.constant 0 : i32
      %dma_wait3A_152 = tpu.memref_slice %arg7[%dma_wait3A_150, %dma_wait3A_151] : memref<10016x16xf32, #tpu.memory_space<vmem_shared>> -> memref<10016x16xf32, #tpu.memory_space<vmem_shared>>
      tpu.wait_indirect_dma semaphore(%arg8 : memref<!tpu.dma_semaphore, #tpu.memory_space<semaphore_mem>>) src(%dma_wait3A_152 : memref<10016x16xf32, #tpu.memory_space<vmem_shared>>) dst(%dma_wait3A_146 : memref<128x16xf32, #tpu.memory_space<vmem>>)
      %dma_wait3A_153 = arith.constant 512 : i32
      %dma_wait3A_154 = arith.constant 0 : i32
      %dma_wait3A_155 = tpu.memref_slice %arg6[%dma_wait3A_153, %dma_wait3A_154] : memref<1024x16xf32, #tpu.memory_space<vmem>> -> memref<128x16xf32, #tpu.memory_space<vmem>>
      %dma_wait3A_156 = arith.constant 0 : i32
      %dma_wait3A_157 = tpu.memref_slice %arg5[%add3A_69, %dma_wait3A_156] : memref<40x128xi32, #tpu.memory_space<vmem>> -> memref<1x128xi32, #tpu.memory_space<vmem>>
      %dma_wait3A_158 = tpu.memref_squeeze %dma_wait3A_157 : memref<1x128xi32, #tpu.memory_space<vmem>> -> memref<128xi32, #tpu.memory_space<vmem>>
      %dma_wait3A_159 = arith.constant 0 : i32
      %dma_wait3A_160 = arith.constant 0 : i32
      %dma_wait3A_161 = tpu.memref_slice %arg7[%dma_wait3A_159, %dma_wait3A_160] : memref<10016x16xf32, #tpu.memory_space<vmem_shared>> -> memref<10016x16xf32, #tpu.memory_space<vmem_shared>>
      tpu.wait_indirect_dma semaphore(%arg8 : memref<!tpu.dma_semaphore, #tpu.memory_space<semaphore_mem>>) src(%dma_wait3A_161 : memref<10016x16xf32, #tpu.memory_space<vmem_shared>>) dst(%dma_wait3A_155 : memref<128x16xf32, #tpu.memory_space<vmem>>)
      %dma_wait3A_162 = arith.constant 640 : i32
      %dma_wait3A_163 = arith.constant 0 : i32
      %dma_wait3A_164 = tpu.memref_slice %arg6[%dma_wait3A_162, %dma_wait3A_163] : memref<1024x16xf32, #tpu.memory_space<vmem>> -> memref<128x16xf32, #tpu.memory_space<vmem>>
      %dma_wait3A_165 = arith.constant 0 : i32
      %dma_wait3A_166 = tpu.memref_slice %arg5[%add3A_82, %dma_wait3A_165] : memref<40x128xi32, #tpu.memory_space<vmem>> -> memref<1x128xi32, #tpu.memory_space<vmem>>
      %dma_wait3A_167 = tpu.memref_squeeze %dma_wait3A_166 : memref<1x128xi32, #tpu.memory_space<vmem>> -> memref<128xi32, #tpu.memory_space<vmem>>
      %dma_wait3A_168 = arith.constant 0 : i32
      %dma_wait3A_169 = arith.constant 0 : i32
      %dma_wait3A_170 = tpu.memref_slice %arg7[%dma_wait3A_168, %dma_wait3A_169] : memref<10016x16xf32, #tpu.memory_space<vmem_shared>> -> memref<10016x16xf32, #tpu.memory_space<vmem_shared>>
      tpu.wait_indirect_dma semaphore(%arg8 : memref<!tpu.dma_semaphore, #tpu.memory_space<semaphore_mem>>) src(%dma_wait3A_170 : memref<10016x16xf32, #tpu.memory_space<vmem_shared>>) dst(%dma_wait3A_164 : memref<128x16xf32, #tpu.memory_space<vmem>>)
      %dma_wait3A_171 = arith.constant 768 : i32
      %dma_wait3A_172 = arith.constant 0 : i32
      %dma_wait3A_173 = tpu.memref_slice %arg6[%dma_wait3A_171, %dma_wait3A_172] : memref<1024x16xf32, #tpu.memory_space<vmem>> -> memref<128x16xf32, #tpu.memory_space<vmem>>
      %dma_wait3A_174 = arith.constant 0 : i32
      %dma_wait3A_175 = tpu.memref_slice %arg5[%add3A_95, %dma_wait3A_174] : memref<40x128xi32, #tpu.memory_space<vmem>> -> memref<1x128xi32, #tpu.memory_space<vmem>>
      %dma_wait3A_176 = tpu.memref_squeeze %dma_wait3A_175 : memref<1x128xi32, #tpu.memory_space<vmem>> -> memref<128xi32, #tpu.memory_space<vmem>>
      %dma_wait3A_177 = arith.constant 0 : i32
      %dma_wait3A_178 = arith.constant 0 : i32
      %dma_wait3A_179 = tpu.memref_slice %arg7[%dma_wait3A_177, %dma_wait3A_178] : memref<10016x16xf32, #tpu.memory_space<vmem_shared>> -> memref<10016x16xf32, #tpu.memory_space<vmem_shared>>
      tpu.wait_indirect_dma semaphore(%arg8 : memref<!tpu.dma_semaphore, #tpu.memory_space<semaphore_mem>>) src(%dma_wait3A_179 : memref<10016x16xf32, #tpu.memory_space<vmem_shared>>) dst(%dma_wait3A_173 : memref<128x16xf32, #tpu.memory_space<vmem>>)
      %dma_wait3A_180 = arith.constant 896 : i32
      %dma_wait3A_181 = arith.constant 0 : i32
      %dma_wait3A_182 = tpu.memref_slice %arg6[%dma_wait3A_180, %dma_wait3A_181] : memref<1024x16xf32, #tpu.memory_space<vmem>> -> memref<128x16xf32, #tpu.memory_space<vmem>>
      %dma_wait3A_183 = arith.constant 0 : i32
      %dma_wait3A_184 = tpu.memref_slice %arg5[%add3A_108, %dma_wait3A_183] : memref<40x128xi32, #tpu.memory_space<vmem>> -> memref<1x128xi32, #tpu.memory_space<vmem>>
      %dma_wait3A_185 = tpu.memref_squeeze %dma_wait3A_184 : memref<1x128xi32, #tpu.memory_space<vmem>> -> memref<128xi32, #tpu.memory_space<vmem>>
      %dma_wait3A_186 = arith.constant 0 : i32
      %dma_wait3A_187 = arith.constant 0 : i32
      %dma_wait3A_188 = tpu.memref_slice %arg7[%dma_wait3A_186, %dma_wait3A_187] : memref<10016x16xf32, #tpu.memory_space<vmem_shared>> -> memref<10016x16xf32, #tpu.memory_space<vmem_shared>>
      tpu.wait_indirect_dma semaphore(%arg8 : memref<!tpu.dma_semaphore, #tpu.memory_space<semaphore_mem>>) src(%dma_wait3A_188 : memref<10016x16xf32, #tpu.memory_space<vmem_shared>>) dst(%dma_wait3A_182 : memref<128x16xf32, #tpu.memory_space<vmem>>)
      %mul3A_189 = arith.constant 1024 : i32
      %mul3A_190 = arith.muli %scan3A_14, %mul3A_189 : i32
      %add3A_191 = arith.addi %mul3A_2, %mul3A_190 : i32
      "tpu.region"() ({
        %run_scoped3A = tpu.sem_alloc : memref<!tpu.dma_semaphore, #tpu.memory_space<semaphore_mem>>
        %dma_start3A_192 = arith.constant 0 : i32
        %dma_start3A_193 = tpu.memref_slice %arg4[%add3A_191, %dma_start3A_192] : memref<163840x16xf32, #tpu.memory_space<hbm>> -> memref<1024x16xf32, #tpu.memory_space<hbm>>
        %dma_start3A_194 = arith.constant 0 : i32
        %dma_start3A_195 = tpu.memref_slice %arg4[%add3A_191, %dma_start3A_194] : memref<163840x16xf32, #tpu.memory_space<hbm>> -> memref<1024x16xf32, #tpu.memory_space<hbm>>
        tpu.enqueue_dma source(%arg6 : memref<1024x16xf32, #tpu.memory_space<vmem>>) target(%dma_start3A_195 : memref<1024x16xf32, #tpu.memory_space<hbm>>) target_semaphore(%run_scoped3A : memref<!tpu.dma_semaphore, #tpu.memory_space<semaphore_mem>>)
        %dma_wait3A_196 = arith.constant 0 : i32
        %dma_wait3A_197 = tpu.memref_slice %arg4[%add3A_191, %dma_wait3A_196] : memref<163840x16xf32, #tpu.memory_space<hbm>> -> memref<1024x16xf32, #tpu.memory_space<hbm>>
        %dma_wait3A_198 = arith.constant 0 : i32
        %dma_wait3A_199 = tpu.memref_slice %arg4[%add3A_191, %dma_wait3A_198] : memref<163840x16xf32, #tpu.memory_space<hbm>> -> memref<1024x16xf32, #tpu.memory_space<hbm>>
        tpu.wait_dma2 semaphore(%run_scoped3A : memref<!tpu.dma_semaphore, #tpu.memory_space<semaphore_mem>>) src(%arg6 : memref<1024x16xf32, #tpu.memory_space<vmem>>) dst(%dma_wait3A_199 : memref<1024x16xf32, #tpu.memory_space<hbm>>)
        tpu.yield
      }) : () -> ()
    }
    %scan3A_13 = arith.constant 5 : i32
    return
  }
}

#map = affine_map<(d0, d1) -> (0, 0)>
#map1 = affine_map<(d0, d1) -> (0, 0, 0)>
module attributes {stable_mosaic.version = 14 : i64} {
  func.func @sk(%arg0: i32, %arg1: i32, %arg2: memref<163840x16xf32, #tpu.memory_space<hbm>>, %arg3: memref<1280x128xi32, #tpu.memory_space<hbm>>, %arg4: memref<626x16xf32, #tpu.memory_space<hbm>>, %arg5: memref<2x10016x16xf32, #tpu.memory_space<hbm>>, %arg6: memref<40x128xi32, #tpu.memory_space<vmem>>, %arg7: memref<1024x16xf32, #tpu.memory_space<vmem>>, %arg8: memref<10016x16xf32, #tpu.memory_space<vmem_shared>>, %arg9: memref<!tpu.dma_semaphore, #tpu.memory_space<semaphore_mem>>) attributes {dimension_semantics = [#tpu.dimension_semantics<core_parallel>, #tpu.dimension_semantics<subcore_parallel>], iteration_bounds = array<i64: 2, 16>, scalar_prefetch = 0 : i64, scratch_operands = 4 : i64, tpu.core_type = #tpu.core_type<sc_vector_subcore>, window_params = [{transform_indices = #map}, {transform_indices = #map}, {transform_indices = #map}, {transform_indices = #map1}]} {
    %mul3A = arith.constant 2 : i32
    %mul3A_0 = arith.muli %arg1, %mul3A : i32
    %add3A = arith.addi %mul3A_0, %arg0 : i32
    %mul3A_1 = arith.constant 5120 : i32
    %mul3A_2 = arith.muli %add3A, %mul3A_1 : i32
    %mul3A_3 = arith.constant 40 : i32
    %mul3A_4 = arith.muli %add3A, %mul3A_3 : i32
    %mul3A_5 = arith.constant 626 : i32
    %mul3A_6 = arith.muli %arg1, %mul3A_5 : i32
    "tpu.region"() ({
      %run_scoped3A = tpu.sem_alloc : memref<!tpu.dma_semaphore, #tpu.memory_space<semaphore_mem>>
      %dma_start3A = arith.constant 0 : i32
      %dma_start3A_17 = tpu.memref_slice %arg8[%mul3A_6, %dma_start3A] : memref<10016x16xf32, #tpu.memory_space<vmem_shared>> -> memref<626x16xf32, #tpu.memory_space<vmem_shared>>
      tpu.enqueue_dma source(%arg4 : memref<626x16xf32, #tpu.memory_space<hbm>>) target(%dma_start3A_17 : memref<626x16xf32, #tpu.memory_space<vmem_shared>>) target_semaphore(%run_scoped3A : memref<!tpu.dma_semaphore, #tpu.memory_space<semaphore_mem>>)
      %dma_wait3A = arith.constant 0 : i32
      %dma_wait3A_18 = tpu.memref_slice %arg8[%mul3A_6, %dma_wait3A] : memref<10016x16xf32, #tpu.memory_space<vmem_shared>> -> memref<626x16xf32, #tpu.memory_space<vmem_shared>>
      tpu.wait_dma2 semaphore(%run_scoped3A : memref<!tpu.dma_semaphore, #tpu.memory_space<semaphore_mem>>) src(%arg4 : memref<626x16xf32, #tpu.memory_space<hbm>>) dst(%dma_wait3A_18 : memref<626x16xf32, #tpu.memory_space<vmem_shared>>)
      tpu.yield
    }) : () -> ()
    "tpu.region"() ({
      %run_scoped3A = tpu.sem_alloc : memref<!tpu.dma_semaphore, #tpu.memory_space<semaphore_mem>>
      %dma_start3A = arith.constant 0 : i32
      %dma_start3A_17 = tpu.memref_slice %arg3[%mul3A_4, %dma_start3A] : memref<1280x128xi32, #tpu.memory_space<hbm>> -> memref<40x128xi32, #tpu.memory_space<hbm>>
      %dma_start3A_18 = arith.constant 0 : i32
      %dma_start3A_19 = tpu.memref_slice %arg3[%mul3A_4, %dma_start3A_18] : memref<1280x128xi32, #tpu.memory_space<hbm>> -> memref<40x128xi32, #tpu.memory_space<hbm>>
      tpu.enqueue_dma source(%dma_start3A_19 : memref<40x128xi32, #tpu.memory_space<hbm>>) target(%arg6 : memref<40x128xi32, #tpu.memory_space<vmem>>) target_semaphore(%run_scoped3A : memref<!tpu.dma_semaphore, #tpu.memory_space<semaphore_mem>>)
      %dma_wait3A = arith.constant 0 : i32
      %dma_wait3A_20 = tpu.memref_slice %arg3[%mul3A_4, %dma_wait3A] : memref<1280x128xi32, #tpu.memory_space<hbm>> -> memref<40x128xi32, #tpu.memory_space<hbm>>
      %dma_wait3A_21 = arith.constant 0 : i32
      %dma_wait3A_22 = tpu.memref_slice %arg3[%mul3A_4, %dma_wait3A_21] : memref<1280x128xi32, #tpu.memory_space<hbm>> -> memref<40x128xi32, #tpu.memory_space<hbm>>
      tpu.wait_dma2 semaphore(%run_scoped3A : memref<!tpu.dma_semaphore, #tpu.memory_space<semaphore_mem>>) src(%dma_wait3A_22 : memref<40x128xi32, #tpu.memory_space<hbm>>) dst(%arg6 : memref<40x128xi32, #tpu.memory_space<vmem>>)
      tpu.yield
    }) : () -> ()
    %barrier3A = arith.constant 0 : index
    tpu.barrier barrier_id(%barrier3A)
    %scan3A = arith.constant 0 : i32
    %scan3A_7 = arith.constant 0 : i32
    %scan3A_8 = arith.constant 5 : i32
    %scan3A_9 = arith.addi %scan3A_7, %scan3A_8 : i32
    %scan3A_10 = arith.constant 1 : i32
    scf.for %scan3A_17 = %scan3A_7 to %scan3A_9 step %scan3A_10  : i32 {
      %mul3A_18 = arith.constant 1024 : i32
      %mul3A_19 = arith.muli %scan3A_17, %mul3A_18 : i32
      %add3A_20 = arith.addi %mul3A_2, %mul3A_19 : i32
      "tpu.region"() ({
        %run_scoped3A = tpu.sem_alloc : memref<!tpu.dma_semaphore, #tpu.memory_space<semaphore_mem>>
        %dma_start3A_195 = arith.constant 0 : i32
        %dma_start3A_196 = tpu.memref_slice %arg2[%add3A_20, %dma_start3A_195] : memref<163840x16xf32, #tpu.memory_space<hbm>> -> memref<1024x16xf32, #tpu.memory_space<hbm>>
        %dma_start3A_197 = arith.constant 0 : i32
        %dma_start3A_198 = tpu.memref_slice %arg2[%add3A_20, %dma_start3A_197] : memref<163840x16xf32, #tpu.memory_space<hbm>> -> memref<1024x16xf32, #tpu.memory_space<hbm>>
        tpu.enqueue_dma source(%dma_start3A_198 : memref<1024x16xf32, #tpu.memory_space<hbm>>) target(%arg7 : memref<1024x16xf32, #tpu.memory_space<vmem>>) target_semaphore(%run_scoped3A : memref<!tpu.dma_semaphore, #tpu.memory_space<semaphore_mem>>)
        %dma_wait3A_199 = arith.constant 0 : i32
        %dma_wait3A_200 = tpu.memref_slice %arg2[%add3A_20, %dma_wait3A_199] : memref<163840x16xf32, #tpu.memory_space<hbm>> -> memref<1024x16xf32, #tpu.memory_space<hbm>>
        %dma_wait3A_201 = arith.constant 0 : i32
        %dma_wait3A_202 = tpu.memref_slice %arg2[%add3A_20, %dma_wait3A_201] : memref<163840x16xf32, #tpu.memory_space<hbm>> -> memref<1024x16xf32, #tpu.memory_space<hbm>>
        tpu.wait_dma2 semaphore(%run_scoped3A : memref<!tpu.dma_semaphore, #tpu.memory_space<semaphore_mem>>) src(%dma_wait3A_202 : memref<1024x16xf32, #tpu.memory_space<hbm>>) dst(%arg7 : memref<1024x16xf32, #tpu.memory_space<vmem>>)
        tpu.yield
      }) : () -> ()
      %mul3A_21 = arith.constant 8 : i32
      %mul3A_22 = arith.muli %scan3A_17, %mul3A_21 : i32
      %add3A_23 = arith.constant 0 : i32
      %add3A_24 = arith.addi %mul3A_22, %add3A_23 : i32
      %dma_start3A = arith.constant 0 : i32
      %dma_start3A_25 = arith.constant 0 : i32
      %dma_start3A_26 = tpu.memref_slice %arg7[%dma_start3A, %dma_start3A_25] : memref<1024x16xf32, #tpu.memory_space<vmem>> -> memref<128x16xf32, #tpu.memory_space<vmem>>
      %dma_start3A_27 = arith.constant 0 : i32
      %dma_start3A_28 = tpu.memref_slice %arg6[%add3A_24, %dma_start3A_27] : memref<40x128xi32, #tpu.memory_space<vmem>> -> memref<1x128xi32, #tpu.memory_space<vmem>>
      %dma_start3A_29 = tpu.memref_squeeze %dma_start3A_28 : memref<1x128xi32, #tpu.memory_space<vmem>> -> memref<128xi32, #tpu.memory_space<vmem>>
      %dma_start3A_30 = arith.constant 0 : i32
      %dma_start3A_31 = arith.constant 0 : i32
      %dma_start3A_32 = tpu.memref_slice %arg8[%dma_start3A_30, %dma_start3A_31] : memref<10016x16xf32, #tpu.memory_space<vmem_shared>> -> memref<10016x16xf32, #tpu.memory_space<vmem_shared>>
      tpu.enqueue_indirect_dma source(%dma_start3A_26 : memref<128x16xf32, #tpu.memory_space<vmem>>) target(%dma_start3A_32 : memref<10016x16xf32, #tpu.memory_space<vmem_shared>>) offsets(%dma_start3A_29 : memref<128xi32, #tpu.memory_space<vmem>>) semaphore(%arg9 : memref<!tpu.dma_semaphore, #tpu.memory_space<semaphore_mem>>) {add = true}
      %mul3A_33 = arith.constant 8 : i32
      %mul3A_34 = arith.muli %scan3A_17, %mul3A_33 : i32
      %add3A_35 = arith.constant 1 : i32
      %add3A_36 = arith.addi %mul3A_34, %add3A_35 : i32
      %dma_start3A_37 = arith.constant 128 : i32
      %dma_start3A_38 = arith.constant 0 : i32
      %dma_start3A_39 = tpu.memref_slice %arg7[%dma_start3A_37, %dma_start3A_38] : memref<1024x16xf32, #tpu.memory_space<vmem>> -> memref<128x16xf32, #tpu.memory_space<vmem>>
      %dma_start3A_40 = arith.constant 0 : i32
      %dma_start3A_41 = tpu.memref_slice %arg6[%add3A_36, %dma_start3A_40] : memref<40x128xi32, #tpu.memory_space<vmem>> -> memref<1x128xi32, #tpu.memory_space<vmem>>
      %dma_start3A_42 = tpu.memref_squeeze %dma_start3A_41 : memref<1x128xi32, #tpu.memory_space<vmem>> -> memref<128xi32, #tpu.memory_space<vmem>>
      %dma_start3A_43 = arith.constant 0 : i32
      %dma_start3A_44 = arith.constant 0 : i32
      %dma_start3A_45 = tpu.memref_slice %arg8[%dma_start3A_43, %dma_start3A_44] : memref<10016x16xf32, #tpu.memory_space<vmem_shared>> -> memref<10016x16xf32, #tpu.memory_space<vmem_shared>>
      tpu.enqueue_indirect_dma source(%dma_start3A_39 : memref<128x16xf32, #tpu.memory_space<vmem>>) target(%dma_start3A_45 : memref<10016x16xf32, #tpu.memory_space<vmem_shared>>) offsets(%dma_start3A_42 : memref<128xi32, #tpu.memory_space<vmem>>) semaphore(%arg9 : memref<!tpu.dma_semaphore, #tpu.memory_space<semaphore_mem>>) {add = true}
      %mul3A_46 = arith.constant 8 : i32
      %mul3A_47 = arith.muli %scan3A_17, %mul3A_46 : i32
      %add3A_48 = arith.constant 2 : i32
      %add3A_49 = arith.addi %mul3A_47, %add3A_48 : i32
      %dma_start3A_50 = arith.constant 256 : i32
      %dma_start3A_51 = arith.constant 0 : i32
      %dma_start3A_52 = tpu.memref_slice %arg7[%dma_start3A_50, %dma_start3A_51] : memref<1024x16xf32, #tpu.memory_space<vmem>> -> memref<128x16xf32, #tpu.memory_space<vmem>>
      %dma_start3A_53 = arith.constant 0 : i32
      %dma_start3A_54 = tpu.memref_slice %arg6[%add3A_49, %dma_start3A_53] : memref<40x128xi32, #tpu.memory_space<vmem>> -> memref<1x128xi32, #tpu.memory_space<vmem>>
      %dma_start3A_55 = tpu.memref_squeeze %dma_start3A_54 : memref<1x128xi32, #tpu.memory_space<vmem>> -> memref<128xi32, #tpu.memory_space<vmem>>
      %dma_start3A_56 = arith.constant 0 : i32
      %dma_start3A_57 = arith.constant 0 : i32
      %dma_start3A_58 = tpu.memref_slice %arg8[%dma_start3A_56, %dma_start3A_57] : memref<10016x16xf32, #tpu.memory_space<vmem_shared>> -> memref<10016x16xf32, #tpu.memory_space<vmem_shared>>
      tpu.enqueue_indirect_dma source(%dma_start3A_52 : memref<128x16xf32, #tpu.memory_space<vmem>>) target(%dma_start3A_58 : memref<10016x16xf32, #tpu.memory_space<vmem_shared>>) offsets(%dma_start3A_55 : memref<128xi32, #tpu.memory_space<vmem>>) semaphore(%arg9 : memref<!tpu.dma_semaphore, #tpu.memory_space<semaphore_mem>>) {add = true}
      %mul3A_59 = arith.constant 8 : i32
      %mul3A_60 = arith.muli %scan3A_17, %mul3A_59 : i32
      %add3A_61 = arith.constant 3 : i32
      %add3A_62 = arith.addi %mul3A_60, %add3A_61 : i32
      %dma_start3A_63 = arith.constant 384 : i32
      %dma_start3A_64 = arith.constant 0 : i32
      %dma_start3A_65 = tpu.memref_slice %arg7[%dma_start3A_63, %dma_start3A_64] : memref<1024x16xf32, #tpu.memory_space<vmem>> -> memref<128x16xf32, #tpu.memory_space<vmem>>
      %dma_start3A_66 = arith.constant 0 : i32
      %dma_start3A_67 = tpu.memref_slice %arg6[%add3A_62, %dma_start3A_66] : memref<40x128xi32, #tpu.memory_space<vmem>> -> memref<1x128xi32, #tpu.memory_space<vmem>>
      %dma_start3A_68 = tpu.memref_squeeze %dma_start3A_67 : memref<1x128xi32, #tpu.memory_space<vmem>> -> memref<128xi32, #tpu.memory_space<vmem>>
      %dma_start3A_69 = arith.constant 0 : i32
      %dma_start3A_70 = arith.constant 0 : i32
      %dma_start3A_71 = tpu.memref_slice %arg8[%dma_start3A_69, %dma_start3A_70] : memref<10016x16xf32, #tpu.memory_space<vmem_shared>> -> memref<10016x16xf32, #tpu.memory_space<vmem_shared>>
      tpu.enqueue_indirect_dma source(%dma_start3A_65 : memref<128x16xf32, #tpu.memory_space<vmem>>) target(%dma_start3A_71 : memref<10016x16xf32, #tpu.memory_space<vmem_shared>>) offsets(%dma_start3A_68 : memref<128xi32, #tpu.memory_space<vmem>>) semaphore(%arg9 : memref<!tpu.dma_semaphore, #tpu.memory_space<semaphore_mem>>) {add = true}
      %mul3A_72 = arith.constant 8 : i32
      %mul3A_73 = arith.muli %scan3A_17, %mul3A_72 : i32
      %add3A_74 = arith.constant 4 : i32
      %add3A_75 = arith.addi %mul3A_73, %add3A_74 : i32
      %dma_start3A_76 = arith.constant 512 : i32
      %dma_start3A_77 = arith.constant 0 : i32
      %dma_start3A_78 = tpu.memref_slice %arg7[%dma_start3A_76, %dma_start3A_77] : memref<1024x16xf32, #tpu.memory_space<vmem>> -> memref<128x16xf32, #tpu.memory_space<vmem>>
      %dma_start3A_79 = arith.constant 0 : i32
      %dma_start3A_80 = tpu.memref_slice %arg6[%add3A_75, %dma_start3A_79] : memref<40x128xi32, #tpu.memory_space<vmem>> -> memref<1x128xi32, #tpu.memory_space<vmem>>
      %dma_start3A_81 = tpu.memref_squeeze %dma_start3A_80 : memref<1x128xi32, #tpu.memory_space<vmem>> -> memref<128xi32, #tpu.memory_space<vmem>>
      %dma_start3A_82 = arith.constant 0 : i32
      %dma_start3A_83 = arith.constant 0 : i32
      %dma_start3A_84 = tpu.memref_slice %arg8[%dma_start3A_82, %dma_start3A_83] : memref<10016x16xf32, #tpu.memory_space<vmem_shared>> -> memref<10016x16xf32, #tpu.memory_space<vmem_shared>>
      tpu.enqueue_indirect_dma source(%dma_start3A_78 : memref<128x16xf32, #tpu.memory_space<vmem>>) target(%dma_start3A_84 : memref<10016x16xf32, #tpu.memory_space<vmem_shared>>) offsets(%dma_start3A_81 : memref<128xi32, #tpu.memory_space<vmem>>) semaphore(%arg9 : memref<!tpu.dma_semaphore, #tpu.memory_space<semaphore_mem>>) {add = true}
      %mul3A_85 = arith.constant 8 : i32
      %mul3A_86 = arith.muli %scan3A_17, %mul3A_85 : i32
      %add3A_87 = arith.constant 5 : i32
      %add3A_88 = arith.addi %mul3A_86, %add3A_87 : i32
      %dma_start3A_89 = arith.constant 640 : i32
      %dma_start3A_90 = arith.constant 0 : i32
      %dma_start3A_91 = tpu.memref_slice %arg7[%dma_start3A_89, %dma_start3A_90] : memref<1024x16xf32, #tpu.memory_space<vmem>> -> memref<128x16xf32, #tpu.memory_space<vmem>>
      %dma_start3A_92 = arith.constant 0 : i32
      %dma_start3A_93 = tpu.memref_slice %arg6[%add3A_88, %dma_start3A_92] : memref<40x128xi32, #tpu.memory_space<vmem>> -> memref<1x128xi32, #tpu.memory_space<vmem>>
      %dma_start3A_94 = tpu.memref_squeeze %dma_start3A_93 : memref<1x128xi32, #tpu.memory_space<vmem>> -> memref<128xi32, #tpu.memory_space<vmem>>
      %dma_start3A_95 = arith.constant 0 : i32
      %dma_start3A_96 = arith.constant 0 : i32
      %dma_start3A_97 = tpu.memref_slice %arg8[%dma_start3A_95, %dma_start3A_96] : memref<10016x16xf32, #tpu.memory_space<vmem_shared>> -> memref<10016x16xf32, #tpu.memory_space<vmem_shared>>
      tpu.enqueue_indirect_dma source(%dma_start3A_91 : memref<128x16xf32, #tpu.memory_space<vmem>>) target(%dma_start3A_97 : memref<10016x16xf32, #tpu.memory_space<vmem_shared>>) offsets(%dma_start3A_94 : memref<128xi32, #tpu.memory_space<vmem>>) semaphore(%arg9 : memref<!tpu.dma_semaphore, #tpu.memory_space<semaphore_mem>>) {add = true}
      %mul3A_98 = arith.constant 8 : i32
      %mul3A_99 = arith.muli %scan3A_17, %mul3A_98 : i32
      %add3A_100 = arith.constant 6 : i32
      %add3A_101 = arith.addi %mul3A_99, %add3A_100 : i32
      %dma_start3A_102 = arith.constant 768 : i32
      %dma_start3A_103 = arith.constant 0 : i32
      %dma_start3A_104 = tpu.memref_slice %arg7[%dma_start3A_102, %dma_start3A_103] : memref<1024x16xf32, #tpu.memory_space<vmem>> -> memref<128x16xf32, #tpu.memory_space<vmem>>
      %dma_start3A_105 = arith.constant 0 : i32
      %dma_start3A_106 = tpu.memref_slice %arg6[%add3A_101, %dma_start3A_105] : memref<40x128xi32, #tpu.memory_space<vmem>> -> memref<1x128xi32, #tpu.memory_space<vmem>>
      %dma_start3A_107 = tpu.memref_squeeze %dma_start3A_106 : memref<1x128xi32, #tpu.memory_space<vmem>> -> memref<128xi32, #tpu.memory_space<vmem>>
      %dma_start3A_108 = arith.constant 0 : i32
      %dma_start3A_109 = arith.constant 0 : i32
      %dma_start3A_110 = tpu.memref_slice %arg8[%dma_start3A_108, %dma_start3A_109] : memref<10016x16xf32, #tpu.memory_space<vmem_shared>> -> memref<10016x16xf32, #tpu.memory_space<vmem_shared>>
      tpu.enqueue_indirect_dma source(%dma_start3A_104 : memref<128x16xf32, #tpu.memory_space<vmem>>) target(%dma_start3A_110 : memref<10016x16xf32, #tpu.memory_space<vmem_shared>>) offsets(%dma_start3A_107 : memref<128xi32, #tpu.memory_space<vmem>>) semaphore(%arg9 : memref<!tpu.dma_semaphore, #tpu.memory_space<semaphore_mem>>) {add = true}
      %mul3A_111 = arith.constant 8 : i32
      %mul3A_112 = arith.muli %scan3A_17, %mul3A_111 : i32
      %add3A_113 = arith.constant 7 : i32
      %add3A_114 = arith.addi %mul3A_112, %add3A_113 : i32
      %dma_start3A_115 = arith.constant 896 : i32
      %dma_start3A_116 = arith.constant 0 : i32
      %dma_start3A_117 = tpu.memref_slice %arg7[%dma_start3A_115, %dma_start3A_116] : memref<1024x16xf32, #tpu.memory_space<vmem>> -> memref<128x16xf32, #tpu.memory_space<vmem>>
      %dma_start3A_118 = arith.constant 0 : i32
      %dma_start3A_119 = tpu.memref_slice %arg6[%add3A_114, %dma_start3A_118] : memref<40x128xi32, #tpu.memory_space<vmem>> -> memref<1x128xi32, #tpu.memory_space<vmem>>
      %dma_start3A_120 = tpu.memref_squeeze %dma_start3A_119 : memref<1x128xi32, #tpu.memory_space<vmem>> -> memref<128xi32, #tpu.memory_space<vmem>>
      %dma_start3A_121 = arith.constant 0 : i32
      %dma_start3A_122 = arith.constant 0 : i32
      %dma_start3A_123 = tpu.memref_slice %arg8[%dma_start3A_121, %dma_start3A_122] : memref<10016x16xf32, #tpu.memory_space<vmem_shared>> -> memref<10016x16xf32, #tpu.memory_space<vmem_shared>>
      tpu.enqueue_indirect_dma source(%dma_start3A_117 : memref<128x16xf32, #tpu.memory_space<vmem>>) target(%dma_start3A_123 : memref<10016x16xf32, #tpu.memory_space<vmem_shared>>) offsets(%dma_start3A_120 : memref<128xi32, #tpu.memory_space<vmem>>) semaphore(%arg9 : memref<!tpu.dma_semaphore, #tpu.memory_space<semaphore_mem>>) {add = true}
      %dma_wait3A = arith.constant 0 : i32
      %dma_wait3A_124 = arith.constant 0 : i32
      %dma_wait3A_125 = tpu.memref_slice %arg7[%dma_wait3A, %dma_wait3A_124] : memref<1024x16xf32, #tpu.memory_space<vmem>> -> memref<128x16xf32, #tpu.memory_space<vmem>>
      %dma_wait3A_126 = arith.constant 0 : i32
      %dma_wait3A_127 = tpu.memref_slice %arg6[%add3A_24, %dma_wait3A_126] : memref<40x128xi32, #tpu.memory_space<vmem>> -> memref<1x128xi32, #tpu.memory_space<vmem>>
      %dma_wait3A_128 = tpu.memref_squeeze %dma_wait3A_127 : memref<1x128xi32, #tpu.memory_space<vmem>> -> memref<128xi32, #tpu.memory_space<vmem>>
      %dma_wait3A_129 = arith.constant 0 : i32
      %dma_wait3A_130 = arith.constant 0 : i32
      %dma_wait3A_131 = tpu.memref_slice %arg8[%dma_wait3A_129, %dma_wait3A_130] : memref<10016x16xf32, #tpu.memory_space<vmem_shared>> -> memref<10016x16xf32, #tpu.memory_space<vmem_shared>>
      tpu.wait_indirect_dma semaphore(%arg9 : memref<!tpu.dma_semaphore, #tpu.memory_space<semaphore_mem>>) src(%dma_wait3A_125 : memref<128x16xf32, #tpu.memory_space<vmem>>) dst(%dma_wait3A_131 : memref<10016x16xf32, #tpu.memory_space<vmem_shared>>)
      %dma_wait3A_132 = arith.constant 128 : i32
      %dma_wait3A_133 = arith.constant 0 : i32
      %dma_wait3A_134 = tpu.memref_slice %arg7[%dma_wait3A_132, %dma_wait3A_133] : memref<1024x16xf32, #tpu.memory_space<vmem>> -> memref<128x16xf32, #tpu.memory_space<vmem>>
      %dma_wait3A_135 = arith.constant 0 : i32
      %dma_wait3A_136 = tpu.memref_slice %arg6[%add3A_36, %dma_wait3A_135] : memref<40x128xi32, #tpu.memory_space<vmem>> -> memref<1x128xi32, #tpu.memory_space<vmem>>
      %dma_wait3A_137 = tpu.memref_squeeze %dma_wait3A_136 : memref<1x128xi32, #tpu.memory_space<vmem>> -> memref<128xi32, #tpu.memory_space<vmem>>
      %dma_wait3A_138 = arith.constant 0 : i32
      %dma_wait3A_139 = arith.constant 0 : i32
      %dma_wait3A_140 = tpu.memref_slice %arg8[%dma_wait3A_138, %dma_wait3A_139] : memref<10016x16xf32, #tpu.memory_space<vmem_shared>> -> memref<10016x16xf32, #tpu.memory_space<vmem_shared>>
      tpu.wait_indirect_dma semaphore(%arg9 : memref<!tpu.dma_semaphore, #tpu.memory_space<semaphore_mem>>) src(%dma_wait3A_134 : memref<128x16xf32, #tpu.memory_space<vmem>>) dst(%dma_wait3A_140 : memref<10016x16xf32, #tpu.memory_space<vmem_shared>>)
      %dma_wait3A_141 = arith.constant 256 : i32
      %dma_wait3A_142 = arith.constant 0 : i32
      %dma_wait3A_143 = tpu.memref_slice %arg7[%dma_wait3A_141, %dma_wait3A_142] : memref<1024x16xf32, #tpu.memory_space<vmem>> -> memref<128x16xf32, #tpu.memory_space<vmem>>
      %dma_wait3A_144 = arith.constant 0 : i32
      %dma_wait3A_145 = tpu.memref_slice %arg6[%add3A_49, %dma_wait3A_144] : memref<40x128xi32, #tpu.memory_space<vmem>> -> memref<1x128xi32, #tpu.memory_space<vmem>>
      %dma_wait3A_146 = tpu.memref_squeeze %dma_wait3A_145 : memref<1x128xi32, #tpu.memory_space<vmem>> -> memref<128xi32, #tpu.memory_space<vmem>>
      %dma_wait3A_147 = arith.constant 0 : i32
      %dma_wait3A_148 = arith.constant 0 : i32
      %dma_wait3A_149 = tpu.memref_slice %arg8[%dma_wait3A_147, %dma_wait3A_148] : memref<10016x16xf32, #tpu.memory_space<vmem_shared>> -> memref<10016x16xf32, #tpu.memory_space<vmem_shared>>
      tpu.wait_indirect_dma semaphore(%arg9 : memref<!tpu.dma_semaphore, #tpu.memory_space<semaphore_mem>>) src(%dma_wait3A_143 : memref<128x16xf32, #tpu.memory_space<vmem>>) dst(%dma_wait3A_149 : memref<10016x16xf32, #tpu.memory_space<vmem_shared>>)
      %dma_wait3A_150 = arith.constant 384 : i32
      %dma_wait3A_151 = arith.constant 0 : i32
      %dma_wait3A_152 = tpu.memref_slice %arg7[%dma_wait3A_150, %dma_wait3A_151] : memref<1024x16xf32, #tpu.memory_space<vmem>> -> memref<128x16xf32, #tpu.memory_space<vmem>>
      %dma_wait3A_153 = arith.constant 0 : i32
      %dma_wait3A_154 = tpu.memref_slice %arg6[%add3A_62, %dma_wait3A_153] : memref<40x128xi32, #tpu.memory_space<vmem>> -> memref<1x128xi32, #tpu.memory_space<vmem>>
      %dma_wait3A_155 = tpu.memref_squeeze %dma_wait3A_154 : memref<1x128xi32, #tpu.memory_space<vmem>> -> memref<128xi32, #tpu.memory_space<vmem>>
      %dma_wait3A_156 = arith.constant 0 : i32
      %dma_wait3A_157 = arith.constant 0 : i32
      %dma_wait3A_158 = tpu.memref_slice %arg8[%dma_wait3A_156, %dma_wait3A_157] : memref<10016x16xf32, #tpu.memory_space<vmem_shared>> -> memref<10016x16xf32, #tpu.memory_space<vmem_shared>>
      tpu.wait_indirect_dma semaphore(%arg9 : memref<!tpu.dma_semaphore, #tpu.memory_space<semaphore_mem>>) src(%dma_wait3A_152 : memref<128x16xf32, #tpu.memory_space<vmem>>) dst(%dma_wait3A_158 : memref<10016x16xf32, #tpu.memory_space<vmem_shared>>)
      %dma_wait3A_159 = arith.constant 512 : i32
      %dma_wait3A_160 = arith.constant 0 : i32
      %dma_wait3A_161 = tpu.memref_slice %arg7[%dma_wait3A_159, %dma_wait3A_160] : memref<1024x16xf32, #tpu.memory_space<vmem>> -> memref<128x16xf32, #tpu.memory_space<vmem>>
      %dma_wait3A_162 = arith.constant 0 : i32
      %dma_wait3A_163 = tpu.memref_slice %arg6[%add3A_75, %dma_wait3A_162] : memref<40x128xi32, #tpu.memory_space<vmem>> -> memref<1x128xi32, #tpu.memory_space<vmem>>
      %dma_wait3A_164 = tpu.memref_squeeze %dma_wait3A_163 : memref<1x128xi32, #tpu.memory_space<vmem>> -> memref<128xi32, #tpu.memory_space<vmem>>
      %dma_wait3A_165 = arith.constant 0 : i32
      %dma_wait3A_166 = arith.constant 0 : i32
      %dma_wait3A_167 = tpu.memref_slice %arg8[%dma_wait3A_165, %dma_wait3A_166] : memref<10016x16xf32, #tpu.memory_space<vmem_shared>> -> memref<10016x16xf32, #tpu.memory_space<vmem_shared>>
      tpu.wait_indirect_dma semaphore(%arg9 : memref<!tpu.dma_semaphore, #tpu.memory_space<semaphore_mem>>) src(%dma_wait3A_161 : memref<128x16xf32, #tpu.memory_space<vmem>>) dst(%dma_wait3A_167 : memref<10016x16xf32, #tpu.memory_space<vmem_shared>>)
      %dma_wait3A_168 = arith.constant 640 : i32
      %dma_wait3A_169 = arith.constant 0 : i32
      %dma_wait3A_170 = tpu.memref_slice %arg7[%dma_wait3A_168, %dma_wait3A_169] : memref<1024x16xf32, #tpu.memory_space<vmem>> -> memref<128x16xf32, #tpu.memory_space<vmem>>
      %dma_wait3A_171 = arith.constant 0 : i32
      %dma_wait3A_172 = tpu.memref_slice %arg6[%add3A_88, %dma_wait3A_171] : memref<40x128xi32, #tpu.memory_space<vmem>> -> memref<1x128xi32, #tpu.memory_space<vmem>>
      %dma_wait3A_173 = tpu.memref_squeeze %dma_wait3A_172 : memref<1x128xi32, #tpu.memory_space<vmem>> -> memref<128xi32, #tpu.memory_space<vmem>>
      %dma_wait3A_174 = arith.constant 0 : i32
      %dma_wait3A_175 = arith.constant 0 : i32
      %dma_wait3A_176 = tpu.memref_slice %arg8[%dma_wait3A_174, %dma_wait3A_175] : memref<10016x16xf32, #tpu.memory_space<vmem_shared>> -> memref<10016x16xf32, #tpu.memory_space<vmem_shared>>
      tpu.wait_indirect_dma semaphore(%arg9 : memref<!tpu.dma_semaphore, #tpu.memory_space<semaphore_mem>>) src(%dma_wait3A_170 : memref<128x16xf32, #tpu.memory_space<vmem>>) dst(%dma_wait3A_176 : memref<10016x16xf32, #tpu.memory_space<vmem_shared>>)
      %dma_wait3A_177 = arith.constant 768 : i32
      %dma_wait3A_178 = arith.constant 0 : i32
      %dma_wait3A_179 = tpu.memref_slice %arg7[%dma_wait3A_177, %dma_wait3A_178] : memref<1024x16xf32, #tpu.memory_space<vmem>> -> memref<128x16xf32, #tpu.memory_space<vmem>>
      %dma_wait3A_180 = arith.constant 0 : i32
      %dma_wait3A_181 = tpu.memref_slice %arg6[%add3A_101, %dma_wait3A_180] : memref<40x128xi32, #tpu.memory_space<vmem>> -> memref<1x128xi32, #tpu.memory_space<vmem>>
      %dma_wait3A_182 = tpu.memref_squeeze %dma_wait3A_181 : memref<1x128xi32, #tpu.memory_space<vmem>> -> memref<128xi32, #tpu.memory_space<vmem>>
      %dma_wait3A_183 = arith.constant 0 : i32
      %dma_wait3A_184 = arith.constant 0 : i32
      %dma_wait3A_185 = tpu.memref_slice %arg8[%dma_wait3A_183, %dma_wait3A_184] : memref<10016x16xf32, #tpu.memory_space<vmem_shared>> -> memref<10016x16xf32, #tpu.memory_space<vmem_shared>>
      tpu.wait_indirect_dma semaphore(%arg9 : memref<!tpu.dma_semaphore, #tpu.memory_space<semaphore_mem>>) src(%dma_wait3A_179 : memref<128x16xf32, #tpu.memory_space<vmem>>) dst(%dma_wait3A_185 : memref<10016x16xf32, #tpu.memory_space<vmem_shared>>)
      %dma_wait3A_186 = arith.constant 896 : i32
      %dma_wait3A_187 = arith.constant 0 : i32
      %dma_wait3A_188 = tpu.memref_slice %arg7[%dma_wait3A_186, %dma_wait3A_187] : memref<1024x16xf32, #tpu.memory_space<vmem>> -> memref<128x16xf32, #tpu.memory_space<vmem>>
      %dma_wait3A_189 = arith.constant 0 : i32
      %dma_wait3A_190 = tpu.memref_slice %arg6[%add3A_114, %dma_wait3A_189] : memref<40x128xi32, #tpu.memory_space<vmem>> -> memref<1x128xi32, #tpu.memory_space<vmem>>
      %dma_wait3A_191 = tpu.memref_squeeze %dma_wait3A_190 : memref<1x128xi32, #tpu.memory_space<vmem>> -> memref<128xi32, #tpu.memory_space<vmem>>
      %dma_wait3A_192 = arith.constant 0 : i32
      %dma_wait3A_193 = arith.constant 0 : i32
      %dma_wait3A_194 = tpu.memref_slice %arg8[%dma_wait3A_192, %dma_wait3A_193] : memref<10016x16xf32, #tpu.memory_space<vmem_shared>> -> memref<10016x16xf32, #tpu.memory_space<vmem_shared>>
      tpu.wait_indirect_dma semaphore(%arg9 : memref<!tpu.dma_semaphore, #tpu.memory_space<semaphore_mem>>) src(%dma_wait3A_188 : memref<128x16xf32, #tpu.memory_space<vmem>>) dst(%dma_wait3A_194 : memref<10016x16xf32, #tpu.memory_space<vmem_shared>>)
    }
    %scan3A_11 = arith.constant 5 : i32
    %barrier3A_12 = arith.constant 0 : index
    tpu.barrier barrier_id(%barrier3A_12)
    %mul3A_13 = arith.constant 626 : i32
    %mul3A_14 = arith.muli %arg1, %mul3A_13 : i32
    %mul3A_15 = arith.constant 626 : i32
    %mul3A_16 = arith.muli %arg1, %mul3A_15 : i32
    "tpu.region"() ({
      %run_scoped3A = tpu.sem_alloc : memref<!tpu.dma_semaphore, #tpu.memory_space<semaphore_mem>>
      %dma_start3A = arith.constant 0 : i32
      %dma_start3A_17 = tpu.memref_slice %arg5[%arg0, %mul3A_16, %dma_start3A] : memref<2x10016x16xf32, #tpu.memory_space<hbm>> -> memref<1x626x16xf32, #tpu.memory_space<hbm>>
      %dma_start3A_18 = tpu.memref_squeeze %dma_start3A_17 : memref<1x626x16xf32, #tpu.memory_space<hbm>> -> memref<626x16xf32, #tpu.memory_space<hbm>>
      %dma_start3A_19 = arith.constant 0 : i32
      %dma_start3A_20 = tpu.memref_slice %arg8[%mul3A_14, %dma_start3A_19] : memref<10016x16xf32, #tpu.memory_space<vmem_shared>> -> memref<626x16xf32, #tpu.memory_space<vmem_shared>>
      tpu.enqueue_dma source(%dma_start3A_20 : memref<626x16xf32, #tpu.memory_space<vmem_shared>>) target(%dma_start3A_18 : memref<626x16xf32, #tpu.memory_space<hbm>>) target_semaphore(%run_scoped3A : memref<!tpu.dma_semaphore, #tpu.memory_space<semaphore_mem>>)
      %dma_wait3A = arith.constant 0 : i32
      %dma_wait3A_21 = tpu.memref_slice %arg5[%arg0, %mul3A_16, %dma_wait3A] : memref<2x10016x16xf32, #tpu.memory_space<hbm>> -> memref<1x626x16xf32, #tpu.memory_space<hbm>>
      %dma_wait3A_22 = tpu.memref_squeeze %dma_wait3A_21 : memref<1x626x16xf32, #tpu.memory_space<hbm>> -> memref<626x16xf32, #tpu.memory_space<hbm>>
      %dma_wait3A_23 = arith.constant 0 : i32
      %dma_wait3A_24 = tpu.memref_slice %arg8[%mul3A_14, %dma_wait3A_23] : memref<10016x16xf32, #tpu.memory_space<vmem_shared>> -> memref<626x16xf32, #tpu.memory_space<vmem_shared>>
      tpu.wait_dma2 semaphore(%run_scoped3A : memref<!tpu.dma_semaphore, #tpu.memory_space<semaphore_mem>>) src(%dma_wait3A_24 : memref<626x16xf32, #tpu.memory_space<vmem_shared>>) dst(%dma_wait3A_22 : memref<626x16xf32, #tpu.memory_space<hbm>>)
      tpu.yield
    }) : () -> ()
    return
  }
}

module attributes {stable_mosaic.version = 14 : i64} {
  func.func @body(%arg0: i32, %arg1: memref<3x16384xf32, #tpu.memory_space<vmem>>, %arg2: memref<2048x128xf32, #tpu.memory_space<vmem>>, %arg3: memref<3x32xf32, #tpu.memory_space<vmem>>, %arg4: memref<32x256xf32, #tpu.memory_space<vmem>>, %arg5: memref<1x256xf32, #tpu.memory_space<vmem>>, %arg6: memref<16x256xf32, #tpu.memory_space<vmem>>, %arg7: memref<256x16xbf16, #tpu.memory_space<vmem>>, %arg8: memref<2048x128xf32, #tpu.memory_space<vmem>>) attributes {dimension_semantics = [#tpu.dimension_semantics<arbitrary>], iteration_bounds = array<i64: 10>, scalar_prefetch = 0 : i64, scratch_operands = 0 : i64, tpu.core_type = #tpu.core_type<tc>, window_params = [{transform_indices = @transform_0, window_bounds = array<i64: 3, 16384>}, {transform_indices = @transform_1, window_bounds = array<i64: 2048, 128>}, {pipeline_mode = #tpu.pipeline_mode<synchronous>, transform_indices = @transform_2, window_bounds = array<i64: 3, 32>}, {pipeline_mode = #tpu.pipeline_mode<synchronous>, transform_indices = @transform_3, window_bounds = array<i64: 32, 256>}, {pipeline_mode = #tpu.pipeline_mode<synchronous>, transform_indices = @transform_4, window_bounds = array<i64: 1, 256>}, {pipeline_mode = #tpu.pipeline_mode<synchronous>, transform_indices = @transform_5, window_bounds = array<i64: 16, 256>}, {pipeline_mode = #tpu.pipeline_mode<synchronous>, transform_indices = @transform_6, window_bounds = array<i64: 256, 16>}, {transform_indices = @transform_7, window_bounds = array<i64: 2048, 128>}]} {
    %get3A = arith.constant 0 : index
    %get3A_0 = arith.constant 0 : index
    %get3A_1 = vector.load %arg1[%get3A, %get3A_0] : memref<3x16384xf32, #tpu.memory_space<vmem>>, vector<3x16384xf32>
    %transpose3A = tpu.transpose %get3A_1, [1, 0] : vector<3x16384xf32> -> vector<16384x3xf32>
    %get3A_2 = arith.constant 0 : index
    %get3A_3 = arith.constant 0 : index
    %get3A_4 = vector.load %arg3[%get3A_2, %get3A_3] : memref<3x32xf32, #tpu.memory_space<vmem>>, vector<3x32xf32>
    %dot_general3A = arith.constant dense<0.000000e+00> : vector<16384x32xf32>
    %dot_general3A_5 = tpu.matmul %transpose3A, %get3A_4, %dot_general3A {dimension_numbers = #tpu.dot_dimension_numbers<[1], [0], [0], [1], [0, 0, 1, 1], [], []>, transpose_lhs_hint = false} : vector<16384x3xf32>, vector<3x32xf32>, vector<16384x32xf32> -> vector<16384x32xf32>
    %max3A = arith.constant 0.000000e+00 : f32
    %max3A_6 = vector.broadcast %max3A : f32 to vector<16384x32xf32>
    %max3A_7 = arith.maximumf %dot_general3A_5, %max3A_6 : vector<16384x32xf32>
    %get3A_8 = arith.constant 0 : index
    %get3A_9 = arith.constant 0 : index
    %get3A_10 = vector.load %arg4[%get3A_8, %get3A_9] : memref<32x256xf32, #tpu.memory_space<vmem>>, vector<32x256xf32>
    %dot_general3A_11 = arith.constant dense<0.000000e+00> : vector<16384x256xf32>
    %dot_general3A_12 = tpu.matmul %max3A_7, %get3A_10, %dot_general3A_11 {dimension_numbers = #tpu.dot_dimension_numbers<[1], [0], [0], [1], [0, 0, 1, 1], [], []>, transpose_lhs_hint = false} : vector<16384x32xf32>, vector<32x256xf32>, vector<16384x256xf32> -> vector<16384x256xf32>
    %get3A_13 = arith.constant 0 : index
    %get3A_14 = arith.constant 0 : index
    %get3A_15 = vector.load %arg5[%get3A_13, %get3A_14] : memref<1x256xf32, #tpu.memory_space<vmem>>, vector<1x256xf32>
    %add3A = vector.broadcast %get3A_15 : vector<1x256xf32> to vector<16384x256xf32>
    %add3A_16 = arith.addf %dot_general3A_12, %add3A : vector<16384x256xf32>
    %get3A_17 = arith.constant 0 : index
    %get3A_18 = arith.constant 0 : index
    %get3A_19 = vector.load %arg2[%get3A_17, %get3A_18] : memref<2048x128xf32, #tpu.memory_space<vmem>>, vector<2048x128xf32>
    %slice3A = vector.extract_strided_slice %get3A_19 {offsets = [0, 0], sizes = [2048, 16], strides = [1, 1]} : vector<2048x128xf32> to vector<2048x16xf32>
    %get3A_20 = arith.constant 0 : index
    %get3A_21 = arith.constant 0 : index
    %get3A_22 = vector.load %arg6[%get3A_20, %get3A_21] : memref<16x256xf32, #tpu.memory_space<vmem>>, vector<16x256xf32>
    %dot_general3A_23 = arith.constant dense<0.000000e+00> : vector<2048x256xf32>
    %dot_general3A_24 = tpu.matmul %slice3A, %get3A_22, %dot_general3A_23 {dimension_numbers = #tpu.dot_dimension_numbers<[1], [0], [0], [1], [0, 0, 1, 1], [], []>, transpose_lhs_hint = false} : vector<2048x16xf32>, vector<16x256xf32>, vector<2048x256xf32> -> vector<2048x256xf32>
    %slice3A_25 = vector.extract_strided_slice %add3A_16 {offsets = [0, 0], sizes = [2048, 256], strides = [1, 1]} : vector<16384x256xf32> to vector<2048x256xf32>
    %mul3A = arith.mulf %slice3A_25, %dot_general3A_24 : vector<2048x256xf32>
    %convert_element_type3A = arith.truncf %mul3A : vector<2048x256xf32> to vector<2048x256xbf16>
    %get3A_26 = arith.constant 0 : index
    %get3A_27 = arith.constant 0 : index
    %get3A_28 = vector.load %arg7[%get3A_26, %get3A_27] : memref<256x16xbf16, #tpu.memory_space<vmem>>, vector<256x16xbf16>
    %dot_general3A_29 = arith.constant dense<0.000000e+00> : vector<2048x16xf32>
    %dot_general3A_30 = tpu.matmul %convert_element_type3A, %get3A_28, %dot_general3A_29 {dimension_numbers = #tpu.dot_dimension_numbers<[1], [0], [0], [1], [0, 0, 1, 1], [], []>, transpose_lhs_hint = false} : vector<2048x256xbf16>, vector<256x16xbf16>, vector<2048x16xf32> -> vector<2048x16xf32>
    %slice3A_31 = vector.extract_strided_slice %get3A_19 {offsets = [0, 16], sizes = [2048, 16], strides = [1, 1]} : vector<2048x128xf32> to vector<2048x16xf32>
    %get3A_32 = arith.constant 0 : index
    %get3A_33 = arith.constant 0 : index
    %get3A_34 = vector.load %arg6[%get3A_32, %get3A_33] : memref<16x256xf32, #tpu.memory_space<vmem>>, vector<16x256xf32>
    %dot_general3A_35 = arith.constant dense<0.000000e+00> : vector<2048x256xf32>
    %dot_general3A_36 = tpu.matmul %slice3A_31, %get3A_34, %dot_general3A_35 {dimension_numbers = #tpu.dot_dimension_numbers<[1], [0], [0], [1], [0, 0, 1, 1], [], []>, transpose_lhs_hint = false} : vector<2048x16xf32>, vector<16x256xf32>, vector<2048x256xf32> -> vector<2048x256xf32>
    %slice3A_37 = vector.extract_strided_slice %add3A_16 {offsets = [2048, 0], sizes = [2048, 256], strides = [1, 1]} : vector<16384x256xf32> to vector<2048x256xf32>
    %mul3A_38 = arith.mulf %slice3A_37, %dot_general3A_36 : vector<2048x256xf32>
    %convert_element_type3A_39 = arith.truncf %mul3A_38 : vector<2048x256xf32> to vector<2048x256xbf16>
    %get3A_40 = arith.constant 0 : index
    %get3A_41 = arith.constant 0 : index
    %get3A_42 = vector.load %arg7[%get3A_40, %get3A_41] : memref<256x16xbf16, #tpu.memory_space<vmem>>, vector<256x16xbf16>
    %dot_general3A_43 = arith.constant dense<0.000000e+00> : vector<2048x16xf32>
    %dot_general3A_44 = tpu.matmul %convert_element_type3A_39, %get3A_42, %dot_general3A_43 {dimension_numbers = #tpu.dot_dimension_numbers<[1], [0], [0], [1], [0, 0, 1, 1], [], []>, transpose_lhs_hint = false} : vector<2048x256xbf16>, vector<256x16xbf16>, vector<2048x16xf32> -> vector<2048x16xf32>
    %slice3A_45 = vector.extract_strided_slice %get3A_19 {offsets = [0, 32], sizes = [2048, 16], strides = [1, 1]} : vector<2048x128xf32> to vector<2048x16xf32>
    %get3A_46 = arith.constant 0 : index
    %get3A_47 = arith.constant 0 : index
    %get3A_48 = vector.load %arg6[%get3A_46, %get3A_47] : memref<16x256xf32, #tpu.memory_space<vmem>>, vector<16x256xf32>
    %dot_general3A_49 = arith.constant dense<0.000000e+00> : vector<2048x256xf32>
    %dot_general3A_50 = tpu.matmul %slice3A_45, %get3A_48, %dot_general3A_49 {dimension_numbers = #tpu.dot_dimension_numbers<[1], [0], [0], [1], [0, 0, 1, 1], [], []>, transpose_lhs_hint = false} : vector<2048x16xf32>, vector<16x256xf32>, vector<2048x256xf32> -> vector<2048x256xf32>
    %slice3A_51 = vector.extract_strided_slice %add3A_16 {offsets = [4096, 0], sizes = [2048, 256], strides = [1, 1]} : vector<16384x256xf32> to vector<2048x256xf32>
    %mul3A_52 = arith.mulf %slice3A_51, %dot_general3A_50 : vector<2048x256xf32>
    %convert_element_type3A_53 = arith.truncf %mul3A_52 : vector<2048x256xf32> to vector<2048x256xbf16>
    %get3A_54 = arith.constant 0 : index
    %get3A_55 = arith.constant 0 : index
    %get3A_56 = vector.load %arg7[%get3A_54, %get3A_55] : memref<256x16xbf16, #tpu.memory_space<vmem>>, vector<256x16xbf16>
    %dot_general3A_57 = arith.constant dense<0.000000e+00> : vector<2048x16xf32>
    %dot_general3A_58 = tpu.matmul %convert_element_type3A_53, %get3A_56, %dot_general3A_57 {dimension_numbers = #tpu.dot_dimension_numbers<[1], [0], [0], [1], [0, 0, 1, 1], [], []>, transpose_lhs_hint = false} : vector<2048x256xbf16>, vector<256x16xbf16>, vector<2048x16xf32> -> vector<2048x16xf32>
    %slice3A_59 = vector.extract_strided_slice %get3A_19 {offsets = [0, 48], sizes = [2048, 16], strides = [1, 1]} : vector<2048x128xf32> to vector<2048x16xf32>
    %get3A_60 = arith.constant 0 : index
    %get3A_61 = arith.constant 0 : index
    %get3A_62 = vector.load %arg6[%get3A_60, %get3A_61] : memref<16x256xf32, #tpu.memory_space<vmem>>, vector<16x256xf32>
    %dot_general3A_63 = arith.constant dense<0.000000e+00> : vector<2048x256xf32>
    %dot_general3A_64 = tpu.matmul %slice3A_59, %get3A_62, %dot_general3A_63 {dimension_numbers = #tpu.dot_dimension_numbers<[1], [0], [0], [1], [0, 0, 1, 1], [], []>, transpose_lhs_hint = false} : vector<2048x16xf32>, vector<16x256xf32>, vector<2048x256xf32> -> vector<2048x256xf32>
    %slice3A_65 = vector.extract_strided_slice %add3A_16 {offsets = [6144, 0], sizes = [2048, 256], strides = [1, 1]} : vector<16384x256xf32> to vector<2048x256xf32>
    %mul3A_66 = arith.mulf %slice3A_65, %dot_general3A_64 : vector<2048x256xf32>
    %convert_element_type3A_67 = arith.truncf %mul3A_66 : vector<2048x256xf32> to vector<2048x256xbf16>
    %get3A_68 = arith.constant 0 : index
    %get3A_69 = arith.constant 0 : index
    %get3A_70 = vector.load %arg7[%get3A_68, %get3A_69] : memref<256x16xbf16, #tpu.memory_space<vmem>>, vector<256x16xbf16>
    %dot_general3A_71 = arith.constant dense<0.000000e+00> : vector<2048x16xf32>
    %dot_general3A_72 = tpu.matmul %convert_element_type3A_67, %get3A_70, %dot_general3A_71 {dimension_numbers = #tpu.dot_dimension_numbers<[1], [0], [0], [1], [0, 0, 1, 1], [], []>, transpose_lhs_hint = false} : vector<2048x256xbf16>, vector<256x16xbf16>, vector<2048x16xf32> -> vector<2048x16xf32>
    %slice3A_73 = vector.extract_strided_slice %get3A_19 {offsets = [0, 64], sizes = [2048, 16], strides = [1, 1]} : vector<2048x128xf32> to vector<2048x16xf32>
    %get3A_74 = arith.constant 0 : index
    %get3A_75 = arith.constant 0 : index
    %get3A_76 = vector.load %arg6[%get3A_74, %get3A_75] : memref<16x256xf32, #tpu.memory_space<vmem>>, vector<16x256xf32>
    %dot_general3A_77 = arith.constant dense<0.000000e+00> : vector<2048x256xf32>
    %dot_general3A_78 = tpu.matmul %slice3A_73, %get3A_76, %dot_general3A_77 {dimension_numbers = #tpu.dot_dimension_numbers<[1], [0], [0], [1], [0, 0, 1, 1], [], []>, transpose_lhs_hint = false} : vector<2048x16xf32>, vector<16x256xf32>, vector<2048x256xf32> -> vector<2048x256xf32>
    %slice3A_79 = vector.extract_strided_slice %add3A_16 {offsets = [8192, 0], sizes = [2048, 256], strides = [1, 1]} : vector<16384x256xf32> to vector<2048x256xf32>
    %mul3A_80 = arith.mulf %slice3A_79, %dot_general3A_78 : vector<2048x256xf32>
    %convert_element_type3A_81 = arith.truncf %mul3A_80 : vector<2048x256xf32> to vector<2048x256xbf16>
    %get3A_82 = arith.constant 0 : index
    %get3A_83 = arith.constant 0 : index
    %get3A_84 = vector.load %arg7[%get3A_82, %get3A_83] : memref<256x16xbf16, #tpu.memory_space<vmem>>, vector<256x16xbf16>
    %dot_general3A_85 = arith.constant dense<0.000000e+00> : vector<2048x16xf32>
    %dot_general3A_86 = tpu.matmul %convert_element_type3A_81, %get3A_84, %dot_general3A_85 {dimension_numbers = #tpu.dot_dimension_numbers<[1], [0], [0], [1], [0, 0, 1, 1], [], []>, transpose_lhs_hint = false} : vector<2048x256xbf16>, vector<256x16xbf16>, vector<2048x16xf32> -> vector<2048x16xf32>
    %slice3A_87 = vector.extract_strided_slice %get3A_19 {offsets = [0, 80], sizes = [2048, 16], strides = [1, 1]} : vector<2048x128xf32> to vector<2048x16xf32>
    %get3A_88 = arith.constant 0 : index
    %get3A_89 = arith.constant 0 : index
    %get3A_90 = vector.load %arg6[%get3A_88, %get3A_89] : memref<16x256xf32, #tpu.memory_space<vmem>>, vector<16x256xf32>
    %dot_general3A_91 = arith.constant dense<0.000000e+00> : vector<2048x256xf32>
    %dot_general3A_92 = tpu.matmul %slice3A_87, %get3A_90, %dot_general3A_91 {dimension_numbers = #tpu.dot_dimension_numbers<[1], [0], [0], [1], [0, 0, 1, 1], [], []>, transpose_lhs_hint = false} : vector<2048x16xf32>, vector<16x256xf32>, vector<2048x256xf32> -> vector<2048x256xf32>
    %slice3A_93 = vector.extract_strided_slice %add3A_16 {offsets = [10240, 0], sizes = [2048, 256], strides = [1, 1]} : vector<16384x256xf32> to vector<2048x256xf32>
    %mul3A_94 = arith.mulf %slice3A_93, %dot_general3A_92 : vector<2048x256xf32>
    %convert_element_type3A_95 = arith.truncf %mul3A_94 : vector<2048x256xf32> to vector<2048x256xbf16>
    %get3A_96 = arith.constant 0 : index
    %get3A_97 = arith.constant 0 : index
    %get3A_98 = vector.load %arg7[%get3A_96, %get3A_97] : memref<256x16xbf16, #tpu.memory_space<vmem>>, vector<256x16xbf16>
    %dot_general3A_99 = arith.constant dense<0.000000e+00> : vector<2048x16xf32>
    %dot_general3A_100 = tpu.matmul %convert_element_type3A_95, %get3A_98, %dot_general3A_99 {dimension_numbers = #tpu.dot_dimension_numbers<[1], [0], [0], [1], [0, 0, 1, 1], [], []>, transpose_lhs_hint = false} : vector<2048x256xbf16>, vector<256x16xbf16>, vector<2048x16xf32> -> vector<2048x16xf32>
    %slice3A_101 = vector.extract_strided_slice %get3A_19 {offsets = [0, 96], sizes = [2048, 16], strides = [1, 1]} : vector<2048x128xf32> to vector<2048x16xf32>
    %get3A_102 = arith.constant 0 : index
    %get3A_103 = arith.constant 0 : index
    %get3A_104 = vector.load %arg6[%get3A_102, %get3A_103] : memref<16x256xf32, #tpu.memory_space<vmem>>, vector<16x256xf32>
    %dot_general3A_105 = arith.constant dense<0.000000e+00> : vector<2048x256xf32>
    %dot_general3A_106 = tpu.matmul %slice3A_101, %get3A_104, %dot_general3A_105 {dimension_numbers = #tpu.dot_dimension_numbers<[1], [0], [0], [1], [0, 0, 1, 1], [], []>, transpose_lhs_hint = false} : vector<2048x16xf32>, vector<16x256xf32>, vector<2048x256xf32> -> vector<2048x256xf32>
    %slice3A_107 = vector.extract_strided_slice %add3A_16 {offsets = [12288, 0], sizes = [2048, 256], strides = [1, 1]} : vector<16384x256xf32> to vector<2048x256xf32>
    %mul3A_108 = arith.mulf %slice3A_107, %dot_general3A_106 : vector<2048x256xf32>
    %convert_element_type3A_109 = arith.truncf %mul3A_108 : vector<2048x256xf32> to vector<2048x256xbf16>
    %get3A_110 = arith.constant 0 : index
    %get3A_111 = arith.constant 0 : index
    %get3A_112 = vector.load %arg7[%get3A_110, %get3A_111] : memref<256x16xbf16, #tpu.memory_space<vmem>>, vector<256x16xbf16>
    %dot_general3A_113 = arith.constant dense<0.000000e+00> : vector<2048x16xf32>
    %dot_general3A_114 = tpu.matmul %convert_element_type3A_109, %get3A_112, %dot_general3A_113 {dimension_numbers = #tpu.dot_dimension_numbers<[1], [0], [0], [1], [0, 0, 1, 1], [], []>, transpose_lhs_hint = false} : vector<2048x256xbf16>, vector<256x16xbf16>, vector<2048x16xf32> -> vector<2048x16xf32>
    %slice3A_115 = vector.extract_strided_slice %get3A_19 {offsets = [0, 112], sizes = [2048, 16], strides = [1, 1]} : vector<2048x128xf32> to vector<2048x16xf32>
    %get3A_116 = arith.constant 0 : index
    %get3A_117 = arith.constant 0 : index
    %get3A_118 = vector.load %arg6[%get3A_116, %get3A_117] : memref<16x256xf32, #tpu.memory_space<vmem>>, vector<16x256xf32>
    %dot_general3A_119 = arith.constant dense<0.000000e+00> : vector<2048x256xf32>
    %dot_general3A_120 = tpu.matmul %slice3A_115, %get3A_118, %dot_general3A_119 {dimension_numbers = #tpu.dot_dimension_numbers<[1], [0], [0], [1], [0, 0, 1, 1], [], []>, transpose_lhs_hint = false} : vector<2048x16xf32>, vector<16x256xf32>, vector<2048x256xf32> -> vector<2048x256xf32>
    %slice3A_121 = vector.extract_strided_slice %add3A_16 {offsets = [14336, 0], sizes = [2048, 256], strides = [1, 1]} : vector<16384x256xf32> to vector<2048x256xf32>
    %mul3A_122 = arith.mulf %slice3A_121, %dot_general3A_120 : vector<2048x256xf32>
    %convert_element_type3A_123 = arith.truncf %mul3A_122 : vector<2048x256xf32> to vector<2048x256xbf16>
    %get3A_124 = arith.constant 0 : index
    %get3A_125 = arith.constant 0 : index
    %get3A_126 = vector.load %arg7[%get3A_124, %get3A_125] : memref<256x16xbf16, #tpu.memory_space<vmem>>, vector<256x16xbf16>
    %dot_general3A_127 = arith.constant dense<0.000000e+00> : vector<2048x16xf32>
    %dot_general3A_128 = tpu.matmul %convert_element_type3A_123, %get3A_126, %dot_general3A_127 {dimension_numbers = #tpu.dot_dimension_numbers<[1], [0], [0], [1], [0, 0, 1, 1], [], []>, transpose_lhs_hint = false} : vector<2048x256xbf16>, vector<256x16xbf16>, vector<2048x16xf32> -> vector<2048x16xf32>
    %concatenate3A = tpu.concatenate %dot_general3A_30, %dot_general3A_44, %dot_general3A_58, %dot_general3A_72, %dot_general3A_86, %dot_general3A_100, %dot_general3A_114, %dot_general3A_128 in 1 : vector<2048x16xf32>, vector<2048x16xf32>, vector<2048x16xf32>, vector<2048x16xf32>, vector<2048x16xf32>, vector<2048x16xf32>, vector<2048x16xf32>, vector<2048x16xf32> -> vector<2048x128xf32>
    %swap3A = arith.constant 0 : index
    %swap3A_129 = arith.constant 0 : index
    %swap3A_130 = vector.load %arg8[%swap3A, %swap3A_129] : memref<2048x128xf32, #tpu.memory_space<vmem>>, vector<2048x128xf32>
    tpu.vector_store %arg8[%swap3A, %swap3A_129], %concatenate3A {strides = array<i32>} : memref<2048x128xf32, #tpu.memory_space<vmem>>, vector<2048x128xf32>,
    return
  }
  func.func @transform_0(%arg0: i32) -> (i32, i32) {
    %c0_i32 = arith.constant 0 : i32
    %c0_i32_0 = arith.constant 0 : i32
    return %c0_i32, %arg0 : i32, i32
  }
  func.func @transform_1(%arg0: i32) -> (i32, i32) {
    %c0_i32 = arith.constant 0 : i32
    %c0_i32_0 = arith.constant 0 : i32
    return %arg0, %c0_i32 : i32, i32
  }
  func.func @transform_2(%arg0: i32) -> (i32, i32) {
    %c0_i32 = arith.constant 0 : i32
    %c0_i32_0 = arith.constant 0 : i32
    %c0_i32_1 = arith.constant 0 : i32
    return %c0_i32, %c0_i32_0 : i32, i32
  }
  func.func @transform_3(%arg0: i32) -> (i32, i32) {
    %c0_i32 = arith.constant 0 : i32
    %c0_i32_0 = arith.constant 0 : i32
    %c0_i32_1 = arith.constant 0 : i32
    return %c0_i32, %c0_i32_0 : i32, i32
  }
  func.func @transform_4(%arg0: i32) -> (i32, i32) {
    %c0_i32 = arith.constant 0 : i32
    %c0_i32_0 = arith.constant 0 : i32
    %c0_i32_1 = arith.constant 0 : i32
    return %c0_i32, %c0_i32_0 : i32, i32
  }
  func.func @transform_5(%arg0: i32) -> (i32, i32) {
    %c0_i32 = arith.constant 0 : i32
    %c0_i32_0 = arith.constant 0 : i32
    %c0_i32_1 = arith.constant 0 : i32
    return %c0_i32, %c0_i32_0 : i32, i32
  }
  func.func @transform_6(%arg0: i32) -> (i32, i32) {
    %c0_i32 = arith.constant 0 : i32
    %c0_i32_0 = arith.constant 0 : i32
    %c0_i32_1 = arith.constant 0 : i32
    return %c0_i32, %c0_i32_0 : i32, i32
  }
  func.func @transform_7(%arg0: i32) -> (i32, i32) {
    %c0_i32 = arith.constant 0 : i32
    %c0_i32_0 = arith.constant 0 : i32
    return %arg0, %c0_i32 : i32, i32
  }
}

module attributes {stable_mosaic.version = 14 : i64} {
  func.func @body(%arg0: memref<2x1252x128xf32, #tpu.memory_space<vmem>>, %arg1: memref<2x1252x128xf32, #tpu.memory_space<vmem>>, %arg2: memref<1252x128xf32, #tpu.memory_space<vmem>>, %arg3: memref<128x128xf32, #tpu.memory_space<vmem>>, %arg4: memref<1x128xf32, #tpu.memory_space<vmem>>, %arg5: memref<1252x128xf32, #tpu.memory_space<vmem>>, %arg6: memref<1252x128xf32, #tpu.memory_space<vmem>>) attributes {dimension_semantics = [], scalar_prefetch = 0 : i64, scratch_operands = 0 : i64, tpu.core_type = #tpu.core_type<tc>} {
    %get3A = arith.constant 0 : index
    %get3A_0 = arith.constant 0 : index
    %get3A_1 = arith.constant 0 : index
    %get3A_2 = vector.load %arg1[%get3A, %get3A_0, %get3A_1] : memref<2x1252x128xf32, #tpu.memory_space<vmem>>, vector<1x1252x128xf32>
    %get3A_3 = vector.shape_cast %get3A_2 : vector<1x1252x128xf32> to vector<1252x128xf32>
    %get3A_4 = arith.constant 1 : index
    %get3A_5 = arith.constant 0 : index
    %get3A_6 = arith.constant 0 : index
    %get3A_7 = vector.load %arg1[%get3A_4, %get3A_5, %get3A_6] : memref<2x1252x128xf32, #tpu.memory_space<vmem>>, vector<1x1252x128xf32>
    %get3A_8 = vector.shape_cast %get3A_7 : vector<1x1252x128xf32> to vector<1252x128xf32>
    %add3A = arith.addf %get3A_3, %get3A_8 : vector<1252x128xf32>
    %max3A = arith.constant 1.000000e+00 : f32
    %max3A_9 = vector.broadcast %max3A : f32 to vector<1252x128xf32>
    %max3A_10 = arith.maximumf %add3A, %max3A_9 : vector<1252x128xf32>
    %div3A = arith.constant 1.000000e+00 : f32
    %div3A_11 = vector.broadcast %div3A : f32 to vector<1252x128xf32>
    %div3A_12 = arith.divf %div3A_11, %max3A_10 : vector<1252x128xf32>
    %swap3A = arith.constant 0 : index
    %swap3A_13 = arith.constant 0 : index
    %swap3A_14 = vector.load %arg6[%swap3A, %swap3A_13] : memref<1252x128xf32, #tpu.memory_space<vmem>>, vector<1252x128xf32>
    tpu.vector_store %arg6[%swap3A, %swap3A_13], %div3A_12 {strides = array<i32>} : memref<1252x128xf32, #tpu.memory_space<vmem>>, vector<1252x128xf32>,
    %get3A_15 = arith.constant 0 : index
    %get3A_16 = arith.constant 0 : index
    %get3A_17 = arith.constant 0 : index
    %get3A_18 = vector.load %arg0[%get3A_15, %get3A_16, %get3A_17] : memref<2x1252x128xf32, #tpu.memory_space<vmem>>, vector<1x1252x128xf32>
    %get3A_19 = vector.shape_cast %get3A_18 : vector<1x1252x128xf32> to vector<1252x128xf32>
    %get3A_20 = arith.constant 1 : index
    %get3A_21 = arith.constant 0 : index
    %get3A_22 = arith.constant 0 : index
    %get3A_23 = vector.load %arg0[%get3A_20, %get3A_21, %get3A_22] : memref<2x1252x128xf32, #tpu.memory_space<vmem>>, vector<1x1252x128xf32>
    %get3A_24 = vector.shape_cast %get3A_23 : vector<1x1252x128xf32> to vector<1252x128xf32>
    %add3A_25 = arith.addf %get3A_19, %get3A_24 : vector<1252x128xf32>
    %mul3A = arith.mulf %add3A_25, %div3A_12 : vector<1252x128xf32>
    %get3A_26 = arith.constant 0 : index
    %get3A_27 = arith.constant 0 : index
    %get3A_28 = vector.load %arg2[%get3A_26, %get3A_27] : memref<1252x128xf32, #tpu.memory_space<vmem>>, vector<1252x128xf32>
    %get3A_29 = arith.constant 0 : index
    %get3A_30 = arith.constant 0 : index
    %get3A_31 = vector.load %arg3[%get3A_29, %get3A_30] : memref<128x128xf32, #tpu.memory_space<vmem>>, vector<128x128xf32>
    %dot_general3A = arith.constant dense<0.000000e+00> : vector<1252x128xf32>
    %dot_general3A_32 = tpu.matmul %get3A_28, %get3A_31, %dot_general3A {dimension_numbers = #tpu.dot_dimension_numbers<[1], [0], [0], [1], [0, 0, 1, 1], [], []>, transpose_lhs_hint = false} : vector<1252x128xf32>, vector<128x128xf32>, vector<1252x128xf32> -> vector<1252x128xf32>
    %add3A_33 = arith.addf %mul3A, %dot_general3A_32 : vector<1252x128xf32>
    %get3A_34 = arith.constant 0 : index
    %get3A_35 = arith.constant 0 : index
    %get3A_36 = vector.load %arg4[%get3A_34, %get3A_35] : memref<1x128xf32, #tpu.memory_space<vmem>>, vector<1x128xf32>
    %add3A_37 = vector.broadcast %get3A_36 : vector<1x128xf32> to vector<1252x128xf32>
    %add3A_38 = arith.addf %add3A_33, %add3A_37 : vector<1252x128xf32>
    %max3A_39 = arith.constant 0.000000e+00 : f32
    %max3A_40 = vector.broadcast %max3A_39 : f32 to vector<1252x128xf32>
    %max3A_41 = arith.maximumf %add3A_38, %max3A_40 : vector<1252x128xf32>
    %swap3A_42 = arith.constant 0 : index
    %swap3A_43 = arith.constant 0 : index
    %swap3A_44 = vector.load %arg5[%swap3A_42, %swap3A_43] : memref<1252x128xf32, #tpu.memory_space<vmem>>, vector<1252x128xf32>
    tpu.vector_store %arg5[%swap3A_42, %swap3A_43], %max3A_41 {strides = array<i32>} : memref<1252x128xf32, #tpu.memory_space<vmem>>, vector<1252x128xf32>,
    return
  }
}

module attributes {stable_mosaic.version = 14 : i64} {
  func.func @body(%arg0: memref<2x1252x128xf32, #tpu.memory_space<vmem>>, %arg1: memref<1252x128xf32, #tpu.memory_space<vmem>>, %arg2: memref<1252x128xf32, #tpu.memory_space<vmem>>, %arg3: memref<128x128xf32, #tpu.memory_space<vmem>>, %arg4: memref<1x128xf32, #tpu.memory_space<vmem>>, %arg5: memref<1252x128xf32, #tpu.memory_space<vmem>>) attributes {dimension_semantics = [], scalar_prefetch = 0 : i64, scratch_operands = 0 : i64, tpu.core_type = #tpu.core_type<tc>} {
    %get3A = arith.constant 0 : index
    %get3A_0 = arith.constant 0 : index
    %get3A_1 = arith.constant 0 : index
    %get3A_2 = vector.load %arg0[%get3A, %get3A_0, %get3A_1] : memref<2x1252x128xf32, #tpu.memory_space<vmem>>, vector<1x1252x128xf32>
    %get3A_3 = vector.shape_cast %get3A_2 : vector<1x1252x128xf32> to vector<1252x128xf32>
    %get3A_4 = arith.constant 1 : index
    %get3A_5 = arith.constant 0 : index
    %get3A_6 = arith.constant 0 : index
    %get3A_7 = vector.load %arg0[%get3A_4, %get3A_5, %get3A_6] : memref<2x1252x128xf32, #tpu.memory_space<vmem>>, vector<1x1252x128xf32>
    %get3A_8 = vector.shape_cast %get3A_7 : vector<1x1252x128xf32> to vector<1252x128xf32>
    %add3A = arith.addf %get3A_3, %get3A_8 : vector<1252x128xf32>
    %get3A_9 = arith.constant 0 : index
    %get3A_10 = arith.constant 0 : index
    %get3A_11 = vector.load %arg1[%get3A_9, %get3A_10] : memref<1252x128xf32, #tpu.memory_space<vmem>>, vector<1252x128xf32>
    %mul3A = arith.mulf %add3A, %get3A_11 : vector<1252x128xf32>
    %get3A_12 = arith.constant 0 : index
    %get3A_13 = arith.constant 0 : index
    %get3A_14 = vector.load %arg2[%get3A_12, %get3A_13] : memref<1252x128xf32, #tpu.memory_space<vmem>>, vector<1252x128xf32>
    %get3A_15 = arith.constant 0 : index
    %get3A_16 = arith.constant 0 : index
    %get3A_17 = vector.load %arg3[%get3A_15, %get3A_16] : memref<128x128xf32, #tpu.memory_space<vmem>>, vector<128x128xf32>
    %dot_general3A = arith.constant dense<0.000000e+00> : vector<1252x128xf32>
    %dot_general3A_18 = tpu.matmul %get3A_14, %get3A_17, %dot_general3A {dimension_numbers = #tpu.dot_dimension_numbers<[1], [0], [0], [1], [0, 0, 1, 1], [], []>, transpose_lhs_hint = false} : vector<1252x128xf32>, vector<128x128xf32>, vector<1252x128xf32> -> vector<1252x128xf32>
    %add3A_19 = arith.addf %mul3A, %dot_general3A_18 : vector<1252x128xf32>
    %get3A_20 = arith.constant 0 : index
    %get3A_21 = arith.constant 0 : index
    %get3A_22 = vector.load %arg4[%get3A_20, %get3A_21] : memref<1x128xf32, #tpu.memory_space<vmem>>, vector<1x128xf32>
    %add3A_23 = vector.broadcast %get3A_22 : vector<1x128xf32> to vector<1252x128xf32>
    %add3A_24 = arith.addf %add3A_19, %add3A_23 : vector<1252x128xf32>
    %max3A = arith.constant 0.000000e+00 : f32
    %max3A_25 = vector.broadcast %max3A : f32 to vector<1252x128xf32>
    %max3A_26 = arith.maximumf %add3A_24, %max3A_25 : vector<1252x128xf32>
    %swap3A = arith.constant 0 : index
    %swap3A_27 = arith.constant 0 : index
    %swap3A_28 = vector.load %arg5[%swap3A, %swap3A_27] : memref<1252x128xf32, #tpu.memory_space<vmem>>, vector<1252x128xf32>
    tpu.vector_store %arg5[%swap3A, %swap3A_27], %max3A_26 {strides = array<i32>} : memref<1252x128xf32, #tpu.memory_space<vmem>>, vector<1252x128xf32>,
    return
  }
}

module attributes {stable_mosaic.version = 14 : i64} {
  func.func @body(%arg0: memref<2x1252x128xf32, #tpu.memory_space<vmem>>, %arg1: memref<1252x128xf32, #tpu.memory_space<vmem>>, %arg2: memref<1252x128xf32, #tpu.memory_space<vmem>>, %arg3: memref<128x128xf32, #tpu.memory_space<vmem>>, %arg4: memref<1x128xf32, #tpu.memory_space<vmem>>, %arg5: memref<8x1252xi32, #tpu.memory_space<vmem>>, %arg6: memref<64x16xf32, #tpu.memory_space<vmem>>) attributes {dimension_semantics = [], scalar_prefetch = 0 : i64, scratch_operands = 0 : i64, tpu.core_type = #tpu.core_type<tc>} {
    %get3A = arith.constant 0 : index
    %get3A_0 = arith.constant 0 : index
    %get3A_1 = arith.constant 0 : index
    %get3A_2 = vector.load %arg0[%get3A, %get3A_0, %get3A_1] : memref<2x1252x128xf32, #tpu.memory_space<vmem>>, vector<1x1252x128xf32>
    %get3A_3 = vector.shape_cast %get3A_2 : vector<1x1252x128xf32> to vector<1252x128xf32>
    %get3A_4 = arith.constant 1 : index
    %get3A_5 = arith.constant 0 : index
    %get3A_6 = arith.constant 0 : index
    %get3A_7 = vector.load %arg0[%get3A_4, %get3A_5, %get3A_6] : memref<2x1252x128xf32, #tpu.memory_space<vmem>>, vector<1x1252x128xf32>
    %get3A_8 = vector.shape_cast %get3A_7 : vector<1x1252x128xf32> to vector<1252x128xf32>
    %add3A = arith.addf %get3A_3, %get3A_8 : vector<1252x128xf32>
    %get3A_9 = arith.constant 0 : index
    %get3A_10 = arith.constant 0 : index
    %get3A_11 = vector.load %arg1[%get3A_9, %get3A_10] : memref<1252x128xf32, #tpu.memory_space<vmem>>, vector<1252x128xf32>
    %mul3A = arith.mulf %add3A, %get3A_11 : vector<1252x128xf32>
    %get3A_12 = arith.constant 0 : index
    %get3A_13 = arith.constant 0 : index
    %get3A_14 = vector.load %arg2[%get3A_12, %get3A_13] : memref<1252x128xf32, #tpu.memory_space<vmem>>, vector<1252x128xf32>
    %get3A_15 = arith.constant 0 : index
    %get3A_16 = arith.constant 0 : index
    %get3A_17 = vector.load %arg3[%get3A_15, %get3A_16] : memref<128x128xf32, #tpu.memory_space<vmem>>, vector<128x128xf32>
    %dot_general3A = arith.constant dense<0.000000e+00> : vector<1252x128xf32>
    %dot_general3A_18 = tpu.matmul %get3A_14, %get3A_17, %dot_general3A {dimension_numbers = #tpu.dot_dimension_numbers<[1], [0], [0], [1], [0, 0, 1, 1], [], []>, transpose_lhs_hint = false} : vector<1252x128xf32>, vector<128x128xf32>, vector<1252x128xf32> -> vector<1252x128xf32>
    %add3A_19 = arith.addf %mul3A, %dot_general3A_18 : vector<1252x128xf32>
    %get3A_20 = arith.constant 0 : index
    %get3A_21 = arith.constant 0 : index
    %get3A_22 = vector.load %arg4[%get3A_20, %get3A_21] : memref<1x128xf32, #tpu.memory_space<vmem>>, vector<1x128xf32>
    %add3A_23 = vector.broadcast %get3A_22 : vector<1x128xf32> to vector<1252x128xf32>
    %add3A_24 = arith.addf %add3A_19, %add3A_23 : vector<1252x128xf32>
    %max3A = arith.constant 0.000000e+00 : f32
    %max3A_25 = vector.broadcast %max3A : f32 to vector<1252x128xf32>
    %max3A_26 = arith.maximumf %add3A_24, %max3A_25 : vector<1252x128xf32>
    %iota3A = tpu.iota {dimensions = array<i32: 0>} : vector<64x1252xi32>
    %broadcast_in_dim3A = arith.constant 0.000000e+00 : f32
    %broadcast_in_dim3A_27 = vector.broadcast %broadcast_in_dim3A : f32 to vector<64x16xf32>
    %broadcast_in_dim3A_28 = arith.constant 0.000000e+00 : f32
    %broadcast_in_dim3A_29 = vector.broadcast %broadcast_in_dim3A_28 : f32 to vector<64x1xf32>
    %get3A_30 = arith.constant 0 : index
    %get3A_31 = arith.constant 0 : index
    %get3A_32 = vector.load %arg5[%get3A_30, %get3A_31] : memref<8x1252xi32, #tpu.memory_space<vmem>>, vector<1x1252xi32>
    %eq3A = vector.broadcast %get3A_32 : vector<1x1252xi32> to vector<64x1252xi32>
    %eq3A_33 = arith.cmpi eq, %iota3A, %eq3A : vector<64x1252xi32>
    %convert_element_type3A = arith.extui %eq3A_33 : vector<64x1252xi1> to vector<64x1252xi32>
    %convert_element_type3A_34 = arith.sitofp %convert_element_type3A : vector<64x1252xi32> to vector<64x1252xf32>
    %slice3A = vector.extract_strided_slice %max3A_26 {offsets = [0, 0], sizes = [1252, 16], strides = [1, 1]} : vector<1252x128xf32> to vector<1252x16xf32>
    %dot_general3A_35 = arith.constant dense<0.000000e+00> : vector<64x16xf32>
    %dot_general3A_36 = tpu.matmul %convert_element_type3A_34, %slice3A, %dot_general3A_35 {dimension_numbers = #tpu.dot_dimension_numbers<[1], [0], [0], [1], [0, 0, 1, 1], [], []>, transpose_lhs_hint = false} : vector<64x1252xf32>, vector<1252x16xf32>, vector<64x16xf32> -> vector<64x16xf32>
    %add3A_37 = arith.addf %broadcast_in_dim3A_27, %dot_general3A_36 : vector<64x16xf32>
    %reduce_sum3A = arith.constant dense<0.000000e+00> : vector<64xf32>
    %reduce_sum3A_38 = vector.multi_reduction <add>, %convert_element_type3A_34, %reduce_sum3A [1] : vector<64x1252xf32> to vector<64xf32>
    %broadcast_in_dim3A_39 = vector.shape_cast %reduce_sum3A_38 : vector<64xf32> to vector<64x1xf32>
    %add3A_40 = arith.addf %broadcast_in_dim3A_29, %broadcast_in_dim3A_39 : vector<64x1xf32>
    %get3A_41 = arith.constant 1 : index
    %get3A_42 = arith.constant 0 : index
    %get3A_43 = vector.load %arg5[%get3A_41, %get3A_42] : memref<8x1252xi32, #tpu.memory_space<vmem>>, vector<1x1252xi32>
    %eq3A_44 = vector.broadcast %get3A_43 : vector<1x1252xi32> to vector<64x1252xi32>
    %eq3A_45 = arith.cmpi eq, %iota3A, %eq3A_44 : vector<64x1252xi32>
    %convert_element_type3A_46 = arith.extui %eq3A_45 : vector<64x1252xi1> to vector<64x1252xi32>
    %convert_element_type3A_47 = arith.sitofp %convert_element_type3A_46 : vector<64x1252xi32> to vector<64x1252xf32>
    %slice3A_48 = vector.extract_strided_slice %max3A_26 {offsets = [0, 16], sizes = [1252, 16], strides = [1, 1]} : vector<1252x128xf32> to vector<1252x16xf32>
    %dot_general3A_49 = arith.constant dense<0.000000e+00> : vector<64x16xf32>
    %dot_general3A_50 = tpu.matmul %convert_element_type3A_47, %slice3A_48, %dot_general3A_49 {dimension_numbers = #tpu.dot_dimension_numbers<[1], [0], [0], [1], [0, 0, 1, 1], [], []>, transpose_lhs_hint = false} : vector<64x1252xf32>, vector<1252x16xf32>, vector<64x16xf32> -> vector<64x16xf32>
    %add3A_51 = arith.addf %add3A_37, %dot_general3A_50 : vector<64x16xf32>
    %reduce_sum3A_52 = arith.constant dense<0.000000e+00> : vector<64xf32>
    %reduce_sum3A_53 = vector.multi_reduction <add>, %convert_element_type3A_47, %reduce_sum3A_52 [1] : vector<64x1252xf32> to vector<64xf32>
    %broadcast_in_dim3A_54 = vector.shape_cast %reduce_sum3A_53 : vector<64xf32> to vector<64x1xf32>
    %add3A_55 = arith.addf %add3A_40, %broadcast_in_dim3A_54 : vector<64x1xf32>
    %get3A_56 = arith.constant 2 : index
    %get3A_57 = arith.constant 0 : index
    %get3A_58 = vector.load %arg5[%get3A_56, %get3A_57] : memref<8x1252xi32, #tpu.memory_space<vmem>>, vector<1x1252xi32>
    %eq3A_59 = vector.broadcast %get3A_58 : vector<1x1252xi32> to vector<64x1252xi32>
    %eq3A_60 = arith.cmpi eq, %iota3A, %eq3A_59 : vector<64x1252xi32>
    %convert_element_type3A_61 = arith.extui %eq3A_60 : vector<64x1252xi1> to vector<64x1252xi32>
    %convert_element_type3A_62 = arith.sitofp %convert_element_type3A_61 : vector<64x1252xi32> to vector<64x1252xf32>
    %slice3A_63 = vector.extract_strided_slice %max3A_26 {offsets = [0, 32], sizes = [1252, 16], strides = [1, 1]} : vector<1252x128xf32> to vector<1252x16xf32>
    %dot_general3A_64 = arith.constant dense<0.000000e+00> : vector<64x16xf32>
    %dot_general3A_65 = tpu.matmul %convert_element_type3A_62, %slice3A_63, %dot_general3A_64 {dimension_numbers = #tpu.dot_dimension_numbers<[1], [0], [0], [1], [0, 0, 1, 1], [], []>, transpose_lhs_hint = false} : vector<64x1252xf32>, vector<1252x16xf32>, vector<64x16xf32> -> vector<64x16xf32>
    %add3A_66 = arith.addf %add3A_51, %dot_general3A_65 : vector<64x16xf32>
    %reduce_sum3A_67 = arith.constant dense<0.000000e+00> : vector<64xf32>
    %reduce_sum3A_68 = vector.multi_reduction <add>, %convert_element_type3A_62, %reduce_sum3A_67 [1] : vector<64x1252xf32> to vector<64xf32>
    %broadcast_in_dim3A_69 = vector.shape_cast %reduce_sum3A_68 : vector<64xf32> to vector<64x1xf32>
    %add3A_70 = arith.addf %add3A_55, %broadcast_in_dim3A_69 : vector<64x1xf32>
    %get3A_71 = arith.constant 3 : index
    %get3A_72 = arith.constant 0 : index
    %get3A_73 = vector.load %arg5[%get3A_71, %get3A_72] : memref<8x1252xi32, #tpu.memory_space<vmem>>, vector<1x1252xi32>
    %eq3A_74 = vector.broadcast %get3A_73 : vector<1x1252xi32> to vector<64x1252xi32>
    %eq3A_75 = arith.cmpi eq, %iota3A, %eq3A_74 : vector<64x1252xi32>
    %convert_element_type3A_76 = arith.extui %eq3A_75 : vector<64x1252xi1> to vector<64x1252xi32>
    %convert_element_type3A_77 = arith.sitofp %convert_element_type3A_76 : vector<64x1252xi32> to vector<64x1252xf32>
    %slice3A_78 = vector.extract_strided_slice %max3A_26 {offsets = [0, 48], sizes = [1252, 16], strides = [1, 1]} : vector<1252x128xf32> to vector<1252x16xf32>
    %dot_general3A_79 = arith.constant dense<0.000000e+00> : vector<64x16xf32>
    %dot_general3A_80 = tpu.matmul %convert_element_type3A_77, %slice3A_78, %dot_general3A_79 {dimension_numbers = #tpu.dot_dimension_numbers<[1], [0], [0], [1], [0, 0, 1, 1], [], []>, transpose_lhs_hint = false} : vector<64x1252xf32>, vector<1252x16xf32>, vector<64x16xf32> -> vector<64x16xf32>
    %add3A_81 = arith.addf %add3A_66, %dot_general3A_80 : vector<64x16xf32>
    %reduce_sum3A_82 = arith.constant dense<0.000000e+00> : vector<64xf32>
    %reduce_sum3A_83 = vector.multi_reduction <add>, %convert_element_type3A_77, %reduce_sum3A_82 [1] : vector<64x1252xf32> to vector<64xf32>
    %broadcast_in_dim3A_84 = vector.shape_cast %reduce_sum3A_83 : vector<64xf32> to vector<64x1xf32>
    %add3A_85 = arith.addf %add3A_70, %broadcast_in_dim3A_84 : vector<64x1xf32>
    %get3A_86 = arith.constant 4 : index
    %get3A_87 = arith.constant 0 : index
    %get3A_88 = vector.load %arg5[%get3A_86, %get3A_87] : memref<8x1252xi32, #tpu.memory_space<vmem>>, vector<1x1252xi32>
    %eq3A_89 = vector.broadcast %get3A_88 : vector<1x1252xi32> to vector<64x1252xi32>
    %eq3A_90 = arith.cmpi eq, %iota3A, %eq3A_89 : vector<64x1252xi32>
    %convert_element_type3A_91 = arith.extui %eq3A_90 : vector<64x1252xi1> to vector<64x1252xi32>
    %convert_element_type3A_92 = arith.sitofp %convert_element_type3A_91 : vector<64x1252xi32> to vector<64x1252xf32>
    %slice3A_93 = vector.extract_strided_slice %max3A_26 {offsets = [0, 64], sizes = [1252, 16], strides = [1, 1]} : vector<1252x128xf32> to vector<1252x16xf32>
    %dot_general3A_94 = arith.constant dense<0.000000e+00> : vector<64x16xf32>
    %dot_general3A_95 = tpu.matmul %convert_element_type3A_92, %slice3A_93, %dot_general3A_94 {dimension_numbers = #tpu.dot_dimension_numbers<[1], [0], [0], [1], [0, 0, 1, 1], [], []>, transpose_lhs_hint = false} : vector<64x1252xf32>, vector<1252x16xf32>, vector<64x16xf32> -> vector<64x16xf32>
    %add3A_96 = arith.addf %add3A_81, %dot_general3A_95 : vector<64x16xf32>
    %reduce_sum3A_97 = arith.constant dense<0.000000e+00> : vector<64xf32>
    %reduce_sum3A_98 = vector.multi_reduction <add>, %convert_element_type3A_92, %reduce_sum3A_97 [1] : vector<64x1252xf32> to vector<64xf32>
    %broadcast_in_dim3A_99 = vector.shape_cast %reduce_sum3A_98 : vector<64xf32> to vector<64x1xf32>
    %add3A_100 = arith.addf %add3A_85, %broadcast_in_dim3A_99 : vector<64x1xf32>
    %get3A_101 = arith.constant 5 : index
    %get3A_102 = arith.constant 0 : index
    %get3A_103 = vector.load %arg5[%get3A_101, %get3A_102] : memref<8x1252xi32, #tpu.memory_space<vmem>>, vector<1x1252xi32>
    %eq3A_104 = vector.broadcast %get3A_103 : vector<1x1252xi32> to vector<64x1252xi32>
    %eq3A_105 = arith.cmpi eq, %iota3A, %eq3A_104 : vector<64x1252xi32>
    %convert_element_type3A_106 = arith.extui %eq3A_105 : vector<64x1252xi1> to vector<64x1252xi32>
    %convert_element_type3A_107 = arith.sitofp %convert_element_type3A_106 : vector<64x1252xi32> to vector<64x1252xf32>
    %slice3A_108 = vector.extract_strided_slice %max3A_26 {offsets = [0, 80], sizes = [1252, 16], strides = [1, 1]} : vector<1252x128xf32> to vector<1252x16xf32>
    %dot_general3A_109 = arith.constant dense<0.000000e+00> : vector<64x16xf32>
    %dot_general3A_110 = tpu.matmul %convert_element_type3A_107, %slice3A_108, %dot_general3A_109 {dimension_numbers = #tpu.dot_dimension_numbers<[1], [0], [0], [1], [0, 0, 1, 1], [], []>, transpose_lhs_hint = false} : vector<64x1252xf32>, vector<1252x16xf32>, vector<64x16xf32> -> vector<64x16xf32>
    %add3A_111 = arith.addf %add3A_96, %dot_general3A_110 : vector<64x16xf32>
    %reduce_sum3A_112 = arith.constant dense<0.000000e+00> : vector<64xf32>
    %reduce_sum3A_113 = vector.multi_reduction <add>, %convert_element_type3A_107, %reduce_sum3A_112 [1] : vector<64x1252xf32> to vector<64xf32>
    %broadcast_in_dim3A_114 = vector.shape_cast %reduce_sum3A_113 : vector<64xf32> to vector<64x1xf32>
    %add3A_115 = arith.addf %add3A_100, %broadcast_in_dim3A_114 : vector<64x1xf32>
    %get3A_116 = arith.constant 6 : index
    %get3A_117 = arith.constant 0 : index
    %get3A_118 = vector.load %arg5[%get3A_116, %get3A_117] : memref<8x1252xi32, #tpu.memory_space<vmem>>, vector<1x1252xi32>
    %eq3A_119 = vector.broadcast %get3A_118 : vector<1x1252xi32> to vector<64x1252xi32>
    %eq3A_120 = arith.cmpi eq, %iota3A, %eq3A_119 : vector<64x1252xi32>
    %convert_element_type3A_121 = arith.extui %eq3A_120 : vector<64x1252xi1> to vector<64x1252xi32>
    %convert_element_type3A_122 = arith.sitofp %convert_element_type3A_121 : vector<64x1252xi32> to vector<64x1252xf32>
    %slice3A_123 = vector.extract_strided_slice %max3A_26 {offsets = [0, 96], sizes = [1252, 16], strides = [1, 1]} : vector<1252x128xf32> to vector<1252x16xf32>
    %dot_general3A_124 = arith.constant dense<0.000000e+00> : vector<64x16xf32>
    %dot_general3A_125 = tpu.matmul %convert_element_type3A_122, %slice3A_123, %dot_general3A_124 {dimension_numbers = #tpu.dot_dimension_numbers<[1], [0], [0], [1], [0, 0, 1, 1], [], []>, transpose_lhs_hint = false} : vector<64x1252xf32>, vector<1252x16xf32>, vector<64x16xf32> -> vector<64x16xf32>
    %add3A_126 = arith.addf %add3A_111, %dot_general3A_125 : vector<64x16xf32>
    %reduce_sum3A_127 = arith.constant dense<0.000000e+00> : vector<64xf32>
    %reduce_sum3A_128 = vector.multi_reduction <add>, %convert_element_type3A_122, %reduce_sum3A_127 [1] : vector<64x1252xf32> to vector<64xf32>
    %broadcast_in_dim3A_129 = vector.shape_cast %reduce_sum3A_128 : vector<64xf32> to vector<64x1xf32>
    %add3A_130 = arith.addf %add3A_115, %broadcast_in_dim3A_129 : vector<64x1xf32>
    %get3A_131 = arith.constant 7 : index
    %get3A_132 = arith.constant 0 : index
    %get3A_133 = vector.load %arg5[%get3A_131, %get3A_132] : memref<8x1252xi32, #tpu.memory_space<vmem>>, vector<1x1252xi32>
    %eq3A_134 = vector.broadcast %get3A_133 : vector<1x1252xi32> to vector<64x1252xi32>
    %eq3A_135 = arith.cmpi eq, %iota3A, %eq3A_134 : vector<64x1252xi32>
    %convert_element_type3A_136 = arith.extui %eq3A_135 : vector<64x1252xi1> to vector<64x1252xi32>
    %convert_element_type3A_137 = arith.sitofp %convert_element_type3A_136 : vector<64x1252xi32> to vector<64x1252xf32>
    %slice3A_138 = vector.extract_strided_slice %max3A_26 {offsets = [0, 112], sizes = [1252, 16], strides = [1, 1]} : vector<1252x128xf32> to vector<1252x16xf32>
    %dot_general3A_139 = arith.constant dense<0.000000e+00> : vector<64x16xf32>
    %dot_general3A_140 = tpu.matmul %convert_element_type3A_137, %slice3A_138, %dot_general3A_139 {dimension_numbers = #tpu.dot_dimension_numbers<[1], [0], [0], [1], [0, 0, 1, 1], [], []>, transpose_lhs_hint = false} : vector<64x1252xf32>, vector<1252x16xf32>, vector<64x16xf32> -> vector<64x16xf32>
    %add3A_141 = arith.addf %add3A_126, %dot_general3A_140 : vector<64x16xf32>
    %reduce_sum3A_142 = arith.constant dense<0.000000e+00> : vector<64xf32>
    %reduce_sum3A_143 = vector.multi_reduction <add>, %convert_element_type3A_137, %reduce_sum3A_142 [1] : vector<64x1252xf32> to vector<64xf32>
    %broadcast_in_dim3A_144 = vector.shape_cast %reduce_sum3A_143 : vector<64xf32> to vector<64x1xf32>
    %add3A_145 = arith.addf %add3A_130, %broadcast_in_dim3A_144 : vector<64x1xf32>
    %max3A_146 = arith.constant 1.000000e+00 : f32
    %max3A_147 = vector.broadcast %max3A_146 : f32 to vector<64x1xf32>
    %max3A_148 = arith.maximumf %add3A_145, %max3A_147 : vector<64x1xf32>
    %div3A = vector.broadcast %max3A_148 : vector<64x1xf32> to vector<64x16xf32>
    %div3A_149 = arith.divf %add3A_141, %div3A : vector<64x16xf32>
    %swap3A = arith.constant 0 : index
    %swap3A_150 = arith.constant 0 : index
    %swap3A_151 = vector.load %arg6[%swap3A, %swap3A_150] : memref<64x16xf32, #tpu.memory_space<vmem>>, vector<64x16xf32>
    tpu.vector_store %arg6[%swap3A, %swap3A_150], %div3A_149 {strides = array<i32>} : memref<64x16xf32, #tpu.memory_space<vmem>>, vector<64x16xf32>,
    return
  }
}

</mosaic_0001>

<sc_bundles>
// kernel: kernel.15.cloned.1.call-start
scs
__scs_entry_jumppad:
0x0: {  	(pc) =	sbr.rel $0x88, $3  }
0x1: {  	(tag) =	ssettag $0x0;
	lr =	simm.s32 $0x1  }
0x2: {  	[smem:$0x3F8B] =	sst lr;
	_ =	strace $0xD0000000  }
0x3: {  	_ = 	snop  }
0x4: {  	_ = 	snop  }
0x5: {  	_ = 	snop  }
0x6: {  	_ = 	snop  }
0x7: {  	_ = 	snop  }
__scs_overlays_trampoline_lowered:
0x8: {  	[smem:$0x3F9A] =	sst s0  }
0x9: {  	[smem:$0x3F9B] =	sst s1  }
0xa: {  	[smem:$0x3F9C] =	sst s2  }
0xb: {  	[smem:$0x3F9D] =	sst s3  }
0xc: {  	[smem:$0x3F9E] =	sst s4  }
0xd: {  	[smem:$0x3F9F] =	sst s5  }
0xe: {  	[smem:$0x3FA0] =	sst s6  }
0xf: {  	[smem:$0x3FA1] =	sst s7  }
0x10: {  	[smem:$0x3FA2] =	sst s8  }
0x11: {  	[smem:$0x3FA3] =	sst s9;
	s0 =	simm.s32 @!p0 $0x0  }
0x12: {  	s1 =	sld [smem:$0x3F89];
	s0 =	simm.s32 @p0 $0x1  }
0x13: {  	[smem:$0x3FA4] =	sst s0;
	s0 =	simm.s32 @!p1 $0x0  }
0x14: {  	s2 =	sld [smem:$0x3F88];
	s0 =	simm.s32 @p1 $0x1  }
0x15: {  	[smem:$0x3FA5] =	sst s0;
	s0 =	simm.s32 @!p2 $0x0  }
0x16: {  	s3 =	sld [smem:$0x3FDB];
	s0 =	simm.s32 @p2 $0x1  }
0x17: {  	s4 =	simm.s32 $0x1BF5;
	[smem:$0x3FA7] =	sst s0  }
0x18: {  	s0 =	sld [smem:$0x3F8A];
	_ =	swait.ge [sflag:s4], $0x0  }
0x19: {  	s7 =	sld [smem:$0x3F8B]  }
0x1a: {  	s8 =	sadd.s32 $0xFFFFE003, lr  }
0x1b: {  	s9 =	sadd.s32 $0xFFFFFEF7, lr;
	s5 =	simm.s32 $0xFFFFFFFF;
	p2 =	slt.u32 s8, $0xFFFFF086  }
0x1c: {  	p1 =	slt.u32 s9, $0xF7A;
	s5 =	simm.s32 @!p2 $0x0  }
0x1d: {  	s5 =	simm.s32 @p1 $0x1;
	p0 =	seq.s32 s7, s2  }
0x1e: {  	s7 =	smul.u32 @!p0 $0xF7A, s2;
	p2 =	seq.s32 @!p0 s5, $0x0  }
0x1f: {  	s9 =	smul.u32 $0xF7A, s1;
	s8 =	simm.s32 @!p0 $0x1BF5;
	p2 =	por !p2, p0  }
0x20: {  	[sflag:s8] =	ssyncset.s32 @!p0 $0xFFFFF086;
	s6 =	sadd.s32 @!p0 s3, s7;
	s7 =	simm.s32 @!p0 $0x108  }
0x21: {  	s3 =	sadd.s32 s3, s9;
	s6 =	sadd.s32 @!p0 $0x88, s6;
	s7 =	simm.s32 @p2 $0x1082  }
0x22: {  	[simem:s7], [sflag:s8] =	dma.local @!p0 [hbm:s6], $0xF7A  }
0x23: {  	s9 =	sor.u32 $0xD0000000, s2;
	s6 =	simm.s32 $0x108;
	_ =	swait.ge @!p0 [sflag:s8], $0x0  }
0x24: {  	s3 =	sadd.s32 $0x88, s3;
	s6 =	simm.s32 @!p1 $0x1082;
	[sflag:s4] =	ssyncset.s32 $0xFFFFF086  }
0x25: {  	[simem:s6], [sflag:s4] =	dma.local [hbm:s3], $0xF7A  }
0x26: {  	[smem:$0x3F8B] =	sst s1;
	(tag) =	ssettag s2;
	_ =	strace s9  }
0x27: {  	s1 =	sld [smem:$0x3F9B]  }
0x28: {  	s2 =	sld [smem:$0x3F9C]  }
0x29: {  	s4 =	sld [smem:$0x3F9E]  }
0x2a: {  	p0 =	seq.s32 s5, $0x0;
	s5 =	sld [smem:$0x3F9F]  }
0x2b: {  	s6 =	sld [smem:$0x3FA0]  }
0x2c: {  	s7 =	sld [smem:$0x3FA1]  }
0x2d: {  	s3 =	simm.s32 $0x108;
	s8 =	sld [smem:$0x3FA2]  }
0x2e: {  	s3 =	simm.s32 @!p0 $0x1082;
	s9 =	sld [smem:$0x3FA3]  }
0x2f: {  	lr =	sadd.s32 s0, s3;
	s0 =	sld [smem:$0x3F9A]  }
0x30: {  	s3 =	sld [smem:$0x3F9D]  }
0x31: {  	[smem:$0x3FA6] =	sst s10  }
0x32: {  	s10 =	sld [smem:$0x3FA4];
	_ =	sdelay $0x3  }
0x33: {  	p0 =	seq.s32 s10, $0x1;
	s10 =	sld [smem:$0x3FA6];
	_ =	sdelay $0x3  }
0x34: {  	[smem:$0x3FA6] =	sst s10  }
0x35: {  	s10 =	sld [smem:$0x3FA5];
	_ =	sdelay $0x3  }
0x36: {  	p1 =	seq.s32 s10, $0x1;
	s10 =	sld [smem:$0x3FA6];
	_ =	sdelay $0x3  }
0x37: {  	[smem:$0x3FA6] =	sst s10  }
0x38: {  	s10 =	sld [smem:$0x3FA7]  }
0x39: {  	_ = 	snop;
	(pc) =	sbr.ind lr, $3  }
0x3a: {  	_ = 	snop  }
0x3b: {  	_ = 	snop  }
0x3c: {  	p2 =	seq.s32 s10, $0x1;
	s10 =	sld [smem:$0x3FA6]  }
0x3d: {  	_ =	shalt  }
0x3e: {  	_ =	shalt  }
0x3f: {  	_ =	shalt  }
0x40: {  	_ =	shalt  }
0x41: {  	_ =	shalt  }
0x42: {  	_ =	shalt  }
0x43: {  	_ =	shalt  }
0x44: {  	_ =	shalt  }
0x45: {  	_ =	shalt  }
0x46: {  	_ =	shalt  }
0x47: {  	_ =	shalt  }
0x48: {  	_ =	shalt  }
0x49: {  	_ =	shalt  }
0x4a: {  	_ =	shalt  }
0x4b: {  	_ =	shalt  }
0x4c: {  	_ =	shalt  }
0x4d: {  	_ =	shalt  }
0x4e: {  	_ =	shalt  }
0x4f: {  	_ =	shalt  }
0x50: {  	_ =	shalt  }
0x51: {  	_ =	shalt  }
0x52: {  	_ =	shalt  }
0x53: {  	_ =	shalt  }
0x54: {  	_ =	shalt  }
0x55: {  	_ =	shalt  }
0x56: {  	_ =	shalt  }
0x57: {  	_ =	shalt  }
0x58: {  	_ =	shalt  }
0x59: {  	_ =	shalt  }
0x5a: {  	_ =	shalt  }
0x5b: {  	_ =	shalt  }
0x5c: {  	_ =	shalt  }
0x5d: {  	_ =	shalt  }
0x5e: {  	_ =	shalt  }
0x5f: {  	_ =	shalt  }
0x60: {  	_ =	shalt  }
0x61: {  	_ =	shalt  }
0x62: {  	_ =	shalt  }
0x63: {  	_ =	shalt  }
0x64: {  	_ =	shalt  }
0x65: {  	_ =	shalt  }
0x66: {  	_ =	shalt  }
0x67: {  	_ =	shalt  }
0x68: {  	_ =	shalt  }
0x69: {  	_ =	shalt  }
0x6a: {  	_ =	shalt  }
0x6b: {  	_ =	shalt  }
0x6c: {  	_ =	shalt  }
0x6d: {  	_ =	shalt  }
0x6e: {  	_ =	shalt  }
0x6f: {  	_ =	shalt  }
0x70: {  	_ =	shalt  }
0x71: {  	_ =	shalt  }
0x72: {  	_ =	shalt  }
0x73: {  	_ =	shalt  }
0x74: {  	_ =	shalt  }
0x75: {  	_ =	shalt  }
0x76: {  	_ =	shalt  }
0x77: {  	_ =	shalt  }
0x78: {  	_ =	shalt  }
0x79: {  	_ =	shalt  }
0x7a: {  	_ =	shalt  }
0x7b: {  	_ =	shalt  }
0x7c: {  	_ =	shalt  }
0x7d: {  	_ =	shalt  }
0x7e: {  	_ =	shalt  }
0x7f: {  	_ =	shalt  }
0x80: {  	_ =	shalt  }
0x81: {  	_ =	shalt  }
0x82: {  	_ =	shalt  }
0x83: {  	_ =	shalt  }
0x84: {  	_ =	shalt  }
0x85: {  	_ =	shalt  }
0x86: {  	_ =	shalt  }
0x87: {  	_ =	shalt  }
.Lfunc_end0:
.L_simem_size_0:
called_computation_lowered:
.L_overlay_start_0:
0x88: {  	s2 =	sld [smem:$0x3FD9]  }
0x89: {  	s3 =	sld [smem:$0x3FFE];
	_ =	sdelay $0x1  }
0x8a: {  	s1 =	srdreg.scid  }
0x8b: {  	s0 =	sand.u32 $0x1, s1  }
0x8c: {  	s17 =	sshll.u32 s0, $0xA;
	s2 =	sadd.s32 s3, s2  }
0x8d: {  	s2 =	sadd.s32 s2, s17  }
0x8e: {  	[smem:$0x3FB2] =	sst s2  }
0x8f: {  	_ = 	snop  }
0x90: {  	s18 =	sld [smem:$0x3FD0];
	(tm) =	ssettm $0x1  }
0x91: {  	s19 =	sld [smem:$0x3FFB];
	_ =	sdelay $0x3  }
0x92: {  	_ =	strace s19  }
0x93: {  	s2 =	sld [smem:$0x3FFC];
	_ =	sdelay $0x3  }
0x94: {  	_ =	strace s2  }
0x95: {  	s2 =	sld [smem:$0x3FFD];
	_ =	sdelay $0x3  }
0x96: {  	_ =	strace s2  }
0x97: {  	_ =	strace $0x8FFFFFFF  }
0x98: {  	s20 =	sld [smem:$0x3FDB];
	_ =	sdelay $0x1  }
0x99: {  	s4 =	simm.s32 $_scs_section_size  }
0x9a: {  	s5 =	simm.s32 $_size__tile_overlayer_lowered;
	s6 =	simm.s32 $_tile_overlayer_lowered  }
0x9b: {  	s7 =	simm.s32 $0x1BFF;
	s21 =	sshll.u32 s6, $0x1;
	s4 =	sadd.s32 s4, s20  }
0x9c: {  	s22 =	simm.s32 $0x0;
	s5 =	sshll.u32 s5, $0x1;
	s6 =	sadd.s32 s21, s4  }
0x9d: {  	[timem:s22], [sflag:s7] =	dma.local [hbm:s6], s5  }
0x9e: {  	_ =	swait.ge [sflag:s7], s5  }
0x9f: {  	s5 =	ssub.s32 $0x0, s5;
	[sflag:s7] =	ssyncset.done $0x0  }
0xa0: {  	[sflag:s7] =	ssyncadd.s32 s5;
	_ =	sdelay $0x1  }
0xa1: {  	s23 =	simm.s32 $0x1B8B  }
0xa2: {  	_ =	swait.ge [sflag:s23], $0x1  }
0xa3: {  	[sflag:s23] =	ssyncset.done $0x0  }
0xa4: {  	[sflag:s23] =	ssyncadd.s32 $0xFFFFFFFF  }
0xa5: {  	s5 =	sld [smem:$0x0]  }
0xa6: {  	s6 =	sand.u32 $0xFFFFFFFE, s1  }
0xa7: {  	p0 =	sne.s32 s1, s6  }
0xa8: {  	s6 =	sshll.u32 @p0 s6, $0xE  }
0xa9: {  	s6 =	sadd.s32 @p0 $0x11B8D, s6;
	s7 =	sshll.u32 @p0 s5, $0x11  }
0xaa: {  	s6 =	sor.u32 @p0 s7, s6  }
0xab: {  	[sflag:s6] =	ssyncadd.remote.s32 @p0 $0x1;
	_ =	sdelay $0x1  }
0xac: {  	s6 =	simm.s32 @p0 $0x1B8D  }
0xad: {  	_ =	swait.eq @p0 [sflag:s6], $0x1  }
0xae: {  	[sflag:s6] =	ssyncadd.s32 @p0 $0xFFFFFFFF  }
0xaf: {  	s7 =	sshll.u32 @!p0 s1, $0xE  }
0xb0: {  	s7 =	sor.u32 @!p0 $0x4000, s7;
	s6 =	simm.s32 @!p0 $0x1B8D  }
0xb1: {  	s5 =	sshll.u32 @!p0 s5, $0x11;
	s7 =	sadd.s32 @!p0 $0x11B8D, s7;
	_ =	swait.eq @!p0 [sflag:s6], $0x1  }
0xb2: {  	s5 =	sor.u32 @!p0 s5, s7;
	[sflag:s6] =	ssyncadd.s32 @!p0 $0xFFFFFFFF  }
0xb3: {  	s25 =	simm.s32 $0x1B8E;
	s24 =	sld [smem:$0x3FFE];
	[sflag:s5] =	ssyncadd.remote.s32 @!p0 $0x1  }
0xb4: {  	s26 =	simm.s32 $execute0_lowered;
	[smem:$0x3FD2] =	sst s25  }
0xb5: {  	s6 =	sshll.u32 s26, $0x1;
	_ =	strace $0x80000049;
	[dreg:$0x1] =	wrdreg $0xFFFFFFFF  }
0xb6: {  	s28 =	simm.s32 $_size_execute0_lowered;
	s4 =	sadd.s32 s4, s6;
	[dreg:$0x0] =	wrdreg $0x0  }
0xb7: {  	s6 =	sshll.u32 s28, $0x1;
	[dreg:$0x2] =	wrdreg s4  }
0xb8: {  	[dreg:$0x3] =	wrdreg s6  }
0xb9: {  	[dreg:$0x4] =	wrdreg $0xC0  }
0xba: {  	_ =	task [dreg:s22], $0x5FFFF  }
0xbb: {  	[dreg:$0x1] =	wrdreg $0xFFFFFFFF  }
0xbc: {  	[dreg:$0x0] =	wrdreg $0x60  }
0xbd: {  	[dreg:$0x2] =	wrdreg s24  }
0xbe: {  	[dreg:$0x3] =	wrdreg s18  }
0xbf: {  	[dreg:$0x4] =	wrdreg $0x1C000  }
0xc0: {  	[dreg:$0x5] =	wrdreg $0x9  }
0xc1: {  	_ =	task.clear_ibuf [dreg:s22], $0x6FFFF;
	_ =	strace $0x90000049  }
0xc2: {  	s29 =	simm.s32 $0x9;
	_ =	strace $0x8000004B  }
0xc3: {  	_ =	swait.ge [sflag:s29], $0x1  }
0xc4: {  	[sflag:s29] =	ssyncadd.s32 $0xFFFFFFFF  }
0xc5: {  	_ =	strace $0x9000004B  }
0xc6: {  	_ =	sfence  }
0xc7: {  	s30 =	sld [smem:$0x0];
	_ =	sdelay $0x2  }
0xc8: {  	s31 =	sshll.u32 s1, $0xD;
	s1 =	sshrl.u32 s1, $0x2  }
0xc9: {  	s4 =	sand.u32 $0x4000, s31;
	s1 =	sadd.s32 s1, s30  }
0xca: {  	s0 =	sor.u32 s4, s0;
	s1 =	sshll.u32 s1, $0x11  }
0xcb: {  	s0 =	sor.u32 s1, s0  }
0xcc: {  	s0 =	sadd.s32 $0x8F2B, s0  }
0xcd: {  	[sflag:s0] =	ssyncadd.remote.s32 $0x1  }
0xce: {  	_ =	sfence.sel $0xFFFF  }
0xcf: {  	[dreg:$0x0] =	wrdreg $0xFFFFFFFF;
	(pc) =	sbr.abs _section_cstart, $3  }
0xd0: {  	[dreg:$0x1] =	wrdreg $0xFFFFFFFF  }
0xd1: {  	_ =	task.clear_ibuf [dreg:s22], $0x2FFFF;
	_ =	strace $0x9FFFFFFF  }
0xd2: {  	(tm) =	ssettm $0x7FFFFFFF  }
0xd3: {  	_ =	shalt  }
tec
execute0_lowered:
.L_overlay_start_1:
0x0: {  	(tag) =	ssettag $0x1  }
0x1: {  	s0 =	rddreg [dreg:$0x0]  }
0x2: {  	s1 =	rddreg [dreg:$0x1]  }
0x3: {  	s2 =	rddreg [dreg:$0x2]  }
0x4: {  	s9 =	rddreg [dreg:$0x3]  }
0x5: {  	s31 =	simm.s32 $0x0;
	[dreg:$0x5] =	wrdreg s1  }
0x6: {  	[smem:$0x7FF] =	sst s31;
	s6 =	sadd.s32 $0x64000, s0  }
0x7: {  	s8 =	simm.s32 $0x180;
	_ =	strace $0x8000004A;
	[dreg:$0x4] =	wrdreg s6  }
0x8: {  	s10 =	simm.s32 $0x200;
	[dreg:$0x9] =	wrdreg s8  }
0x9: {  	s5 =	srdreg.scid;
	s11 =	simm.s32 $0x280;
	[dreg:$0xa] =	wrdreg s10  }
0xa: {  	s7 =	stileid.u32;
	s12 =	simm.s32 $0x300;
	[dreg:$0xb] =	wrdreg s11  }
0xb: {  	s13 =	simm.s32 $0x380;
	s14 =	simm.s32 $0x400;
	[dreg:$0xc] =	wrdreg s12  }
0xc: {  	s16 =	simm.s32 $0x480;
	s17 =	simm.s32 $0x500;
	[dreg:$0xd] =	wrdreg s13  }
0xd: {  	s18 =	simm.s32 $0x580;
	s20 =	simm.s32 $0x600;
	[dreg:$0xe] =	wrdreg s14  }
0xe: {  	s21 =	simm.s32 $0x680;
	s22 =	simm.s32 $0x700;
	[dreg:$0xf] =	wrdreg s16  }
0xf: {  	s23 =	simm.s32 $0x780;
	s24 =	simm.s32 $0x800;
	[dreg:$0x10] =	wrdreg s17  }
0x10: {  	s25 =	simm.s32 $0x880;
	s26 =	simm.s32 $0x900;
	[dreg:$0x11] =	wrdreg s18  }
0x11: {  	s28 =	simm.s32 $0xA00;
	s29 =	simm.s32 $0xA80;
	[dreg:$0x12] =	wrdreg s20  }
0x12: {  	s30 =	simm.s32 $0xB00;
	p0 =	por $0x0, $0x0;
	[dreg:$0x13] =	wrdreg s21  }
0x13: {  	s1 =	sand.u32 $0x1, s5;
	s3 =	sshll.u32 s7, $0x1;
	[dreg:$0x14] =	wrdreg s22  }
0x14: {  	s4 =	smul.u32 $0x2720, s7;
	s19 =	sshll.u32 s7, $0x6;
	[dreg:$0x15] =	wrdreg s23  }
0x15: {  	s7 =	simm.s32 $0x1400;
	s3 =	sor.u32 s1, s3;
	[dreg:$0x16] =	wrdreg s24  }
0x16: {  	s5 =	smul.u32 $0x27200, s1;
	s6 =	simm.s32 $0x100;
	[dreg:$0x17] =	wrdreg s25  }
0x17: {  	s1 =	ssub.s32 $0x2, s1;
	s8 =	simm.s32 $0x80;
	[dreg:$0x18] =	wrdreg s26  }
0x18: {  	s26 =	simm.s32 $0x980;
	s18 =	simm.s32 $0xB80;
	s20 =	simm.s32 $0xD00  }
0x19: {  	s21 =	simm.s32 $0xD80;
	s22 =	simm.s32 $0xE00;
	s23 =	simm.s32 $0xE80  }
0x1a: {  	s24 =	simm.s32 $0xF00;
	s25 =	simm.s32 $0xF80;
	s10 =	simm.s32 $0x1000  }
0x1b: {  	s11 =	simm.s32 $0x1080;
	s12 =	simm.s32 $0x1100;
	s13 =	simm.s32 $0x1180  }
0x1c: {  	s14 =	simm.s32 $0x1200;
	s16 =	simm.s32 $0x1300;
	s15 =	sshrl.u32 s1, $0x1  }
0x1d: {  	s17 =	simm.s32 $0x1380;
	s3 =	smul.u32 $0x280, s3;
	s1 =	ssub.s32 s1, s15  }
0x1e: {  	[dreg:$0x8] =	wrdreg s6;
	s6 =	simm.s32 $0x1;
	s1 =	smax.u32 s1, $0x1  }
0x1f: {  	s5 =	sadd.s32 s4, s5;
	s4 =	sadd.s32 s4, s2;
	p1 =	sne.s32 s1, $0x1  }
.Ltmp0:
0x20: {  	s3 =	sadd.s32 s3, s0;
	s5 =	sshrl.u32 s5, $0x3;
	(pc) =	sbr.rel @!p1 .LBB2_1-.Ltmp0, $4  }
0x21: {  	s15 =	simm.s32 $0x1280;
	s0 =	sadd.s32 s5, s0;
	s3 =	sadd.s32 $0x5F000, s3  }
0x22: {  	s4 =	sshrl.u32 s4, $0x3;
	[dreg:$0x6] =	wrdreg s3;
	s0 =	sadd.s32 $0x64600, s0  }
0x23: {  	s5 =	simm.s32 $0x2;
	s3 =	sor.u32 $0x1C02, s19;
	[dreg:$0x7] =	wrdreg s0  }
0x24: {  	s19 =	simm.s32 $0xC80;
	s0 =	sadd.s32 $0xFFFFFFFF, s1;
	s1 =	rddreg [dreg:$0x4]  }
0x25: {  	[spmem:s4], [sflag:s3] =	dma.local [hbm:s1], $0x4E4  }
0x26: {  	_ =	swait.ge [sflag:s5], $0x4E4  }
0x27: {  	[sflag:s5] =	ssyncset.done $0x0  }
0x28: {  	s9 =	rddreg [dreg:$0x6];
	[sflag:s5] =	ssyncadd.s32 $0xFFFFFB1C  }
0x29: {  	[tilespmem:s31], [sflag:$0x2] =	stream.linear.gather [hbm4b:s9+s31], $0x1400, $0x38;
	[tilespmem:$0x4320] =	vst v63  }
0x2a: {  	_ =	swait.ge [sflag:s5], $0x1400  }
0x2b: {  	[sflag:s5] =	ssyncset.done $0x0  }
0x2c: {  	s9 =	rddreg [dreg:$0x5];
	[sflag:s5] =	ssyncadd.s32 $0xFFFFEC00  }
0x2d: {  	[tilespmem:s7], [sflag:$0x2] =	stream.linear.gather [hbm4b:s9+s31], $0x800, $0x38;
	[tilespmem:$0x4320] =	vst v63  }
0x2e: {  	_ =	swait.ge [sflag:s5], $0x800  }
0x2f: {  	[sflag:s5] =	ssyncset.done $0x0  }
0x30: {  	[sflag:s5] =	ssyncadd.s32 $0xFFFFF800  }
0x31: {  	[bflag:$0x0] =	sbarrier.arrive $0xFFFF  }
0x32: {  	[spmem:s2] =	stream.indirect.scatter.add.f32 [tilespmem:s7], [sflag:$0x1], $0x10, s31, s8, $0xb8;
	[tilespmem:$0x4320] =	vst v63  }
0x33: {  	_ = 	snop  }
0x34: {  	[spmem:s2] =	stream.indirect.scatter.add.f32 [tilespmem:s7], [sflag:$0x1], $0x10, s8, s8, $0xb8;
	[tilespmem:$0x4320] =	vst v63  }
0x35: {  	s1 =	rddreg [dreg:$0x8]  }
0x36: {  	[spmem:s2] =	stream.indirect.scatter.add.f32 [tilespmem:s7], [sflag:$0x1], $0x10, s1, s8, $0xb8;
	[tilespmem:$0x4320] =	vst v63  }
0x37: {  	s9 =	smov.u32 s0;
	s0 =	rddreg [dreg:$0x9]  }
0x38: {  	[spmem:s2] =	stream.indirect.scatter.add.f32 [tilespmem:s7], [sflag:$0x1], $0x10, s0, s8, $0xb8;
	[tilespmem:$0x4320] =	vst v63  }
0x39: {  	s1 =	rddreg [dreg:$0xa]  }
0x3a: {  	[spmem:s2] =	stream.indirect.scatter.add.f32 [tilespmem:s7], [sflag:$0x1], $0x10, s1, s8, $0xb8;
	[tilespmem:$0x4320] =	vst v63  }
0x3b: {  	s0 =	rddreg [dreg:$0xb]  }
0x3c: {  	[spmem:s2] =	stream.indirect.scatter.add.f32 [tilespmem:s7], [sflag:$0x1], $0x10, s0, s8, $0xb8;
	[tilespmem:$0x4320] =	vst v63  }
0x3d: {  	s1 =	rddreg [dreg:$0xc]  }
0x3e: {  	[spmem:s2] =	stream.indirect.scatter.add.f32 [tilespmem:s7], [sflag:$0x1], $0x10, s1, s8, $0xb8;
	[tilespmem:$0x4320] =	vst v63  }
0x3f: {  	s0 =	rddreg [dreg:$0xd]  }
0x40: {  	[spmem:s2] =	stream.indirect.scatter.add.f32 [tilespmem:s7], [sflag:$0x1], $0x10, s0, s8, $0xb8;
	[tilespmem:$0x4320] =	vst v63  }
0x41: {  	_ =	swait.ge [sflag:s6], $0x800  }
0x42: {  	[sflag:s6] =	ssyncset.done $0x0  }
0x43: {  	[sflag:s6] =	ssyncadd.s32 $0xFFFFF800  }
0x44: {  	_ =	swait.ge [sflag:s6], $0x800  }
0x45: {  	[sflag:s6] =	ssyncset.done $0x0  }
0x46: {  	[sflag:s6] =	ssyncadd.s32 $0xFFFFF800  }
0x47: {  	_ =	swait.ge [sflag:s6], $0x800  }
0x48: {  	[sflag:s6] =	ssyncset.done $0x0  }
0x49: {  	[sflag:s6] =	ssyncadd.s32 $0xFFFFF800  }
0x4a: {  	_ =	swait.ge [sflag:s6], $0x800  }
0x4b: {  	[sflag:s6] =	ssyncset.done $0x0  }
0x4c: {  	[sflag:s6] =	ssyncadd.s32 $0xFFFFF800  }
0x4d: {  	_ =	swait.ge [sflag:s6], $0x800  }
0x4e: {  	[sflag:s6] =	ssyncset.done $0x0  }
0x4f: {  	[sflag:s6] =	ssyncadd.s32 $0xFFFFF800  }
0x50: {  	_ =	swait.ge [sflag:s6], $0x800  }
0x51: {  	[sflag:s6] =	ssyncset.done $0x0  }
0x52: {  	[sflag:s6] =	ssyncadd.s32 $0xFFFFF800  }
0x53: {  	_ =	swait.ge [sflag:s6], $0x800  }
0x54: {  	[sflag:s6] =	ssyncset.done $0x0  }
0x55: {  	[sflag:s6] =	ssyncadd.s32 $0xFFFFF800  }
0x56: {  	_ =	swait.ge [sflag:s6], $0x800  }
0x57: {  	[sflag:s6] =	ssyncset.done $0x0  }
0x58: {  	s0 =	rddreg [dreg:$0xe];
	[sflag:s6] =	ssyncadd.s32 $0xFFFFF800  }
0x59: {  	[spmem:s2] =	stream.indirect.scatter.add.f32 [tilespmem:s7], [sflag:$0x1], $0x10, s0, s8, $0xb8;
	[tilespmem:$0x4320] =	vst v63  }
0x5a: {  	s1 =	rddreg [dreg:$0xf]  }
0x5b: {  	[spmem:s2] =	stream.indirect.scatter.add.f32 [tilespmem:s7], [sflag:$0x1], $0x10, s1, s8, $0xb8;
	[tilespmem:$0x4320] =	vst v63  }
0x5c: {  	s0 =	rddreg [dreg:$0x10]  }
0x5d: {  	[spmem:s2] =	stream.indirect.scatter.add.f32 [tilespmem:s7], [sflag:$0x1], $0x10, s0, s8, $0xb8;
	[tilespmem:$0x4320] =	vst v63  }
0x5e: {  	s1 =	rddreg [dreg:$0x11]  }
0x5f: {  	[spmem:s2] =	stream.indirect.scatter.add.f32 [tilespmem:s7], [sflag:$0x1], $0x10, s1, s8, $0xb8;
	[tilespmem:$0x4320] =	vst v63  }
0x60: {  	s0 =	rddreg [dreg:$0x12]  }
0x61: {  	[spmem:s2] =	stream.indirect.scatter.add.f32 [tilespmem:s7], [sflag:$0x1], $0x10, s0, s8, $0xb8;
	[tilespmem:$0x4320] =	vst v63  }
0x62: {  	s1 =	rddreg [dreg:$0x13]  }
0x63: {  	[spmem:s2] =	stream.indirect.scatter.add.f32 [tilespmem:s7], [sflag:$0x1], $0x10, s1, s8, $0xb8;
	[tilespmem:$0x4320] =	vst v63  }
0x64: {  	s0 =	rddreg [dreg:$0x14]  }
0x65: {  	[spmem:s2] =	stream.indirect.scatter.add.f32 [tilespmem:s7], [sflag:$0x1], $0x10, s0, s8, $0xb8;
	[tilespmem:$0x4320] =	vst v63  }
0x66: {  	s1 =	rddreg [dreg:$0x15]  }
0x67: {  	[spmem:s2] =	stream.indirect.scatter.add.f32 [tilespmem:s7], [sflag:$0x1], $0x10, s1, s8, $0xb8;
	[tilespmem:$0x4320] =	vst v63  }
0x68: {  	_ =	swait.ge [sflag:s6], $0x800  }
0x69: {  	[sflag:s6] =	ssyncset.done $0x0  }
0x6a: {  	[sflag:s6] =	ssyncadd.s32 $0xFFFFF800  }
0x6b: {  	_ =	swait.ge [sflag:s6], $0x800  }
0x6c: {  	[sflag:s6] =	ssyncset.done $0x0  }
0x6d: {  	[sflag:s6] =	ssyncadd.s32 $0xFFFFF800  }
0x6e: {  	_ =	swait.ge [sflag:s6], $0x800  }
0x6f: {  	[sflag:s6] =	ssyncset.done $0x0  }
0x70: {  	[sflag:s6] =	ssyncadd.s32 $0xFFFFF800  }
0x71: {  	_ =	swait.ge [sflag:s6], $0x800  }
0x72: {  	[sflag:s6] =	ssyncset.done $0x0  }
0x73: {  	[sflag:s6] =	ssyncadd.s32 $0xFFFFF800  }
0x74: {  	_ =	swait.ge [sflag:s6], $0x800  }
0x75: {  	[sflag:s6] =	ssyncset.done $0x0  }
0x76: {  	[sflag:s6] =	ssyncadd.s32 $0xFFFFF800  }
0x77: {  	_ =	swait.ge [sflag:s6], $0x800  }
0x78: {  	[sflag:s6] =	ssyncset.done $0x0  }
0x79: {  	[sflag:s6] =	ssyncadd.s32 $0xFFFFF800  }
0x7a: {  	_ =	swait.ge [sflag:s6], $0x800  }
0x7b: {  	[sflag:s6] =	ssyncset.done $0x0  }
0x7c: {  	[sflag:s6] =	ssyncadd.s32 $0xFFFFF800  }
0x7d: {  	_ =	swait.ge [sflag:s6], $0x800  }
0x7e: {  	[sflag:s6] =	ssyncset.done $0x0  }
0x7f: {  	s0 =	rddreg [dreg:$0x16];
	[sflag:s6] =	ssyncadd.s32 $0xFFFFF800  }
0x80: {  	[spmem:s2] =	stream.indirect.scatter.add.f32 [tilespmem:s7], [sflag:$0x1], $0x10, s0, s8, $0xb8;
	[tilespmem:$0x4320] =	vst v63  }
0x81: {  	s1 =	rddreg [dreg:$0x17]  }
0x82: {  	[spmem:s2] =	stream.indirect.scatter.add.f32 [tilespmem:s7], [sflag:$0x1], $0x10, s1, s8, $0xb8;
	[tilespmem:$0x4320] =	vst v63  }
0x83: {  	s0 =	rddreg [dreg:$0x18]  }
0x84: {  	[spmem:s2] =	stream.indirect.scatter.add.f32 [tilespmem:s7], [sflag:$0x1], $0x10, s0, s8, $0xb8;
	[tilespmem:$0x4320] =	vst v63  }
0x85: {  	_ = 	snop  }
0x86: {  	[spmem:s2] =	stream.indirect.scatter.add.f32 [tilespmem:s7], [sflag:$0x1], $0x10, s26, s8, $0xb8;
	[tilespmem:$0x4320] =	vst v63  }
0x87: {  	_ = 	snop  }
0x88: {  	[spmem:s2] =	stream.indirect.scatter.add.f32 [tilespmem:s7], [sflag:$0x1], $0x10, s28, s8, $0xb8;
	[tilespmem:$0x4320] =	vst v63  }
0x89: {  	_ = 	snop  }
0x8a: {  	[spmem:s2] =	stream.indirect.scatter.add.f32 [tilespmem:s7], [sflag:$0x1], $0x10, s29, s8, $0xb8;
	[tilespmem:$0x4320] =	vst v63  }
0x8b: {  	_ = 	snop  }
0x8c: {  	[spmem:s2] =	stream.indirect.scatter.add.f32 [tilespmem:s7], [sflag:$0x1], $0x10, s30, s8, $0xb8;
	[tilespmem:$0x4320] =	vst v63  }
0x8d: {  	_ = 	snop  }
0x8e: {  	[spmem:s2] =	stream.indirect.scatter.add.f32 [tilespmem:s7], [sflag:$0x1], $0x10, s18, s8, $0xb8;
	[tilespmem:$0x4320] =	vst v63  }
0x8f: {  	_ =	swait.ge [sflag:s6], $0x800  }
0x90: {  	[sflag:s6] =	ssyncset.done $0x0  }
0x91: {  	[sflag:s6] =	ssyncadd.s32 $0xFFFFF800  }
0x92: {  	_ =	swait.ge [sflag:s6], $0x800  }
0x93: {  	[sflag:s6] =	ssyncset.done $0x0  }
0x94: {  	[sflag:s6] =	ssyncadd.s32 $0xFFFFF800  }
0x95: {  	_ =	swait.ge [sflag:s6], $0x800  }
0x96: {  	[sflag:s6] =	ssyncset.done $0x0  }
0x97: {  	[sflag:s6] =	ssyncadd.s32 $0xFFFFF800  }
0x98: {  	_ =	swait.ge [sflag:s6], $0x800  }
0x99: {  	[sflag:s6] =	ssyncset.done $0x0  }
0x9a: {  	[sflag:s6] =	ssyncadd.s32 $0xFFFFF800  }
0x9b: {  	_ =	swait.ge [sflag:s6], $0x800  }
0x9c: {  	[sflag:s6] =	ssyncset.done $0x0  }
0x9d: {  	[sflag:s6] =	ssyncadd.s32 $0xFFFFF800  }
0x9e: {  	_ =	swait.ge [sflag:s6], $0x800  }
0x9f: {  	[sflag:s6] =	ssyncset.done $0x0  }
0xa0: {  	[sflag:s6] =	ssyncadd.s32 $0xFFFFF800  }
0xa1: {  	_ =	swait.ge [sflag:s6], $0x800  }
0xa2: {  	[sflag:s6] =	ssyncset.done $0x0  }
0xa3: {  	[sflag:s6] =	ssyncadd.s32 $0xFFFFF800  }
0xa4: {  	_ =	swait.ge [sflag:s6], $0x800  }
0xa5: {  	[sflag:s6] =	ssyncset.done $0x0  }
0xa6: {  	s1 =	simm.s32 $0xC00;
	[sflag:s6] =	ssyncadd.s32 $0xFFFFF800  }
0xa7: {  	[spmem:s2] =	stream.indirect.scatter.add.f32 [tilespmem:s7], [sflag:$0x1], $0x10, s1, s8, $0xb8;
	[tilespmem:$0x4320] =	vst v63  }
0xa8: {  	_ = 	snop  }
0xa9: {  	[spmem:s2] =	stream.indirect.scatter.add.f32 [tilespmem:s7], [sflag:$0x1], $0x10, s19, s8, $0xb8;
	[tilespmem:$0x4320] =	vst v63  }
0xaa: {  	_ = 	snop  }
0xab: {  	[spmem:s2] =	stream.indirect.scatter.add.f32 [tilespmem:s7], [sflag:$0x1], $0x10, s20, s8, $0xb8;
	[tilespmem:$0x4320] =	vst v63  }
0xac: {  	_ = 	snop  }
0xad: {  	[spmem:s2] =	stream.indirect.scatter.add.f32 [tilespmem:s7], [sflag:$0x1], $0x10, s21, s8, $0xb8;
	[tilespmem:$0x4320] =	vst v63  }
0xae: {  	_ = 	snop  }
0xaf: {  	[spmem:s2] =	stream.indirect.scatter.add.f32 [tilespmem:s7], [sflag:$0x1], $0x10, s22, s8, $0xb8;
	[tilespmem:$0x4320] =	vst v63  }
0xb0: {  	_ = 	snop  }
0xb1: {  	[spmem:s2] =	stream.indirect.scatter.add.f32 [tilespmem:s7], [sflag:$0x1], $0x10, s23, s8, $0xb8;
	[tilespmem:$0x4320] =	vst v63  }
0xb2: {  	_ = 	snop  }
0xb3: {  	[spmem:s2] =	stream.indirect.scatter.add.f32 [tilespmem:s7], [sflag:$0x1], $0x10, s24, s8, $0xb8;
	[tilespmem:$0x4320] =	vst v63  }
0xb4: {  	_ = 	snop  }
0xb5: {  	[spmem:s2] =	stream.indirect.scatter.add.f32 [tilespmem:s7], [sflag:$0x1], $0x10, s25, s8, $0xb8;
	[tilespmem:$0x4320] =	vst v63  }
0xb6: {  	_ =	swait.ge [sflag:s6], $0x800  }
0xb7: {  	[sflag:s6] =	ssyncset.done $0x0  }
0xb8: {  	[sflag:s6] =	ssyncadd.s32 $0xFFFFF800  }
0xb9: {  	_ =	swait.ge [sflag:s6], $0x800  }
0xba: {  	[sflag:s6] =	ssyncset.done $0x0  }
0xbb: {  	[sflag:s6] =	ssyncadd.s32 $0xFFFFF800  }
0xbc: {  	_ =	swait.ge [sflag:s6], $0x800  }
0xbd: {  	[sflag:s6] =	ssyncset.done $0x0  }
0xbe: {  	[sflag:s6] =	ssyncadd.s32 $0xFFFFF800  }
0xbf: {  	_ =	swait.ge [sflag:s6], $0x800  }
0xc0: {  	[sflag:s6] =	ssyncset.done $0x0  }
0xc1: {  	[sflag:s6] =	ssyncadd.s32 $0xFFFFF800  }
0xc2: {  	_ =	swait.ge [sflag:s6], $0x800  }
0xc3: {  	[sflag:s6] =	ssyncset.done $0x0  }
0xc4: {  	[sflag:s6] =	ssyncadd.s32 $0xFFFFF800  }
0xc5: {  	_ =	swait.ge [sflag:s6], $0x800  }
0xc6: {  	[sflag:s6] =	ssyncset.done $0x0  }
0xc7: {  	[sflag:s6] =	ssyncadd.s32 $0xFFFFF800  }
0xc8: {  	_ =	swait.ge [sflag:s6], $0x800  }
0xc9: {  	[sflag:s6] =	ssyncset.done $0x0  }
0xca: {  	[sflag:s6] =	ssyncadd.s32 $0xFFFFF800  }
0xcb: {  	_ =	swait.ge [sflag:s6], $0x800  }
0xcc: {  	[sflag:s6] =	ssyncset.done $0x0  }
0xcd: {  	[sflag:s6] =	ssyncadd.s32 $0xFFFFF800  }
0xce: {  	[spmem:s2] =	stream.indirect.scatter.add.f32 [tilespmem:s7], [sflag:$0x1], $0x10, s10, s8, $0xb8;
	[tilespmem:$0x4320] =	vst v63  }
0xcf: {  	_ = 	snop  }
0xd0: {  	[spmem:s2] =	stream.indirect.scatter.add.f32 [tilespmem:s7], [sflag:$0x1], $0x10, s11, s8, $0xb8;
	[tilespmem:$0x4320] =	vst v63  }
0xd1: {  	_ = 	snop  }
0xd2: {  	[spmem:s2] =	stream.indirect.scatter.add.f32 [tilespmem:s7], [sflag:$0x1], $0x10, s12, s8, $0xb8;
	[tilespmem:$0x4320] =	vst v63  }
0xd3: {  	_ = 	snop  }
0xd4: {  	[spmem:s2] =	stream.indirect.scatter.add.f32 [tilespmem:s7], [sflag:$0x1], $0x10, s13, s8, $0xb8;
	[tilespmem:$0x4320] =	vst v63  }
0xd5: {  	_ = 	snop  }
0xd6: {  	[spmem:s2] =	stream.indirect.scatter.add.f32 [tilespmem:s7], [sflag:$0x1], $0x10, s14, s8, $0xb8;
	[tilespmem:$0x4320] =	vst v63  }
0xd7: {  	_ = 	snop  }
0xd8: {  	[spmem:s2] =	stream.indirect.scatter.add.f32 [tilespmem:s7], [sflag:$0x1], $0x10, s15, s8, $0xb8;
	[tilespmem:$0x4320] =	vst v63  }
0xd9: {  	_ = 	snop  }
0xda: {  	[spmem:s2] =	stream.indirect.scatter.add.f32 [tilespmem:s7], [sflag:$0x1], $0x10, s16, s8, $0xb8;
	[tilespmem:$0x4320] =	vst v63  }
0xdb: {  	_ = 	snop  }
0xdc: {  	[spmem:s2] =	stream.indirect.scatter.add.f32 [tilespmem:s7], [sflag:$0x1], $0x10, s17, s8, $0xb8;
	[tilespmem:$0x4320] =	vst v63  }
0xdd: {  	_ =	swait.ge [sflag:s6], $0x800  }
0xde: {  	[sflag:s6] =	ssyncset.done $0x0  }
0xdf: {  	[sflag:s6] =	ssyncadd.s32 $0xFFFFF800  }
0xe0: {  	_ =	swait.ge [sflag:s6], $0x800  }
0xe1: {  	[sflag:s6] =	ssyncset.done $0x0  }
0xe2: {  	[sflag:s6] =	ssyncadd.s32 $0xFFFFF800  }
0xe3: {  	_ =	swait.ge [sflag:s6], $0x800  }
0xe4: {  	[sflag:s6] =	ssyncset.done $0x0  }
0xe5: {  	[sflag:s6] =	ssyncadd.s32 $0xFFFFF800  }
0xe6: {  	_ =	swait.ge [sflag:s6], $0x800  }
0xe7: {  	[sflag:s6] =	ssyncset.done $0x0  }
0xe8: {  	[sflag:s6] =	ssyncadd.s32 $0xFFFFF800  }
0xe9: {  	_ =	swait.ge [sflag:s6], $0x800  }
0xea: {  	[sflag:s6] =	ssyncset.done $0x0  }
0xeb: {  	[sflag:s6] =	ssyncadd.s32 $0xFFFFF800  }
0xec: {  	_ =	swait.ge [sflag:s6], $0x800  }
0xed: {  	[sflag:s6] =	ssyncset.done $0x0  }
0xee: {  	[sflag:s6] =	ssyncadd.s32 $0xFFFFF800  }
0xef: {  	_ =	swait.ge [sflag:s6], $0x800  }
0xf0: {  	[sflag:s6] =	ssyncset.done $0x0  }
0xf1: {  	[sflag:s6] =	ssyncadd.s32 $0xFFFFF800  }
0xf2: {  	_ =	swait.ge [sflag:s6], $0x800  }
0xf3: {  	[sflag:s6] =	ssyncset.done $0x0  }
0xf4: {  	p1 =	sne.s32 s9, $0x1;
	[sflag:s6] =	ssyncadd.s32 $0xFFFFF800  }
.Ltmp1:
0xf5: {  	[bflag:$0x0] =	sbarrier.arrive $0xFFFF;
	(pc) =	sbr.rel @!p1 .LBB2_3-.Ltmp1, $4  }
0xf6: {  	s1 =	rddreg [dreg:$0x7]  }
0xf7: {  	[hbm:s1], [sflag:s3] =	dma.local [spmem:s4], $0x4E4  }
0xf8: {  	p0 =	por $0x1, $0x1;
	_ =	swait.ge [sflag:s5], $0x4E4  }
0xf9: {  	s0 =	sadd.s32 $0xFFFFFFFF, s9;
	s1 =	rddreg [dreg:$0x4];
	[sflag:s5] =	ssyncset.done $0x0  }
.LBB2_4:
0xfa: {  	[sflag:s5] =	ssyncadd.s32 $0xFFFFFB1C  }
0xfb: {  	[spmem:s4], [sflag:s3] =	dma.local [hbm:s1], $0x4E4  }
0xfc: {  	_ =	swait.ge [sflag:s5], $0x4E4  }
0xfd: {  	[sflag:s5] =	ssyncset.done $0x0  }
0xfe: {  	s9 =	rddreg [dreg:$0x6];
	[sflag:s5] =	ssyncadd.s32 $0xFFFFFB1C  }
0xff: {  	[tilespmem:s31], [sflag:$0x2] =	stream.linear.gather [hbm4b:s9+s31], $0x1400, $0x38;
	[tilespmem:$0x4320] =	vst v63  }
0x100: {  	_ =	swait.ge [sflag:s5], $0x1400  }
0x101: {  	[sflag:s5] =	ssyncset.done $0x0  }
0x102: {  	s9 =	rddreg [dreg:$0x5];
	[sflag:s5] =	ssyncadd.s32 $0xFFFFEC00  }
0x103: {  	[tilespmem:s7], [sflag:$0x2] =	stream.linear.gather [hbm4b:s9+s31], $0x800, $0x38;
	[tilespmem:$0x4320] =	vst v63  }
0x104: {  	_ =	swait.ge [sflag:s5], $0x800  }
0x105: {  	[sflag:s5] =	ssyncset.done $0x0  }
0x106: {  	[sflag:s5] =	ssyncadd.s32 $0xFFFFF800  }
0x107: {  	[bflag:$0x0] =	sbarrier.arrive $0xFFFF  }
0x108: {  	[spmem:s2] =	stream.indirect.scatter.add.f32 [tilespmem:s7], [sflag:$0x1], $0x10, s31, s8, $0xb8;
	[tilespmem:$0x4320] =	vst v63  }
0x109: {  	_ = 	snop  }
0x10a: {  	[spmem:s2] =	stream.indirect.scatter.add.f32 [tilespmem:s7], [sflag:$0x1], $0x10, s8, s8, $0xb8;
	[tilespmem:$0x4320] =	vst v63  }
0x10b: {  	s1 =	rddreg [dreg:$0x8]  }
0x10c: {  	[spmem:s2] =	stream.indirect.scatter.add.f32 [tilespmem:s7], [sflag:$0x1], $0x10, s1, s8, $0xb8;
	[tilespmem:$0x4320] =	vst v63  }
0x10d: {  	s9 =	rddreg [dreg:$0x9]  }
0x10e: {  	[spmem:s2] =	stream.indirect.scatter.add.f32 [tilespmem:s7], [sflag:$0x1], $0x10, s9, s8, $0xb8;
	[tilespmem:$0x4320] =	vst v63  }
0x10f: {  	s1 =	rddreg [dreg:$0xa]  }
0x110: {  	[spmem:s2] =	stream.indirect.scatter.add.f32 [tilespmem:s7], [sflag:$0x1], $0x10, s1, s8, $0xb8;
	[tilespmem:$0x4320] =	vst v63  }
0x111: {  	s9 =	rddreg [dreg:$0xb]  }
0x112: {  	[spmem:s2] =	stream.indirect.scatter.add.f32 [tilespmem:s7], [sflag:$0x1], $0x10, s9, s8, $0xb8;
	[tilespmem:$0x4320] =	vst v63  }
0x113: {  	s1 =	rddreg [dreg:$0xc]  }
0x114: {  	[spmem:s2] =	stream.indirect.scatter.add.f32 [tilespmem:s7], [sflag:$0x1], $0x10, s1, s8, $0xb8;
	[tilespmem:$0x4320] =	vst v63  }
0x115: {  	s9 =	rddreg [dreg:$0xd]  }
0x116: {  	[spmem:s2] =	stream.indirect.scatter.add.f32 [tilespmem:s7], [sflag:$0x1], $0x10, s9, s8, $0xb8;
	[tilespmem:$0x4320] =	vst v63  }
0x117: {  	_ =	swait.ge [sflag:s6], $0x800  }
0x118: {  	[sflag:s6] =	ssyncset.done $0x0  }
0x119: {  	[sflag:s6] =	ssyncadd.s32 $0xFFFFF800  }
0x11a: {  	_ =	swait.ge [sflag:s6], $0x800  }
0x11b: {  	[sflag:s6] =	ssyncset.done $0x0  }
0x11c: {  	[sflag:s6] =	ssyncadd.s32 $0xFFFFF800  }
0x11d: {  	_ =	swait.ge [sflag:s6], $0x800  }
0x11e: {  	[sflag:s6] =	ssyncset.done $0x0  }
0x11f: {  	[sflag:s6] =	ssyncadd.s32 $0xFFFFF800  }
0x120: {  	_ =	swait.ge [sflag:s6], $0x800  }
0x121: {  	[sflag:s6] =	ssyncset.done $0x0  }
0x122: {  	[sflag:s6] =	ssyncadd.s32 $0xFFFFF800  }
0x123: {  	_ =	swait.ge [sflag:s6], $0x800  }
0x124: {  	[sflag:s6] =	ssyncset.done $0x0  }
0x125: {  	[sflag:s6] =	ssyncadd.s32 $0xFFFFF800  }
0x126: {  	_ =	swait.ge [sflag:s6], $0x800  }
0x127: {  	[sflag:s6] =	ssyncset.done $0x0  }
0x128: {  	[sflag:s6] =	ssyncadd.s32 $0xFFFFF800  }
0x129: {  	_ =	swait.ge [sflag:s6], $0x800  }
0x12a: {  	[sflag:s6] =	ssyncset.done $0x0  }
0x12b: {  	[sflag:s6] =	ssyncadd.s32 $0xFFFFF800  }
0x12c: {  	_ =	swait.ge [sflag:s6], $0x800  }
0x12d: {  	[sflag:s6] =	ssyncset.done $0x0  }
0x12e: {  	s1 =	rddreg [dreg:$0xe];
	[sflag:s6] =	ssyncadd.s32 $0xFFFFF800  }
0x12f: {  	[spmem:s2] =	stream.indirect.scatter.add.f32 [tilespmem:s7], [sflag:$0x1], $0x10, s1, s8, $0xb8;
	[tilespmem:$0x4320] =	vst v63  }
0x130: {  	s9 =	rddreg [dreg:$0xf]  }
0x131: {  	[spmem:s2] =	stream.indirect.scatter.add.f32 [tilespmem:s7], [sflag:$0x1], $0x10, s9, s8, $0xb8;
	[tilespmem:$0x4320] =	vst v63  }
0x132: {  	s1 =	rddreg [dreg:$0x10]  }
0x133: {  	[spmem:s2] =	stream.indirect.scatter.add.f32 [tilespmem:s7], [sflag:$0x1], $0x10, s1, s8, $0xb8;
	[tilespmem:$0x4320] =	vst v63  }
0x134: {  	s9 =	rddreg [dreg:$0x11]  }
0x135: {  	[spmem:s2] =	stream.indirect.scatter.add.f32 [tilespmem:s7], [sflag:$0x1], $0x10, s9, s8, $0xb8;
	[tilespmem:$0x4320] =	vst v63  }
0x136: {  	s1 =	rddreg [dreg:$0x12]  }
0x137: {  	[spmem:s2] =	stream.indirect.scatter.add.f32 [tilespmem:s7], [sflag:$0x1], $0x10, s1, s8, $0xb8;
	[tilespmem:$0x4320] =	vst v63  }
0x138: {  	s9 =	rddreg [dreg:$0x13]  }
0x139: {  	[spmem:s2] =	stream.indirect.scatter.add.f32 [tilespmem:s7], [sflag:$0x1], $0x10, s9, s8, $0xb8;
	[tilespmem:$0x4320] =	vst v63  }
0x13a: {  	s1 =	rddreg [dreg:$0x14]  }
0x13b: {  	[spmem:s2] =	stream.indirect.scatter.add.f32 [tilespmem:s7], [sflag:$0x1], $0x10, s1, s8, $0xb8;
	[tilespmem:$0x4320] =	vst v63  }
0x13c: {  	s9 =	rddreg [dreg:$0x15]  }
0x13d: {  	[spmem:s2] =	stream.indirect.scatter.add.f32 [tilespmem:s7], [sflag:$0x1], $0x10, s9, s8, $0xb8;
	[tilespmem:$0x4320] =	vst v63  }
0x13e: {  	_ =	swait.ge [sflag:s6], $0x800  }
0x13f: {  	[sflag:s6] =	ssyncset.done $0x0  }
0x140: {  	[sflag:s6] =	ssyncadd.s32 $0xFFFFF800  }
0x141: {  	_ =	swait.ge [sflag:s6], $0x800  }
0x142: {  	[sflag:s6] =	ssyncset.done $0x0  }
0x143: {  	[sflag:s6] =	ssyncadd.s32 $0xFFFFF800  }
0x144: {  	_ =	swait.ge [sflag:s6], $0x800  }
0x145: {  	[sflag:s6] =	ssyncset.done $0x0  }
0x146: {  	[sflag:s6] =	ssyncadd.s32 $0xFFFFF800  }
0x147: {  	_ =	swait.ge [sflag:s6], $0x800  }
0x148: {  	[sflag:s6] =	ssyncset.done $0x0  }
0x149: {  	[sflag:s6] =	ssyncadd.s32 $0xFFFFF800  }
0x14a: {  	_ =	swait.ge [sflag:s6], $0x800  }
0x14b: {  	[sflag:s6] =	ssyncset.done $0x0  }
0x14c: {  	[sflag:s6] =	ssyncadd.s32 $0xFFFFF800  }
0x14d: {  	_ =	swait.ge [sflag:s6], $0x800  }
0x14e: {  	[sflag:s6] =	ssyncset.done $0x0  }
0x14f: {  	[sflag:s6] =	ssyncadd.s32 $0xFFFFF800  }
0x150: {  	_ =	swait.ge [sflag:s6], $0x800  }
0x151: {  	[sflag:s6] =	ssyncset.done $0x0  }
0x152: {  	[sflag:s6] =	ssyncadd.s32 $0xFFFFF800  }
0x153: {  	_ =	swait.ge [sflag:s6], $0x800  }
0x154: {  	[sflag:s6] =	ssyncset.done $0x0  }
0x155: {  	s1 =	rddreg [dreg:$0x16];
	[sflag:s6] =	ssyncadd.s32 $0xFFFFF800  }
0x156: {  	[spmem:s2] =	stream.indirect.scatter.add.f32 [tilespmem:s7], [sflag:$0x1], $0x10, s1, s8, $0xb8;
	[tilespmem:$0x4320] =	vst v63  }
0x157: {  	s9 =	rddreg [dreg:$0x17]  }
0x158: {  	[spmem:s2] =	stream.indirect.scatter.add.f32 [tilespmem:s7], [sflag:$0x1], $0x10, s9, s8, $0xb8;
	[tilespmem:$0x4320] =	vst v63  }
0x159: {  	s1 =	rddreg [dreg:$0x18]  }
0x15a: {  	[spmem:s2] =	stream.indirect.scatter.add.f32 [tilespmem:s7], [sflag:$0x1], $0x10, s1, s8, $0xb8;
	[tilespmem:$0x4320] =	vst v63  }
0x15b: {  	_ = 	snop  }
0x15c: {  	[spmem:s2] =	stream.indirect.scatter.add.f32 [tilespmem:s7], [sflag:$0x1], $0x10, s26, s8, $0xb8;
	[tilespmem:$0x4320] =	vst v63  }
0x15d: {  	_ = 	snop  }
0x15e: {  	[spmem:s2] =	stream.indirect.scatter.add.f32 [tilespmem:s7], [sflag:$0x1], $0x10, s28, s8, $0xb8;
	[tilespmem:$0x4320] =	vst v63  }
0x15f: {  	_ = 	snop  }
0x160: {  	[spmem:s2] =	stream.indirect.scatter.add.f32 [tilespmem:s7], [sflag:$0x1], $0x10, s29, s8, $0xb8;
	[tilespmem:$0x4320] =	vst v63  }
0x161: {  	_ = 	snop  }
0x162: {  	[spmem:s2] =	stream.indirect.scatter.add.f32 [tilespmem:s7], [sflag:$0x1], $0x10, s30, s8, $0xb8;
	[tilespmem:$0x4320] =	vst v63  }
0x163: {  	_ = 	snop  }
0x164: {  	[spmem:s2] =	stream.indirect.scatter.add.f32 [tilespmem:s7], [sflag:$0x1], $0x10, s18, s8, $0xb8;
	[tilespmem:$0x4320] =	vst v63  }
0x165: {  	_ =	swait.ge [sflag:s6], $0x800  }
0x166: {  	[sflag:s6] =	ssyncset.done $0x0  }
0x167: {  	[sflag:s6] =	ssyncadd.s32 $0xFFFFF800  }
0x168: {  	_ =	swait.ge [sflag:s6], $0x800  }
0x169: {  	[sflag:s6] =	ssyncset.done $0x0  }
0x16a: {  	[sflag:s6] =	ssyncadd.s32 $0xFFFFF800  }
0x16b: {  	_ =	swait.ge [sflag:s6], $0x800  }
0x16c: {  	[sflag:s6] =	ssyncset.done $0x0  }
0x16d: {  	[sflag:s6] =	ssyncadd.s32 $0xFFFFF800  }
0x16e: {  	_ =	swait.ge [sflag:s6], $0x800  }
0x16f: {  	[sflag:s6] =	ssyncset.done $0x0  }
0x170: {  	[sflag:s6] =	ssyncadd.s32 $0xFFFFF800  }
0x171: {  	_ =	swait.ge [sflag:s6], $0x800  }
0x172: {  	[sflag:s6] =	ssyncset.done $0x0  }
0x173: {  	[sflag:s6] =	ssyncadd.s32 $0xFFFFF800  }
0x174: {  	_ =	swait.ge [sflag:s6], $0x800  }
0x175: {  	[sflag:s6] =	ssyncset.done $0x0  }
0x176: {  	[sflag:s6] =	ssyncadd.s32 $0xFFFFF800  }
0x177: {  	_ =	swait.ge [sflag:s6], $0x800  }
0x178: {  	[sflag:s6] =	ssyncset.done $0x0  }
0x179: {  	[sflag:s6] =	ssyncadd.s32 $0xFFFFF800  }
0x17a: {  	_ =	swait.ge [sflag:s6], $0x800  }
0x17b: {  	[sflag:s6] =	ssyncset.done $0x0  }
0x17c: {  	s9 =	simm.s32 $0xC00;
	[sflag:s6] =	ssyncadd.s32 $0xFFFFF800  }
0x17d: {  	[spmem:s2] =	stream.indirect.scatter.add.f32 [tilespmem:s7], [sflag:$0x1], $0x10, s9, s8, $0xb8;
	[tilespmem:$0x4320] =	vst v63  }
0x17e: {  	_ = 	snop  }
0x17f: {  	[spmem:s2] =	stream.indirect.scatter.add.f32 [tilespmem:s7], [sflag:$0x1], $0x10, s19, s8, $0xb8;
	[tilespmem:$0x4320] =	vst v63  }
0x180: {  	_ = 	snop  }
0x181: {  	[spmem:s2] =	stream.indirect.scatter.add.f32 [tilespmem:s7], [sflag:$0x1], $0x10, s20, s8, $0xb8;
	[tilespmem:$0x4320] =	vst v63  }
0x182: {  	_ = 	snop  }
0x183: {  	[spmem:s2] =	stream.indirect.scatter.add.f32 [tilespmem:s7], [sflag:$0x1], $0x10, s21, s8, $0xb8;
	[tilespmem:$0x4320] =	vst v63  }
0x184: {  	_ = 	snop  }
0x185: {  	[spmem:s2] =	stream.indirect.scatter.add.f32 [tilespmem:s7], [sflag:$0x1], $0x10, s22, s8, $0xb8;
	[tilespmem:$0x4320] =	vst v63  }
0x186: {  	_ = 	snop  }
0x187: {  	[spmem:s2] =	stream.indirect.scatter.add.f32 [tilespmem:s7], [sflag:$0x1], $0x10, s23, s8, $0xb8;
	[tilespmem:$0x4320] =	vst v63  }
0x188: {  	_ = 	snop  }
0x189: {  	[spmem:s2] =	stream.indirect.scatter.add.f32 [tilespmem:s7], [sflag:$0x1], $0x10, s24, s8, $0xb8;
	[tilespmem:$0x4320] =	vst v63  }
0x18a: {  	_ = 	snop  }
0x18b: {  	[spmem:s2] =	stream.indirect.scatter.add.f32 [tilespmem:s7], [sflag:$0x1], $0x10, s25, s8, $0xb8;
	[tilespmem:$0x4320] =	vst v63  }
0x18c: {  	_ =	swait.ge [sflag:s6], $0x800  }
0x18d: {  	[sflag:s6] =	ssyncset.done $0x0  }
0x18e: {  	[sflag:s6] =	ssyncadd.s32 $0xFFFFF800  }
0x18f: {  	_ =	swait.ge [sflag:s6], $0x800  }
0x190: {  	[sflag:s6] =	ssyncset.done $0x0  }
0x191: {  	[sflag:s6] =	ssyncadd.s32 $0xFFFFF800  }
0x192: {  	_ =	swait.ge [sflag:s6], $0x800  }
0x193: {  	[sflag:s6] =	ssyncset.done $0x0  }
0x194: {  	[sflag:s6] =	ssyncadd.s32 $0xFFFFF800  }
0x195: {  	_ =	swait.ge [sflag:s6], $0x800  }
0x196: {  	[sflag:s6] =	ssyncset.done $0x0  }
0x197: {  	[sflag:s6] =	ssyncadd.s32 $0xFFFFF800  }
0x198: {  	_ =	swait.ge [sflag:s6], $0x800  }
0x199: {  	[sflag:s6] =	ssyncset.done $0x0  }
0x19a: {  	[sflag:s6] =	ssyncadd.s32 $0xFFFFF800  }
0x19b: {  	_ =	swait.ge [sflag:s6], $0x800  }
0x19c: {  	[sflag:s6] =	ssyncset.done $0x0  }
0x19d: {  	[sflag:s6] =	ssyncadd.s32 $0xFFFFF800  }
0x19e: {  	_ =	swait.ge [sflag:s6], $0x800  }
0x19f: {  	[sflag:s6] =	ssyncset.done $0x0  }
0x1a0: {  	[sflag:s6] =	ssyncadd.s32 $0xFFFFF800  }
0x1a1: {  	_ =	swait.ge [sflag:s6], $0x800  }
0x1a2: {  	[sflag:s6] =	ssyncset.done $0x0  }
0x1a3: {  	[sflag:s6] =	ssyncadd.s32 $0xFFFFF800  }
0x1a4: {  	[spmem:s2] =	stream.indirect.scatter.add.f32 [tilespmem:s7], [sflag:$0x1], $0x10, s10, s8, $0xb8;
	[tilespmem:$0x4320] =	vst v63  }
0x1a5: {  	_ = 	snop  }
0x1a6: {  	[spmem:s2] =	stream.indirect.scatter.add.f32 [tilespmem:s7], [sflag:$0x1], $0x10, s11, s8, $0xb8;
	[tilespmem:$0x4320] =	vst v63  }
0x1a7: {  	_ = 	snop  }
0x1a8: {  	[spmem:s2] =	stream.indirect.scatter.add.f32 [tilespmem:s7], [sflag:$0x1], $0x10, s12, s8, $0xb8;
	[tilespmem:$0x4320] =	vst v63  }
0x1a9: {  	_ = 	snop  }
0x1aa: {  	[spmem:s2] =	stream.indirect.scatter.add.f32 [tilespmem:s7], [sflag:$0x1], $0x10, s13, s8, $0xb8;
	[tilespmem:$0x4320] =	vst v63  }
0x1ab: {  	_ = 	snop  }
0x1ac: {  	[spmem:s2] =	stream.indirect.scatter.add.f32 [tilespmem:s7], [sflag:$0x1], $0x10, s14, s8, $0xb8;
	[tilespmem:$0x4320] =	vst v63  }
0x1ad: {  	_ = 	snop  }
0x1ae: {  	[spmem:s2] =	stream.indirect.scatter.add.f32 [tilespmem:s7], [sflag:$0x1], $0x10, s15, s8, $0xb8;
	[tilespmem:$0x4320] =	vst v63  }
0x1af: {  	_ = 	snop  }
0x1b0: {  	[spmem:s2] =	stream.indirect.scatter.add.f32 [tilespmem:s7], [sflag:$0x1], $0x10, s16, s8, $0xb8;
	[tilespmem:$0x4320] =	vst v63  }
0x1b1: {  	_ = 	snop  }
0x1b2: {  	[spmem:s2] =	stream.indirect.scatter.add.f32 [tilespmem:s7], [sflag:$0x1], $0x10, s17, s8, $0xb8;
	[tilespmem:$0x4320] =	vst v63  }
0x1b3: {  	_ =	swait.ge [sflag:s6], $0x800  }
0x1b4: {  	[sflag:s6] =	ssyncset.done $0x0  }
0x1b5: {  	[sflag:s6] =	ssyncadd.s32 $0xFFFFF800  }
0x1b6: {  	_ =	swait.ge [sflag:s6], $0x800  }
0x1b7: {  	[sflag:s6] =	ssyncset.done $0x0  }
0x1b8: {  	[sflag:s6] =	ssyncadd.s32 $0xFFFFF800  }
0x1b9: {  	_ =	swait.ge [sflag:s6], $0x800  }
0x1ba: {  	[sflag:s6] =	ssyncset.done $0x0  }
0x1bb: {  	[sflag:s6] =	ssyncadd.s32 $0xFFFFF800  }
0x1bc: {  	_ =	swait.ge [sflag:s6], $0x800  }
0x1bd: {  	[sflag:s6] =	ssyncset.done $0x0  }
0x1be: {  	[sflag:s6] =	ssyncadd.s32 $0xFFFFF800  }
0x1bf: {  	_ =	swait.ge [sflag:s6], $0x800  }
0x1c0: {  	[sflag:s6] =	ssyncset.done $0x0  }
0x1c1: {  	[sflag:s6] =	ssyncadd.s32 $0xFFFFF800  }
0x1c2: {  	_ =	swait.ge [sflag:s6], $0x800  }
0x1c3: {  	[sflag:s6] =	ssyncset.done $0x0  }
0x1c4: {  	[sflag:s6] =	ssyncadd.s32 $0xFFFFF800  }
0x1c5: {  	_ =	swait.ge [sflag:s6], $0x800  }
0x1c6: {  	[sflag:s6] =	ssyncset.done $0x0  }
0x1c7: {  	[sflag:s6] =	ssyncadd.s32 $0xFFFFF800  }
0x1c8: {  	_ =	swait.ge [sflag:s6], $0x800  }
0x1c9: {  	[sflag:s6] =	ssyncset.done $0x0  }
0x1ca: {  	p1 =	sne.s32 s0, $0x1;
	[sflag:s6] =	ssyncadd.s32 $0xFFFFF800  }
.Ltmp2:
0x1cb: {  	[bflag:$0x0] =	sbarrier.arrive $0xFFFF;
	(pc) =	sbr.rel @p1 .LBB2_4-.Ltmp2, $4  }
0x1cc: {  	s9 =	rddreg [dreg:$0x7]  }
0x1cd: {  	[hbm:s9], [sflag:s3] =	dma.local [spmem:s4], $0x4E4  }
0x1ce: {  	_ =	swait.ge [sflag:s5], $0x4E4  }
0x1cf: {  	s0 =	sadd.s32 $0xFFFFFFFF, s0;
	s1 =	rddreg [dreg:$0x4];
	[sflag:s5] =	ssyncset.done $0x0  }
0x1d0: {  	s17 =	simm.s32 $0xB80;
	s30 =	simm.s32 $0xB00;
	s29 =	simm.s32 $0xA80  }
0x1d1: {  	s28 =	simm.s32 $0xA00;
	s26 =	simm.s32 $0x980;
	s25 =	simm.s32 $0xF80  }
0x1d2: {  	s24 =	simm.s32 $0xF00;
	s23 =	simm.s32 $0xE80;
	s22 =	simm.s32 $0xE00  }
0x1d3: {  	s21 =	simm.s32 $0xD80;
	s20 =	simm.s32 $0xD00;
	s19 =	simm.s32 $0xC80  }
0x1d4: {  	s18 =	simm.s32 $0xC00;
	s16 =	simm.s32 $0x1300;
	s15 =	simm.s32 $0x1280  }
0x1d5: {  	s14 =	simm.s32 $0x1200;
	s13 =	simm.s32 $0x1180;
	s12 =	simm.s32 $0x1100  }
0x1d6: {  	s11 =	simm.s32 $0x1080;
	s10 =	simm.s32 $0x1000;
	s9 =	rddreg [dreg:$0x3]  }
.LBB2_6:
0x1d7: {  	[sflag:s5] =	ssyncadd.s32 @p0 $0xFFFFFB1C  }
0x1d8: {  	[spmem:s4], [sflag:s3] =	dma.local [hbm:s1], $0x4E4  }
0x1d9: {  	_ =	swait.ge [sflag:s5], $0x4E4  }
0x1da: {  	[sflag:s5] =	ssyncset.done $0x0  }
0x1db: {  	s0 =	rddreg [dreg:$0x6];
	[sflag:s5] =	ssyncadd.s32 $0xFFFFFB1C  }
0x1dc: {  	[tilespmem:s31], [sflag:$0x2] =	stream.linear.gather [hbm4b:s0+s31], $0x1400, $0x38;
	[tilespmem:$0x4320] =	vst v63  }
0x1dd: {  	_ =	swait.ge [sflag:s5], $0x1400  }
0x1de: {  	[sflag:s5] =	ssyncset.done $0x0  }
0x1df: {  	s1 =	rddreg [dreg:$0x5];
	[sflag:s5] =	ssyncadd.s32 $0xFFFFEC00  }
0x1e0: {  	[tilespmem:s7], [sflag:$0x2] =	stream.linear.gather [hbm4b:s1+s31], $0x800, $0x38;
	[tilespmem:$0x4320] =	vst v63  }
0x1e1: {  	_ =	swait.ge [sflag:s5], $0x800  }
0x1e2: {  	[sflag:s5] =	ssyncset.done $0x0  }
0x1e3: {  	[sflag:s5] =	ssyncadd.s32 $0xFFFFF800  }
0x1e4: {  	[bflag:$0x0] =	sbarrier.arrive $0xFFFF  }
0x1e5: {  	[spmem:s2] =	stream.indirect.scatter.add.f32 [tilespmem:s7], [sflag:$0x1], $0x10, s31, s8, $0xb8;
	[tilespmem:$0x4320] =	vst v63  }
0x1e6: {  	_ = 	snop  }
0x1e7: {  	[spmem:s2] =	stream.indirect.scatter.add.f32 [tilespmem:s7], [sflag:$0x1], $0x10, s8, s8, $0xb8;
	[tilespmem:$0x4320] =	vst v63  }
0x1e8: {  	s1 =	rddreg [dreg:$0x8]  }
0x1e9: {  	[spmem:s2] =	stream.indirect.scatter.add.f32 [tilespmem:s7], [sflag:$0x1], $0x10, s1, s8, $0xb8;
	[tilespmem:$0x4320] =	vst v63  }
0x1ea: {  	s31 =	rddreg [dreg:$0x9]  }
0x1eb: {  	[spmem:s2] =	stream.indirect.scatter.add.f32 [tilespmem:s7], [sflag:$0x1], $0x10, s31, s8, $0xb8;
	[tilespmem:$0x4320] =	vst v63  }
0x1ec: {  	s0 =	rddreg [dreg:$0xa]  }
0x1ed: {  	[spmem:s2] =	stream.indirect.scatter.add.f32 [tilespmem:s7], [sflag:$0x1], $0x10, s0, s8, $0xb8;
	[tilespmem:$0x4320] =	vst v63  }
0x1ee: {  	s31 =	rddreg [dreg:$0xb]  }
0x1ef: {  	[spmem:s2] =	stream.indirect.scatter.add.f32 [tilespmem:s7], [sflag:$0x1], $0x10, s31, s8, $0xb8;
	[tilespmem:$0x4320] =	vst v63  }
0x1f0: {  	s0 =	rddreg [dreg:$0xc]  }
0x1f1: {  	[spmem:s2] =	stream.indirect.scatter.add.f32 [tilespmem:s7], [sflag:$0x1], $0x10, s0, s8, $0xb8;
	[tilespmem:$0x4320] =	vst v63  }
0x1f2: {  	s31 =	rddreg [dreg:$0xd]  }
0x1f3: {  	[spmem:s2] =	stream.indirect.scatter.add.f32 [tilespmem:s7], [sflag:$0x1], $0x10, s31, s8, $0xb8;
	[tilespmem:$0x4320] =	vst v63  }
0x1f4: {  	_ =	swait.ge [sflag:s6], $0x800  }
0x1f5: {  	[sflag:s6] =	ssyncset.done $0x0  }
0x1f6: {  	[sflag:s6] =	ssyncadd.s32 $0xFFFFF800  }
0x1f7: {  	_ =	swait.ge [sflag:s6], $0x800  }
0x1f8: {  	[sflag:s6] =	ssyncset.done $0x0  }
0x1f9: {  	[sflag:s6] =	ssyncadd.s32 $0xFFFFF800  }
0x1fa: {  	_ =	swait.ge [sflag:s6], $0x800  }
0x1fb: {  	[sflag:s6] =	ssyncset.done $0x0  }
0x1fc: {  	[sflag:s6] =	ssyncadd.s32 $0xFFFFF800  }
0x1fd: {  	_ =	swait.ge [sflag:s6], $0x800  }
0x1fe: {  	[sflag:s6] =	ssyncset.done $0x0  }
0x1ff: {  	[sflag:s6] =	ssyncadd.s32 $0xFFFFF800  }
0x200: {  	_ =	swait.ge [sflag:s6], $0x800  }
0x201: {  	[sflag:s6] =	ssyncset.done $0x0  }
0x202: {  	[sflag:s6] =	ssyncadd.s32 $0xFFFFF800  }
0x203: {  	_ =	swait.ge [sflag:s6], $0x800  }
0x204: {  	[sflag:s6] =	ssyncset.done $0x0  }
0x205: {  	[sflag:s6] =	ssyncadd.s32 $0xFFFFF800  }
0x206: {  	_ =	swait.ge [sflag:s6], $0x800  }
0x207: {  	[sflag:s6] =	ssyncset.done $0x0  }
0x208: {  	[sflag:s6] =	ssyncadd.s32 $0xFFFFF800  }
0x209: {  	_ =	swait.ge [sflag:s6], $0x800  }
0x20a: {  	[sflag:s6] =	ssyncset.done $0x0  }
0x20b: {  	s1 =	rddreg [dreg:$0xe];
	[sflag:s6] =	ssyncadd.s32 $0xFFFFF800  }
0x20c: {  	[spmem:s2] =	stream.indirect.scatter.add.f32 [tilespmem:s7], [sflag:$0x1], $0x10, s1, s8, $0xb8;
	[tilespmem:$0x4320] =	vst v63  }
0x20d: {  	s31 =	rddreg [dreg:$0xf]  }
0x20e: {  	[spmem:s2] =	stream.indirect.scatter.add.f32 [tilespmem:s7], [sflag:$0x1], $0x10, s31, s8, $0xb8;
	[tilespmem:$0x4320] =	vst v63  }
0x20f: {  	s0 =	rddreg [dreg:$0x10]  }
0x210: {  	[spmem:s2] =	stream.indirect.scatter.add.f32 [tilespmem:s7], [sflag:$0x1], $0x10, s0, s8, $0xb8;
	[tilespmem:$0x4320] =	vst v63  }
0x211: {  	s31 =	rddreg [dreg:$0x11]  }
0x212: {  	[spmem:s2] =	stream.indirect.scatter.add.f32 [tilespmem:s7], [sflag:$0x1], $0x10, s31, s8, $0xb8;
	[tilespmem:$0x4320] =	vst v63  }
0x213: {  	s0 =	rddreg [dreg:$0x12]  }
0x214: {  	[spmem:s2] =	stream.indirect.scatter.add.f32 [tilespmem:s7], [sflag:$0x1], $0x10, s0, s8, $0xb8;
	[tilespmem:$0x4320] =	vst v63  }
0x215: {  	s31 =	rddreg [dreg:$0x13]  }
0x216: {  	[spmem:s2] =	stream.indirect.scatter.add.f32 [tilespmem:s7], [sflag:$0x1], $0x10, s31, s8, $0xb8;
	[tilespmem:$0x4320] =	vst v63  }
0x217: {  	s0 =	rddreg [dreg:$0x14]  }
0x218: {  	[spmem:s2] =	stream.indirect.scatter.add.f32 [tilespmem:s7], [sflag:$0x1], $0x10, s0, s8, $0xb8;
	[tilespmem:$0x4320] =	vst v63  }
0x219: {  	s31 =	rddreg [dreg:$0x15]  }
0x21a: {  	[spmem:s2] =	stream.indirect.scatter.add.f32 [tilespmem:s7], [sflag:$0x1], $0x10, s31, s8, $0xb8;
	[tilespmem:$0x4320] =	vst v63  }
0x21b: {  	_ =	swait.ge [sflag:s6], $0x800  }
0x21c: {  	[sflag:s6] =	ssyncset.done $0x0  }
0x21d: {  	[sflag:s6] =	ssyncadd.s32 $0xFFFFF800  }
0x21e: {  	_ =	swait.ge [sflag:s6], $0x800  }
0x21f: {  	[sflag:s6] =	ssyncset.done $0x0  }
0x220: {  	[sflag:s6] =	ssyncadd.s32 $0xFFFFF800  }
0x221: {  	_ =	swait.ge [sflag:s6], $0x800  }
0x222: {  	[sflag:s6] =	ssyncset.done $0x0  }
0x223: {  	[sflag:s6] =	ssyncadd.s32 $0xFFFFF800  }
0x224: {  	_ =	swait.ge [sflag:s6], $0x800  }
0x225: {  	[sflag:s6] =	ssyncset.done $0x0  }
0x226: {  	[sflag:s6] =	ssyncadd.s32 $0xFFFFF800  }
0x227: {  	_ =	swait.ge [sflag:s6], $0x800  }
0x228: {  	[sflag:s6] =	ssyncset.done $0x0  }
0x229: {  	[sflag:s6] =	ssyncadd.s32 $0xFFFFF800  }
0x22a: {  	_ =	swait.ge [sflag:s6], $0x800  }
0x22b: {  	[sflag:s6] =	ssyncset.done $0x0  }
0x22c: {  	[sflag:s6] =	ssyncadd.s32 $0xFFFFF800  }
0x22d: {  	_ =	swait.ge [sflag:s6], $0x800  }
0x22e: {  	[sflag:s6] =	ssyncset.done $0x0  }
0x22f: {  	[sflag:s6] =	ssyncadd.s32 $0xFFFFF800  }
0x230: {  	_ =	swait.ge [sflag:s6], $0x800  }
0x231: {  	[sflag:s6] =	ssyncset.done $0x0  }
0x232: {  	s31 =	rddreg [dreg:$0x16];
	[sflag:s6] =	ssyncadd.s32 $0xFFFFF800  }
0x233: {  	[spmem:s2] =	stream.indirect.scatter.add.f32 [tilespmem:s7], [sflag:$0x1], $0x10, s31, s8, $0xb8;
	[tilespmem:$0x4320] =	vst v63  }
0x234: {  	s1 =	rddreg [dreg:$0x17]  }
0x235: {  	[spmem:s2] =	stream.indirect.scatter.add.f32 [tilespmem:s7], [sflag:$0x1], $0x10, s1, s8, $0xb8;
	[tilespmem:$0x4320] =	vst v63  }
0x236: {  	s31 =	rddreg [dreg:$0x18]  }
0x237: {  	[spmem:s2] =	stream.indirect.scatter.add.f32 [tilespmem:s7], [sflag:$0x1], $0x10, s31, s8, $0xb8;
	[tilespmem:$0x4320] =	vst v63  }
0x238: {  	_ = 	snop  }
0x239: {  	[spmem:s2] =	stream.indirect.scatter.add.f32 [tilespmem:s7], [sflag:$0x1], $0x10, s26, s8, $0xb8;
	[tilespmem:$0x4320] =	vst v63  }
0x23a: {  	_ = 	snop  }
0x23b: {  	[spmem:s2] =	stream.indirect.scatter.add.f32 [tilespmem:s7], [sflag:$0x1], $0x10, s28, s8, $0xb8;
	[tilespmem:$0x4320] =	vst v63  }
0x23c: {  	_ = 	snop  }
0x23d: {  	[spmem:s2] =	stream.indirect.scatter.add.f32 [tilespmem:s7], [sflag:$0x1], $0x10, s29, s8, $0xb8;
	[tilespmem:$0x4320] =	vst v63  }
0x23e: {  	_ = 	snop  }
0x23f: {  	[spmem:s2] =	stream.indirect.scatter.add.f32 [tilespmem:s7], [sflag:$0x1], $0x10, s30, s8, $0xb8;
	[tilespmem:$0x4320] =	vst v63  }
0x240: {  	_ = 	snop  }
0x241: {  	[spmem:s2] =	stream.indirect.scatter.add.f32 [tilespmem:s7], [sflag:$0x1], $0x10, s17, s8, $0xb8;
	[tilespmem:$0x4320] =	vst v63  }
0x242: {  	_ =	swait.ge [sflag:s6], $0x800  }
0x243: {  	[sflag:s6] =	ssyncset.done $0x0  }
0x244: {  	[sflag:s6] =	ssyncadd.s32 $0xFFFFF800  }
0x245: {  	_ =	swait.ge [sflag:s6], $0x800  }
0x246: {  	[sflag:s6] =	ssyncset.done $0x0  }
0x247: {  	[sflag:s6] =	ssyncadd.s32 $0xFFFFF800  }
0x248: {  	_ =	swait.ge [sflag:s6], $0x800  }
0x249: {  	[sflag:s6] =	ssyncset.done $0x0  }
0x24a: {  	[sflag:s6] =	ssyncadd.s32 $0xFFFFF800  }
0x24b: {  	_ =	swait.ge [sflag:s6], $0x800  }
0x24c: {  	[sflag:s6] =	ssyncset.done $0x0  }
0x24d: {  	[sflag:s6] =	ssyncadd.s32 $0xFFFFF800  }
0x24e: {  	_ =	swait.ge [sflag:s6], $0x800  }
0x24f: {  	[sflag:s6] =	ssyncset.done $0x0  }
0x250: {  	[sflag:s6] =	ssyncadd.s32 $0xFFFFF800  }
0x251: {  	_ =	swait.ge [sflag:s6], $0x800  }
0x252: {  	[sflag:s6] =	ssyncset.done $0x0  }
0x253: {  	[sflag:s6] =	ssyncadd.s32 $0xFFFFF800  }
0x254: {  	_ =	swait.ge [sflag:s6], $0x800  }
0x255: {  	[sflag:s6] =	ssyncset.done $0x0  }
0x256: {  	[sflag:s6] =	ssyncadd.s32 $0xFFFFF800  }
0x257: {  	_ =	swait.ge [sflag:s6], $0x800  }
0x258: {  	[sflag:s6] =	ssyncset.done $0x0  }
0x259: {  	[sflag:s6] =	ssyncadd.s32 $0xFFFFF800  }
0x25a: {  	[spmem:s2] =	stream.indirect.scatter.add.f32 [tilespmem:s7], [sflag:$0x1], $0x10, s18, s8, $0xb8;
	[tilespmem:$0x4320] =	vst v63  }
0x25b: {  	_ = 	snop  }
0x25c: {  	[spmem:s2] =	stream.indirect.scatter.add.f32 [tilespmem:s7], [sflag:$0x1], $0x10, s19, s8, $0xb8;
	[tilespmem:$0x4320] =	vst v63  }
0x25d: {  	_ = 	snop  }
0x25e: {  	[spmem:s2] =	stream.indirect.scatter.add.f32 [tilespmem:s7], [sflag:$0x1], $0x10, s20, s8, $0xb8;
	[tilespmem:$0x4320] =	vst v63  }
0x25f: {  	_ = 	snop  }
0x260: {  	[spmem:s2] =	stream.indirect.scatter.add.f32 [tilespmem:s7], [sflag:$0x1], $0x10, s21, s8, $0xb8;
	[tilespmem:$0x4320] =	vst v63  }
0x261: {  	_ = 	snop  }
0x262: {  	[spmem:s2] =	stream.indirect.scatter.add.f32 [tilespmem:s7], [sflag:$0x1], $0x10, s22, s8, $0xb8;
	[tilespmem:$0x4320] =	vst v63  }
0x263: {  	_ = 	snop  }
0x264: {  	[spmem:s2] =	stream.indirect.scatter.add.f32 [tilespmem:s7], [sflag:$0x1], $0x10, s23, s8, $0xb8;
	[tilespmem:$0x4320] =	vst v63  }
0x265: {  	_ = 	snop  }
0x266: {  	[spmem:s2] =	stream.indirect.scatter.add.f32 [tilespmem:s7], [sflag:$0x1], $0x10, s24, s8, $0xb8;
	[tilespmem:$0x4320] =	vst v63  }
0x267: {  	_ = 	snop  }
0x268: {  	[spmem:s2] =	stream.indirect.scatter.add.f32 [tilespmem:s7], [sflag:$0x1], $0x10, s25, s8, $0xb8;
	[tilespmem:$0x4320] =	vst v63  }
0x269: {  	_ =	swait.ge [sflag:s6], $0x800  }
0x26a: {  	[sflag:s6] =	ssyncset.done $0x0  }
0x26b: {  	[sflag:s6] =	ssyncadd.s32 $0xFFFFF800  }
0x26c: {  	_ =	swait.ge [sflag:s6], $0x800  }
0x26d: {  	[sflag:s6] =	ssyncset.done $0x0  }
0x26e: {  	[sflag:s6] =	ssyncadd.s32 $0xFFFFF800  }
0x26f: {  	_ =	swait.ge [sflag:s6], $0x800  }
0x270: {  	[sflag:s6] =	ssyncset.done $0x0  }
0x271: {  	[sflag:s6] =	ssyncadd.s32 $0xFFFFF800  }
0x272: {  	_ =	swait.ge [sflag:s6], $0x800  }
0x273: {  	[sflag:s6] =	ssyncset.done $0x0  }
0x274: {  	[sflag:s6] =	ssyncadd.s32 $0xFFFFF800  }
0x275: {  	_ =	swait.ge [sflag:s6], $0x800  }
0x276: {  	[sflag:s6] =	ssyncset.done $0x0  }
0x277: {  	[sflag:s6] =	ssyncadd.s32 $0xFFFFF800  }
0x278: {  	_ =	swait.ge [sflag:s6], $0x800  }
0x279: {  	[sflag:s6] =	ssyncset.done $0x0  }
0x27a: {  	[sflag:s6] =	ssyncadd.s32 $0xFFFFF800  }
0x27b: {  	_ =	swait.ge [sflag:s6], $0x800  }
0x27c: {  	[sflag:s6] =	ssyncset.done $0x0  }
0x27d: {  	[sflag:s6] =	ssyncadd.s32 $0xFFFFF800  }
0x27e: {  	_ =	swait.ge [sflag:s6], $0x800  }
0x27f: {  	[sflag:s6] =	ssyncset.done $0x0  }
0x280: {  	[sflag:s6] =	ssyncadd.s32 $0xFFFFF800  }
0x281: {  	[spmem:s2] =	stream.indirect.scatter.add.f32 [tilespmem:s7], [sflag:$0x1], $0x10, s10, s8, $0xb8;
	[tilespmem:$0x4320] =	vst v63  }
0x282: {  	_ = 	snop  }
0x283: {  	[spmem:s2] =	stream.indirect.scatter.add.f32 [tilespmem:s7], [sflag:$0x1], $0x10, s11, s8, $0xb8;
	[tilespmem:$0x4320] =	vst v63  }
0x284: {  	_ = 	snop  }
0x285: {  	[spmem:s2] =	stream.indirect.scatter.add.f32 [tilespmem:s7], [sflag:$0x1], $0x10, s12, s8, $0xb8;
	[tilespmem:$0x4320] =	vst v63  }
0x286: {  	_ = 	snop  }
0x287: {  	[spmem:s2] =	stream.indirect.scatter.add.f32 [tilespmem:s7], [sflag:$0x1], $0x10, s13, s8, $0xb8;
	[tilespmem:$0x4320] =	vst v63  }
0x288: {  	_ = 	snop  }
0x289: {  	[spmem:s2] =	stream.indirect.scatter.add.f32 [tilespmem:s7], [sflag:$0x1], $0x10, s14, s8, $0xb8;
	[tilespmem:$0x4320] =	vst v63  }
0x28a: {  	_ = 	snop  }
0x28b: {  	[spmem:s2] =	stream.indirect.scatter.add.f32 [tilespmem:s7], [sflag:$0x1], $0x10, s15, s8, $0xb8;
	[tilespmem:$0x4320] =	vst v63  }
0x28c: {  	_ = 	snop  }
0x28d: {  	[spmem:s2] =	stream.indirect.scatter.add.f32 [tilespmem:s7], [sflag:$0x1], $0x10, s16, s8, $0xb8;
	[tilespmem:$0x4320] =	vst v63  }
0x28e: {  	s29 =	simm.s32 $0x1380  }
0x28f: {  	[spmem:s2] =	stream.indirect.scatter.add.f32 [tilespmem:s7], [sflag:$0x1], $0x10, s29, s8, $0xb8;
	[tilespmem:$0x4320] =	vst v63  }
0x290: {  	_ =	swait.ge [sflag:s6], $0x800  }
0x291: {  	[sflag:s6] =	ssyncset.done $0x0  }
0x292: {  	[sflag:s6] =	ssyncadd.s32 $0xFFFFF800  }
0x293: {  	_ =	swait.ge [sflag:s6], $0x800  }
0x294: {  	[sflag:s6] =	ssyncset.done $0x0  }
0x295: {  	[sflag:s6] =	ssyncadd.s32 $0xFFFFF800  }
0x296: {  	_ =	swait.ge [sflag:s6], $0x800  }
0x297: {  	[sflag:s6] =	ssyncset.done $0x0  }
0x298: {  	[sflag:s6] =	ssyncadd.s32 $0xFFFFF800  }
0x299: {  	_ =	swait.ge [sflag:s6], $0x800  }
0x29a: {  	[sflag:s6] =	ssyncset.done $0x0  }
0x29b: {  	[sflag:s6] =	ssyncadd.s32 $0xFFFFF800  }
0x29c: {  	_ =	swait.ge [sflag:s6], $0x800  }
0x29d: {  	[sflag:s6] =	ssyncset.done $0x0  }
0x29e: {  	[sflag:s6] =	ssyncadd.s32 $0xFFFFF800  }
0x29f: {  	_ =	swait.ge [sflag:s6], $0x800  }
0x2a0: {  	[sflag:s6] =	ssyncset.done $0x0  }
0x2a1: {  	[sflag:s6] =	ssyncadd.s32 $0xFFFFF800  }
0x2a2: {  	_ =	swait.ge [sflag:s6], $0x800  }
0x2a3: {  	[sflag:s6] =	ssyncset.done $0x0  }
0x2a4: {  	[sflag:s6] =	ssyncadd.s32 $0xFFFFF800  }
0x2a5: {  	_ =	swait.ge [sflag:s6], $0x800  }
0x2a6: {  	[sflag:s6] =	ssyncset.done $0x0  }
0x2a7: {  	[sflag:s6] =	ssyncadd.s32 $0xFFFFF800  }
0x2a8: {  	[bflag:$0x0] =	sbarrier.arrive $0xFFFF  }
0x2a9: {  	s30 =	rddreg [dreg:$0x7]  }
0x2aa: {  	[hbm:s30], [sflag:s3] =	dma.local [spmem:s4], $0x4E4  }
0x2ab: {  	_ =	swait.ge [sflag:s5], $0x4E4  }
0x2ac: {  	[sflag:s5] =	ssyncset.done $0x0  }
0x2ad: {  	[sflag:s5] =	ssyncadd.s32 $0xFFFFFB1C  }
0x2ae: {  	_ =	sfence.sel $0x180000  }
0x2af: {  	s31 =	stileid.u32;
	[bflag:$0x0] =	sbarrier.arrive $0xFFFF  }
0x2b0: {  	p0 =	sne.s32 s31, $0x0;
	_ =	strace $0x9000004A  }
0x2b1: {  	s0 =	sadd.s32 @!p0 $0x100000, s9;
	[bflag:$0x2] =	sbarrier.arrive $0xFFFF  }
0x2b2: {  	[sflag:s0] =	ssyncadd.tile.s32 @!p0 $0x1;
	_ =	shalt  }
.LBB2_1:
0x2b3: {  	s17 =	simm.s32 $0xB80;
	s30 =	simm.s32 $0xB00;
	s29 =	simm.s32 $0xA80  }
0x2b4: {  	s28 =	simm.s32 $0xA00;
	s26 =	simm.s32 $0x980;
	s25 =	simm.s32 $0xF80  }
.Ltmp3:
0x2b5: {  	s24 =	simm.s32 $0xF00;
	s23 =	simm.s32 $0xE80;
	(pc) =	sbr.rel .LBB2_6-.Ltmp3, $4  }
0x2b6: {  	s22 =	simm.s32 $0xE00;
	s21 =	simm.s32 $0xD80;
	s20 =	simm.s32 $0xD00  }
0x2b7: {  	s19 =	simm.s32 $0xC80;
	s18 =	simm.s32 $0xC00;
	s16 =	simm.s32 $0x1300  }
0x2b8: {  	s15 =	simm.s32 $0x1280;
	s14 =	simm.s32 $0x1200;
	s13 =	simm.s32 $0x1180  }
0x2b9: {  	s12 =	simm.s32 $0x1100;
	s11 =	simm.s32 $0x1080;
	s10 =	simm.s32 $0x1000  }
.LBB2_3:
0x2ba: {  	s17 =	simm.s32 $0xB80  }
0x2bb: {  	s30 =	simm.s32 $0xB00;
	s29 =	simm.s32 $0xA80;
	s28 =	simm.s32 $0xA00  }
0x2bc: {  	s26 =	simm.s32 $0x980;
	s25 =	simm.s32 $0xF80;
	s24 =	simm.s32 $0xF00  }
.Ltmp4:
0x2bd: {  	s23 =	simm.s32 $0xE80;
	s22 =	simm.s32 $0xE00;
	(pc) =	sbr.rel .LBB2_6-.Ltmp4, $4  }
0x2be: {  	s21 =	simm.s32 $0xD80;
	s20 =	simm.s32 $0xD00;
	s19 =	simm.s32 $0xC80  }
0x2bf: {  	s18 =	simm.s32 $0xC00;
	s16 =	simm.s32 $0x1300;
	s15 =	simm.s32 $0x1280  }
0x2c0: {  	s14 =	simm.s32 $0x1200;
	s13 =	simm.s32 $0x1180;
	s12 =	simm.s32 $0x1100  }
0x2c1: {  	s11 =	simm.s32 $0x1080;
	s10 =	simm.s32 $0x1000;
	s9 =	rddreg [dreg:$0x3]  }
.Lfunc_end2:
_tile_overlayer_lowered:
.L_overlay_start_2:
0x2c2: {  	(tag) =	ssettag $0x2  }
0x2c3: {  	s0 =	rddreg [dreg:$0x0];
	s2 =	stileid.u32  }
0x2c4: {  	s1 =	rddreg [dreg:$0x1];
	p0 =	sne.s32 s2, $0x0  }
0x2c5: {  	s3 =	rddreg [dreg:$0x2];
	[bflag:$0x3] =	sbarrier.arrive $0xFFFF;
	s2 =	simm.s32 @!p0 $0x1C02  }
0x2c6: {  	[timem:s3], [sflag:s2] =	dma.local @!p0 [hbm:s0], s1  }
0x2c7: {  	s0 =	simm.s32 @!p0 $0x2  }
0x2c8: {  	_ =	swait.ge @!p0 [sflag:s0], s1  }
0x2c9: {  	s1 =	ssub.s32 @!p0 $0x0, s1;
	[sflag:s0] =	ssyncset.done @!p0 $0x0  }
0x2ca: {  	[sflag:s0] =	ssyncadd.s32 @!p0 s1  }
0x2cb: {  	[bflag:$0x3] =	sbarrier.arrive $0xFFFF  }
0x2cc: {  	_ =	shalt  }

// kernel: kernel.18.cloned.1.call-start
scs
__scs_entry_jumppad:
0x0: {  	(pc) =	sbr.rel $0x88, $3  }
0x1: {  	(tag) =	ssettag $0x0;
	lr =	simm.s32 $0x1  }
0x2: {  	[smem:$0x3F8B] =	sst lr;
	_ =	strace $0xD0000000  }
0x3: {  	_ = 	snop  }
0x4: {  	_ = 	snop  }
0x5: {  	_ = 	snop  }
0x6: {  	_ = 	snop  }
0x7: {  	_ = 	snop  }
__scs_overlays_trampoline_lowered:
0x8: {  	[smem:$0x3F9A] =	sst s0  }
0x9: {  	[smem:$0x3F9B] =	sst s1  }
0xa: {  	[smem:$0x3F9C] =	sst s2  }
0xb: {  	[smem:$0x3F9D] =	sst s3  }
0xc: {  	[smem:$0x3F9E] =	sst s4  }
0xd: {  	[smem:$0x3F9F] =	sst s5  }
0xe: {  	[smem:$0x3FA0] =	sst s6  }
0xf: {  	[smem:$0x3FA1] =	sst s7  }
0x10: {  	[smem:$0x3FA2] =	sst s8  }
0x11: {  	[smem:$0x3FA3] =	sst s9;
	s0 =	simm.s32 @!p0 $0x0  }
0x12: {  	s1 =	sld [smem:$0x3F89];
	s0 =	simm.s32 @p0 $0x1  }
0x13: {  	[smem:$0x3FA4] =	sst s0;
	s0 =	simm.s32 @!p1 $0x0  }
0x14: {  	s2 =	sld [smem:$0x3F88];
	s0 =	simm.s32 @p1 $0x1  }
0x15: {  	[smem:$0x3FA5] =	sst s0;
	s0 =	simm.s32 @!p2 $0x0  }
0x16: {  	s3 =	sld [smem:$0x3FDB];
	s0 =	simm.s32 @p2 $0x1  }
0x17: {  	s4 =	simm.s32 $0x1BF5;
	[smem:$0x3FA7] =	sst s0  }
0x18: {  	s0 =	sld [smem:$0x3F8A];
	_ =	swait.ge [sflag:s4], $0x0  }
0x19: {  	s7 =	sld [smem:$0x3F8B]  }
0x1a: {  	s8 =	sadd.s32 $0xFFFFE003, lr  }
0x1b: {  	s9 =	sadd.s32 $0xFFFFFEF7, lr;
	s5 =	simm.s32 $0xFFFFFFFF;
	p2 =	slt.u32 s8, $0xFFFFF086  }
0x1c: {  	p1 =	slt.u32 s9, $0xF7A;
	s5 =	simm.s32 @!p2 $0x0  }
0x1d: {  	s5 =	simm.s32 @p1 $0x1;
	p0 =	seq.s32 s7, s2  }
0x1e: {  	s7 =	smul.u32 @!p0 $0xF7A, s2;
	p2 =	seq.s32 @!p0 s5, $0x0  }
0x1f: {  	s9 =	smul.u32 $0xF7A, s1;
	s8 =	simm.s32 @!p0 $0x1BF5;
	p2 =	por !p2, p0  }
0x20: {  	[sflag:s8] =	ssyncset.s32 @!p0 $0xFFFFF086;
	s6 =	sadd.s32 @!p0 s3, s7;
	s7 =	simm.s32 @!p0 $0x108  }
0x21: {  	s3 =	sadd.s32 s3, s9;
	s6 =	sadd.s32 @!p0 $0x88, s6;
	s7 =	simm.s32 @p2 $0x1082  }
0x22: {  	[simem:s7], [sflag:s8] =	dma.local @!p0 [hbm:s6], $0xF7A  }
0x23: {  	s9 =	sor.u32 $0xD0000000, s2;
	s6 =	simm.s32 $0x108;
	_ =	swait.ge @!p0 [sflag:s8], $0x0  }
0x24: {  	s3 =	sadd.s32 $0x88, s3;
	s6 =	simm.s32 @!p1 $0x1082;
	[sflag:s4] =	ssyncset.s32 $0xFFFFF086  }
0x25: {  	[simem:s6], [sflag:s4] =	dma.local [hbm:s3], $0xF7A  }
0x26: {  	[smem:$0x3F8B] =	sst s1;
	(tag) =	ssettag s2;
	_ =	strace s9  }
0x27: {  	s1 =	sld [smem:$0x3F9B]  }
0x28: {  	s2 =	sld [smem:$0x3F9C]  }
0x29: {  	s4 =	sld [smem:$0x3F9E]  }
0x2a: {  	p0 =	seq.s32 s5, $0x0;
	s5 =	sld [smem:$0x3F9F]  }
0x2b: {  	s6 =	sld [smem:$0x3FA0]  }
0x2c: {  	s7 =	sld [smem:$0x3FA1]  }
0x2d: {  	s3 =	simm.s32 $0x108;
	s8 =	sld [smem:$0x3FA2]  }
0x2e: {  	s3 =	simm.s32 @!p0 $0x1082;
	s9 =	sld [smem:$0x3FA3]  }
0x2f: {  	lr =	sadd.s32 s0, s3;
	s0 =	sld [smem:$0x3F9A]  }
0x30: {  	s3 =	sld [smem:$0x3F9D]  }
0x31: {  	[smem:$0x3FA6] =	sst s10  }
0x32: {  	s10 =	sld [smem:$0x3FA4];
	_ =	sdelay $0x3  }
0x33: {  	p0 =	seq.s32 s10, $0x1;
	s10 =	sld [smem:$0x3FA6];
	_ =	sdelay $0x3  }
0x34: {  	[smem:$0x3FA6] =	sst s10  }
0x35: {  	s10 =	sld [smem:$0x3FA5];
	_ =	sdelay $0x3  }
0x36: {  	p1 =	seq.s32 s10, $0x1;
	s10 =	sld [smem:$0x3FA6];
	_ =	sdelay $0x3  }
0x37: {  	[smem:$0x3FA6] =	sst s10  }
0x38: {  	s10 =	sld [smem:$0x3FA7]  }
0x39: {  	_ = 	snop;
	(pc) =	sbr.ind lr, $3  }
0x3a: {  	_ = 	snop  }
0x3b: {  	_ = 	snop  }
0x3c: {  	p2 =	seq.s32 s10, $0x1;
	s10 =	sld [smem:$0x3FA6]  }
0x3d: {  	_ =	shalt  }
0x3e: {  	_ =	shalt  }
0x3f: {  	_ =	shalt  }
0x40: {  	_ =	shalt  }
0x41: {  	_ =	shalt  }
0x42: {  	_ =	shalt  }
0x43: {  	_ =	shalt  }
0x44: {  	_ =	shalt  }
0x45: {  	_ =	shalt  }
0x46: {  	_ =	shalt  }
0x47: {  	_ =	shalt  }
0x48: {  	_ =	shalt  }
0x49: {  	_ =	shalt  }
0x4a: {  	_ =	shalt  }
0x4b: {  	_ =	shalt  }
0x4c: {  	_ =	shalt  }
0x4d: {  	_ =	shalt  }
0x4e: {  	_ =	shalt  }
0x4f: {  	_ =	shalt  }
0x50: {  	_ =	shalt  }
0x51: {  	_ =	shalt  }
0x52: {  	_ =	shalt  }
0x53: {  	_ =	shalt  }
0x54: {  	_ =	shalt  }
0x55: {  	_ =	shalt  }
0x56: {  	_ =	shalt  }
0x57: {  	_ =	shalt  }
0x58: {  	_ =	shalt  }
0x59: {  	_ =	shalt  }
0x5a: {  	_ =	shalt  }
0x5b: {  	_ =	shalt  }
0x5c: {  	_ =	shalt  }
0x5d: {  	_ =	shalt  }
0x5e: {  	_ =	shalt  }
0x5f: {  	_ =	shalt  }
0x60: {  	_ =	shalt  }
0x61: {  	_ =	shalt  }
0x62: {  	_ =	shalt  }
0x63: {  	_ =	shalt  }
0x64: {  	_ =	shalt  }
0x65: {  	_ =	shalt  }
0x66: {  	_ =	shalt  }
0x67: {  	_ =	shalt  }
0x68: {  	_ =	shalt  }
0x69: {  	_ =	shalt  }
0x6a: {  	_ =	shalt  }
0x6b: {  	_ =	shalt  }
0x6c: {  	_ =	shalt  }
0x6d: {  	_ =	shalt  }
0x6e: {  	_ =	shalt  }
0x6f: {  	_ =	shalt  }
0x70: {  	_ =	shalt  }
0x71: {  	_ =	shalt  }
0x72: {  	_ =	shalt  }
0x73: {  	_ =	shalt  }
0x74: {  	_ =	shalt  }
0x75: {  	_ =	shalt  }
0x76: {  	_ =	shalt  }
0x77: {  	_ =	shalt  }
0x78: {  	_ =	shalt  }
0x79: {  	_ =	shalt  }
0x7a: {  	_ =	shalt  }
0x7b: {  	_ =	shalt  }
0x7c: {  	_ =	shalt  }
0x7d: {  	_ =	shalt  }
0x7e: {  	_ =	shalt  }
0x7f: {  	_ =	shalt  }
0x80: {  	_ =	shalt  }
0x81: {  	_ =	shalt  }
0x82: {  	_ =	shalt  }
0x83: {  	_ =	shalt  }
0x84: {  	_ =	shalt  }
0x85: {  	_ =	shalt  }
0x86: {  	_ =	shalt  }
0x87: {  	_ =	shalt  }
.Lfunc_end0:
.L_simem_size_0:
called_computation.1_lowered:
.L_overlay_start_0:
0x88: {  	s2 =	sld [smem:$0x3FD9]  }
0x89: {  	s3 =	sld [smem:$0x3FFE];
	_ =	sdelay $0x1  }
0x8a: {  	s1 =	srdreg.scid  }
0x8b: {  	s0 =	sand.u32 $0x1, s1  }
0x8c: {  	s16 =	sshll.u32 s0, $0xA;
	s2 =	sadd.s32 s3, s2  }
0x8d: {  	s2 =	sadd.s32 s2, s16  }
0x8e: {  	[smem:$0x3FB2] =	sst s2  }
0x8f: {  	_ = 	snop  }
0x90: {  	(tm) =	ssettm $0x1  }
0x91: {  	s17 =	sld [smem:$0x3FFB];
	_ =	sdelay $0x3  }
0x92: {  	_ =	strace s17  }
0x93: {  	s2 =	sld [smem:$0x3FFC];
	_ =	sdelay $0x3  }
0x94: {  	_ =	strace s2  }
0x95: {  	s2 =	sld [smem:$0x3FFD];
	_ =	sdelay $0x3  }
0x96: {  	_ =	strace s2  }
0x97: {  	_ =	strace $0x8FFFFFFF  }
0x98: {  	s18 =	sld [smem:$0x3FDB];
	_ =	sdelay $0x1  }
0x99: {  	s19 =	simm.s32 $_scs_section_size  }
0x9a: {  	s4 =	simm.s32 $_size__tile_overlayer_lowered;
	s5 =	simm.s32 $_tile_overlayer_lowered  }
0x9b: {  	s22 =	simm.s32 $0x1BFF;
	s21 =	sshll.u32 s5, $0x1;
	s2 =	sadd.s32 s19, s18  }
0x9c: {  	s6 =	simm.s32 $0x0;
	s20 =	sshll.u32 s4, $0x1;
	s4 =	sadd.s32 s21, s2  }
0x9d: {  	[timem:s6], [sflag:s22] =	dma.local [hbm:s4], s20  }
0x9e: {  	_ =	swait.ge [sflag:s22], s20  }
0x9f: {  	s3 =	ssub.s32 $0x0, s20;
	[sflag:s22] =	ssyncset.done $0x0  }
0xa0: {  	[sflag:s22] =	ssyncadd.s32 s3;
	_ =	sdelay $0x1  }
0xa1: {  	s23 =	simm.s32 $0x1B8B  }
0xa2: {  	_ =	swait.ge [sflag:s23], $0x1  }
0xa3: {  	[sflag:s23] =	ssyncset.done $0x0  }
0xa4: {  	s25 =	simm.s32 $0x1B8E;
	s24 =	sld [smem:$0x3FFE];
	[sflag:s23] =	ssyncadd.s32 $0xFFFFFFFF  }
0xa5: {  	s26 =	simm.s32 $execute0_lowered;
	[smem:$0x3FD2] =	sst s25  }
0xa6: {  	s4 =	sshll.u32 s26, $0x1;
	_ =	strace $0x80000046;
	[dreg:$0x1] =	wrdreg $0xFFFFFFFF  }
0xa7: {  	s28 =	simm.s32 $_size_execute0_lowered;
	s2 =	sadd.s32 s2, s4;
	[dreg:$0x0] =	wrdreg $0x0  }
0xa8: {  	s4 =	sshll.u32 s28, $0x1;
	[dreg:$0x2] =	wrdreg s2  }
0xa9: {  	[dreg:$0x3] =	wrdreg s4  }
0xaa: {  	[dreg:$0x4] =	wrdreg $0xC0  }
0xab: {  	_ =	task [dreg:s6], $0x5FFFF  }
0xac: {  	[dreg:$0x1] =	wrdreg $0xFFFFFFFF  }
0xad: {  	[dreg:$0x0] =	wrdreg $0x60  }
0xae: {  	[dreg:$0x2] =	wrdreg s24  }
0xaf: {  	[dreg:$0x3] =	wrdreg $0x54000  }
0xb0: {  	[dreg:$0x4] =	wrdreg $0xA  }
0xb1: {  	_ =	task.clear_ibuf [dreg:s6], $0x5FFFF;
	_ =	strace $0x90000046  }
0xb2: {  	s29 =	simm.s32 $0xA;
	_ =	strace $0x80000048  }
0xb3: {  	_ =	swait.ge [sflag:s29], $0x1  }
0xb4: {  	[sflag:s29] =	ssyncadd.s32 $0xFFFFFFFF  }
0xb5: {  	_ =	strace $0x90000048  }
0xb6: {  	_ =	sfence  }
0xb7: {  	s30 =	sld [smem:$0x0];
	_ =	sdelay $0x2  }
0xb8: {  	s31 =	sshll.u32 s1, $0xD;
	s1 =	sshrl.u32 s1, $0x2  }
0xb9: {  	s3 =	sand.u32 $0x4000, s31;
	s1 =	sadd.s32 s1, s30  }
0xba: {  	s0 =	sor.u32 s3, s0;
	s1 =	sshll.u32 s1, $0x11  }
0xbb: {  	s0 =	sor.u32 s1, s0  }
0xbc: {  	s0 =	sadd.s32 $0x8F2B, s0  }
0xbd: {  	[sflag:s0] =	ssyncadd.remote.s32 $0x1  }
0xbe: {  	_ =	sfence.sel $0xFFFF  }
0xbf: {  	[dreg:$0x0] =	wrdreg $0xFFFFFFFF;
	(pc) =	sbr.abs _section_cstart, $3  }
0xc0: {  	[dreg:$0x1] =	wrdreg $0xFFFFFFFF  }
0xc1: {  	_ =	task.clear_ibuf [dreg:s6], $0x2FFFF;
	_ =	strace $0x9FFFFFFF  }
0xc2: {  	(tm) =	ssettm $0x7FFFFFFF  }
0xc3: {  	_ =	shalt  }
tec
execute0_lowered:
.L_overlay_start_1:
0x0: {  	(tag) =	ssettag $0x1  }
0x1: {  	s4 =	rddreg [dreg:$0x0]  }
0x2: {  	s2 =	rddreg [dreg:$0x1]  }
0x3: {  	s0 =	rddreg [dreg:$0x2]  }
0x4: {  	s1 =	stileid.u32;
	s6 =	srdreg.scid  }
0x5: {  	s3 =	simm.s32 $0x0;
	s12 =	simm.s32 $0x1400;
	s13 =	simm.s32 $0x1C00  }
0x6: {  	s14 =	simm.s32 $0x2400;
	s15 =	simm.s32 $0x2C00;
	s16 =	simm.s32 $0x3400  }
0x7: {  	s17 =	simm.s32 $0x3C00;
	s18 =	simm.s32 $0x4400;
	s19 =	simm.s32 $0x4C00  }
0x8: {  	s20 =	simm.s32 $0x1;
	s21 =	simm.s32 $0x0;
	s5 =	smul.u32 $0x2720, s1  }
0x9: {  	s6 =	sand.u32 $0x1, s6;
	s7 =	smul.u32 $0x28000, s1;
	[smem:$0x7FF] =	sst s3  }
0xa: {  	s8 =	sshll.u32 s1, $0x1;
	s31 =	sshll.u32 s1, $0x6;
	s9 =	smul.u32 $0x14000, s6  }
0xb: {  	_ =	strace $0x80000047;
	s8 =	sor.u32 s6, s8;
	s6 =	ssub.s32 $0x2, s6  }
0xc: {  	s10 =	sshrl.u32 s5, $0x3;
	s8 =	smul.u32 $0x280, s8;
	s29 =	sshrl.u32 s6, $0x1  }
0xd: {  	s11 =	sadd.s32 s5, s2;
	s5 =	sor.u32 $0x1C02, s31;
	s7 =	sadd.s32 s9, s7  }
0xe: {  	s26 =	sadd.s32 s10, s4;
	s30 =	ssub.s32 s6, s29;
	s9 =	sshrl.u32 s11, $0x3  }
0xf: {  	s10 =	simm.s32 $0x2;
	s11 =	simm.s32 $0x80;
	s7 =	sshrl.u32 s7, $0x3  }
0x10: {  	s8 =	sadd.s32 s8, s4;
	s28 =	sadd.s32 s7, s4;
	s4 =	sadd.s32 $0x5000, s26  }
0x11: {  	s6 =	sadd.s32 $0xA000, s8;
	s7 =	smax.u32 s30, $0x1;
	s8 =	sadd.s32 $0xF000, s28  }
.LBB2_1:
0x12: {  	[spmem:s9], [sflag:s5] =	dma.local [hbm:s4], $0x4E4  }
0x13: {  	_ =	swait.ge [sflag:s10], $0x4E4  }
0x14: {  	[sflag:s10] =	ssyncset.done $0x0  }
0x15: {  	[sflag:s10] =	ssyncadd.s32 $0xFFFFFB1C  }
0x16: {  	[tilespmem:s3], [sflag:$0x2] =	stream.linear.gather [hbm4b:s6+s3], $0x1400, $0x38;
	[tilespmem:$0x7B20] =	vst v63  }
0x17: {  	_ =	swait.ge [sflag:s10], $0x1400  }
0x18: {  	[sflag:s10] =	ssyncset.done $0x0  }
0x19: {  	[sflag:s10] =	ssyncadd.s32 $0xFFFFEC00  }
0x1a: {  	s22 =	simm.s32 $0x0;
	[bflag:$0x0] =	sbarrier.arrive $0xFFFF  }
0x1b: {  	[tilespmem:s12], [sflag:$0x1] =	stream.indirect.gather [spmem:s2], $0x10, s22, s11, $0xb8;
	[tilespmem:$0x7B20] =	vst v63  }
0x1c: {  	s24 =	simm.s32 $0x80  }
0x1d: {  	[tilespmem:s13], [sflag:$0x1] =	stream.indirect.gather [spmem:s2], $0x10, s24, s11, $0xb8;
	[tilespmem:$0x7B20] =	vst v63  }
0x1e: {  	s25 =	simm.s32 $0x100  }
0x1f: {  	[tilespmem:s14], [sflag:$0x1] =	stream.indirect.gather [spmem:s2], $0x10, s25, s11, $0xb8;
	[tilespmem:$0x7B20] =	vst v63  }
0x20: {  	s26 =	simm.s32 $0x180  }
0x21: {  	[tilespmem:s15], [sflag:$0x1] =	stream.indirect.gather [spmem:s2], $0x10, s26, s11, $0xb8;
	[tilespmem:$0x7B20] =	vst v63  }
0x22: {  	s28 =	simm.s32 $0x200  }
0x23: {  	[tilespmem:s16], [sflag:$0x1] =	stream.indirect.gather [spmem:s2], $0x10, s28, s11, $0xb8;
	[tilespmem:$0x7B20] =	vst v63  }
0x24: {  	s29 =	simm.s32 $0x280  }
0x25: {  	[tilespmem:s17], [sflag:$0x1] =	stream.indirect.gather [spmem:s2], $0x10, s29, s11, $0xb8;
	[tilespmem:$0x7B20] =	vst v63  }
0x26: {  	s30 =	simm.s32 $0x300  }
0x27: {  	[tilespmem:s18], [sflag:$0x1] =	stream.indirect.gather [spmem:s2], $0x10, s30, s11, $0xb8;
	[tilespmem:$0x7B20] =	vst v63  }
0x28: {  	s31 =	simm.s32 $0x380  }
0x29: {  	[tilespmem:s19], [sflag:$0x1] =	stream.indirect.gather [spmem:s2], $0x10, s31, s11, $0xb8;
	[tilespmem:$0x7B20] =	vst v63  }
0x2a: {  	_ =	swait.ge [sflag:s20], $0x800  }
0x2b: {  	[sflag:s20] =	ssyncset.done $0x0  }
0x2c: {  	[sflag:s20] =	ssyncadd.s32 $0xFFFFF800  }
0x2d: {  	_ =	swait.ge [sflag:s20], $0x800  }
0x2e: {  	[sflag:s20] =	ssyncset.done $0x0  }
0x2f: {  	[sflag:s20] =	ssyncadd.s32 $0xFFFFF800  }
0x30: {  	_ =	swait.ge [sflag:s20], $0x800  }
0x31: {  	[sflag:s20] =	ssyncset.done $0x0  }
0x32: {  	[sflag:s20] =	ssyncadd.s32 $0xFFFFF800  }
0x33: {  	_ =	swait.ge [sflag:s20], $0x800  }
0x34: {  	[sflag:s20] =	ssyncset.done $0x0  }
0x35: {  	[sflag:s20] =	ssyncadd.s32 $0xFFFFF800  }
0x36: {  	_ =	swait.ge [sflag:s20], $0x800  }
0x37: {  	[sflag:s20] =	ssyncset.done $0x0  }
0x38: {  	[sflag:s20] =	ssyncadd.s32 $0xFFFFF800  }
0x39: {  	_ =	swait.ge [sflag:s20], $0x800  }
0x3a: {  	[sflag:s20] =	ssyncset.done $0x0  }
0x3b: {  	[sflag:s20] =	ssyncadd.s32 $0xFFFFF800  }
0x3c: {  	_ =	swait.ge [sflag:s20], $0x800  }
0x3d: {  	[sflag:s20] =	ssyncset.done $0x0  }
0x3e: {  	[sflag:s20] =	ssyncadd.s32 $0xFFFFF800  }
0x3f: {  	_ =	swait.ge [sflag:s20], $0x800  }
0x40: {  	[sflag:s20] =	ssyncset.done $0x0  }
0x41: {  	[sflag:s20] =	ssyncadd.s32 $0xFFFFF800  }
0x42: {  	[hbm4b:s8+s3] =	stream.linear.scatter [tilespmem:s12], [sflag:$0x2], $0x4000, $0x38;
	[tilespmem:$0x7B20] =	vst v63  }
0x43: {  	s23 =	simm.s32 $0x1000;
	_ =	swait.ge [sflag:s10], $0x4000  }
0x44: {  	s22 =	sadd.s32 $0x800, s8;
	s25 =	simm.s32 $0x2000;
	[sflag:s10] =	ssyncset.done $0x0  }
.LBB2_2:
0x45: {  	s26 =	sshra.s32 s23, $0x2  }
0x46: {  	[sflag:s10] =	ssyncadd.s32 $0xFFFFC000;
	s23 =	smov.u32 s25;
	s24 =	sadd.s32 $0x1000, s25  }
0x47: {  	[tilespmem:s12], [sflag:$0x1] =	stream.indirect.gather [spmem:s2], $0x10, s26, s11, $0xb8;
	[tilespmem:$0x7B20] =	vst v63  }
0x48: {  	p0 =	sne.s32 s25, $0x4000;
	s25 =	sadd.s32 $0x80, s26  }
0x49: {  	[tilespmem:s13], [sflag:$0x1] =	stream.indirect.gather [spmem:s2], $0x10, s25, s11, $0xb8;
	[tilespmem:$0x7B20] =	vst v63  }
0x4a: {  	s25 =	sadd.s32 $0x100, s26  }
0x4b: {  	[tilespmem:s14], [sflag:$0x1] =	stream.indirect.gather [spmem:s2], $0x10, s25, s11, $0xb8;
	[tilespmem:$0x7B20] =	vst v63  }
0x4c: {  	s25 =	sadd.s32 $0x180, s26  }
0x4d: {  	[tilespmem:s15], [sflag:$0x1] =	stream.indirect.gather [spmem:s2], $0x10, s25, s11, $0xb8;
	[tilespmem:$0x7B20] =	vst v63  }
0x4e: {  	s25 =	sadd.s32 $0x200, s26  }
0x4f: {  	[tilespmem:s16], [sflag:$0x1] =	stream.indirect.gather [spmem:s2], $0x10, s25, s11, $0xb8;
	[tilespmem:$0x7B20] =	vst v63  }
0x50: {  	s25 =	sadd.s32 $0x280, s26  }
0x51: {  	[tilespmem:s17], [sflag:$0x1] =	stream.indirect.gather [spmem:s2], $0x10, s25, s11, $0xb8;
	[tilespmem:$0x7B20] =	vst v63  }
0x52: {  	s25 =	sadd.s32 $0x300, s26  }
0x53: {  	[tilespmem:s18], [sflag:$0x1] =	stream.indirect.gather [spmem:s2], $0x10, s25, s11, $0xb8;
	[tilespmem:$0x7B20] =	vst v63  }
0x54: {  	s25 =	sadd.s32 $0x380, s26  }
0x55: {  	[tilespmem:s19], [sflag:$0x1] =	stream.indirect.gather [spmem:s2], $0x10, s25, s11, $0xb8;
	[tilespmem:$0x7B20] =	vst v63  }
0x56: {  	_ =	swait.ge [sflag:s20], $0x800  }
0x57: {  	[sflag:s20] =	ssyncset.done $0x0  }
0x58: {  	[sflag:s20] =	ssyncadd.s32 $0xFFFFF800  }
0x59: {  	_ =	swait.ge [sflag:s20], $0x800  }
0x5a: {  	[sflag:s20] =	ssyncset.done $0x0  }
0x5b: {  	[sflag:s20] =	ssyncadd.s32 $0xFFFFF800  }
0x5c: {  	_ =	swait.ge [sflag:s20], $0x800  }
0x5d: {  	[sflag:s20] =	ssyncset.done $0x0  }
0x5e: {  	[sflag:s20] =	ssyncadd.s32 $0xFFFFF800  }
0x5f: {  	_ =	swait.ge [sflag:s20], $0x800  }
0x60: {  	[sflag:s20] =	ssyncset.done $0x0  }
0x61: {  	[sflag:s20] =	ssyncadd.s32 $0xFFFFF800  }
0x62: {  	_ =	swait.ge [sflag:s20], $0x800  }
0x63: {  	[sflag:s20] =	ssyncset.done $0x0  }
0x64: {  	[sflag:s20] =	ssyncadd.s32 $0xFFFFF800  }
0x65: {  	_ =	swait.ge [sflag:s20], $0x800  }
0x66: {  	[sflag:s20] =	ssyncset.done $0x0  }
0x67: {  	[sflag:s20] =	ssyncadd.s32 $0xFFFFF800  }
0x68: {  	_ =	swait.ge [sflag:s20], $0x800  }
0x69: {  	[sflag:s20] =	ssyncset.done $0x0  }
0x6a: {  	[sflag:s20] =	ssyncadd.s32 $0xFFFFF800  }
0x6b: {  	_ =	swait.ge [sflag:s20], $0x800  }
.Ltmp0:
0x6c: {  	[sflag:s20] =	ssyncset.done $0x0;
	(pc) =	sbr.rel @p0 .LBB2_2-.Ltmp0, $4  }
0x6d: {  	[sflag:s20] =	ssyncadd.s32 $0xFFFFF800  }
0x6e: {  	[hbm4b:s22+s3] =	stream.linear.scatter [tilespmem:s12], [sflag:$0x2], $0x4000, $0x38;
	[tilespmem:$0x7B20] =	vst v63  }
0x6f: {  	_ =	swait.ge [sflag:s10], $0x4000  }
0x70: {  	s25 =	smov.u32 s24;
	s22 =	sadd.s32 $0x800, s22;
	[sflag:s10] =	ssyncset.done $0x0  }
0x71: {  	s23 =	sshra.s32 s23, $0x2;
	[sflag:s10] =	ssyncadd.s32 $0xFFFFC000  }
0x72: {  	[tilespmem:s12], [sflag:$0x1] =	stream.indirect.gather [spmem:s2], $0x10, s23, s11, $0xb8;
	[tilespmem:$0x7B20] =	vst v63  }
0x73: {  	s24 =	sadd.s32 $0x80, s23  }
0x74: {  	[tilespmem:s13], [sflag:$0x1] =	stream.indirect.gather [spmem:s2], $0x10, s24, s11, $0xb8;
	[tilespmem:$0x7B20] =	vst v63  }
0x75: {  	s26 =	sadd.s32 $0x100, s23  }
0x76: {  	[tilespmem:s14], [sflag:$0x1] =	stream.indirect.gather [spmem:s2], $0x10, s26, s11, $0xb8;
	[tilespmem:$0x7B20] =	vst v63  }
0x77: {  	s28 =	sadd.s32 $0x180, s23  }
0x78: {  	[tilespmem:s15], [sflag:$0x1] =	stream.indirect.gather [spmem:s2], $0x10, s28, s11, $0xb8;
	[tilespmem:$0x7B20] =	vst v63  }
0x79: {  	s29 =	sadd.s32 $0x200, s23  }
0x7a: {  	[tilespmem:s16], [sflag:$0x1] =	stream.indirect.gather [spmem:s2], $0x10, s29, s11, $0xb8;
	[tilespmem:$0x7B20] =	vst v63  }
0x7b: {  	s30 =	sadd.s32 $0x280, s23  }
0x7c: {  	[tilespmem:s17], [sflag:$0x1] =	stream.indirect.gather [spmem:s2], $0x10, s30, s11, $0xb8;
	[tilespmem:$0x7B20] =	vst v63  }
0x7d: {  	s31 =	sadd.s32 $0x300, s23  }
0x7e: {  	[tilespmem:s18], [sflag:$0x1] =	stream.indirect.gather [spmem:s2], $0x10, s31, s11, $0xb8;
	[tilespmem:$0x7B20] =	vst v63  }
0x7f: {  	s23 =	sadd.s32 $0x380, s23  }
0x80: {  	[tilespmem:s19], [sflag:$0x1] =	stream.indirect.gather [spmem:s2], $0x10, s23, s11, $0xb8;
	[tilespmem:$0x7B20] =	vst v63  }
0x81: {  	_ =	swait.ge [sflag:s20], $0x800  }
0x82: {  	[sflag:s20] =	ssyncset.done $0x0  }
0x83: {  	[sflag:s20] =	ssyncadd.s32 $0xFFFFF800  }
0x84: {  	_ =	swait.ge [sflag:s20], $0x800  }
0x85: {  	[sflag:s20] =	ssyncset.done $0x0  }
0x86: {  	[sflag:s20] =	ssyncadd.s32 $0xFFFFF800  }
0x87: {  	_ =	swait.ge [sflag:s20], $0x800  }
0x88: {  	[sflag:s20] =	ssyncset.done $0x0  }
0x89: {  	[sflag:s20] =	ssyncadd.s32 $0xFFFFF800  }
0x8a: {  	_ =	swait.ge [sflag:s20], $0x800  }
0x8b: {  	[sflag:s20] =	ssyncset.done $0x0  }
0x8c: {  	[sflag:s20] =	ssyncadd.s32 $0xFFFFF800  }
0x8d: {  	_ =	swait.ge [sflag:s20], $0x800  }
0x8e: {  	[sflag:s20] =	ssyncset.done $0x0  }
0x8f: {  	[sflag:s20] =	ssyncadd.s32 $0xFFFFF800  }
0x90: {  	_ =	swait.ge [sflag:s20], $0x800  }
0x91: {  	[sflag:s20] =	ssyncset.done $0x0  }
0x92: {  	[sflag:s20] =	ssyncadd.s32 $0xFFFFF800  }
0x93: {  	_ =	swait.ge [sflag:s20], $0x800  }
0x94: {  	[sflag:s20] =	ssyncset.done $0x0  }
0x95: {  	[sflag:s20] =	ssyncadd.s32 $0xFFFFF800  }
0x96: {  	s21 =	sadd.s32 $0x1, s21;
	_ =	swait.ge [sflag:s20], $0x800  }
0x97: {  	p0 =	sne.s32 s21, s7;
	[sflag:s20] =	ssyncset.done $0x0  }
.Ltmp1:
0x98: {  	[sflag:s20] =	ssyncadd.s32 $0xFFFFF800;
	(pc) =	sbr.rel @p0 .LBB2_1-.Ltmp1, $4  }
0x99: {  	[hbm4b:s22+s3] =	stream.linear.scatter [tilespmem:s12], [sflag:$0x2], $0x4000, $0x38;
	[tilespmem:$0x7B20] =	vst v63  }
0x9a: {  	_ =	swait.ge [sflag:s10], $0x4000  }
0x9b: {  	[sflag:s10] =	ssyncset.done $0x0  }
0x9c: {  	[sflag:s10] =	ssyncadd.s32 $0xFFFFC000  }
0x9d: {  	_ =	sfence.sel $0x180000  }
0x9e: {  	[bflag:$0x0] =	sbarrier.arrive $0xFFFF  }
0x9f: {  	p0 =	sne.s32 s1, $0x0;
	_ =	strace $0x90000047  }
0xa0: {  	s0 =	sadd.s32 @!p0 $0x100000, s0;
	[bflag:$0x2] =	sbarrier.arrive $0xFFFF  }
0xa1: {  	[sflag:s0] =	ssyncadd.tile.s32 @!p0 $0x1;
	_ =	shalt  }
.Lfunc_end2:
_tile_overlayer_lowered:
.L_overlay_start_2:
0xa2: {  	(tag) =	ssettag $0x2  }
0xa3: {  	s0 =	rddreg [dreg:$0x0];
	s2 =	stileid.u32  }
0xa4: {  	s1 =	rddreg [dreg:$0x1];
	p0 =	sne.s32 s2, $0x0  }
0xa5: {  	s3 =	rddreg [dreg:$0x2];
	[bflag:$0x3] =	sbarrier.arrive $0xFFFF;
	s2 =	simm.s32 @!p0 $0x1C02  }
0xa6: {  	[timem:s3], [sflag:s2] =	dma.local @!p0 [hbm:s0], s1  }
0xa7: {  	s0 =	simm.s32 @!p0 $0x2  }
0xa8: {  	_ =	swait.ge @!p0 [sflag:s0], s1  }
0xa9: {  	s1 =	ssub.s32 @!p0 $0x0, s1;
	[sflag:s0] =	ssyncset.done @!p0 $0x0  }
0xaa: {  	[sflag:s0] =	ssyncadd.s32 @!p0 s1  }
0xab: {  	[bflag:$0x3] =	sbarrier.arrive $0xFFFF  }
0xac: {  	_ =	shalt  }

// kernel: kernel.21.cloned.1.call-start
scs
__scs_entry_jumppad:
0x0: {  	(pc) =	sbr.rel $0x88, $3  }
0x1: {  	(tag) =	ssettag $0x0;
	lr =	simm.s32 $0x1  }
0x2: {  	[smem:$0x3F8B] =	sst lr;
	_ =	strace $0xD0000000  }
0x3: {  	_ = 	snop  }
0x4: {  	_ = 	snop  }
0x5: {  	_ = 	snop  }
0x6: {  	_ = 	snop  }
0x7: {  	_ = 	snop  }
__scs_overlays_trampoline_lowered:
0x8: {  	[smem:$0x3F9A] =	sst s0  }
0x9: {  	[smem:$0x3F9B] =	sst s1  }
0xa: {  	[smem:$0x3F9C] =	sst s2  }
0xb: {  	[smem:$0x3F9D] =	sst s3  }
0xc: {  	[smem:$0x3F9E] =	sst s4  }
0xd: {  	[smem:$0x3F9F] =	sst s5  }
0xe: {  	[smem:$0x3FA0] =	sst s6  }
0xf: {  	[smem:$0x3FA1] =	sst s7  }
0x10: {  	[smem:$0x3FA2] =	sst s8  }
0x11: {  	[smem:$0x3FA3] =	sst s9;
	s0 =	simm.s32 @!p0 $0x0  }
0x12: {  	s1 =	sld [smem:$0x3F89];
	s0 =	simm.s32 @p0 $0x1  }
0x13: {  	[smem:$0x3FA4] =	sst s0;
	s0 =	simm.s32 @!p1 $0x0  }
0x14: {  	s2 =	sld [smem:$0x3F88];
	s0 =	simm.s32 @p1 $0x1  }
0x15: {  	[smem:$0x3FA5] =	sst s0;
	s0 =	simm.s32 @!p2 $0x0  }
0x16: {  	s3 =	sld [smem:$0x3FDB];
	s0 =	simm.s32 @p2 $0x1  }
0x17: {  	s4 =	simm.s32 $0x1BF5;
	[smem:$0x3FA7] =	sst s0  }
0x18: {  	s0 =	sld [smem:$0x3F8A];
	_ =	swait.ge [sflag:s4], $0x0  }
0x19: {  	s7 =	sld [smem:$0x3F8B]  }
0x1a: {  	s8 =	sadd.s32 $0xFFFFE003, lr  }
0x1b: {  	s9 =	sadd.s32 $0xFFFFFEF7, lr;
	s5 =	simm.s32 $0xFFFFFFFF;
	p2 =	slt.u32 s8, $0xFFFFF086  }
0x1c: {  	p1 =	slt.u32 s9, $0xF7A;
	s5 =	simm.s32 @!p2 $0x0  }
0x1d: {  	s5 =	simm.s32 @p1 $0x1;
	p0 =	seq.s32 s7, s2  }
0x1e: {  	s7 =	smul.u32 @!p0 $0xF7A, s2;
	p2 =	seq.s32 @!p0 s5, $0x0  }
0x1f: {  	s9 =	smul.u32 $0xF7A, s1;
	s8 =	simm.s32 @!p0 $0x1BF5;
	p2 =	por !p2, p0  }
0x20: {  	[sflag:s8] =	ssyncset.s32 @!p0 $0xFFFFF086;
	s6 =	sadd.s32 @!p0 s3, s7;
	s7 =	simm.s32 @!p0 $0x108  }
0x21: {  	s3 =	sadd.s32 s3, s9;
	s6 =	sadd.s32 @!p0 $0x88, s6;
	s7 =	simm.s32 @p2 $0x1082  }
0x22: {  	[simem:s7], [sflag:s8] =	dma.local @!p0 [hbm:s6], $0xF7A  }
0x23: {  	s9 =	sor.u32 $0xD0000000, s2;
	s6 =	simm.s32 $0x108;
	_ =	swait.ge @!p0 [sflag:s8], $0x0  }
0x24: {  	s3 =	sadd.s32 $0x88, s3;
	s6 =	simm.s32 @!p1 $0x1082;
	[sflag:s4] =	ssyncset.s32 $0xFFFFF086  }
0x25: {  	[simem:s6], [sflag:s4] =	dma.local [hbm:s3], $0xF7A  }
0x26: {  	[smem:$0x3F8B] =	sst s1;
	(tag) =	ssettag s2;
	_ =	strace s9  }
0x27: {  	s1 =	sld [smem:$0x3F9B]  }
0x28: {  	s2 =	sld [smem:$0x3F9C]  }
0x29: {  	s4 =	sld [smem:$0x3F9E]  }
0x2a: {  	p0 =	seq.s32 s5, $0x0;
	s5 =	sld [smem:$0x3F9F]  }
0x2b: {  	s6 =	sld [smem:$0x3FA0]  }
0x2c: {  	s7 =	sld [smem:$0x3FA1]  }
0x2d: {  	s3 =	simm.s32 $0x108;
	s8 =	sld [smem:$0x3FA2]  }
0x2e: {  	s3 =	simm.s32 @!p0 $0x1082;
	s9 =	sld [smem:$0x3FA3]  }
0x2f: {  	lr =	sadd.s32 s0, s3;
	s0 =	sld [smem:$0x3F9A]  }
0x30: {  	s3 =	sld [smem:$0x3F9D]  }
0x31: {  	[smem:$0x3FA6] =	sst s10  }
0x32: {  	s10 =	sld [smem:$0x3FA4];
	_ =	sdelay $0x3  }
0x33: {  	p0 =	seq.s32 s10, $0x1;
	s10 =	sld [smem:$0x3FA6];
	_ =	sdelay $0x3  }
0x34: {  	[smem:$0x3FA6] =	sst s10  }
0x35: {  	s10 =	sld [smem:$0x3FA5];
	_ =	sdelay $0x3  }
0x36: {  	p1 =	seq.s32 s10, $0x1;
	s10 =	sld [smem:$0x3FA6];
	_ =	sdelay $0x3  }
0x37: {  	[smem:$0x3FA6] =	sst s10  }
0x38: {  	s10 =	sld [smem:$0x3FA7]  }
0x39: {  	_ = 	snop;
	(pc) =	sbr.ind lr, $3  }
0x3a: {  	_ = 	snop  }
0x3b: {  	_ = 	snop  }
0x3c: {  	p2 =	seq.s32 s10, $0x1;
	s10 =	sld [smem:$0x3FA6]  }
0x3d: {  	_ =	shalt  }
0x3e: {  	_ =	shalt  }
0x3f: {  	_ =	shalt  }
0x40: {  	_ =	shalt  }
0x41: {  	_ =	shalt  }
0x42: {  	_ =	shalt  }
0x43: {  	_ =	shalt  }
0x44: {  	_ =	shalt  }
0x45: {  	_ =	shalt  }
0x46: {  	_ =	shalt  }
0x47: {  	_ =	shalt  }
0x48: {  	_ =	shalt  }
0x49: {  	_ =	shalt  }
0x4a: {  	_ =	shalt  }
0x4b: {  	_ =	shalt  }
0x4c: {  	_ =	shalt  }
0x4d: {  	_ =	shalt  }
0x4e: {  	_ =	shalt  }
0x4f: {  	_ =	shalt  }
0x50: {  	_ =	shalt  }
0x51: {  	_ =	shalt  }
0x52: {  	_ =	shalt  }
0x53: {  	_ =	shalt  }
0x54: {  	_ =	shalt  }
0x55: {  	_ =	shalt  }
0x56: {  	_ =	shalt  }
0x57: {  	_ =	shalt  }
0x58: {  	_ =	shalt  }
0x59: {  	_ =	shalt  }
0x5a: {  	_ =	shalt  }
0x5b: {  	_ =	shalt  }
0x5c: {  	_ =	shalt  }
0x5d: {  	_ =	shalt  }
0x5e: {  	_ =	shalt  }
0x5f: {  	_ =	shalt  }
0x60: {  	_ =	shalt  }
0x61: {  	_ =	shalt  }
0x62: {  	_ =	shalt  }
0x63: {  	_ =	shalt  }
0x64: {  	_ =	shalt  }
0x65: {  	_ =	shalt  }
0x66: {  	_ =	shalt  }
0x67: {  	_ =	shalt  }
0x68: {  	_ =	shalt  }
0x69: {  	_ =	shalt  }
0x6a: {  	_ =	shalt  }
0x6b: {  	_ =	shalt  }
0x6c: {  	_ =	shalt  }
0x6d: {  	_ =	shalt  }
0x6e: {  	_ =	shalt  }
0x6f: {  	_ =	shalt  }
0x70: {  	_ =	shalt  }
0x71: {  	_ =	shalt  }
0x72: {  	_ =	shalt  }
0x73: {  	_ =	shalt  }
0x74: {  	_ =	shalt  }
0x75: {  	_ =	shalt  }
0x76: {  	_ =	shalt  }
0x77: {  	_ =	shalt  }
0x78: {  	_ =	shalt  }
0x79: {  	_ =	shalt  }
0x7a: {  	_ =	shalt  }
0x7b: {  	_ =	shalt  }
0x7c: {  	_ =	shalt  }
0x7d: {  	_ =	shalt  }
0x7e: {  	_ =	shalt  }
0x7f: {  	_ =	shalt  }
0x80: {  	_ =	shalt  }
0x81: {  	_ =	shalt  }
0x82: {  	_ =	shalt  }
0x83: {  	_ =	shalt  }
0x84: {  	_ =	shalt  }
0x85: {  	_ =	shalt  }
0x86: {  	_ =	shalt  }
0x87: {  	_ =	shalt  }
.Lfunc_end0:
.L_simem_size_0:
called_computation.2_lowered:
.L_overlay_start_0:
0x88: {  	s2 =	sld [smem:$0x3FD9]  }
0x89: {  	s3 =	sld [smem:$0x3FFE];
	_ =	sdelay $0x1  }
0x8a: {  	s1 =	srdreg.scid  }
0x8b: {  	s0 =	sand.u32 $0x1, s1  }
0x8c: {  	s17 =	sshll.u32 s0, $0xA;
	s2 =	sadd.s32 s3, s2  }
0x8d: {  	s2 =	sadd.s32 s2, s17  }
0x8e: {  	[smem:$0x3FB2] =	sst s2  }
0x8f: {  	_ = 	snop  }
0x90: {  	(tm) =	ssettm $0x1  }
0x91: {  	s18 =	sld [smem:$0x3FFB];
	_ =	sdelay $0x3  }
0x92: {  	_ =	strace s18  }
0x93: {  	s2 =	sld [smem:$0x3FFC];
	_ =	sdelay $0x3  }
0x94: {  	_ =	strace s2  }
0x95: {  	s2 =	sld [smem:$0x3FFD];
	_ =	sdelay $0x3  }
0x96: {  	_ =	strace s2  }
0x97: {  	_ =	strace $0x8FFFFFFF  }
0x98: {  	s19 =	sld [smem:$0x3FDB];
	_ =	sdelay $0x1  }
0x99: {  	s20 =	simm.s32 $_scs_section_size  }
0x9a: {  	s4 =	simm.s32 $_size__tile_overlayer_lowered;
	s5 =	simm.s32 $_tile_overlayer_lowered  }
0x9b: {  	s6 =	simm.s32 $0x1BFF;
	s21 =	sshll.u32 s5, $0x1;
	s3 =	sadd.s32 s20, s19  }
0x9c: {  	s22 =	simm.s32 $0x0;
	s4 =	sshll.u32 s4, $0x1;
	s5 =	sadd.s32 s21, s3  }
0x9d: {  	[timem:s22], [sflag:s6] =	dma.local [hbm:s5], s4  }
0x9e: {  	_ =	swait.ge [sflag:s6], s4  }
0x9f: {  	s4 =	ssub.s32 $0x0, s4;
	[sflag:s6] =	ssyncset.done $0x0  }
0xa0: {  	[sflag:s6] =	ssyncadd.s32 s4;
	_ =	sdelay $0x1  }
0xa1: {  	s23 =	simm.s32 $0x1B8B  }
0xa2: {  	_ =	swait.ge [sflag:s23], $0x1  }
0xa3: {  	[sflag:s23] =	ssyncset.done $0x0  }
0xa4: {  	[sflag:s23] =	ssyncadd.s32 $0xFFFFFFFF  }
0xa5: {  	s4 =	sld [smem:$0x0]  }
0xa6: {  	s5 =	sand.u32 $0xFFFFFFFE, s1  }
0xa7: {  	p0 =	sne.s32 s1, s5  }
0xa8: {  	s5 =	sshll.u32 @p0 s5, $0xE  }
0xa9: {  	s5 =	sadd.s32 @p0 $0x11B8D, s5;
	s6 =	sshll.u32 @p0 s4, $0x11  }
0xaa: {  	s5 =	sor.u32 @p0 s6, s5  }
0xab: {  	[sflag:s5] =	ssyncadd.remote.s32 @p0 $0x1;
	_ =	sdelay $0x1  }
0xac: {  	s5 =	simm.s32 @p0 $0x1B8D  }
0xad: {  	_ =	swait.eq @p0 [sflag:s5], $0x1  }
0xae: {  	[sflag:s5] =	ssyncadd.s32 @p0 $0xFFFFFFFF  }
0xaf: {  	s6 =	sshll.u32 @!p0 s1, $0xE  }
0xb0: {  	s6 =	sor.u32 @!p0 $0x4000, s6;
	s5 =	simm.s32 @!p0 $0x1B8D  }
0xb1: {  	s4 =	sshll.u32 @!p0 s4, $0x11;
	s6 =	sadd.s32 @!p0 $0x11B8D, s6;
	_ =	swait.eq @!p0 [sflag:s5], $0x1  }
0xb2: {  	s4 =	sor.u32 @!p0 s4, s6;
	[sflag:s5] =	ssyncadd.s32 @!p0 $0xFFFFFFFF  }
0xb3: {  	s25 =	simm.s32 $0x1B8E;
	s24 =	sld [smem:$0x3FFE];
	[sflag:s4] =	ssyncadd.remote.s32 @!p0 $0x1  }
0xb4: {  	s26 =	simm.s32 $execute0_lowered;
	[smem:$0x3FD2] =	sst s25  }
0xb5: {  	s5 =	sshll.u32 s26, $0x1;
	_ =	strace $0x8000004C;
	[dreg:$0x1] =	wrdreg $0xFFFFFFFF  }
0xb6: {  	s28 =	simm.s32 $_size_execute0_lowered;
	s3 =	sadd.s32 s3, s5;
	[dreg:$0x0] =	wrdreg $0x0  }
0xb7: {  	s5 =	sshll.u32 s28, $0x1;
	[dreg:$0x2] =	wrdreg s3  }
0xb8: {  	[dreg:$0x3] =	wrdreg s5  }
0xb9: {  	[dreg:$0x4] =	wrdreg $0xC0  }
0xba: {  	_ =	task [dreg:s22], $0x5FFFF  }
0xbb: {  	[dreg:$0x1] =	wrdreg $0xFFFFFFFF  }
0xbc: {  	[dreg:$0x0] =	wrdreg $0x60  }
0xbd: {  	[dreg:$0x2] =	wrdreg s24  }
0xbe: {  	[dreg:$0x3] =	wrdreg $0x54000  }
0xbf: {  	[dreg:$0x4] =	wrdreg $0xA  }
0xc0: {  	_ =	task.clear_ibuf [dreg:s22], $0x5FFFF;
	_ =	strace $0x9000004C  }
0xc1: {  	s29 =	simm.s32 $0xA;
	_ =	strace $0x8000004E  }
0xc2: {  	_ =	swait.ge [sflag:s29], $0x1  }
0xc3: {  	[sflag:s29] =	ssyncadd.s32 $0xFFFFFFFF  }
0xc4: {  	_ =	strace $0x9000004E  }
0xc5: {  	_ =	sfence  }
0xc6: {  	s30 =	sld [smem:$0x0];
	_ =	sdelay $0x2  }
0xc7: {  	s31 =	sshll.u32 s1, $0xD;
	s1 =	sshrl.u32 s1, $0x2  }
0xc8: {  	s4 =	sand.u32 $0x4000, s31;
	s1 =	sadd.s32 s1, s30  }
0xc9: {  	s0 =	sor.u32 s4, s0;
	s1 =	sshll.u32 s1, $0x11  }
0xca: {  	s0 =	sor.u32 s1, s0  }
0xcb: {  	s0 =	sadd.s32 $0x8F2B, s0  }
0xcc: {  	[sflag:s0] =	ssyncadd.remote.s32 $0x1  }
0xcd: {  	_ =	sfence.sel $0xFFFF  }
0xce: {  	[dreg:$0x0] =	wrdreg $0xFFFFFFFF;
	(pc) =	sbr.abs _section_cstart, $3  }
0xcf: {  	[dreg:$0x1] =	wrdreg $0xFFFFFFFF  }
0xd0: {  	_ =	task.clear_ibuf [dreg:s22], $0x2FFFF;
	_ =	strace $0x9FFFFFFF  }
0xd1: {  	(tm) =	ssettm $0x7FFFFFFF  }
tec
execute0_lowered:
.L_overlay_start_1:
0x0: {  	(tag) =	ssettag $0x1  }
0x1: {  	s5 =	rddreg [dreg:$0x0];
	s1 =	srdreg.scid  }
0x2: {  	s0 =	stileid.u32;
	s2 =	rddreg [dreg:$0x1];
	s3 =	simm.s32 $0x0  }
0x3: {  	s13 =	simm.s32 $0x80;
	s14 =	simm.s32 $0x1C00;
	s15 =	simm.s32 $0x2400  }
0x4: {  	s16 =	simm.s32 $0x2C00;
	s17 =	simm.s32 $0x3400;
	s18 =	simm.s32 $0x3C00  }
0x5: {  	s19 =	simm.s32 $0x4400;
	s20 =	simm.s32 $0x4C00;
	s21 =	simm.s32 $0x1  }
0x6: {  	s22 =	simm.s32 $0x0;
	s4 =	sand.u32 $0x1, s1;
	s6 =	smul.u32 $0x28000, s0  }
0x7: {  	s1 =	rddreg [dreg:$0x2];
	s8 =	sshll.u32 s0, $0x1;
	s9 =	smul.u32 $0x2720, s0  }
0x8: {  	[smem:$0x7FF] =	sst s3;
	s31 =	sshll.u32 s0, $0x6;
	s7 =	smul.u32 $0x14000, s4  }
0x9: {  	s25 =	sor.u32 s4, s8;
	s26 =	smul.u32 $0x27200, s4;
	s29 =	ssub.s32 $0x2, s4  }
0xa: {  	_ =	strace $0x8000004D;
	s4 =	sadd.s32 $0x64000, s5;
	s30 =	sshrl.u32 s29, $0x1  }
0xb: {  	s12 =	sadd.s32 s9, s2;
	s6 =	sadd.s32 s7, s6;
	s7 =	smul.u32 $0x280, s25  }
0xc: {  	s28 =	sadd.s32 s9, s26;
	s8 =	ssub.s32 s29, s30;
	s6 =	sshrl.u32 s6, $0x3  }
0xd: {  	s8 =	smax.u32 s8, $0x1;
	s10 =	sadd.s32 s6, s5;
	s6 =	sshrl.u32 s28, $0x3  }
0xe: {  	s7 =	sadd.s32 s7, s5;
	s11 =	sadd.s32 s6, s5;
	s5 =	sor.u32 $0x1C02, s31  }
0xf: {  	s6 =	sadd.s32 $0x5F000, s7;
	s9 =	sadd.s32 $0xF000, s10;
	s10 =	sshrl.u32 s12, $0x3  }
0x10: {  	s12 =	simm.s32 $0x1400;
	s7 =	sadd.s32 $0x6E400, s11;
	s11 =	simm.s32 $0x2  }
.LBB2_1:
0x11: {  	[spmem:s10], [sflag:s5] =	dma.local [hbm:s4], $0x4E4  }
0x12: {  	_ =	swait.ge [sflag:s11], $0x4E4  }
0x13: {  	[sflag:s11] =	ssyncset.done $0x0  }
0x14: {  	[sflag:s11] =	ssyncadd.s32 $0xFFFFFB1C  }
0x15: {  	[tilespmem:s3], [sflag:$0x2] =	stream.linear.gather [hbm4b:s6+s3], $0x1400, $0x38;
	[tilespmem:$0x7B20] =	vst v63  }
0x16: {  	_ =	swait.ge [sflag:s11], $0x1400  }
0x17: {  	[sflag:s11] =	ssyncset.done $0x0  }
0x18: {  	[sflag:s11] =	ssyncadd.s32 $0xFFFFEC00  }
0x19: {  	[bflag:$0x0] =	sbarrier.arrive $0xFFFF  }
0x1a: {  	[tilespmem:s12], [sflag:$0x2] =	stream.linear.gather [hbm4b:s9+s3], $0x4000, $0x38;
	[tilespmem:$0x7B20] =	vst v63  }
0x1b: {  	_ =	swait.ge [sflag:s11], $0x4000  }
0x1c: {  	[sflag:s11] =	ssyncset.done $0x0  }
0x1d: {  	s23 =	simm.s32 $0x0;
	[sflag:s11] =	ssyncadd.s32 $0xFFFFC000  }
0x1e: {  	[spmem:s2] =	stream.indirect.scatter.add.f32 [tilespmem:s12], [sflag:$0x1], $0x10, s23, s13, $0xb8;
	[tilespmem:$0x7B20] =	vst v63  }
0x1f: {  	s24 =	simm.s32 $0x80  }
0x20: {  	[spmem:s2] =	stream.indirect.scatter.add.f32 [tilespmem:s14], [sflag:$0x1], $0x10, s24, s13, $0xb8;
	[tilespmem:$0x7B20] =	vst v63  }
0x21: {  	s25 =	simm.s32 $0x100  }
0x22: {  	[spmem:s2] =	stream.indirect.scatter.add.f32 [tilespmem:s15], [sflag:$0x1], $0x10, s25, s13, $0xb8;
	[tilespmem:$0x7B20] =	vst v63  }
0x23: {  	s26 =	simm.s32 $0x180  }
0x24: {  	[spmem:s2] =	stream.indirect.scatter.add.f32 [tilespmem:s16], [sflag:$0x1], $0x10, s26, s13, $0xb8;
	[tilespmem:$0x7B20] =	vst v63  }
0x25: {  	s28 =	simm.s32 $0x200  }
0x26: {  	[spmem:s2] =	stream.indirect.scatter.add.f32 [tilespmem:s17], [sflag:$0x1], $0x10, s28, s13, $0xb8;
	[tilespmem:$0x7B20] =	vst v63  }
0x27: {  	s29 =	simm.s32 $0x280  }
0x28: {  	[spmem:s2] =	stream.indirect.scatter.add.f32 [tilespmem:s18], [sflag:$0x1], $0x10, s29, s13, $0xb8;
	[tilespmem:$0x7B20] =	vst v63  }
0x29: {  	s30 =	simm.s32 $0x300  }
0x2a: {  	[spmem:s2] =	stream.indirect.scatter.add.f32 [tilespmem:s19], [sflag:$0x1], $0x10, s30, s13, $0xb8;
	[tilespmem:$0x7B20] =	vst v63  }
0x2b: {  	s31 =	simm.s32 $0x380  }
0x2c: {  	[spmem:s2] =	stream.indirect.scatter.add.f32 [tilespmem:s20], [sflag:$0x1], $0x10, s31, s13, $0xb8;
	[tilespmem:$0x7B20] =	vst v63  }
0x2d: {  	_ =	swait.ge [sflag:s21], $0x800  }
0x2e: {  	[sflag:s21] =	ssyncset.done $0x0  }
0x2f: {  	[sflag:s21] =	ssyncadd.s32 $0xFFFFF800  }
0x30: {  	_ =	swait.ge [sflag:s21], $0x800  }
0x31: {  	[sflag:s21] =	ssyncset.done $0x0  }
0x32: {  	[sflag:s21] =	ssyncadd.s32 $0xFFFFF800  }
0x33: {  	_ =	swait.ge [sflag:s21], $0x800  }
0x34: {  	[sflag:s21] =	ssyncset.done $0x0  }
0x35: {  	[sflag:s21] =	ssyncadd.s32 $0xFFFFF800  }
0x36: {  	_ =	swait.ge [sflag:s21], $0x800  }
0x37: {  	[sflag:s21] =	ssyncset.done $0x0  }
0x38: {  	[sflag:s21] =	ssyncadd.s32 $0xFFFFF800  }
0x39: {  	_ =	swait.ge [sflag:s21], $0x800  }
0x3a: {  	[sflag:s21] =	ssyncset.done $0x0  }
0x3b: {  	[sflag:s21] =	ssyncadd.s32 $0xFFFFF800  }
0x3c: {  	_ =	swait.ge [sflag:s21], $0x800  }
0x3d: {  	[sflag:s21] =	ssyncset.done $0x0  }
0x3e: {  	[sflag:s21] =	ssyncadd.s32 $0xFFFFF800  }
0x3f: {  	_ =	swait.ge [sflag:s21], $0x800  }
0x40: {  	[sflag:s21] =	ssyncset.done $0x0  }
0x41: {  	[sflag:s21] =	ssyncadd.s32 $0xFFFFF800  }
0x42: {  	_ =	swait.ge [sflag:s21], $0x800  }
0x43: {  	s23 =	simm.s32 $0x1000;
	s24 =	smov.u32 s9;
	[sflag:s21] =	ssyncset.done $0x0  }
.LBB2_2:
0x44: {  	p0 =	sne.s32 s23, $0x4000;
	[sflag:s21] =	ssyncadd.s32 $0xFFFFF800;
	s24 =	sadd.s32 $0x800, s24  }
0x45: {  	[tilespmem:s12], [sflag:$0x2] =	stream.linear.gather [hbm4b:s24+s3], $0x4000, $0x38;
	[tilespmem:$0x7B20] =	vst v63  }
0x46: {  	s25 =	smov.u32 s23;
	s23 =	sadd.s32 $0x1000, s23;
	_ =	swait.ge [sflag:s11], $0x4000  }
0x47: {  	[sflag:s11] =	ssyncset.done $0x0  }
0x48: {  	s25 =	sshra.s32 s25, $0x2;
	[sflag:s11] =	ssyncadd.s32 $0xFFFFC000  }
0x49: {  	[spmem:s2] =	stream.indirect.scatter.add.f32 [tilespmem:s12], [sflag:$0x1], $0x10, s25, s13, $0xb8;
	[tilespmem:$0x7B20] =	vst v63  }
0x4a: {  	s26 =	sadd.s32 $0x80, s25  }
0x4b: {  	[spmem:s2] =	stream.indirect.scatter.add.f32 [tilespmem:s14], [sflag:$0x1], $0x10, s26, s13, $0xb8;
	[tilespmem:$0x7B20] =	vst v63  }
0x4c: {  	s26 =	sadd.s32 $0x100, s25  }
0x4d: {  	[spmem:s2] =	stream.indirect.scatter.add.f32 [tilespmem:s15], [sflag:$0x1], $0x10, s26, s13, $0xb8;
	[tilespmem:$0x7B20] =	vst v63  }
0x4e: {  	s26 =	sadd.s32 $0x180, s25  }
0x4f: {  	[spmem:s2] =	stream.indirect.scatter.add.f32 [tilespmem:s16], [sflag:$0x1], $0x10, s26, s13, $0xb8;
	[tilespmem:$0x7B20] =	vst v63  }
0x50: {  	s26 =	sadd.s32 $0x200, s25  }
0x51: {  	[spmem:s2] =	stream.indirect.scatter.add.f32 [tilespmem:s17], [sflag:$0x1], $0x10, s26, s13, $0xb8;
	[tilespmem:$0x7B20] =	vst v63  }
0x52: {  	s26 =	sadd.s32 $0x280, s25  }
0x53: {  	[spmem:s2] =	stream.indirect.scatter.add.f32 [tilespmem:s18], [sflag:$0x1], $0x10, s26, s13, $0xb8;
	[tilespmem:$0x7B20] =	vst v63  }
0x54: {  	s26 =	sadd.s32 $0x300, s25  }
0x55: {  	[spmem:s2] =	stream.indirect.scatter.add.f32 [tilespmem:s19], [sflag:$0x1], $0x10, s26, s13, $0xb8;
	[tilespmem:$0x7B20] =	vst v63  }
0x56: {  	s25 =	sadd.s32 $0x380, s25  }
0x57: {  	[spmem:s2] =	stream.indirect.scatter.add.f32 [tilespmem:s20], [sflag:$0x1], $0x10, s25, s13, $0xb8;
	[tilespmem:$0x7B20] =	vst v63  }
0x58: {  	_ =	swait.ge [sflag:s21], $0x800  }
0x59: {  	[sflag:s21] =	ssyncset.done $0x0  }
0x5a: {  	[sflag:s21] =	ssyncadd.s32 $0xFFFFF800  }
0x5b: {  	_ =	swait.ge [sflag:s21], $0x800  }
0x5c: {  	[sflag:s21] =	ssyncset.done $0x0  }
0x5d: {  	[sflag:s21] =	ssyncadd.s32 $0xFFFFF800  }
0x5e: {  	_ =	swait.ge [sflag:s21], $0x800  }
0x5f: {  	[sflag:s21] =	ssyncset.done $0x0  }
0x60: {  	[sflag:s21] =	ssyncadd.s32 $0xFFFFF800  }
0x61: {  	_ =	swait.ge [sflag:s21], $0x800  }
0x62: {  	[sflag:s21] =	ssyncset.done $0x0  }
0x63: {  	[sflag:s21] =	ssyncadd.s32 $0xFFFFF800  }
0x64: {  	_ =	swait.ge [sflag:s21], $0x800  }
0x65: {  	[sflag:s21] =	ssyncset.done $0x0  }
0x66: {  	[sflag:s21] =	ssyncadd.s32 $0xFFFFF800  }
0x67: {  	_ =	swait.ge [sflag:s21], $0x800  }
0x68: {  	[sflag:s21] =	ssyncset.done $0x0  }
0x69: {  	[sflag:s21] =	ssyncadd.s32 $0xFFFFF800  }
.Ltmp0:
0x6a: {  	_ =	swait.ge [sflag:s21], $0x800;
	(pc) =	sbr.rel @p0 .LBB2_2-.Ltmp0, $4  }
0x6b: {  	[sflag:s21] =	ssyncset.done $0x0  }
0x6c: {  	[sflag:s21] =	ssyncadd.s32 $0xFFFFF800  }
0x6d: {  	_ =	swait.ge [sflag:s21], $0x800  }
0x6e: {  	[sflag:s21] =	ssyncset.done $0x0  }
0x6f: {  	s22 =	sadd.s32 $0x1, s22  }
0x70: {  	[sflag:s21] =	ssyncadd.s32 $0xFFFFF800;
	p0 =	sne.s32 s22, s8  }
.Ltmp1:
0x71: {  	[bflag:$0x0] =	sbarrier.arrive $0xFFFF;
	(pc) =	sbr.rel @p0 .LBB2_1-.Ltmp1, $4  }
0x72: {  	[hbm:s7], [sflag:s5] =	dma.local [spmem:s10], $0x4E4  }
0x73: {  	_ =	swait.ge [sflag:s11], $0x4E4  }
0x74: {  	[sflag:s11] =	ssyncset.done $0x0  }
0x75: {  	[sflag:s11] =	ssyncadd.s32 $0xFFFFFB1C  }
0x76: {  	_ =	sfence.sel $0x180000  }
0x77: {  	[bflag:$0x0] =	sbarrier.arrive $0xFFFF  }
0x78: {  	p0 =	sne.s32 s0, $0x0;
	_ =	strace $0x9000004D  }
0x79: {  	s0 =	sadd.s32 @!p0 $0x100000, s1;
	[bflag:$0x2] =	sbarrier.arrive $0xFFFF  }
0x7a: {  	[sflag:s0] =	ssyncadd.tile.s32 @!p0 $0x1;
	_ =	shalt  }
.Lfunc_end2:
_tile_overlayer_lowered:
.L_overlay_start_2:
0x7b: {  	(tag) =	ssettag $0x2  }
0x7c: {  	s0 =	rddreg [dreg:$0x0];
	s2 =	stileid.u32  }
0x7d: {  	s1 =	rddreg [dreg:$0x1];
	p0 =	sne.s32 s2, $0x0  }
0x7e: {  	s3 =	rddreg [dreg:$0x2];
	[bflag:$0x3] =	sbarrier.arrive $0xFFFF;
	s2 =	simm.s32 @!p0 $0x1C02  }
0x7f: {  	[timem:s3], [sflag:s2] =	dma.local @!p0 [hbm:s0], s1  }
0x80: {  	s0 =	simm.s32 @!p0 $0x2  }
0x81: {  	_ =	swait.ge @!p0 [sflag:s0], s1  }
0x82: {  	s1 =	ssub.s32 @!p0 $0x0, s1;
	[sflag:s0] =	ssyncset.done @!p0 $0x0  }
0x83: {  	[sflag:s0] =	ssyncadd.s32 @!p0 s1  }
0x84: {  	[bflag:$0x3] =	sbarrier.arrive $0xFFFF  }
0x85: {  	_ =	shalt  }

// kernel: kernel.24.cloned.1.call-start
scs
__scs_entry_jumppad:
0x0: {  	(pc) =	sbr.rel $0x88, $3  }
0x1: {  	(tag) =	ssettag $0x0;
	lr =	simm.s32 $0x1  }
0x2: {  	[smem:$0x3F8B] =	sst lr;
	_ =	strace $0xD0000000  }
0x3: {  	_ = 	snop  }
0x4: {  	_ = 	snop  }
0x5: {  	_ = 	snop  }
0x6: {  	_ = 	snop  }
0x7: {  	_ = 	snop  }
__scs_overlays_trampoline_lowered:
0x8: {  	[smem:$0x3F9A] =	sst s0  }
0x9: {  	[smem:$0x3F9B] =	sst s1  }
0xa: {  	[smem:$0x3F9C] =	sst s2  }
0xb: {  	[smem:$0x3F9D] =	sst s3  }
0xc: {  	[smem:$0x3F9E] =	sst s4  }
0xd: {  	[smem:$0x3F9F] =	sst s5  }
0xe: {  	[smem:$0x3FA0] =	sst s6  }
0xf: {  	[smem:$0x3FA1] =	sst s7  }
0x10: {  	[smem:$0x3FA2] =	sst s8  }
0x11: {  	[smem:$0x3FA3] =	sst s9;
	s0 =	simm.s32 @!p0 $0x0  }
0x12: {  	s1 =	sld [smem:$0x3F89];
	s0 =	simm.s32 @p0 $0x1  }
0x13: {  	[smem:$0x3FA4] =	sst s0;
	s0 =	simm.s32 @!p1 $0x0  }
0x14: {  	s2 =	sld [smem:$0x3F88];
	s0 =	simm.s32 @p1 $0x1  }
0x15: {  	[smem:$0x3FA5] =	sst s0;
	s0 =	simm.s32 @!p2 $0x0  }
0x16: {  	s3 =	sld [smem:$0x3FDB];
	s0 =	simm.s32 @p2 $0x1  }
0x17: {  	s4 =	simm.s32 $0x1BF5;
	[smem:$0x3FA7] =	sst s0  }
0x18: {  	s0 =	sld [smem:$0x3F8A];
	_ =	swait.ge [sflag:s4], $0x0  }
0x19: {  	s7 =	sld [smem:$0x3F8B]  }
0x1a: {  	s8 =	sadd.s32 $0xFFFFE003, lr  }
0x1b: {  	s9 =	sadd.s32 $0xFFFFFEF7, lr;
	s5 =	simm.s32 $0xFFFFFFFF;
	p2 =	slt.u32 s8, $0xFFFFF086  }
0x1c: {  	p1 =	slt.u32 s9, $0xF7A;
	s5 =	simm.s32 @!p2 $0x0  }
0x1d: {  	s5 =	simm.s32 @p1 $0x1;
	p0 =	seq.s32 s7, s2  }
0x1e: {  	s7 =	smul.u32 @!p0 $0xF7A, s2;
	p2 =	seq.s32 @!p0 s5, $0x0  }
0x1f: {  	s9 =	smul.u32 $0xF7A, s1;
	s8 =	simm.s32 @!p0 $0x1BF5;
	p2 =	por !p2, p0  }
0x20: {  	[sflag:s8] =	ssyncset.s32 @!p0 $0xFFFFF086;
	s6 =	sadd.s32 @!p0 s3, s7;
	s7 =	simm.s32 @!p0 $0x108  }
0x21: {  	s3 =	sadd.s32 s3, s9;
	s6 =	sadd.s32 @!p0 $0x88, s6;
	s7 =	simm.s32 @p2 $0x1082  }
0x22: {  	[simem:s7], [sflag:s8] =	dma.local @!p0 [hbm:s6], $0xF7A  }
0x23: {  	s9 =	sor.u32 $0xD0000000, s2;
	s6 =	simm.s32 $0x108;
	_ =	swait.ge @!p0 [sflag:s8], $0x0  }
0x24: {  	s3 =	sadd.s32 $0x88, s3;
	s6 =	simm.s32 @!p1 $0x1082;
	[sflag:s4] =	ssyncset.s32 $0xFFFFF086  }
0x25: {  	[simem:s6], [sflag:s4] =	dma.local [hbm:s3], $0xF7A  }
0x26: {  	[smem:$0x3F8B] =	sst s1;
	(tag) =	ssettag s2;
	_ =	strace s9  }
0x27: {  	s1 =	sld [smem:$0x3F9B]  }
0x28: {  	s2 =	sld [smem:$0x3F9C]  }
0x29: {  	s4 =	sld [smem:$0x3F9E]  }
0x2a: {  	p0 =	seq.s32 s5, $0x0;
	s5 =	sld [smem:$0x3F9F]  }
0x2b: {  	s6 =	sld [smem:$0x3FA0]  }
0x2c: {  	s7 =	sld [smem:$0x3FA1]  }
0x2d: {  	s3 =	simm.s32 $0x108;
	s8 =	sld [smem:$0x3FA2]  }
0x2e: {  	s3 =	simm.s32 @!p0 $0x1082;
	s9 =	sld [smem:$0x3FA3]  }
0x2f: {  	lr =	sadd.s32 s0, s3;
	s0 =	sld [smem:$0x3F9A]  }
0x30: {  	s3 =	sld [smem:$0x3F9D]  }
0x31: {  	[smem:$0x3FA6] =	sst s10  }
0x32: {  	s10 =	sld [smem:$0x3FA4];
	_ =	sdelay $0x3  }
0x33: {  	p0 =	seq.s32 s10, $0x1;
	s10 =	sld [smem:$0x3FA6];
	_ =	sdelay $0x3  }
0x34: {  	[smem:$0x3FA6] =	sst s10  }
0x35: {  	s10 =	sld [smem:$0x3FA5];
	_ =	sdelay $0x3  }
0x36: {  	p1 =	seq.s32 s10, $0x1;
	s10 =	sld [smem:$0x3FA6];
	_ =	sdelay $0x3  }
0x37: {  	[smem:$0x3FA6] =	sst s10  }
0x38: {  	s10 =	sld [smem:$0x3FA7]  }
0x39: {  	_ = 	snop;
	(pc) =	sbr.ind lr, $3  }
0x3a: {  	_ = 	snop  }
0x3b: {  	_ = 	snop  }
0x3c: {  	p2 =	seq.s32 s10, $0x1;
	s10 =	sld [smem:$0x3FA6]  }
0x3d: {  	_ =	shalt  }
0x3e: {  	_ =	shalt  }
0x3f: {  	_ =	shalt  }
0x40: {  	_ =	shalt  }
0x41: {  	_ =	shalt  }
0x42: {  	_ =	shalt  }
0x43: {  	_ =	shalt  }
0x44: {  	_ =	shalt  }
0x45: {  	_ =	shalt  }
0x46: {  	_ =	shalt  }
0x47: {  	_ =	shalt  }
0x48: {  	_ =	shalt  }
0x49: {  	_ =	shalt  }
0x4a: {  	_ =	shalt  }
0x4b: {  	_ =	shalt  }
0x4c: {  	_ =	shalt  }
0x4d: {  	_ =	shalt  }
0x4e: {  	_ =	shalt  }
0x4f: {  	_ =	shalt  }
0x50: {  	_ =	shalt  }
0x51: {  	_ =	shalt  }
0x52: {  	_ =	shalt  }
0x53: {  	_ =	shalt  }
0x54: {  	_ =	shalt  }
0x55: {  	_ =	shalt  }
0x56: {  	_ =	shalt  }
0x57: {  	_ =	shalt  }
0x58: {  	_ =	shalt  }
0x59: {  	_ =	shalt  }
0x5a: {  	_ =	shalt  }
0x5b: {  	_ =	shalt  }
0x5c: {  	_ =	shalt  }
0x5d: {  	_ =	shalt  }
0x5e: {  	_ =	shalt  }
0x5f: {  	_ =	shalt  }
0x60: {  	_ =	shalt  }
0x61: {  	_ =	shalt  }
0x62: {  	_ =	shalt  }
0x63: {  	_ =	shalt  }
0x64: {  	_ =	shalt  }
0x65: {  	_ =	shalt  }
0x66: {  	_ =	shalt  }
0x67: {  	_ =	shalt  }
0x68: {  	_ =	shalt  }
0x69: {  	_ =	shalt  }
0x6a: {  	_ =	shalt  }
0x6b: {  	_ =	shalt  }
0x6c: {  	_ =	shalt  }
0x6d: {  	_ =	shalt  }
0x6e: {  	_ =	shalt  }
0x6f: {  	_ =	shalt  }
0x70: {  	_ =	shalt  }
0x71: {  	_ =	shalt  }
0x72: {  	_ =	shalt  }
0x73: {  	_ =	shalt  }
0x74: {  	_ =	shalt  }
0x75: {  	_ =	shalt  }
0x76: {  	_ =	shalt  }
0x77: {  	_ =	shalt  }
0x78: {  	_ =	shalt  }
0x79: {  	_ =	shalt  }
0x7a: {  	_ =	shalt  }
0x7b: {  	_ =	shalt  }
0x7c: {  	_ =	shalt  }
0x7d: {  	_ =	shalt  }
0x7e: {  	_ =	shalt  }
0x7f: {  	_ =	shalt  }
0x80: {  	_ =	shalt  }
0x81: {  	_ =	shalt  }
0x82: {  	_ =	shalt  }
0x83: {  	_ =	shalt  }
0x84: {  	_ =	shalt  }
0x85: {  	_ =	shalt  }
0x86: {  	_ =	shalt  }
0x87: {  	_ =	shalt  }
.Lfunc_end0:
.L_simem_size_0:
called_computation.3_lowered:
.L_overlay_start_0:
0x88: {  	s2 =	sld [smem:$0x3FD9]  }
0x89: {  	s3 =	sld [smem:$0x3FFE];
	_ =	sdelay $0x1  }
0x8a: {  	s1 =	srdreg.scid  }
0x8b: {  	s0 =	sand.u32 $0x1, s1  }
0x8c: {  	s16 =	sshll.u32 s0, $0xA;
	s2 =	sadd.s32 s3, s2  }
0x8d: {  	s2 =	sadd.s32 s2, s16  }
0x8e: {  	[smem:$0x3FB2] =	sst s2  }
0x8f: {  	_ = 	snop  }
0x90: {  	(tm) =	ssettm $0x1  }
0x91: {  	s17 =	sld [smem:$0x3FFB];
	_ =	sdelay $0x3  }
0x92: {  	_ =	strace s17  }
0x93: {  	s2 =	sld [smem:$0x3FFC];
	_ =	sdelay $0x3  }
0x94: {  	_ =	strace s2  }
0x95: {  	s2 =	sld [smem:$0x3FFD];
	_ =	sdelay $0x3  }
0x96: {  	_ =	strace s2  }
0x97: {  	_ =	strace $0x8FFFFFFF  }
0x98: {  	s18 =	sld [smem:$0x3FDB];
	_ =	sdelay $0x1  }
0x99: {  	s19 =	simm.s32 $_scs_section_size  }
0x9a: {  	s4 =	simm.s32 $_size__tile_overlayer_lowered;
	s5 =	simm.s32 $_tile_overlayer_lowered  }
0x9b: {  	s22 =	simm.s32 $0x1BFF;
	s21 =	sshll.u32 s5, $0x1;
	s2 =	sadd.s32 s19, s18  }
0x9c: {  	s6 =	simm.s32 $0x0;
	s20 =	sshll.u32 s4, $0x1;
	s4 =	sadd.s32 s21, s2  }
0x9d: {  	[timem:s6], [sflag:s22] =	dma.local [hbm:s4], s20  }
0x9e: {  	_ =	swait.ge [sflag:s22], s20  }
0x9f: {  	s3 =	ssub.s32 $0x0, s20;
	[sflag:s22] =	ssyncset.done $0x0  }
0xa0: {  	[sflag:s22] =	ssyncadd.s32 s3;
	_ =	sdelay $0x1  }
0xa1: {  	s23 =	simm.s32 $0x1B8B  }
0xa2: {  	_ =	swait.ge [sflag:s23], $0x1  }
0xa3: {  	[sflag:s23] =	ssyncset.done $0x0  }
0xa4: {  	s25 =	simm.s32 $0x1B8E;
	s24 =	sld [smem:$0x3FFE];
	[sflag:s23] =	ssyncadd.s32 $0xFFFFFFFF  }
0xa5: {  	s26 =	simm.s32 $execute0_lowered;
	[smem:$0x3FD2] =	sst s25  }
0xa6: {  	s4 =	sshll.u32 s26, $0x1;
	_ =	strace $0x8000004F;
	[dreg:$0x1] =	wrdreg $0xFFFFFFFF  }
0xa7: {  	s28 =	simm.s32 $_size_execute0_lowered;
	s2 =	sadd.s32 s2, s4;
	[dreg:$0x0] =	wrdreg $0x0  }
0xa8: {  	s4 =	sshll.u32 s28, $0x1;
	[dreg:$0x2] =	wrdreg s2  }
0xa9: {  	[dreg:$0x3] =	wrdreg s4  }
0xaa: {  	[dreg:$0x4] =	wrdreg $0xC0  }
0xab: {  	_ =	task [dreg:s6], $0x5FFFF  }
0xac: {  	[dreg:$0x1] =	wrdreg $0xFFFFFFFF  }
0xad: {  	[dreg:$0x0] =	wrdreg $0x60  }
0xae: {  	[dreg:$0x2] =	wrdreg s24  }
0xaf: {  	[dreg:$0x3] =	wrdreg $0x54000  }
0xb0: {  	[dreg:$0x4] =	wrdreg $0x9  }
0xb1: {  	_ =	task.clear_ibuf [dreg:s6], $0x5FFFF;
	_ =	strace $0x9000004F  }
0xb2: {  	s29 =	simm.s32 $0x9;
	_ =	strace $0x80000051  }
0xb3: {  	_ =	swait.ge [sflag:s29], $0x1  }
0xb4: {  	[sflag:s29] =	ssyncadd.s32 $0xFFFFFFFF  }
0xb5: {  	_ =	strace $0x90000051  }
0xb6: {  	_ =	sfence  }
0xb7: {  	s30 =	sld [smem:$0x0];
	_ =	sdelay $0x2  }
0xb8: {  	s31 =	sshll.u32 s1, $0xD;
	s1 =	sshrl.u32 s1, $0x2  }
0xb9: {  	s3 =	sand.u32 $0x4000, s31;
	s1 =	sadd.s32 s1, s30  }
0xba: {  	s0 =	sor.u32 s3, s0;
	s1 =	sshll.u32 s1, $0x11  }
0xbb: {  	s0 =	sor.u32 s1, s0  }
0xbc: {  	s0 =	sadd.s32 $0x8F2B, s0  }
0xbd: {  	[sflag:s0] =	ssyncadd.remote.s32 $0x1  }
0xbe: {  	_ =	sfence.sel $0xFFFF  }
0xbf: {  	[dreg:$0x0] =	wrdreg $0xFFFFFFFF;
	(pc) =	sbr.abs _section_cstart, $3  }
0xc0: {  	[dreg:$0x1] =	wrdreg $0xFFFFFFFF  }
0xc1: {  	_ =	task.clear_ibuf [dreg:s6], $0x2FFFF;
	_ =	strace $0x9FFFFFFF  }
0xc2: {  	(tm) =	ssettm $0x7FFFFFFF  }
0xc3: {  	_ =	shalt  }
tec
execute0_lowered:
.L_overlay_start_1:
0x0: {  	(tag) =	ssettag $0x1  }
0x1: {  	s4 =	rddreg [dreg:$0x0]  }
0x2: {  	s2 =	rddreg [dreg:$0x1]  }
0x3: {  	s0 =	rddreg [dreg:$0x2]  }
0x4: {  	s1 =	stileid.u32;
	s6 =	srdreg.scid  }
0x5: {  	s3 =	simm.s32 $0x0;
	s12 =	simm.s32 $0x1400;
	s13 =	simm.s32 $0x1C00  }
0x6: {  	s14 =	simm.s32 $0x2400;
	s15 =	simm.s32 $0x2C00;
	s16 =	simm.s32 $0x3400  }
0x7: {  	s17 =	simm.s32 $0x3C00;
	s18 =	simm.s32 $0x4400;
	s19 =	simm.s32 $0x4C00  }
0x8: {  	s20 =	simm.s32 $0x1;
	s21 =	simm.s32 $0x0;
	s5 =	smul.u32 $0x2720, s1  }
0x9: {  	s6 =	sand.u32 $0x1, s6;
	s7 =	smul.u32 $0x28000, s1;
	[smem:$0x7FF] =	sst s3  }
0xa: {  	s8 =	sshll.u32 s1, $0x1;
	s31 =	sshll.u32 s1, $0x6;
	s9 =	smul.u32 $0x14000, s6  }
0xb: {  	_ =	strace $0x80000050;
	s8 =	sor.u32 s6, s8;
	s6 =	ssub.s32 $0x2, s6  }
0xc: {  	s10 =	sshrl.u32 s5, $0x3;
	s8 =	smul.u32 $0x280, s8;
	s29 =	sshrl.u32 s6, $0x1  }
0xd: {  	s11 =	sadd.s32 s5, s2;
	s5 =	sor.u32 $0x1C02, s31;
	s7 =	sadd.s32 s9, s7  }
0xe: {  	s26 =	sadd.s32 s10, s4;
	s30 =	ssub.s32 s6, s29;
	s9 =	sshrl.u32 s11, $0x3  }
0xf: {  	s10 =	simm.s32 $0x2;
	s11 =	simm.s32 $0x80;
	s7 =	sshrl.u32 s7, $0x3  }
0x10: {  	s8 =	sadd.s32 s8, s4;
	s28 =	sadd.s32 s7, s4;
	s4 =	sadd.s32 $0x5000, s26  }
0x11: {  	s6 =	sadd.s32 $0xA000, s8;
	s7 =	smax.u32 s30, $0x1;
	s8 =	sadd.s32 $0xF000, s28  }
.LBB2_1:
0x12: {  	[spmem:s9], [sflag:s5] =	dma.local [hbm:s4], $0x4E4  }
0x13: {  	_ =	swait.ge [sflag:s10], $0x4E4  }
0x14: {  	[sflag:s10] =	ssyncset.done $0x0  }
0x15: {  	[sflag:s10] =	ssyncadd.s32 $0xFFFFFB1C  }
0x16: {  	[tilespmem:s3], [sflag:$0x2] =	stream.linear.gather [hbm4b:s6+s3], $0x1400, $0x38;
	[tilespmem:$0x7B20] =	vst v63  }
0x17: {  	_ =	swait.ge [sflag:s10], $0x1400  }
0x18: {  	[sflag:s10] =	ssyncset.done $0x0  }
0x19: {  	[sflag:s10] =	ssyncadd.s32 $0xFFFFEC00  }
0x1a: {  	s22 =	simm.s32 $0x0;
	[bflag:$0x0] =	sbarrier.arrive $0xFFFF  }
0x1b: {  	[tilespmem:s12], [sflag:$0x1] =	stream.indirect.gather [spmem:s2], $0x10, s22, s11, $0xb8;
	[tilespmem:$0x7B20] =	vst v63  }
0x1c: {  	s24 =	simm.s32 $0x80  }
0x1d: {  	[tilespmem:s13], [sflag:$0x1] =	stream.indirect.gather [spmem:s2], $0x10, s24, s11, $0xb8;
	[tilespmem:$0x7B20] =	vst v63  }
0x1e: {  	s25 =	simm.s32 $0x100  }
0x1f: {  	[tilespmem:s14], [sflag:$0x1] =	stream.indirect.gather [spmem:s2], $0x10, s25, s11, $0xb8;
	[tilespmem:$0x7B20] =	vst v63  }
0x20: {  	s26 =	simm.s32 $0x180  }
0x21: {  	[tilespmem:s15], [sflag:$0x1] =	stream.indirect.gather [spmem:s2], $0x10, s26, s11, $0xb8;
	[tilespmem:$0x7B20] =	vst v63  }
0x22: {  	s28 =	simm.s32 $0x200  }
0x23: {  	[tilespmem:s16], [sflag:$0x1] =	stream.indirect.gather [spmem:s2], $0x10, s28, s11, $0xb8;
	[tilespmem:$0x7B20] =	vst v63  }
0x24: {  	s29 =	simm.s32 $0x280  }
0x25: {  	[tilespmem:s17], [sflag:$0x1] =	stream.indirect.gather [spmem:s2], $0x10, s29, s11, $0xb8;
	[tilespmem:$0x7B20] =	vst v63  }
0x26: {  	s30 =	simm.s32 $0x300  }
0x27: {  	[tilespmem:s18], [sflag:$0x1] =	stream.indirect.gather [spmem:s2], $0x10, s30, s11, $0xb8;
	[tilespmem:$0x7B20] =	vst v63  }
0x28: {  	s31 =	simm.s32 $0x380  }
0x29: {  	[tilespmem:s19], [sflag:$0x1] =	stream.indirect.gather [spmem:s2], $0x10, s31, s11, $0xb8;
	[tilespmem:$0x7B20] =	vst v63  }
0x2a: {  	_ =	swait.ge [sflag:s20], $0x800  }
0x2b: {  	[sflag:s20] =	ssyncset.done $0x0  }
0x2c: {  	[sflag:s20] =	ssyncadd.s32 $0xFFFFF800  }
0x2d: {  	_ =	swait.ge [sflag:s20], $0x800  }
0x2e: {  	[sflag:s20] =	ssyncset.done $0x0  }
0x2f: {  	[sflag:s20] =	ssyncadd.s32 $0xFFFFF800  }
0x30: {  	_ =	swait.ge [sflag:s20], $0x800  }
0x31: {  	[sflag:s20] =	ssyncset.done $0x0  }
0x32: {  	[sflag:s20] =	ssyncadd.s32 $0xFFFFF800  }
0x33: {  	_ =	swait.ge [sflag:s20], $0x800  }
0x34: {  	[sflag:s20] =	ssyncset.done $0x0  }
0x35: {  	[sflag:s20] =	ssyncadd.s32 $0xFFFFF800  }
0x36: {  	_ =	swait.ge [sflag:s20], $0x800  }
0x37: {  	[sflag:s20] =	ssyncset.done $0x0  }
0x38: {  	[sflag:s20] =	ssyncadd.s32 $0xFFFFF800  }
0x39: {  	_ =	swait.ge [sflag:s20], $0x800  }
0x3a: {  	[sflag:s20] =	ssyncset.done $0x0  }
0x3b: {  	[sflag:s20] =	ssyncadd.s32 $0xFFFFF800  }
0x3c: {  	_ =	swait.ge [sflag:s20], $0x800  }
0x3d: {  	[sflag:s20] =	ssyncset.done $0x0  }
0x3e: {  	[sflag:s20] =	ssyncadd.s32 $0xFFFFF800  }
0x3f: {  	_ =	swait.ge [sflag:s20], $0x800  }
0x40: {  	[sflag:s20] =	ssyncset.done $0x0  }
0x41: {  	[sflag:s20] =	ssyncadd.s32 $0xFFFFF800  }
0x42: {  	[hbm4b:s8+s3] =	stream.linear.scatter [tilespmem:s12], [sflag:$0x2], $0x4000, $0x38;
	[tilespmem:$0x7B20] =	vst v63  }
0x43: {  	s23 =	simm.s32 $0x1000;
	_ =	swait.ge [sflag:s10], $0x4000  }
0x44: {  	s22 =	sadd.s32 $0x800, s8;
	s25 =	simm.s32 $0x2000;
	[sflag:s10] =	ssyncset.done $0x0  }
.LBB2_2:
0x45: {  	s26 =	sshra.s32 s23, $0x2  }
0x46: {  	[sflag:s10] =	ssyncadd.s32 $0xFFFFC000;
	s23 =	smov.u32 s25;
	s24 =	sadd.s32 $0x1000, s25  }
0x47: {  	[tilespmem:s12], [sflag:$0x1] =	stream.indirect.gather [spmem:s2], $0x10, s26, s11, $0xb8;
	[tilespmem:$0x7B20] =	vst v63  }
0x48: {  	p0 =	sne.s32 s25, $0x4000;
	s25 =	sadd.s32 $0x80, s26  }
0x49: {  	[tilespmem:s13], [sflag:$0x1] =	stream.indirect.gather [spmem:s2], $0x10, s25, s11, $0xb8;
	[tilespmem:$0x7B20] =	vst v63  }
0x4a: {  	s25 =	sadd.s32 $0x100, s26  }
0x4b: {  	[tilespmem:s14], [sflag:$0x1] =	stream.indirect.gather [spmem:s2], $0x10, s25, s11, $0xb8;
	[tilespmem:$0x7B20] =	vst v63  }
0x4c: {  	s25 =	sadd.s32 $0x180, s26  }
0x4d: {  	[tilespmem:s15], [sflag:$0x1] =	stream.indirect.gather [spmem:s2], $0x10, s25, s11, $0xb8;
	[tilespmem:$0x7B20] =	vst v63  }
0x4e: {  	s25 =	sadd.s32 $0x200, s26  }
0x4f: {  	[tilespmem:s16], [sflag:$0x1] =	stream.indirect.gather [spmem:s2], $0x10, s25, s11, $0xb8;
	[tilespmem:$0x7B20] =	vst v63  }
0x50: {  	s25 =	sadd.s32 $0x280, s26  }
0x51: {  	[tilespmem:s17], [sflag:$0x1] =	stream.indirect.gather [spmem:s2], $0x10, s25, s11, $0xb8;
	[tilespmem:$0x7B20] =	vst v63  }
0x52: {  	s25 =	sadd.s32 $0x300, s26  }
0x53: {  	[tilespmem:s18], [sflag:$0x1] =	stream.indirect.gather [spmem:s2], $0x10, s25, s11, $0xb8;
	[tilespmem:$0x7B20] =	vst v63  }
0x54: {  	s25 =	sadd.s32 $0x380, s26  }
0x55: {  	[tilespmem:s19], [sflag:$0x1] =	stream.indirect.gather [spmem:s2], $0x10, s25, s11, $0xb8;
	[tilespmem:$0x7B20] =	vst v63  }
0x56: {  	_ =	swait.ge [sflag:s20], $0x800  }
0x57: {  	[sflag:s20] =	ssyncset.done $0x0  }
0x58: {  	[sflag:s20] =	ssyncadd.s32 $0xFFFFF800  }
0x59: {  	_ =	swait.ge [sflag:s20], $0x800  }
0x5a: {  	[sflag:s20] =	ssyncset.done $0x0  }
0x5b: {  	[sflag:s20] =	ssyncadd.s32 $0xFFFFF800  }
0x5c: {  	_ =	swait.ge [sflag:s20], $0x800  }
0x5d: {  	[sflag:s20] =	ssyncset.done $0x0  }
0x5e: {  	[sflag:s20] =	ssyncadd.s32 $0xFFFFF800  }
0x5f: {  	_ =	swait.ge [sflag:s20], $0x800  }
0x60: {  	[sflag:s20] =	ssyncset.done $0x0  }
0x61: {  	[sflag:s20] =	ssyncadd.s32 $0xFFFFF800  }
0x62: {  	_ =	swait.ge [sflag:s20], $0x800  }
0x63: {  	[sflag:s20] =	ssyncset.done $0x0  }
0x64: {  	[sflag:s20] =	ssyncadd.s32 $0xFFFFF800  }
0x65: {  	_ =	swait.ge [sflag:s20], $0x800  }
0x66: {  	[sflag:s20] =	ssyncset.done $0x0  }
0x67: {  	[sflag:s20] =	ssyncadd.s32 $0xFFFFF800  }
0x68: {  	_ =	swait.ge [sflag:s20], $0x800  }
0x69: {  	[sflag:s20] =	ssyncset.done $0x0  }
0x6a: {  	[sflag:s20] =	ssyncadd.s32 $0xFFFFF800  }
0x6b: {  	_ =	swait.ge [sflag:s20], $0x800  }
.Ltmp0:
0x6c: {  	[sflag:s20] =	ssyncset.done $0x0;
	(pc) =	sbr.rel @p0 .LBB2_2-.Ltmp0, $4  }
0x6d: {  	[sflag:s20] =	ssyncadd.s32 $0xFFFFF800  }
0x6e: {  	[hbm4b:s22+s3] =	stream.linear.scatter [tilespmem:s12], [sflag:$0x2], $0x4000, $0x38;
	[tilespmem:$0x7B20] =	vst v63  }
0x6f: {  	_ =	swait.ge [sflag:s10], $0x4000  }
0x70: {  	s25 =	smov.u32 s24;
	s22 =	sadd.s32 $0x800, s22;
	[sflag:s10] =	ssyncset.done $0x0  }
0x71: {  	s23 =	sshra.s32 s23, $0x2;
	[sflag:s10] =	ssyncadd.s32 $0xFFFFC000  }
0x72: {  	[tilespmem:s12], [sflag:$0x1] =	stream.indirect.gather [spmem:s2], $0x10, s23, s11, $0xb8;
	[tilespmem:$0x7B20] =	vst v63  }
0x73: {  	s24 =	sadd.s32 $0x80, s23  }
0x74: {  	[tilespmem:s13], [sflag:$0x1] =	stream.indirect.gather [spmem:s2], $0x10, s24, s11, $0xb8;
	[tilespmem:$0x7B20] =	vst v63  }
0x75: {  	s26 =	sadd.s32 $0x100, s23  }
0x76: {  	[tilespmem:s14], [sflag:$0x1] =	stream.indirect.gather [spmem:s2], $0x10, s26, s11, $0xb8;
	[tilespmem:$0x7B20] =	vst v63  }
0x77: {  	s28 =	sadd.s32 $0x180, s23  }
0x78: {  	[tilespmem:s15], [sflag:$0x1] =	stream.indirect.gather [spmem:s2], $0x10, s28, s11, $0xb8;
	[tilespmem:$0x7B20] =	vst v63  }
0x79: {  	s29 =	sadd.s32 $0x200, s23  }
0x7a: {  	[tilespmem:s16], [sflag:$0x1] =	stream.indirect.gather [spmem:s2], $0x10, s29, s11, $0xb8;
	[tilespmem:$0x7B20] =	vst v63  }
0x7b: {  	s30 =	sadd.s32 $0x280, s23  }
0x7c: {  	[tilespmem:s17], [sflag:$0x1] =	stream.indirect.gather [spmem:s2], $0x10, s30, s11, $0xb8;
	[tilespmem:$0x7B20] =	vst v63  }
0x7d: {  	s31 =	sadd.s32 $0x300, s23  }
0x7e: {  	[tilespmem:s18], [sflag:$0x1] =	stream.indirect.gather [spmem:s2], $0x10, s31, s11, $0xb8;
	[tilespmem:$0x7B20] =	vst v63  }
0x7f: {  	s23 =	sadd.s32 $0x380, s23  }
0x80: {  	[tilespmem:s19], [sflag:$0x1] =	stream.indirect.gather [spmem:s2], $0x10, s23, s11, $0xb8;
	[tilespmem:$0x7B20] =	vst v63  }
0x81: {  	_ =	swait.ge [sflag:s20], $0x800  }
0x82: {  	[sflag:s20] =	ssyncset.done $0x0  }
0x83: {  	[sflag:s20] =	ssyncadd.s32 $0xFFFFF800  }
0x84: {  	_ =	swait.ge [sflag:s20], $0x800  }
0x85: {  	[sflag:s20] =	ssyncset.done $0x0  }
0x86: {  	[sflag:s20] =	ssyncadd.s32 $0xFFFFF800  }
0x87: {  	_ =	swait.ge [sflag:s20], $0x800  }
0x88: {  	[sflag:s20] =	ssyncset.done $0x0  }
0x89: {  	[sflag:s20] =	ssyncadd.s32 $0xFFFFF800  }
0x8a: {  	_ =	swait.ge [sflag:s20], $0x800  }
0x8b: {  	[sflag:s20] =	ssyncset.done $0x0  }
0x8c: {  	[sflag:s20] =	ssyncadd.s32 $0xFFFFF800  }
0x8d: {  	_ =	swait.ge [sflag:s20], $0x800  }
0x8e: {  	[sflag:s20] =	ssyncset.done $0x0  }
0x8f: {  	[sflag:s20] =	ssyncadd.s32 $0xFFFFF800  }
0x90: {  	_ =	swait.ge [sflag:s20], $0x800  }
0x91: {  	[sflag:s20] =	ssyncset.done $0x0  }
0x92: {  	[sflag:s20] =	ssyncadd.s32 $0xFFFFF800  }
0x93: {  	_ =	swait.ge [sflag:s20], $0x800  }
0x94: {  	[sflag:s20] =	ssyncset.done $0x0  }
0x95: {  	[sflag:s20] =	ssyncadd.s32 $0xFFFFF800  }
0x96: {  	s21 =	sadd.s32 $0x1, s21;
	_ =	swait.ge [sflag:s20], $0x800  }
0x97: {  	p0 =	sne.s32 s21, s7;
	[sflag:s20] =	ssyncset.done $0x0  }
.Ltmp1:
0x98: {  	[sflag:s20] =	ssyncadd.s32 $0xFFFFF800;
	(pc) =	sbr.rel @p0 .LBB2_1-.Ltmp1, $4  }
0x99: {  	[hbm4b:s22+s3] =	stream.linear.scatter [tilespmem:s12], [sflag:$0x2], $0x4000, $0x38;
	[tilespmem:$0x7B20] =	vst v63  }
0x9a: {  	_ =	swait.ge [sflag:s10], $0x4000  }
0x9b: {  	[sflag:s10] =	ssyncset.done $0x0  }
0x9c: {  	[sflag:s10] =	ssyncadd.s32 $0xFFFFC000  }
0x9d: {  	_ =	sfence.sel $0x180000  }
0x9e: {  	[bflag:$0x0] =	sbarrier.arrive $0xFFFF  }
0x9f: {  	p0 =	sne.s32 s1, $0x0;
	_ =	strace $0x90000050  }
0xa0: {  	s0 =	sadd.s32 @!p0 $0x100000, s0;
	[bflag:$0x2] =	sbarrier.arrive $0xFFFF  }
0xa1: {  	[sflag:s0] =	ssyncadd.tile.s32 @!p0 $0x1;
	_ =	shalt  }
.Lfunc_end2:
_tile_overlayer_lowered:
.L_overlay_start_2:
0xa2: {  	(tag) =	ssettag $0x2  }
0xa3: {  	s0 =	rddreg [dreg:$0x0];
	s2 =	stileid.u32  }
0xa4: {  	s1 =	rddreg [dreg:$0x1];
	p0 =	sne.s32 s2, $0x0  }
0xa5: {  	s3 =	rddreg [dreg:$0x2];
	[bflag:$0x3] =	sbarrier.arrive $0xFFFF;
	s2 =	simm.s32 @!p0 $0x1C02  }
0xa6: {  	[timem:s3], [sflag:s2] =	dma.local @!p0 [hbm:s0], s1  }
0xa7: {  	s0 =	simm.s32 @!p0 $0x2  }
0xa8: {  	_ =	swait.ge @!p0 [sflag:s0], s1  }
0xa9: {  	s1 =	ssub.s32 @!p0 $0x0, s1;
	[sflag:s0] =	ssyncset.done @!p0 $0x0  }
0xaa: {  	[sflag:s0] =	ssyncadd.s32 @!p0 s1  }
0xab: {  	[bflag:$0x3] =	sbarrier.arrive $0xFFFF  }
0xac: {  	_ =	shalt  }

// kernel: kernel.27.cloned.1.call-start
scs
__scs_entry_jumppad:
0x0: {  	(pc) =	sbr.rel $0x88, $3  }
0x1: {  	(tag) =	ssettag $0x0;
	lr =	simm.s32 $0x1  }
0x2: {  	[smem:$0x3F8B] =	sst lr;
	_ =	strace $0xD0000000  }
0x3: {  	_ = 	snop  }
0x4: {  	_ = 	snop  }
0x5: {  	_ = 	snop  }
0x6: {  	_ = 	snop  }
0x7: {  	_ = 	snop  }
__scs_overlays_trampoline_lowered:
0x8: {  	[smem:$0x3F9A] =	sst s0  }
0x9: {  	[smem:$0x3F9B] =	sst s1  }
0xa: {  	[smem:$0x3F9C] =	sst s2  }
0xb: {  	[smem:$0x3F9D] =	sst s3  }
0xc: {  	[smem:$0x3F9E] =	sst s4  }
0xd: {  	[smem:$0x3F9F] =	sst s5  }
0xe: {  	[smem:$0x3FA0] =	sst s6  }
0xf: {  	[smem:$0x3FA1] =	sst s7  }
0x10: {  	[smem:$0x3FA2] =	sst s8  }
0x11: {  	[smem:$0x3FA3] =	sst s9;
	s0 =	simm.s32 @!p0 $0x0  }
0x12: {  	s1 =	sld [smem:$0x3F89];
	s0 =	simm.s32 @p0 $0x1  }
0x13: {  	[smem:$0x3FA4] =	sst s0;
	s0 =	simm.s32 @!p1 $0x0  }
0x14: {  	s2 =	sld [smem:$0x3F88];
	s0 =	simm.s32 @p1 $0x1  }
0x15: {  	[smem:$0x3FA5] =	sst s0;
	s0 =	simm.s32 @!p2 $0x0  }
0x16: {  	s3 =	sld [smem:$0x3FDB];
	s0 =	simm.s32 @p2 $0x1  }
0x17: {  	s4 =	simm.s32 $0x1BF5;
	[smem:$0x3FA7] =	sst s0  }
0x18: {  	s0 =	sld [smem:$0x3F8A];
	_ =	swait.ge [sflag:s4], $0x0  }
0x19: {  	s7 =	sld [smem:$0x3F8B]  }
0x1a: {  	s8 =	sadd.s32 $0xFFFFE003, lr  }
0x1b: {  	s9 =	sadd.s32 $0xFFFFFEF7, lr;
	s5 =	simm.s32 $0xFFFFFFFF;
	p2 =	slt.u32 s8, $0xFFFFF086  }
0x1c: {  	p1 =	slt.u32 s9, $0xF7A;
	s5 =	simm.s32 @!p2 $0x0  }
0x1d: {  	s5 =	simm.s32 @p1 $0x1;
	p0 =	seq.s32 s7, s2  }
0x1e: {  	s7 =	smul.u32 @!p0 $0xF7A, s2;
	p2 =	seq.s32 @!p0 s5, $0x0  }
0x1f: {  	s9 =	smul.u32 $0xF7A, s1;
	s8 =	simm.s32 @!p0 $0x1BF5;
	p2 =	por !p2, p0  }
0x20: {  	[sflag:s8] =	ssyncset.s32 @!p0 $0xFFFFF086;
	s6 =	sadd.s32 @!p0 s3, s7;
	s7 =	simm.s32 @!p0 $0x108  }
0x21: {  	s3 =	sadd.s32 s3, s9;
	s6 =	sadd.s32 @!p0 $0x88, s6;
	s7 =	simm.s32 @p2 $0x1082  }
0x22: {  	[simem:s7], [sflag:s8] =	dma.local @!p0 [hbm:s6], $0xF7A  }
0x23: {  	s9 =	sor.u32 $0xD0000000, s2;
	s6 =	simm.s32 $0x108;
	_ =	swait.ge @!p0 [sflag:s8], $0x0  }
0x24: {  	s3 =	sadd.s32 $0x88, s3;
	s6 =	simm.s32 @!p1 $0x1082;
	[sflag:s4] =	ssyncset.s32 $0xFFFFF086  }
0x25: {  	[simem:s6], [sflag:s4] =	dma.local [hbm:s3], $0xF7A  }
0x26: {  	[smem:$0x3F8B] =	sst s1;
	(tag) =	ssettag s2;
	_ =	strace s9  }
0x27: {  	s1 =	sld [smem:$0x3F9B]  }
0x28: {  	s2 =	sld [smem:$0x3F9C]  }
0x29: {  	s4 =	sld [smem:$0x3F9E]  }
0x2a: {  	p0 =	seq.s32 s5, $0x0;
	s5 =	sld [smem:$0x3F9F]  }
0x2b: {  	s6 =	sld [smem:$0x3FA0]  }
0x2c: {  	s7 =	sld [smem:$0x3FA1]  }
0x2d: {  	s3 =	simm.s32 $0x108;
	s8 =	sld [smem:$0x3FA2]  }
0x2e: {  	s3 =	simm.s32 @!p0 $0x1082;
	s9 =	sld [smem:$0x3FA3]  }
0x2f: {  	lr =	sadd.s32 s0, s3;
	s0 =	sld [smem:$0x3F9A]  }
0x30: {  	s3 =	sld [smem:$0x3F9D]  }
0x31: {  	[smem:$0x3FA6] =	sst s10  }
0x32: {  	s10 =	sld [smem:$0x3FA4];
	_ =	sdelay $0x3  }
0x33: {  	p0 =	seq.s32 s10, $0x1;
	s10 =	sld [smem:$0x3FA6];
	_ =	sdelay $0x3  }
0x34: {  	[smem:$0x3FA6] =	sst s10  }
0x35: {  	s10 =	sld [smem:$0x3FA5];
	_ =	sdelay $0x3  }
0x36: {  	p1 =	seq.s32 s10, $0x1;
	s10 =	sld [smem:$0x3FA6];
	_ =	sdelay $0x3  }
0x37: {  	[smem:$0x3FA6] =	sst s10  }
0x38: {  	s10 =	sld [smem:$0x3FA7]  }
0x39: {  	_ = 	snop;
	(pc) =	sbr.ind lr, $3  }
0x3a: {  	_ = 	snop  }
0x3b: {  	_ = 	snop  }
0x3c: {  	p2 =	seq.s32 s10, $0x1;
	s10 =	sld [smem:$0x3FA6]  }
0x3d: {  	_ =	shalt  }
0x3e: {  	_ =	shalt  }
0x3f: {  	_ =	shalt  }
0x40: {  	_ =	shalt  }
0x41: {  	_ =	shalt  }
0x42: {  	_ =	shalt  }
0x43: {  	_ =	shalt  }
0x44: {  	_ =	shalt  }
0x45: {  	_ =	shalt  }
0x46: {  	_ =	shalt  }
0x47: {  	_ =	shalt  }
0x48: {  	_ =	shalt  }
0x49: {  	_ =	shalt  }
0x4a: {  	_ =	shalt  }
0x4b: {  	_ =	shalt  }
0x4c: {  	_ =	shalt  }
0x4d: {  	_ =	shalt  }
0x4e: {  	_ =	shalt  }
0x4f: {  	_ =	shalt  }
0x50: {  	_ =	shalt  }
0x51: {  	_ =	shalt  }
0x52: {  	_ =	shalt  }
0x53: {  	_ =	shalt  }
0x54: {  	_ =	shalt  }
0x55: {  	_ =	shalt  }
0x56: {  	_ =	shalt  }
0x57: {  	_ =	shalt  }
0x58: {  	_ =	shalt  }
0x59: {  	_ =	shalt  }
0x5a: {  	_ =	shalt  }
0x5b: {  	_ =	shalt  }
0x5c: {  	_ =	shalt  }
0x5d: {  	_ =	shalt  }
0x5e: {  	_ =	shalt  }
0x5f: {  	_ =	shalt  }
0x60: {  	_ =	shalt  }
0x61: {  	_ =	shalt  }
0x62: {  	_ =	shalt  }
0x63: {  	_ =	shalt  }
0x64: {  	_ =	shalt  }
0x65: {  	_ =	shalt  }
0x66: {  	_ =	shalt  }
0x67: {  	_ =	shalt  }
0x68: {  	_ =	shalt  }
0x69: {  	_ =	shalt  }
0x6a: {  	_ =	shalt  }
0x6b: {  	_ =	shalt  }
0x6c: {  	_ =	shalt  }
0x6d: {  	_ =	shalt  }
0x6e: {  	_ =	shalt  }
0x6f: {  	_ =	shalt  }
0x70: {  	_ =	shalt  }
0x71: {  	_ =	shalt  }
0x72: {  	_ =	shalt  }
0x73: {  	_ =	shalt  }
0x74: {  	_ =	shalt  }
0x75: {  	_ =	shalt  }
0x76: {  	_ =	shalt  }
0x77: {  	_ =	shalt  }
0x78: {  	_ =	shalt  }
0x79: {  	_ =	shalt  }
0x7a: {  	_ =	shalt  }
0x7b: {  	_ =	shalt  }
0x7c: {  	_ =	shalt  }
0x7d: {  	_ =	shalt  }
0x7e: {  	_ =	shalt  }
0x7f: {  	_ =	shalt  }
0x80: {  	_ =	shalt  }
0x81: {  	_ =	shalt  }
0x82: {  	_ =	shalt  }
0x83: {  	_ =	shalt  }
0x84: {  	_ =	shalt  }
0x85: {  	_ =	shalt  }
0x86: {  	_ =	shalt  }
0x87: {  	_ =	shalt  }
.Lfunc_end0:
.L_simem_size_0:
called_computation.4_lowered:
.L_overlay_start_0:
0x88: {  	s2 =	sld [smem:$0x3FD9]  }
0x89: {  	s3 =	sld [smem:$0x3FFE];
	_ =	sdelay $0x1  }
0x8a: {  	s1 =	srdreg.scid  }
0x8b: {  	s0 =	sand.u32 $0x1, s1  }
0x8c: {  	s16 =	sshll.u32 s0, $0xA;
	s2 =	sadd.s32 s3, s2  }
0x8d: {  	s2 =	sadd.s32 s2, s16  }
0x8e: {  	[smem:$0x3FB2] =	sst s2  }
0x8f: {  	_ = 	snop  }
0x90: {  	(tm) =	ssettm $0x1  }
0x91: {  	s17 =	sld [smem:$0x3FFB];
	_ =	sdelay $0x3  }
0x92: {  	_ =	strace s17  }
0x93: {  	s2 =	sld [smem:$0x3FFC];
	_ =	sdelay $0x3  }
0x94: {  	_ =	strace s2  }
0x95: {  	s2 =	sld [smem:$0x3FFD];
	_ =	sdelay $0x3  }
0x96: {  	_ =	strace s2  }
0x97: {  	_ =	strace $0x8FFFFFFF  }
0x98: {  	s18 =	sld [smem:$0x3FDB];
	_ =	sdelay $0x1  }
0x99: {  	s19 =	simm.s32 $_scs_section_size  }
0x9a: {  	s4 =	simm.s32 $_size__tile_overlayer_lowered;
	s5 =	simm.s32 $_tile_overlayer_lowered  }
0x9b: {  	s22 =	simm.s32 $0x1BFF;
	s21 =	sshll.u32 s5, $0x1;
	s2 =	sadd.s32 s19, s18  }
0x9c: {  	s6 =	simm.s32 $0x0;
	s20 =	sshll.u32 s4, $0x1;
	s4 =	sadd.s32 s21, s2  }
0x9d: {  	[timem:s6], [sflag:s22] =	dma.local [hbm:s4], s20  }
0x9e: {  	_ =	swait.ge [sflag:s22], s20  }
0x9f: {  	s3 =	ssub.s32 $0x0, s20;
	[sflag:s22] =	ssyncset.done $0x0  }
0xa0: {  	[sflag:s22] =	ssyncadd.s32 s3;
	_ =	sdelay $0x1  }
0xa1: {  	s23 =	simm.s32 $0x1B8B  }
0xa2: {  	_ =	swait.ge [sflag:s23], $0x1  }
0xa3: {  	[sflag:s23] =	ssyncset.done $0x0  }
0xa4: {  	s25 =	simm.s32 $0x1B8E;
	s24 =	sld [smem:$0x3FFE];
	[sflag:s23] =	ssyncadd.s32 $0xFFFFFFFF  }
0xa5: {  	s26 =	simm.s32 $execute0_lowered;
	[smem:$0x3FD2] =	sst s25  }
0xa6: {  	s4 =	sshll.u32 s26, $0x1;
	_ =	strace $0x80000052;
	[dreg:$0x1] =	wrdreg $0xFFFFFFFF  }
0xa7: {  	s28 =	simm.s32 $_size_execute0_lowered;
	s2 =	sadd.s32 s2, s4;
	[dreg:$0x0] =	wrdreg $0x0  }
0xa8: {  	s4 =	sshll.u32 s28, $0x1;
	[dreg:$0x2] =	wrdreg s2  }
0xa9: {  	[dreg:$0x3] =	wrdreg s4  }
0xaa: {  	[dreg:$0x4] =	wrdreg $0xC0  }
0xab: {  	_ =	task [dreg:s6], $0x5FFFF  }
0xac: {  	[dreg:$0x1] =	wrdreg $0xFFFFFFFF  }
0xad: {  	[dreg:$0x0] =	wrdreg $0x60  }
0xae: {  	[dreg:$0x2] =	wrdreg s24  }
0xaf: {  	[dreg:$0x3] =	wrdreg $0x54000  }
0xb0: {  	[dreg:$0x4] =	wrdreg $0x9  }
0xb1: {  	_ =	task.clear_ibuf [dreg:s6], $0x5FFFF;
	_ =	strace $0x90000052  }
0xb2: {  	s29 =	simm.s32 $0x9;
	_ =	strace $0x80000054  }
0xb3: {  	_ =	swait.ge [sflag:s29], $0x1  }
0xb4: {  	[sflag:s29] =	ssyncadd.s32 $0xFFFFFFFF  }
0xb5: {  	_ =	strace $0x90000054  }
0xb6: {  	_ =	sfence  }
0xb7: {  	s30 =	sld [smem:$0x0];
	_ =	sdelay $0x2  }
0xb8: {  	s31 =	sshll.u32 s1, $0xD;
	s1 =	sshrl.u32 s1, $0x2  }
0xb9: {  	s3 =	sand.u32 $0x4000, s31;
	s1 =	sadd.s32 s1, s30  }
0xba: {  	s0 =	sor.u32 s3, s0;
	s1 =	sshll.u32 s1, $0x11  }
0xbb: {  	s0 =	sor.u32 s1, s0  }
0xbc: {  	s0 =	sadd.s32 $0x8F2B, s0  }
0xbd: {  	[sflag:s0] =	ssyncadd.remote.s32 $0x1  }
0xbe: {  	_ =	sfence.sel $0xFFFF  }
0xbf: {  	[dreg:$0x0] =	wrdreg $0xFFFFFFFF;
	(pc) =	sbr.abs _section_cstart, $3  }
0xc0: {  	[dreg:$0x1] =	wrdreg $0xFFFFFFFF  }
0xc1: {  	_ =	task.clear_ibuf [dreg:s6], $0x2FFFF;
	_ =	strace $0x9FFFFFFF  }
0xc2: {  	(tm) =	ssettm $0x7FFFFFFF  }
0xc3: {  	_ =	shalt  }
tec
execute0_lowered:
.L_overlay_start_1:
0x0: {  	(tag) =	ssettag $0x1  }
0x1: {  	s5 =	rddreg [dreg:$0x0];
	s1 =	srdreg.scid  }
0x2: {  	s0 =	stileid.u32;
	s2 =	rddreg [dreg:$0x1];
	s3 =	simm.s32 $0x0  }
0x3: {  	s13 =	simm.s32 $0x80;
	s14 =	simm.s32 $0x1C00;
	s15 =	simm.s32 $0x2400  }
0x4: {  	s16 =	simm.s32 $0x2C00;
	s17 =	simm.s32 $0x3400;
	s18 =	simm.s32 $0x3C00  }
0x5: {  	s19 =	simm.s32 $0x4400;
	s20 =	simm.s32 $0x4C00;
	s21 =	simm.s32 $0x1  }
0x6: {  	s22 =	simm.s32 $0x0;
	s4 =	sand.u32 $0x1, s1;
	s6 =	smul.u32 $0x28000, s0  }
0x7: {  	s1 =	rddreg [dreg:$0x2];
	s8 =	sshll.u32 s0, $0x1;
	s9 =	smul.u32 $0x2720, s0  }
0x8: {  	[smem:$0x7FF] =	sst s3;
	s31 =	sshll.u32 s0, $0x6;
	s7 =	smul.u32 $0x14000, s4  }
0x9: {  	s25 =	sor.u32 s4, s8;
	s26 =	smul.u32 $0x27200, s4;
	s29 =	ssub.s32 $0x2, s4  }
0xa: {  	_ =	strace $0x80000053;
	s4 =	sadd.s32 $0x64000, s5;
	s30 =	sshrl.u32 s29, $0x1  }
0xb: {  	s12 =	sadd.s32 s9, s2;
	s6 =	sadd.s32 s7, s6;
	s7 =	smul.u32 $0x280, s25  }
0xc: {  	s28 =	sadd.s32 s9, s26;
	s8 =	ssub.s32 s29, s30;
	s6 =	sshrl.u32 s6, $0x3  }
0xd: {  	s8 =	smax.u32 s8, $0x1;
	s10 =	sadd.s32 s6, s5;
	s6 =	sshrl.u32 s28, $0x3  }
0xe: {  	s7 =	sadd.s32 s7, s5;
	s11 =	sadd.s32 s6, s5;
	s5 =	sor.u32 $0x1C02, s31  }
0xf: {  	s6 =	sadd.s32 $0x5F000, s7;
	s9 =	sadd.s32 $0xF000, s10;
	s10 =	sshrl.u32 s12, $0x3  }
0x10: {  	s12 =	simm.s32 $0x1400;
	s7 =	sadd.s32 $0x64600, s11;
	s11 =	simm.s32 $0x2  }
.LBB2_1:
0x11: {  	[spmem:s10], [sflag:s5] =	dma.local [hbm:s4], $0x4E4  }
0x12: {  	_ =	swait.ge [sflag:s11], $0x4E4  }
0x13: {  	[sflag:s11] =	ssyncset.done $0x0  }
0x14: {  	[sflag:s11] =	ssyncadd.s32 $0xFFFFFB1C  }
0x15: {  	[tilespmem:s3], [sflag:$0x2] =	stream.linear.gather [hbm4b:s6+s3], $0x1400, $0x38;
	[tilespmem:$0x7B20] =	vst v63  }
0x16: {  	_ =	swait.ge [sflag:s11], $0x1400  }
0x17: {  	[sflag:s11] =	ssyncset.done $0x0  }
0x18: {  	[sflag:s11] =	ssyncadd.s32 $0xFFFFEC00  }
0x19: {  	[bflag:$0x0] =	sbarrier.arrive $0xFFFF  }
0x1a: {  	[tilespmem:s12], [sflag:$0x2] =	stream.linear.gather [hbm4b:s9+s3], $0x4000, $0x38;
	[tilespmem:$0x7B20] =	vst v63  }
0x1b: {  	_ =	swait.ge [sflag:s11], $0x4000  }
0x1c: {  	[sflag:s11] =	ssyncset.done $0x0  }
0x1d: {  	s23 =	simm.s32 $0x0;
	[sflag:s11] =	ssyncadd.s32 $0xFFFFC000  }
0x1e: {  	[spmem:s2] =	stream.indirect.scatter.add.f32 [tilespmem:s12], [sflag:$0x1], $0x10, s23, s13, $0xb8;
	[tilespmem:$0x7B20] =	vst v63  }
0x1f: {  	s24 =	simm.s32 $0x80  }
0x20: {  	[spmem:s2] =	stream.indirect.scatter.add.f32 [tilespmem:s14], [sflag:$0x1], $0x10, s24, s13, $0xb8;
	[tilespmem:$0x7B20] =	vst v63  }
0x21: {  	s25 =	simm.s32 $0x100  }
0x22: {  	[spmem:s2] =	stream.indirect.scatter.add.f32 [tilespmem:s15], [sflag:$0x1], $0x10, s25, s13, $0xb8;
	[tilespmem:$0x7B20] =	vst v63  }
0x23: {  	s26 =	simm.s32 $0x180  }
0x24: {  	[spmem:s2] =	stream.indirect.scatter.add.f32 [tilespmem:s16], [sflag:$0x1], $0x10, s26, s13, $0xb8;
	[tilespmem:$0x7B20] =	vst v63  }
0x25: {  	s28 =	simm.s32 $0x200  }
0x26: {  	[spmem:s2] =	stream.indirect.scatter.add.f32 [tilespmem:s17], [sflag:$0x1], $0x10, s28, s13, $0xb8;
	[tilespmem:$0x7B20] =	vst v63  }
0x27: {  	s29 =	simm.s32 $0x280  }
0x28: {  	[spmem:s2] =	stream.indirect.scatter.add.f32 [tilespmem:s18], [sflag:$0x1], $0x10, s29, s13, $0xb8;
	[tilespmem:$0x7B20] =	vst v63  }
0x29: {  	s30 =	simm.s32 $0x300  }
0x2a: {  	[spmem:s2] =	stream.indirect.scatter.add.f32 [tilespmem:s19], [sflag:$0x1], $0x10, s30, s13, $0xb8;
	[tilespmem:$0x7B20] =	vst v63  }
0x2b: {  	s31 =	simm.s32 $0x380  }
0x2c: {  	[spmem:s2] =	stream.indirect.scatter.add.f32 [tilespmem:s20], [sflag:$0x1], $0x10, s31, s13, $0xb8;
	[tilespmem:$0x7B20] =	vst v63  }
0x2d: {  	_ =	swait.ge [sflag:s21], $0x800  }
0x2e: {  	[sflag:s21] =	ssyncset.done $0x0  }
0x2f: {  	[sflag:s21] =	ssyncadd.s32 $0xFFFFF800  }
0x30: {  	_ =	swait.ge [sflag:s21], $0x800  }
0x31: {  	[sflag:s21] =	ssyncset.done $0x0  }
0x32: {  	[sflag:s21] =	ssyncadd.s32 $0xFFFFF800  }
0x33: {  	_ =	swait.ge [sflag:s21], $0x800  }
0x34: {  	[sflag:s21] =	ssyncset.done $0x0  }
0x35: {  	[sflag:s21] =	ssyncadd.s32 $0xFFFFF800  }
0x36: {  	_ =	swait.ge [sflag:s21], $0x800  }
0x37: {  	[sflag:s21] =	ssyncset.done $0x0  }
0x38: {  	[sflag:s21] =	ssyncadd.s32 $0xFFFFF800  }
0x39: {  	_ =	swait.ge [sflag:s21], $0x800  }
0x3a: {  	[sflag:s21] =	ssyncset.done $0x0  }
0x3b: {  	[sflag:s21] =	ssyncadd.s32 $0xFFFFF800  }
0x3c: {  	_ =	swait.ge [sflag:s21], $0x800  }
0x3d: {  	[sflag:s21] =	ssyncset.done $0x0  }
0x3e: {  	[sflag:s21] =	ssyncadd.s32 $0xFFFFF800  }
0x3f: {  	_ =	swait.ge [sflag:s21], $0x800  }
0x40: {  	[sflag:s21] =	ssyncset.done $0x0  }
0x41: {  	[sflag:s21] =	ssyncadd.s32 $0xFFFFF800  }
0x42: {  	_ =	swait.ge [sflag:s21], $0x800  }
0x43: {  	s23 =	simm.s32 $0x1000;
	s24 =	smov.u32 s9;
	[sflag:s21] =	ssyncset.done $0x0  }
.LBB2_2:
0x44: {  	p0 =	sne.s32 s23, $0x4000;
	[sflag:s21] =	ssyncadd.s32 $0xFFFFF800;
	s24 =	sadd.s32 $0x800, s24  }
0x45: {  	[tilespmem:s12], [sflag:$0x2] =	stream.linear.gather [hbm4b:s24+s3], $0x4000, $0x38;
	[tilespmem:$0x7B20] =	vst v63  }
0x46: {  	s25 =	smov.u32 s23;
	s23 =	sadd.s32 $0x1000, s23;
	_ =	swait.ge [sflag:s11], $0x4000  }
0x47: {  	[sflag:s11] =	ssyncset.done $0x0  }
0x48: {  	s25 =	sshra.s32 s25, $0x2;
	[sflag:s11] =	ssyncadd.s32 $0xFFFFC000  }
0x49: {  	[spmem:s2] =	stream.indirect.scatter.add.f32 [tilespmem:s12], [sflag:$0x1], $0x10, s25, s13, $0xb8;
	[tilespmem:$0x7B20] =	vst v63  }
0x4a: {  	s26 =	sadd.s32 $0x80, s25  }
0x4b: {  	[spmem:s2] =	stream.indirect.scatter.add.f32 [tilespmem:s14], [sflag:$0x1], $0x10, s26, s13, $0xb8;
	[tilespmem:$0x7B20] =	vst v63  }
0x4c: {  	s26 =	sadd.s32 $0x100, s25  }
0x4d: {  	[spmem:s2] =	stream.indirect.scatter.add.f32 [tilespmem:s15], [sflag:$0x1], $0x10, s26, s13, $0xb8;
	[tilespmem:$0x7B20] =	vst v63  }
0x4e: {  	s26 =	sadd.s32 $0x180, s25  }
0x4f: {  	[spmem:s2] =	stream.indirect.scatter.add.f32 [tilespmem:s16], [sflag:$0x1], $0x10, s26, s13, $0xb8;
	[tilespmem:$0x7B20] =	vst v63  }
0x50: {  	s26 =	sadd.s32 $0x200, s25  }
0x51: {  	[spmem:s2] =	stream.indirect.scatter.add.f32 [tilespmem:s17], [sflag:$0x1], $0x10, s26, s13, $0xb8;
	[tilespmem:$0x7B20] =	vst v63  }
0x52: {  	s26 =	sadd.s32 $0x280, s25  }
0x53: {  	[spmem:s2] =	stream.indirect.scatter.add.f32 [tilespmem:s18], [sflag:$0x1], $0x10, s26, s13, $0xb8;
	[tilespmem:$0x7B20] =	vst v63  }
0x54: {  	s26 =	sadd.s32 $0x300, s25  }
0x55: {  	[spmem:s2] =	stream.indirect.scatter.add.f32 [tilespmem:s19], [sflag:$0x1], $0x10, s26, s13, $0xb8;
	[tilespmem:$0x7B20] =	vst v63  }
0x56: {  	s25 =	sadd.s32 $0x380, s25  }
0x57: {  	[spmem:s2] =	stream.indirect.scatter.add.f32 [tilespmem:s20], [sflag:$0x1], $0x10, s25, s13, $0xb8;
	[tilespmem:$0x7B20] =	vst v63  }
0x58: {  	_ =	swait.ge [sflag:s21], $0x800  }
0x59: {  	[sflag:s21] =	ssyncset.done $0x0  }
0x5a: {  	[sflag:s21] =	ssyncadd.s32 $0xFFFFF800  }
0x5b: {  	_ =	swait.ge [sflag:s21], $0x800  }
0x5c: {  	[sflag:s21] =	ssyncset.done $0x0  }
0x5d: {  	[sflag:s21] =	ssyncadd.s32 $0xFFFFF800  }
0x5e: {  	_ =	swait.ge [sflag:s21], $0x800  }
0x5f: {  	[sflag:s21] =	ssyncset.done $0x0  }
0x60: {  	[sflag:s21] =	ssyncadd.s32 $0xFFFFF800  }
0x61: {  	_ =	swait.ge [sflag:s21], $0x800  }
0x62: {  	[sflag:s21] =	ssyncset.done $0x0  }
0x63: {  	[sflag:s21] =	ssyncadd.s32 $0xFFFFF800  }
0x64: {  	_ =	swait.ge [sflag:s21], $0x800  }
0x65: {  	[sflag:s21] =	ssyncset.done $0x0  }
0x66: {  	[sflag:s21] =	ssyncadd.s32 $0xFFFFF800  }
0x67: {  	_ =	swait.ge [sflag:s21], $0x800  }
0x68: {  	[sflag:s21] =	ssyncset.done $0x0  }
0x69: {  	[sflag:s21] =	ssyncadd.s32 $0xFFFFF800  }
.Ltmp0:
0x6a: {  	_ =	swait.ge [sflag:s21], $0x800;
	(pc) =	sbr.rel @p0 .LBB2_2-.Ltmp0, $4  }
0x6b: {  	[sflag:s21] =	ssyncset.done $0x0  }
0x6c: {  	[sflag:s21] =	ssyncadd.s32 $0xFFFFF800  }
0x6d: {  	_ =	swait.ge [sflag:s21], $0x800  }
0x6e: {  	[sflag:s21] =	ssyncset.done $0x0  }
0x6f: {  	s22 =	sadd.s32 $0x1, s22  }
0x70: {  	[sflag:s21] =	ssyncadd.s32 $0xFFFFF800;
	p0 =	sne.s32 s22, s8  }
.Ltmp1:
0x71: {  	[bflag:$0x0] =	sbarrier.arrive $0xFFFF;
	(pc) =	sbr.rel @p0 .LBB2_1-.Ltmp1, $4  }
0x72: {  	[hbm:s7], [sflag:s5] =	dma.local [spmem:s10], $0x4E4  }
0x73: {  	_ =	swait.ge [sflag:s11], $0x4E4  }
0x74: {  	[sflag:s11] =	ssyncset.done $0x0  }
0x75: {  	[sflag:s11] =	ssyncadd.s32 $0xFFFFFB1C  }
0x76: {  	_ =	sfence.sel $0x180000  }
0x77: {  	[bflag:$0x0] =	sbarrier.arrive $0xFFFF  }
0x78: {  	p0 =	sne.s32 s0, $0x0;
	_ =	strace $0x90000053  }
0x79: {  	s0 =	sadd.s32 @!p0 $0x100000, s1;
	[bflag:$0x2] =	sbarrier.arrive $0xFFFF  }
0x7a: {  	[sflag:s0] =	ssyncadd.tile.s32 @!p0 $0x1;
	_ =	shalt  }
.Lfunc_end2:
_tile_overlayer_lowered:
.L_overlay_start_2:
0x7b: {  	(tag) =	ssettag $0x2  }
0x7c: {  	s0 =	rddreg [dreg:$0x0];
	s2 =	stileid.u32  }
0x7d: {  	s1 =	rddreg [dreg:$0x1];
	p0 =	sne.s32 s2, $0x0  }
0x7e: {  	s3 =	rddreg [dreg:$0x2];
	[bflag:$0x3] =	sbarrier.arrive $0xFFFF;
	s2 =	simm.s32 @!p0 $0x1C02  }
0x7f: {  	[timem:s3], [sflag:s2] =	dma.local @!p0 [hbm:s0], s1  }
0x80: {  	s0 =	simm.s32 @!p0 $0x2  }
0x81: {  	_ =	swait.ge @!p0 [sflag:s0], s1  }
0x82: {  	s1 =	ssub.s32 @!p0 $0x0, s1;
	[sflag:s0] =	ssyncset.done @!p0 $0x0  }
0x83: {  	[sflag:s0] =	ssyncadd.s32 @!p0 s1  }
0x84: {  	[bflag:$0x3] =	sbarrier.arrive $0xFFFF  }
0x85: {  	_ =	shalt  }

// kernel: kernel.30.cloned.1.call-start
scs
__scs_entry_jumppad:
0x0: {  	(pc) =	sbr.rel $0x88, $3  }
0x1: {  	(tag) =	ssettag $0x0;
	lr =	simm.s32 $0x1  }
0x2: {  	[smem:$0x3F8B] =	sst lr;
	_ =	strace $0xD0000000  }
0x3: {  	_ = 	snop  }
0x4: {  	_ = 	snop  }
0x5: {  	_ = 	snop  }
0x6: {  	_ = 	snop  }
0x7: {  	_ = 	snop  }
__scs_overlays_trampoline_lowered:
0x8: {  	[smem:$0x3F9A] =	sst s0  }
0x9: {  	[smem:$0x3F9B] =	sst s1  }
0xa: {  	[smem:$0x3F9C] =	sst s2  }
0xb: {  	[smem:$0x3F9D] =	sst s3  }
0xc: {  	[smem:$0x3F9E] =	sst s4  }
0xd: {  	[smem:$0x3F9F] =	sst s5  }
0xe: {  	[smem:$0x3FA0] =	sst s6  }
0xf: {  	[smem:$0x3FA1] =	sst s7  }
0x10: {  	[smem:$0x3FA2] =	sst s8  }
0x11: {  	[smem:$0x3FA3] =	sst s9;
	s0 =	simm.s32 @!p0 $0x0  }
0x12: {  	s1 =	sld [smem:$0x3F89];
	s0 =	simm.s32 @p0 $0x1  }
0x13: {  	[smem:$0x3FA4] =	sst s0;
	s0 =	simm.s32 @!p1 $0x0  }
0x14: {  	s2 =	sld [smem:$0x3F88];
	s0 =	simm.s32 @p1 $0x1  }
0x15: {  	[smem:$0x3FA5] =	sst s0;
	s0 =	simm.s32 @!p2 $0x0  }
0x16: {  	s3 =	sld [smem:$0x3FDB];
	s0 =	simm.s32 @p2 $0x1  }
0x17: {  	s4 =	simm.s32 $0x1BF5;
	[smem:$0x3FA7] =	sst s0  }
0x18: {  	s0 =	sld [smem:$0x3F8A];
	_ =	swait.ge [sflag:s4], $0x0  }
0x19: {  	s7 =	sld [smem:$0x3F8B]  }
0x1a: {  	s8 =	sadd.s32 $0xFFFFE003, lr  }
0x1b: {  	s9 =	sadd.s32 $0xFFFFFEF7, lr;
	s5 =	simm.s32 $0xFFFFFFFF;
	p2 =	slt.u32 s8, $0xFFFFF086  }
0x1c: {  	p1 =	slt.u32 s9, $0xF7A;
	s5 =	simm.s32 @!p2 $0x0  }
0x1d: {  	s5 =	simm.s32 @p1 $0x1;
	p0 =	seq.s32 s7, s2  }
0x1e: {  	s7 =	smul.u32 @!p0 $0xF7A, s2;
	p2 =	seq.s32 @!p0 s5, $0x0  }
0x1f: {  	s9 =	smul.u32 $0xF7A, s1;
	s8 =	simm.s32 @!p0 $0x1BF5;
	p2 =	por !p2, p0  }
0x20: {  	[sflag:s8] =	ssyncset.s32 @!p0 $0xFFFFF086;
	s6 =	sadd.s32 @!p0 s3, s7;
	s7 =	simm.s32 @!p0 $0x108  }
0x21: {  	s3 =	sadd.s32 s3, s9;
	s6 =	sadd.s32 @!p0 $0x88, s6;
	s7 =	simm.s32 @p2 $0x1082  }
0x22: {  	[simem:s7], [sflag:s8] =	dma.local @!p0 [hbm:s6], $0xF7A  }
0x23: {  	s9 =	sor.u32 $0xD0000000, s2;
	s6 =	simm.s32 $0x108;
	_ =	swait.ge @!p0 [sflag:s8], $0x0  }
0x24: {  	s3 =	sadd.s32 $0x88, s3;
	s6 =	simm.s32 @!p1 $0x1082;
	[sflag:s4] =	ssyncset.s32 $0xFFFFF086  }
0x25: {  	[simem:s6], [sflag:s4] =	dma.local [hbm:s3], $0xF7A  }
0x26: {  	[smem:$0x3F8B] =	sst s1;
	(tag) =	ssettag s2;
	_ =	strace s9  }
0x27: {  	s1 =	sld [smem:$0x3F9B]  }
0x28: {  	s2 =	sld [smem:$0x3F9C]  }
0x29: {  	s4 =	sld [smem:$0x3F9E]  }
0x2a: {  	p0 =	seq.s32 s5, $0x0;
	s5 =	sld [smem:$0x3F9F]  }
0x2b: {  	s6 =	sld [smem:$0x3FA0]  }
0x2c: {  	s7 =	sld [smem:$0x3FA1]  }
0x2d: {  	s3 =	simm.s32 $0x108;
	s8 =	sld [smem:$0x3FA2]  }
0x2e: {  	s3 =	simm.s32 @!p0 $0x1082;
	s9 =	sld [smem:$0x3FA3]  }
0x2f: {  	lr =	sadd.s32 s0, s3;
	s0 =	sld [smem:$0x3F9A]  }
0x30: {  	s3 =	sld [smem:$0x3F9D]  }
0x31: {  	[smem:$0x3FA6] =	sst s10  }
0x32: {  	s10 =	sld [smem:$0x3FA4];
	_ =	sdelay $0x3  }
0x33: {  	p0 =	seq.s32 s10, $0x1;
	s10 =	sld [smem:$0x3FA6];
	_ =	sdelay $0x3  }
0x34: {  	[smem:$0x3FA6] =	sst s10  }
0x35: {  	s10 =	sld [smem:$0x3FA5];
	_ =	sdelay $0x3  }
0x36: {  	p1 =	seq.s32 s10, $0x1;
	s10 =	sld [smem:$0x3FA6];
	_ =	sdelay $0x3  }
0x37: {  	[smem:$0x3FA6] =	sst s10  }
0x38: {  	s10 =	sld [smem:$0x3FA7]  }
0x39: {  	_ = 	snop;
	(pc) =	sbr.ind lr, $3  }
0x3a: {  	_ = 	snop  }
0x3b: {  	_ = 	snop  }
0x3c: {  	p2 =	seq.s32 s10, $0x1;
	s10 =	sld [smem:$0x3FA6]  }
0x3d: {  	_ =	shalt  }
0x3e: {  	_ =	shalt  }
0x3f: {  	_ =	shalt  }
0x40: {  	_ =	shalt  }
0x41: {  	_ =	shalt  }
0x42: {  	_ =	shalt  }
0x43: {  	_ =	shalt  }
0x44: {  	_ =	shalt  }
0x45: {  	_ =	shalt  }
0x46: {  	_ =	shalt  }
0x47: {  	_ =	shalt  }
0x48: {  	_ =	shalt  }
0x49: {  	_ =	shalt  }
0x4a: {  	_ =	shalt  }
0x4b: {  	_ =	shalt  }
0x4c: {  	_ =	shalt  }
0x4d: {  	_ =	shalt  }
0x4e: {  	_ =	shalt  }
0x4f: {  	_ =	shalt  }
0x50: {  	_ =	shalt  }
0x51: {  	_ =	shalt  }
0x52: {  	_ =	shalt  }
0x53: {  	_ =	shalt  }
0x54: {  	_ =	shalt  }
0x55: {  	_ =	shalt  }
0x56: {  	_ =	shalt  }
0x57: {  	_ =	shalt  }
0x58: {  	_ =	shalt  }
0x59: {  	_ =	shalt  }
0x5a: {  	_ =	shalt  }
0x5b: {  	_ =	shalt  }
0x5c: {  	_ =	shalt  }
0x5d: {  	_ =	shalt  }
0x5e: {  	_ =	shalt  }
0x5f: {  	_ =	shalt  }
0x60: {  	_ =	shalt  }
0x61: {  	_ =	shalt  }
0x62: {  	_ =	shalt  }
0x63: {  	_ =	shalt  }
0x64: {  	_ =	shalt  }
0x65: {  	_ =	shalt  }
0x66: {  	_ =	shalt  }
0x67: {  	_ =	shalt  }
0x68: {  	_ =	shalt  }
0x69: {  	_ =	shalt  }
0x6a: {  	_ =	shalt  }
0x6b: {  	_ =	shalt  }
0x6c: {  	_ =	shalt  }
0x6d: {  	_ =	shalt  }
0x6e: {  	_ =	shalt  }
0x6f: {  	_ =	shalt  }
0x70: {  	_ =	shalt  }
0x71: {  	_ =	shalt  }
0x72: {  	_ =	shalt  }
0x73: {  	_ =	shalt  }
0x74: {  	_ =	shalt  }
0x75: {  	_ =	shalt  }
0x76: {  	_ =	shalt  }
0x77: {  	_ =	shalt  }
0x78: {  	_ =	shalt  }
0x79: {  	_ =	shalt  }
0x7a: {  	_ =	shalt  }
0x7b: {  	_ =	shalt  }
0x7c: {  	_ =	shalt  }
0x7d: {  	_ =	shalt  }
0x7e: {  	_ =	shalt  }
0x7f: {  	_ =	shalt  }
0x80: {  	_ =	shalt  }
0x81: {  	_ =	shalt  }
0x82: {  	_ =	shalt  }
0x83: {  	_ =	shalt  }
0x84: {  	_ =	shalt  }
0x85: {  	_ =	shalt  }
0x86: {  	_ =	shalt  }
0x87: {  	_ =	shalt  }
.Lfunc_end0:
.L_simem_size_0:
called_computation.5_lowered:
.L_overlay_start_0:
0x88: {  	s2 =	sld [smem:$0x3FD9]  }
0x89: {  	s3 =	sld [smem:$0x3FFE];
	_ =	sdelay $0x1  }
0x8a: {  	s1 =	srdreg.scid  }
0x8b: {  	s0 =	sand.u32 $0x1, s1  }
0x8c: {  	s16 =	sshll.u32 s0, $0xA;
	s2 =	sadd.s32 s3, s2  }
0x8d: {  	s2 =	sadd.s32 s2, s16  }
0x8e: {  	[smem:$0x3FB2] =	sst s2  }
0x8f: {  	_ = 	snop  }
0x90: {  	(tm) =	ssettm $0x1  }
0x91: {  	s17 =	sld [smem:$0x3FFB];
	_ =	sdelay $0x3  }
0x92: {  	_ =	strace s17  }
0x93: {  	s2 =	sld [smem:$0x3FFC];
	_ =	sdelay $0x3  }
0x94: {  	_ =	strace s2  }
0x95: {  	s2 =	sld [smem:$0x3FFD];
	_ =	sdelay $0x3  }
0x96: {  	_ =	strace s2  }
0x97: {  	_ =	strace $0x8FFFFFFF  }
0x98: {  	s18 =	sld [smem:$0x3FDB];
	_ =	sdelay $0x1  }
0x99: {  	s19 =	simm.s32 $_scs_section_size  }
0x9a: {  	s4 =	simm.s32 $_size__tile_overlayer_lowered;
	s5 =	simm.s32 $_tile_overlayer_lowered  }
0x9b: {  	s22 =	simm.s32 $0x1BFF;
	s21 =	sshll.u32 s5, $0x1;
	s2 =	sadd.s32 s19, s18  }
0x9c: {  	s6 =	simm.s32 $0x0;
	s20 =	sshll.u32 s4, $0x1;
	s4 =	sadd.s32 s21, s2  }
0x9d: {  	[timem:s6], [sflag:s22] =	dma.local [hbm:s4], s20  }
0x9e: {  	_ =	swait.ge [sflag:s22], s20  }
0x9f: {  	s3 =	ssub.s32 $0x0, s20;
	[sflag:s22] =	ssyncset.done $0x0  }
0xa0: {  	[sflag:s22] =	ssyncadd.s32 s3;
	_ =	sdelay $0x1  }
0xa1: {  	s23 =	simm.s32 $0x1B8B  }
0xa2: {  	_ =	swait.ge [sflag:s23], $0x1  }
0xa3: {  	[sflag:s23] =	ssyncset.done $0x0  }
0xa4: {  	s25 =	simm.s32 $0x1B8E;
	s24 =	sld [smem:$0x3FFE];
	[sflag:s23] =	ssyncadd.s32 $0xFFFFFFFF  }
0xa5: {  	s26 =	simm.s32 $execute0_lowered;
	[smem:$0x3FD2] =	sst s25  }
0xa6: {  	s4 =	sshll.u32 s26, $0x1;
	_ =	strace $0x80000055;
	[dreg:$0x1] =	wrdreg $0xFFFFFFFF  }
0xa7: {  	s28 =	simm.s32 $_size_execute0_lowered;
	s2 =	sadd.s32 s2, s4;
	[dreg:$0x0] =	wrdreg $0x0  }
0xa8: {  	s4 =	sshll.u32 s28, $0x1;
	[dreg:$0x2] =	wrdreg s2  }
0xa9: {  	[dreg:$0x3] =	wrdreg s4  }
0xaa: {  	[dreg:$0x4] =	wrdreg $0xC0  }
0xab: {  	_ =	task [dreg:s6], $0x5FFFF  }
0xac: {  	[dreg:$0x1] =	wrdreg $0xFFFFFFFF  }
0xad: {  	[dreg:$0x0] =	wrdreg $0x60  }
0xae: {  	[dreg:$0x2] =	wrdreg s24  }
0xaf: {  	[dreg:$0x3] =	wrdreg $0x54000  }
0xb0: {  	[dreg:$0x4] =	wrdreg $0x9  }
0xb1: {  	_ =	task.clear_ibuf [dreg:s6], $0x5FFFF;
	_ =	strace $0x90000055  }
0xb2: {  	s29 =	simm.s32 $0x9;
	_ =	strace $0x80000057  }
0xb3: {  	_ =	swait.ge [sflag:s29], $0x1  }
0xb4: {  	[sflag:s29] =	ssyncadd.s32 $0xFFFFFFFF  }
0xb5: {  	_ =	strace $0x90000057  }
0xb6: {  	_ =	sfence  }
0xb7: {  	s30 =	sld [smem:$0x0];
	_ =	sdelay $0x2  }
0xb8: {  	s31 =	sshll.u32 s1, $0xD;
	s1 =	sshrl.u32 s1, $0x2  }
0xb9: {  	s3 =	sand.u32 $0x4000, s31;
	s1 =	sadd.s32 s1, s30  }
0xba: {  	s0 =	sor.u32 s3, s0;
	s1 =	sshll.u32 s1, $0x11  }
0xbb: {  	s0 =	sor.u32 s1, s0  }
0xbc: {  	s0 =	sadd.s32 $0x8F2B, s0  }
0xbd: {  	[sflag:s0] =	ssyncadd.remote.s32 $0x1  }
0xbe: {  	_ =	sfence.sel $0xFFFF  }
0xbf: {  	[dreg:$0x0] =	wrdreg $0xFFFFFFFF;
	(pc) =	sbr.abs _section_cstart, $3  }
0xc0: {  	[dreg:$0x1] =	wrdreg $0xFFFFFFFF  }
0xc1: {  	_ =	task.clear_ibuf [dreg:s6], $0x2FFFF;
	_ =	strace $0x9FFFFFFF  }
0xc2: {  	(tm) =	ssettm $0x7FFFFFFF  }
0xc3: {  	_ =	shalt  }
tec
execute0_lowered:
.L_overlay_start_1:
0x0: {  	(tag) =	ssettag $0x1  }
0x1: {  	s4 =	rddreg [dreg:$0x0]  }
0x2: {  	s2 =	rddreg [dreg:$0x1]  }
0x3: {  	s0 =	rddreg [dreg:$0x2]  }
0x4: {  	s1 =	stileid.u32;
	s6 =	srdreg.scid  }
0x5: {  	s3 =	simm.s32 $0x0;
	s12 =	simm.s32 $0x1400;
	s13 =	simm.s32 $0x1C00  }
0x6: {  	s14 =	simm.s32 $0x2400;
	s15 =	simm.s32 $0x2C00;
	s16 =	simm.s32 $0x3400  }
0x7: {  	s17 =	simm.s32 $0x3C00;
	s18 =	simm.s32 $0x4400;
	s19 =	simm.s32 $0x4C00  }
0x8: {  	s20 =	simm.s32 $0x1;
	s21 =	simm.s32 $0x0;
	s5 =	smul.u32 $0x2720, s1  }
0x9: {  	s6 =	sand.u32 $0x1, s6;
	s7 =	smul.u32 $0x28000, s1;
	[smem:$0x7FF] =	sst s3  }
0xa: {  	s8 =	sshll.u32 s1, $0x1;
	s31 =	sshll.u32 s1, $0x6;
	s9 =	smul.u32 $0x14000, s6  }
0xb: {  	_ =	strace $0x80000056;
	s8 =	sor.u32 s6, s8;
	s6 =	ssub.s32 $0x2, s6  }
0xc: {  	s10 =	sshrl.u32 s5, $0x3;
	s8 =	smul.u32 $0x280, s8;
	s29 =	sshrl.u32 s6, $0x1  }
0xd: {  	s11 =	sadd.s32 s5, s2;
	s5 =	sor.u32 $0x1C02, s31;
	s7 =	sadd.s32 s9, s7  }
0xe: {  	s26 =	sadd.s32 s10, s4;
	s30 =	ssub.s32 s6, s29;
	s9 =	sshrl.u32 s11, $0x3  }
0xf: {  	s10 =	simm.s32 $0x2;
	s11 =	simm.s32 $0x80;
	s7 =	sshrl.u32 s7, $0x3  }
0x10: {  	s8 =	sadd.s32 s8, s4;
	s28 =	sadd.s32 s7, s4;
	s4 =	sadd.s32 $0x5000, s26  }
0x11: {  	s6 =	sadd.s32 $0xA000, s8;
	s7 =	smax.u32 s30, $0x1;
	s8 =	sadd.s32 $0xF000, s28  }
.LBB2_1:
0x12: {  	[spmem:s9], [sflag:s5] =	dma.local [hbm:s4], $0x4E4  }
0x13: {  	_ =	swait.ge [sflag:s10], $0x4E4  }
0x14: {  	[sflag:s10] =	ssyncset.done $0x0  }
0x15: {  	[sflag:s10] =	ssyncadd.s32 $0xFFFFFB1C  }
0x16: {  	[tilespmem:s3], [sflag:$0x2] =	stream.linear.gather [hbm4b:s6+s3], $0x1400, $0x38;
	[tilespmem:$0x7B20] =	vst v63  }
0x17: {  	_ =	swait.ge [sflag:s10], $0x1400  }
0x18: {  	[sflag:s10] =	ssyncset.done $0x0  }
0x19: {  	[sflag:s10] =	ssyncadd.s32 $0xFFFFEC00  }
0x1a: {  	s22 =	simm.s32 $0x0;
	[bflag:$0x0] =	sbarrier.arrive $0xFFFF  }
0x1b: {  	[tilespmem:s12], [sflag:$0x1] =	stream.indirect.gather [spmem:s2], $0x10, s22, s11, $0xb8;
	[tilespmem:$0x7B20] =	vst v63  }
0x1c: {  	s24 =	simm.s32 $0x80  }
0x1d: {  	[tilespmem:s13], [sflag:$0x1] =	stream.indirect.gather [spmem:s2], $0x10, s24, s11, $0xb8;
	[tilespmem:$0x7B20] =	vst v63  }
0x1e: {  	s25 =	simm.s32 $0x100  }
0x1f: {  	[tilespmem:s14], [sflag:$0x1] =	stream.indirect.gather [spmem:s2], $0x10, s25, s11, $0xb8;
	[tilespmem:$0x7B20] =	vst v63  }
0x20: {  	s26 =	simm.s32 $0x180  }
0x21: {  	[tilespmem:s15], [sflag:$0x1] =	stream.indirect.gather [spmem:s2], $0x10, s26, s11, $0xb8;
	[tilespmem:$0x7B20] =	vst v63  }
0x22: {  	s28 =	simm.s32 $0x200  }
0x23: {  	[tilespmem:s16], [sflag:$0x1] =	stream.indirect.gather [spmem:s2], $0x10, s28, s11, $0xb8;
	[tilespmem:$0x7B20] =	vst v63  }
0x24: {  	s29 =	simm.s32 $0x280  }
0x25: {  	[tilespmem:s17], [sflag:$0x1] =	stream.indirect.gather [spmem:s2], $0x10, s29, s11, $0xb8;
	[tilespmem:$0x7B20] =	vst v63  }
0x26: {  	s30 =	simm.s32 $0x300  }
0x27: {  	[tilespmem:s18], [sflag:$0x1] =	stream.indirect.gather [spmem:s2], $0x10, s30, s11, $0xb8;
	[tilespmem:$0x7B20] =	vst v63  }
0x28: {  	s31 =	simm.s32 $0x380  }
0x29: {  	[tilespmem:s19], [sflag:$0x1] =	stream.indirect.gather [spmem:s2], $0x10, s31, s11, $0xb8;
	[tilespmem:$0x7B20] =	vst v63  }
0x2a: {  	_ =	swait.ge [sflag:s20], $0x800  }
0x2b: {  	[sflag:s20] =	ssyncset.done $0x0  }
0x2c: {  	[sflag:s20] =	ssyncadd.s32 $0xFFFFF800  }
0x2d: {  	_ =	swait.ge [sflag:s20], $0x800  }
0x2e: {  	[sflag:s20] =	ssyncset.done $0x0  }
0x2f: {  	[sflag:s20] =	ssyncadd.s32 $0xFFFFF800  }
0x30: {  	_ =	swait.ge [sflag:s20], $0x800  }
0x31: {  	[sflag:s20] =	ssyncset.done $0x0  }
0x32: {  	[sflag:s20] =	ssyncadd.s32 $0xFFFFF800  }
0x33: {  	_ =	swait.ge [sflag:s20], $0x800  }
0x34: {  	[sflag:s20] =	ssyncset.done $0x0  }
0x35: {  	[sflag:s20] =	ssyncadd.s32 $0xFFFFF800  }
0x36: {  	_ =	swait.ge [sflag:s20], $0x800  }
0x37: {  	[sflag:s20] =	ssyncset.done $0x0  }
0x38: {  	[sflag:s20] =	ssyncadd.s32 $0xFFFFF800  }
0x39: {  	_ =	swait.ge [sflag:s20], $0x800  }
0x3a: {  	[sflag:s20] =	ssyncset.done $0x0  }
0x3b: {  	[sflag:s20] =	ssyncadd.s32 $0xFFFFF800  }
0x3c: {  	_ =	swait.ge [sflag:s20], $0x800  }
0x3d: {  	[sflag:s20] =	ssyncset.done $0x0  }
0x3e: {  	[sflag:s20] =	ssyncadd.s32 $0xFFFFF800  }
0x3f: {  	_ =	swait.ge [sflag:s20], $0x800  }
0x40: {  	[sflag:s20] =	ssyncset.done $0x0  }
0x41: {  	[sflag:s20] =	ssyncadd.s32 $0xFFFFF800  }
0x42: {  	[hbm4b:s8+s3] =	stream.linear.scatter [tilespmem:s12], [sflag:$0x2], $0x4000, $0x38;
	[tilespmem:$0x7B20] =	vst v63  }
0x43: {  	s23 =	simm.s32 $0x1000;
	_ =	swait.ge [sflag:s10], $0x4000  }
0x44: {  	s22 =	sadd.s32 $0x800, s8;
	s25 =	simm.s32 $0x2000;
	[sflag:s10] =	ssyncset.done $0x0  }
.LBB2_2:
0x45: {  	s26 =	sshra.s32 s23, $0x2  }
0x46: {  	[sflag:s10] =	ssyncadd.s32 $0xFFFFC000;
	s23 =	smov.u32 s25;
	s24 =	sadd.s32 $0x1000, s25  }
0x47: {  	[tilespmem:s12], [sflag:$0x1] =	stream.indirect.gather [spmem:s2], $0x10, s26, s11, $0xb8;
	[tilespmem:$0x7B20] =	vst v63  }
0x48: {  	p0 =	sne.s32 s25, $0x4000;
	s25 =	sadd.s32 $0x80, s26  }
0x49: {  	[tilespmem:s13], [sflag:$0x1] =	stream.indirect.gather [spmem:s2], $0x10, s25, s11, $0xb8;
	[tilespmem:$0x7B20] =	vst v63  }
0x4a: {  	s25 =	sadd.s32 $0x100, s26  }
0x4b: {  	[tilespmem:s14], [sflag:$0x1] =	stream.indirect.gather [spmem:s2], $0x10, s25, s11, $0xb8;
	[tilespmem:$0x7B20] =	vst v63  }
0x4c: {  	s25 =	sadd.s32 $0x180, s26  }
0x4d: {  	[tilespmem:s15], [sflag:$0x1] =	stream.indirect.gather [spmem:s2], $0x10, s25, s11, $0xb8;
	[tilespmem:$0x7B20] =	vst v63  }
0x4e: {  	s25 =	sadd.s32 $0x200, s26  }
0x4f: {  	[tilespmem:s16], [sflag:$0x1] =	stream.indirect.gather [spmem:s2], $0x10, s25, s11, $0xb8;
	[tilespmem:$0x7B20] =	vst v63  }
0x50: {  	s25 =	sadd.s32 $0x280, s26  }
0x51: {  	[tilespmem:s17], [sflag:$0x1] =	stream.indirect.gather [spmem:s2], $0x10, s25, s11, $0xb8;
	[tilespmem:$0x7B20] =	vst v63  }
0x52: {  	s25 =	sadd.s32 $0x300, s26  }
0x53: {  	[tilespmem:s18], [sflag:$0x1] =	stream.indirect.gather [spmem:s2], $0x10, s25, s11, $0xb8;
	[tilespmem:$0x7B20] =	vst v63  }
0x54: {  	s25 =	sadd.s32 $0x380, s26  }
0x55: {  	[tilespmem:s19], [sflag:$0x1] =	stream.indirect.gather [spmem:s2], $0x10, s25, s11, $0xb8;
	[tilespmem:$0x7B20] =	vst v63  }
0x56: {  	_ =	swait.ge [sflag:s20], $0x800  }
0x57: {  	[sflag:s20] =	ssyncset.done $0x0  }
0x58: {  	[sflag:s20] =	ssyncadd.s32 $0xFFFFF800  }
0x59: {  	_ =	swait.ge [sflag:s20], $0x800  }
0x5a: {  	[sflag:s20] =	ssyncset.done $0x0  }
0x5b: {  	[sflag:s20] =	ssyncadd.s32 $0xFFFFF800  }
0x5c: {  	_ =	swait.ge [sflag:s20], $0x800  }
0x5d: {  	[sflag:s20] =	ssyncset.done $0x0  }
0x5e: {  	[sflag:s20] =	ssyncadd.s32 $0xFFFFF800  }
0x5f: {  	_ =	swait.ge [sflag:s20], $0x800  }
0x60: {  	[sflag:s20] =	ssyncset.done $0x0  }
0x61: {  	[sflag:s20] =	ssyncadd.s32 $0xFFFFF800  }
0x62: {  	_ =	swait.ge [sflag:s20], $0x800  }
0x63: {  	[sflag:s20] =	ssyncset.done $0x0  }
0x64: {  	[sflag:s20] =	ssyncadd.s32 $0xFFFFF800  }
0x65: {  	_ =	swait.ge [sflag:s20], $0x800  }
0x66: {  	[sflag:s20] =	ssyncset.done $0x0  }
0x67: {  	[sflag:s20] =	ssyncadd.s32 $0xFFFFF800  }
0x68: {  	_ =	swait.ge [sflag:s20], $0x800  }
0x69: {  	[sflag:s20] =	ssyncset.done $0x0  }
0x6a: {  	[sflag:s20] =	ssyncadd.s32 $0xFFFFF800  }
0x6b: {  	_ =	swait.ge [sflag:s20], $0x800  }
.Ltmp0:
0x6c: {  	[sflag:s20] =	ssyncset.done $0x0;
	(pc) =	sbr.rel @p0 .LBB2_2-.Ltmp0, $4  }
0x6d: {  	[sflag:s20] =	ssyncadd.s32 $0xFFFFF800  }
0x6e: {  	[hbm4b:s22+s3] =	stream.linear.scatter [tilespmem:s12], [sflag:$0x2], $0x4000, $0x38;
	[tilespmem:$0x7B20] =	vst v63  }
0x6f: {  	_ =	swait.ge [sflag:s10], $0x4000  }
0x70: {  	s25 =	smov.u32 s24;
	s22 =	sadd.s32 $0x800, s22;
	[sflag:s10] =	ssyncset.done $0x0  }
0x71: {  	s23 =	sshra.s32 s23, $0x2;
	[sflag:s10] =	ssyncadd.s32 $0xFFFFC000  }
0x72: {  	[tilespmem:s12], [sflag:$0x1] =	stream.indirect.gather [spmem:s2], $0x10, s23, s11, $0xb8;
	[tilespmem:$0x7B20] =	vst v63  }
0x73: {  	s24 =	sadd.s32 $0x80, s23  }
0x74: {  	[tilespmem:s13], [sflag:$0x1] =	stream.indirect.gather [spmem:s2], $0x10, s24, s11, $0xb8;
	[tilespmem:$0x7B20] =	vst v63  }
0x75: {  	s26 =	sadd.s32 $0x100, s23  }
0x76: {  	[tilespmem:s14], [sflag:$0x1] =	stream.indirect.gather [spmem:s2], $0x10, s26, s11, $0xb8;
	[tilespmem:$0x7B20] =	vst v63  }
0x77: {  	s28 =	sadd.s32 $0x180, s23  }
0x78: {  	[tilespmem:s15], [sflag:$0x1] =	stream.indirect.gather [spmem:s2], $0x10, s28, s11, $0xb8;
	[tilespmem:$0x7B20] =	vst v63  }
0x79: {  	s29 =	sadd.s32 $0x200, s23  }
0x7a: {  	[tilespmem:s16], [sflag:$0x1] =	stream.indirect.gather [spmem:s2], $0x10, s29, s11, $0xb8;
	[tilespmem:$0x7B20] =	vst v63  }
0x7b: {  	s30 =	sadd.s32 $0x280, s23  }
0x7c: {  	[tilespmem:s17], [sflag:$0x1] =	stream.indirect.gather [spmem:s2], $0x10, s30, s11, $0xb8;
	[tilespmem:$0x7B20] =	vst v63  }
0x7d: {  	s31 =	sadd.s32 $0x300, s23  }
0x7e: {  	[tilespmem:s18], [sflag:$0x1] =	stream.indirect.gather [spmem:s2], $0x10, s31, s11, $0xb8;
	[tilespmem:$0x7B20] =	vst v63  }
0x7f: {  	s23 =	sadd.s32 $0x380, s23  }
0x80: {  	[tilespmem:s19], [sflag:$0x1] =	stream.indirect.gather [spmem:s2], $0x10, s23, s11, $0xb8;
	[tilespmem:$0x7B20] =	vst v63  }
0x81: {  	_ =	swait.ge [sflag:s20], $0x800  }
0x82: {  	[sflag:s20] =	ssyncset.done $0x0  }
0x83: {  	[sflag:s20] =	ssyncadd.s32 $0xFFFFF800  }
0x84: {  	_ =	swait.ge [sflag:s20], $0x800  }
0x85: {  	[sflag:s20] =	ssyncset.done $0x0  }
0x86: {  	[sflag:s20] =	ssyncadd.s32 $0xFFFFF800  }
0x87: {  	_ =	swait.ge [sflag:s20], $0x800  }
0x88: {  	[sflag:s20] =	ssyncset.done $0x0  }
0x89: {  	[sflag:s20] =	ssyncadd.s32 $0xFFFFF800  }
0x8a: {  	_ =	swait.ge [sflag:s20], $0x800  }
0x8b: {  	[sflag:s20] =	ssyncset.done $0x0  }
0x8c: {  	[sflag:s20] =	ssyncadd.s32 $0xFFFFF800  }
0x8d: {  	_ =	swait.ge [sflag:s20], $0x800  }
0x8e: {  	[sflag:s20] =	ssyncset.done $0x0  }
0x8f: {  	[sflag:s20] =	ssyncadd.s32 $0xFFFFF800  }
0x90: {  	_ =	swait.ge [sflag:s20], $0x800  }
0x91: {  	[sflag:s20] =	ssyncset.done $0x0  }
0x92: {  	[sflag:s20] =	ssyncadd.s32 $0xFFFFF800  }
0x93: {  	_ =	swait.ge [sflag:s20], $0x800  }
0x94: {  	[sflag:s20] =	ssyncset.done $0x0  }
0x95: {  	[sflag:s20] =	ssyncadd.s32 $0xFFFFF800  }
0x96: {  	s21 =	sadd.s32 $0x1, s21;
	_ =	swait.ge [sflag:s20], $0x800  }
0x97: {  	p0 =	sne.s32 s21, s7;
	[sflag:s20] =	ssyncset.done $0x0  }
.Ltmp1:
0x98: {  	[sflag:s20] =	ssyncadd.s32 $0xFFFFF800;
	(pc) =	sbr.rel @p0 .LBB2_1-.Ltmp1, $4  }
0x99: {  	[hbm4b:s22+s3] =	stream.linear.scatter [tilespmem:s12], [sflag:$0x2], $0x4000, $0x38;
	[tilespmem:$0x7B20] =	vst v63  }
0x9a: {  	_ =	swait.ge [sflag:s10], $0x4000  }
0x9b: {  	[sflag:s10] =	ssyncset.done $0x0  }
0x9c: {  	[sflag:s10] =	ssyncadd.s32 $0xFFFFC000  }
0x9d: {  	_ =	sfence.sel $0x180000  }
0x9e: {  	[bflag:$0x0] =	sbarrier.arrive $0xFFFF  }
0x9f: {  	p0 =	sne.s32 s1, $0x0;
	_ =	strace $0x90000056  }
0xa0: {  	s0 =	sadd.s32 @!p0 $0x100000, s0;
	[bflag:$0x2] =	sbarrier.arrive $0xFFFF  }
0xa1: {  	[sflag:s0] =	ssyncadd.tile.s32 @!p0 $0x1;
	_ =	shalt  }
.Lfunc_end2:
_tile_overlayer_lowered:
.L_overlay_start_2:
0xa2: {  	(tag) =	ssettag $0x2  }
0xa3: {  	s0 =	rddreg [dreg:$0x0];
	s2 =	stileid.u32  }
0xa4: {  	s1 =	rddreg [dreg:$0x1];
	p0 =	sne.s32 s2, $0x0  }
0xa5: {  	s3 =	rddreg [dreg:$0x2];
	[bflag:$0x3] =	sbarrier.arrive $0xFFFF;
	s2 =	simm.s32 @!p0 $0x1C02  }
0xa6: {  	[timem:s3], [sflag:s2] =	dma.local @!p0 [hbm:s0], s1  }
0xa7: {  	s0 =	simm.s32 @!p0 $0x2  }
0xa8: {  	_ =	swait.ge @!p0 [sflag:s0], s1  }
0xa9: {  	s1 =	ssub.s32 @!p0 $0x0, s1;
	[sflag:s0] =	ssyncset.done @!p0 $0x0  }
0xaa: {  	[sflag:s0] =	ssyncadd.s32 @!p0 s1  }
0xab: {  	[bflag:$0x3] =	sbarrier.arrive $0xFFFF  }
0xac: {  	_ =	shalt  }

// kernel: kernel.33.cloned.1.call-start
scs
__scs_entry_jumppad:
0x0: {  	(pc) =	sbr.rel $0x88, $3  }
0x1: {  	(tag) =	ssettag $0x0;
	lr =	simm.s32 $0x1  }
0x2: {  	[smem:$0x3F8B] =	sst lr;
	_ =	strace $0xD0000000  }
0x3: {  	_ = 	snop  }
0x4: {  	_ = 	snop  }
0x5: {  	_ = 	snop  }
0x6: {  	_ = 	snop  }
0x7: {  	_ = 	snop  }
__scs_overlays_trampoline_lowered:
0x8: {  	[smem:$0x3F9A] =	sst s0  }
0x9: {  	[smem:$0x3F9B] =	sst s1  }
0xa: {  	[smem:$0x3F9C] =	sst s2  }
0xb: {  	[smem:$0x3F9D] =	sst s3  }
0xc: {  	[smem:$0x3F9E] =	sst s4  }
0xd: {  	[smem:$0x3F9F] =	sst s5  }
0xe: {  	[smem:$0x3FA0] =	sst s6  }
0xf: {  	[smem:$0x3FA1] =	sst s7  }
0x10: {  	[smem:$0x3FA2] =	sst s8  }
0x11: {  	[smem:$0x3FA3] =	sst s9;
	s0 =	simm.s32 @!p0 $0x0  }
0x12: {  	s1 =	sld [smem:$0x3F89];
	s0 =	simm.s32 @p0 $0x1  }
0x13: {  	[smem:$0x3FA4] =	sst s0;
	s0 =	simm.s32 @!p1 $0x0  }
0x14: {  	s2 =	sld [smem:$0x3F88];
	s0 =	simm.s32 @p1 $0x1  }
0x15: {  	[smem:$0x3FA5] =	sst s0;
	s0 =	simm.s32 @!p2 $0x0  }
0x16: {  	s3 =	sld [smem:$0x3FDB];
	s0 =	simm.s32 @p2 $0x1  }
0x17: {  	s4 =	simm.s32 $0x1BF5;
	[smem:$0x3FA7] =	sst s0  }
0x18: {  	s0 =	sld [smem:$0x3F8A];
	_ =	swait.ge [sflag:s4], $0x0  }
0x19: {  	s7 =	sld [smem:$0x3F8B]  }
0x1a: {  	s8 =	sadd.s32 $0xFFFFE003, lr  }
0x1b: {  	s9 =	sadd.s32 $0xFFFFFEF7, lr;
	s5 =	simm.s32 $0xFFFFFFFF;
	p2 =	slt.u32 s8, $0xFFFFF086  }
0x1c: {  	p1 =	slt.u32 s9, $0xF7A;
	s5 =	simm.s32 @!p2 $0x0  }
0x1d: {  	s5 =	simm.s32 @p1 $0x1;
	p0 =	seq.s32 s7, s2  }
0x1e: {  	s7 =	smul.u32 @!p0 $0xF7A, s2;
	p2 =	seq.s32 @!p0 s5, $0x0  }
0x1f: {  	s9 =	smul.u32 $0xF7A, s1;
	s8 =	simm.s32 @!p0 $0x1BF5;
	p2 =	por !p2, p0  }
0x20: {  	[sflag:s8] =	ssyncset.s32 @!p0 $0xFFFFF086;
	s6 =	sadd.s32 @!p0 s3, s7;
	s7 =	simm.s32 @!p0 $0x108  }
0x21: {  	s3 =	sadd.s32 s3, s9;
	s6 =	sadd.s32 @!p0 $0x88, s6;
	s7 =	simm.s32 @p2 $0x1082  }
0x22: {  	[simem:s7], [sflag:s8] =	dma.local @!p0 [hbm:s6], $0xF7A  }
0x23: {  	s9 =	sor.u32 $0xD0000000, s2;
	s6 =	simm.s32 $0x108;
	_ =	swait.ge @!p0 [sflag:s8], $0x0  }
0x24: {  	s3 =	sadd.s32 $0x88, s3;
	s6 =	simm.s32 @!p1 $0x1082;
	[sflag:s4] =	ssyncset.s32 $0xFFFFF086  }
0x25: {  	[simem:s6], [sflag:s4] =	dma.local [hbm:s3], $0xF7A  }
0x26: {  	[smem:$0x3F8B] =	sst s1;
	(tag) =	ssettag s2;
	_ =	strace s9  }
0x27: {  	s1 =	sld [smem:$0x3F9B]  }
0x28: {  	s2 =	sld [smem:$0x3F9C]  }
0x29: {  	s4 =	sld [smem:$0x3F9E]  }
0x2a: {  	p0 =	seq.s32 s5, $0x0;
	s5 =	sld [smem:$0x3F9F]  }
0x2b: {  	s6 =	sld [smem:$0x3FA0]  }
0x2c: {  	s7 =	sld [smem:$0x3FA1]  }
0x2d: {  	s3 =	simm.s32 $0x108;
	s8 =	sld [smem:$0x3FA2]  }
0x2e: {  	s3 =	simm.s32 @!p0 $0x1082;
	s9 =	sld [smem:$0x3FA3]  }
0x2f: {  	lr =	sadd.s32 s0, s3;
	s0 =	sld [smem:$0x3F9A]  }
0x30: {  	s3 =	sld [smem:$0x3F9D]  }
0x31: {  	[smem:$0x3FA6] =	sst s10  }
0x32: {  	s10 =	sld [smem:$0x3FA4];
	_ =	sdelay $0x3  }
0x33: {  	p0 =	seq.s32 s10, $0x1;
	s10 =	sld [smem:$0x3FA6];
	_ =	sdelay $0x3  }
0x34: {  	[smem:$0x3FA6] =	sst s10  }
0x35: {  	s10 =	sld [smem:$0x3FA5];
	_ =	sdelay $0x3  }
0x36: {  	p1 =	seq.s32 s10, $0x1;
	s10 =	sld [smem:$0x3FA6];
	_ =	sdelay $0x3  }
0x37: {  	[smem:$0x3FA6] =	sst s10  }
0x38: {  	s10 =	sld [smem:$0x3FA7]  }
0x39: {  	_ = 	snop;
	(pc) =	sbr.ind lr, $3  }
0x3a: {  	_ = 	snop  }
0x3b: {  	_ = 	snop  }
0x3c: {  	p2 =	seq.s32 s10, $0x1;
	s10 =	sld [smem:$0x3FA6]  }
0x3d: {  	_ =	shalt  }
0x3e: {  	_ =	shalt  }
0x3f: {  	_ =	shalt  }
0x40: {  	_ =	shalt  }
0x41: {  	_ =	shalt  }
0x42: {  	_ =	shalt  }
0x43: {  	_ =	shalt  }
0x44: {  	_ =	shalt  }
0x45: {  	_ =	shalt  }
0x46: {  	_ =	shalt  }
0x47: {  	_ =	shalt  }
0x48: {  	_ =	shalt  }
0x49: {  	_ =	shalt  }
0x4a: {  	_ =	shalt  }
0x4b: {  	_ =	shalt  }
0x4c: {  	_ =	shalt  }
0x4d: {  	_ =	shalt  }
0x4e: {  	_ =	shalt  }
0x4f: {  	_ =	shalt  }
0x50: {  	_ =	shalt  }
0x51: {  	_ =	shalt  }
0x52: {  	_ =	shalt  }
0x53: {  	_ =	shalt  }
0x54: {  	_ =	shalt  }
0x55: {  	_ =	shalt  }
0x56: {  	_ =	shalt  }
0x57: {  	_ =	shalt  }
0x58: {  	_ =	shalt  }
0x59: {  	_ =	shalt  }
0x5a: {  	_ =	shalt  }
0x5b: {  	_ =	shalt  }
0x5c: {  	_ =	shalt  }
0x5d: {  	_ =	shalt  }
0x5e: {  	_ =	shalt  }
0x5f: {  	_ =	shalt  }
0x60: {  	_ =	shalt  }
0x61: {  	_ =	shalt  }
0x62: {  	_ =	shalt  }
0x63: {  	_ =	shalt  }
0x64: {  	_ =	shalt  }
0x65: {  	_ =	shalt  }
0x66: {  	_ =	shalt  }
0x67: {  	_ =	shalt  }
0x68: {  	_ =	shalt  }
0x69: {  	_ =	shalt  }
0x6a: {  	_ =	shalt  }
0x6b: {  	_ =	shalt  }
0x6c: {  	_ =	shalt  }
0x6d: {  	_ =	shalt  }
0x6e: {  	_ =	shalt  }
0x6f: {  	_ =	shalt  }
0x70: {  	_ =	shalt  }
0x71: {  	_ =	shalt  }
0x72: {  	_ =	shalt  }
0x73: {  	_ =	shalt  }
0x74: {  	_ =	shalt  }
0x75: {  	_ =	shalt  }
0x76: {  	_ =	shalt  }
0x77: {  	_ =	shalt  }
0x78: {  	_ =	shalt  }
0x79: {  	_ =	shalt  }
0x7a: {  	_ =	shalt  }
0x7b: {  	_ =	shalt  }
0x7c: {  	_ =	shalt  }
0x7d: {  	_ =	shalt  }
0x7e: {  	_ =	shalt  }
0x7f: {  	_ =	shalt  }
0x80: {  	_ =	shalt  }
0x81: {  	_ =	shalt  }
0x82: {  	_ =	shalt  }
0x83: {  	_ =	shalt  }
0x84: {  	_ =	shalt  }
0x85: {  	_ =	shalt  }
0x86: {  	_ =	shalt  }
0x87: {  	_ =	shalt  }
.Lfunc_end0:
.L_simem_size_0:
called_computation.6_lowered:
.L_overlay_start_0:
0x88: {  	s2 =	sld [smem:$0x3FD9]  }
0x89: {  	s3 =	sld [smem:$0x3FFE];
	_ =	sdelay $0x1  }
0x8a: {  	s1 =	srdreg.scid  }
0x8b: {  	s0 =	sand.u32 $0x1, s1  }
0x8c: {  	s16 =	sshll.u32 s0, $0xA;
	s2 =	sadd.s32 s3, s2  }
0x8d: {  	s2 =	sadd.s32 s2, s16  }
0x8e: {  	[smem:$0x3FB2] =	sst s2  }
0x8f: {  	_ = 	snop  }
0x90: {  	(tm) =	ssettm $0x1  }
0x91: {  	s17 =	sld [smem:$0x3FFB];
	_ =	sdelay $0x3  }
0x92: {  	_ =	strace s17  }
0x93: {  	s2 =	sld [smem:$0x3FFC];
	_ =	sdelay $0x3  }
0x94: {  	_ =	strace s2  }
0x95: {  	s2 =	sld [smem:$0x3FFD];
	_ =	sdelay $0x3  }
0x96: {  	_ =	strace s2  }
0x97: {  	_ =	strace $0x8FFFFFFF  }
0x98: {  	s18 =	sld [smem:$0x3FDB];
	_ =	sdelay $0x1  }
0x99: {  	s19 =	simm.s32 $_scs_section_size  }
0x9a: {  	s4 =	simm.s32 $_size__tile_overlayer_lowered;
	s5 =	simm.s32 $_tile_overlayer_lowered  }
0x9b: {  	s22 =	simm.s32 $0x1BFF;
	s21 =	sshll.u32 s5, $0x1;
	s2 =	sadd.s32 s19, s18  }
0x9c: {  	s6 =	simm.s32 $0x0;
	s20 =	sshll.u32 s4, $0x1;
	s4 =	sadd.s32 s21, s2  }
0x9d: {  	[timem:s6], [sflag:s22] =	dma.local [hbm:s4], s20  }
0x9e: {  	_ =	swait.ge [sflag:s22], s20  }
0x9f: {  	s3 =	ssub.s32 $0x0, s20;
	[sflag:s22] =	ssyncset.done $0x0  }
0xa0: {  	[sflag:s22] =	ssyncadd.s32 s3;
	_ =	sdelay $0x1  }
0xa1: {  	s23 =	simm.s32 $0x1B8B  }
0xa2: {  	_ =	swait.ge [sflag:s23], $0x1  }
0xa3: {  	[sflag:s23] =	ssyncset.done $0x0  }
0xa4: {  	s25 =	simm.s32 $0x1B8E;
	s24 =	sld [smem:$0x3FFE];
	[sflag:s23] =	ssyncadd.s32 $0xFFFFFFFF  }
0xa5: {  	s26 =	simm.s32 $execute0_lowered;
	[smem:$0x3FD2] =	sst s25  }
0xa6: {  	s4 =	sshll.u32 s26, $0x1;
	_ =	strace $0x80000058;
	[dreg:$0x1] =	wrdreg $0xFFFFFFFF  }
0xa7: {  	s28 =	simm.s32 $_size_execute0_lowered;
	s2 =	sadd.s32 s2, s4;
	[dreg:$0x0] =	wrdreg $0x0  }
0xa8: {  	s4 =	sshll.u32 s28, $0x1;
	[dreg:$0x2] =	wrdreg s2  }
0xa9: {  	[dreg:$0x3] =	wrdreg s4  }
0xaa: {  	[dreg:$0x4] =	wrdreg $0xC0  }
0xab: {  	_ =	task [dreg:s6], $0x5FFFF  }
0xac: {  	[dreg:$0x1] =	wrdreg $0xFFFFFFFF  }
0xad: {  	[dreg:$0x0] =	wrdreg $0x60  }
0xae: {  	[dreg:$0x2] =	wrdreg s24  }
0xaf: {  	[dreg:$0x3] =	wrdreg $0x54000  }
0xb0: {  	[dreg:$0x4] =	wrdreg $0x9  }
0xb1: {  	_ =	task.clear_ibuf [dreg:s6], $0x5FFFF;
	_ =	strace $0x90000058  }
0xb2: {  	s29 =	simm.s32 $0x9;
	_ =	strace $0x8000005A  }
0xb3: {  	_ =	swait.ge [sflag:s29], $0x1  }
0xb4: {  	[sflag:s29] =	ssyncadd.s32 $0xFFFFFFFF  }
0xb5: {  	_ =	strace $0x9000005A  }
0xb6: {  	_ =	sfence  }
0xb7: {  	s30 =	sld [smem:$0x0];
	_ =	sdelay $0x2  }
0xb8: {  	s31 =	sshll.u32 s1, $0xD;
	s1 =	sshrl.u32 s1, $0x2  }
0xb9: {  	s3 =	sand.u32 $0x4000, s31;
	s1 =	sadd.s32 s1, s30  }
0xba: {  	s0 =	sor.u32 s3, s0;
	s1 =	sshll.u32 s1, $0x11  }
0xbb: {  	s0 =	sor.u32 s1, s0  }
0xbc: {  	s0 =	sadd.s32 $0x8F2B, s0  }
0xbd: {  	[sflag:s0] =	ssyncadd.remote.s32 $0x1  }
0xbe: {  	_ =	sfence.sel $0xFFFF  }
0xbf: {  	[dreg:$0x0] =	wrdreg $0xFFFFFFFF;
	(pc) =	sbr.abs _section_cstart, $3  }
0xc0: {  	[dreg:$0x1] =	wrdreg $0xFFFFFFFF  }
0xc1: {  	_ =	task.clear_ibuf [dreg:s6], $0x2FFFF;
	_ =	strace $0x9FFFFFFF  }
0xc2: {  	(tm) =	ssettm $0x7FFFFFFF  }
0xc3: {  	_ =	shalt  }
tec
execute0_lowered:
.L_overlay_start_1:
0x0: {  	(tag) =	ssettag $0x1  }
0x1: {  	s5 =	rddreg [dreg:$0x0];
	s1 =	srdreg.scid  }
0x2: {  	s0 =	stileid.u32;
	s2 =	rddreg [dreg:$0x1];
	s3 =	simm.s32 $0x0  }
0x3: {  	s13 =	simm.s32 $0x80;
	s14 =	simm.s32 $0x1C00;
	s15 =	simm.s32 $0x2400  }
0x4: {  	s16 =	simm.s32 $0x2C00;
	s17 =	simm.s32 $0x3400;
	s18 =	simm.s32 $0x3C00  }
0x5: {  	s19 =	simm.s32 $0x4400;
	s20 =	simm.s32 $0x4C00;
	s21 =	simm.s32 $0x1  }
0x6: {  	s22 =	simm.s32 $0x0;
	s4 =	sand.u32 $0x1, s1;
	s6 =	smul.u32 $0x28000, s0  }
0x7: {  	s1 =	rddreg [dreg:$0x2];
	s8 =	sshll.u32 s0, $0x1;
	s9 =	smul.u32 $0x2720, s0  }
0x8: {  	[smem:$0x7FF] =	sst s3;
	s31 =	sshll.u32 s0, $0x6;
	s7 =	smul.u32 $0x14000, s4  }
0x9: {  	s25 =	sor.u32 s4, s8;
	s26 =	smul.u32 $0x27200, s4;
	s29 =	ssub.s32 $0x2, s4  }
0xa: {  	_ =	strace $0x80000059;
	s4 =	sadd.s32 $0x64000, s5;
	s30 =	sshrl.u32 s29, $0x1  }
0xb: {  	s12 =	sadd.s32 s9, s2;
	s6 =	sadd.s32 s7, s6;
	s7 =	smul.u32 $0x280, s25  }
0xc: {  	s28 =	sadd.s32 s9, s26;
	s8 =	ssub.s32 s29, s30;
	s6 =	sshrl.u32 s6, $0x3  }
0xd: {  	s8 =	smax.u32 s8, $0x1;
	s10 =	sadd.s32 s6, s5;
	s6 =	sshrl.u32 s28, $0x3  }
0xe: {  	s7 =	sadd.s32 s7, s5;
	s11 =	sadd.s32 s6, s5;
	s5 =	sor.u32 $0x1C02, s31  }
0xf: {  	s6 =	sadd.s32 $0x5F000, s7;
	s9 =	sadd.s32 $0xA000, s10;
	s10 =	sshrl.u32 s12, $0x3  }
0x10: {  	s12 =	simm.s32 $0x1400;
	s7 =	sadd.s32 $0x64600, s11;
	s11 =	simm.s32 $0x2  }
.LBB2_1:
0x11: {  	[spmem:s10], [sflag:s5] =	dma.local [hbm:s4], $0x4E4  }
0x12: {  	_ =	swait.ge [sflag:s11], $0x4E4  }
0x13: {  	[sflag:s11] =	ssyncset.done $0x0  }
0x14: {  	[sflag:s11] =	ssyncadd.s32 $0xFFFFFB1C  }
0x15: {  	[tilespmem:s3], [sflag:$0x2] =	stream.linear.gather [hbm4b:s6+s3], $0x1400, $0x38;
	[tilespmem:$0x7B20] =	vst v63  }
0x16: {  	_ =	swait.ge [sflag:s11], $0x1400  }
0x17: {  	[sflag:s11] =	ssyncset.done $0x0  }
0x18: {  	[sflag:s11] =	ssyncadd.s32 $0xFFFFEC00  }
0x19: {  	[bflag:$0x0] =	sbarrier.arrive $0xFFFF  }
0x1a: {  	[tilespmem:s12], [sflag:$0x2] =	stream.linear.gather [hbm4b:s9+s3], $0x4000, $0x38;
	[tilespmem:$0x7B20] =	vst v63  }
0x1b: {  	_ =	swait.ge [sflag:s11], $0x4000  }
0x1c: {  	[sflag:s11] =	ssyncset.done $0x0  }
0x1d: {  	s23 =	simm.s32 $0x0;
	[sflag:s11] =	ssyncadd.s32 $0xFFFFC000  }
0x1e: {  	[spmem:s2] =	stream.indirect.scatter.add.f32 [tilespmem:s12], [sflag:$0x1], $0x10, s23, s13, $0xb8;
	[tilespmem:$0x7B20] =	vst v63  }
0x1f: {  	s24 =	simm.s32 $0x80  }
0x20: {  	[spmem:s2] =	stream.indirect.scatter.add.f32 [tilespmem:s14], [sflag:$0x1], $0x10, s24, s13, $0xb8;
	[tilespmem:$0x7B20] =	vst v63  }
0x21: {  	s25 =	simm.s32 $0x100  }
0x22: {  	[spmem:s2] =	stream.indirect.scatter.add.f32 [tilespmem:s15], [sflag:$0x1], $0x10, s25, s13, $0xb8;
	[tilespmem:$0x7B20] =	vst v63  }
0x23: {  	s26 =	simm.s32 $0x180  }
0x24: {  	[spmem:s2] =	stream.indirect.scatter.add.f32 [tilespmem:s16], [sflag:$0x1], $0x10, s26, s13, $0xb8;
	[tilespmem:$0x7B20] =	vst v63  }
0x25: {  	s28 =	simm.s32 $0x200  }
0x26: {  	[spmem:s2] =	stream.indirect.scatter.add.f32 [tilespmem:s17], [sflag:$0x1], $0x10, s28, s13, $0xb8;
	[tilespmem:$0x7B20] =	vst v63  }
0x27: {  	s29 =	simm.s32 $0x280  }
0x28: {  	[spmem:s2] =	stream.indirect.scatter.add.f32 [tilespmem:s18], [sflag:$0x1], $0x10, s29, s13, $0xb8;
	[tilespmem:$0x7B20] =	vst v63  }
0x29: {  	s30 =	simm.s32 $0x300  }
0x2a: {  	[spmem:s2] =	stream.indirect.scatter.add.f32 [tilespmem:s19], [sflag:$0x1], $0x10, s30, s13, $0xb8;
	[tilespmem:$0x7B20] =	vst v63  }
0x2b: {  	s31 =	simm.s32 $0x380  }
0x2c: {  	[spmem:s2] =	stream.indirect.scatter.add.f32 [tilespmem:s20], [sflag:$0x1], $0x10, s31, s13, $0xb8;
	[tilespmem:$0x7B20] =	vst v63  }
0x2d: {  	_ =	swait.ge [sflag:s21], $0x800  }
0x2e: {  	[sflag:s21] =	ssyncset.done $0x0  }
0x2f: {  	[sflag:s21] =	ssyncadd.s32 $0xFFFFF800  }
0x30: {  	_ =	swait.ge [sflag:s21], $0x800  }
0x31: {  	[sflag:s21] =	ssyncset.done $0x0  }
0x32: {  	[sflag:s21] =	ssyncadd.s32 $0xFFFFF800  }
0x33: {  	_ =	swait.ge [sflag:s21], $0x800  }
0x34: {  	[sflag:s21] =	ssyncset.done $0x0  }
0x35: {  	[sflag:s21] =	ssyncadd.s32 $0xFFFFF800  }
0x36: {  	_ =	swait.ge [sflag:s21], $0x800  }
0x37: {  	[sflag:s21] =	ssyncset.done $0x0  }
0x38: {  	[sflag:s21] =	ssyncadd.s32 $0xFFFFF800  }
0x39: {  	_ =	swait.ge [sflag:s21], $0x800  }
0x3a: {  	[sflag:s21] =	ssyncset.done $0x0  }
0x3b: {  	[sflag:s21] =	ssyncadd.s32 $0xFFFFF800  }
0x3c: {  	_ =	swait.ge [sflag:s21], $0x800  }
0x3d: {  	[sflag:s21] =	ssyncset.done $0x0  }
0x3e: {  	[sflag:s21] =	ssyncadd.s32 $0xFFFFF800  }
0x3f: {  	_ =	swait.ge [sflag:s21], $0x800  }
0x40: {  	[sflag:s21] =	ssyncset.done $0x0  }
0x41: {  	[sflag:s21] =	ssyncadd.s32 $0xFFFFF800  }
0x42: {  	_ =	swait.ge [sflag:s21], $0x800  }
0x43: {  	s23 =	simm.s32 $0x1000;
	s24 =	smov.u32 s9;
	[sflag:s21] =	ssyncset.done $0x0  }
.LBB2_2:
0x44: {  	p0 =	sne.s32 s23, $0x4000;
	[sflag:s21] =	ssyncadd.s32 $0xFFFFF800;
	s24 =	sadd.s32 $0x800, s24  }
0x45: {  	[tilespmem:s12], [sflag:$0x2] =	stream.linear.gather [hbm4b:s24+s3], $0x4000, $0x38;
	[tilespmem:$0x7B20] =	vst v63  }
0x46: {  	s25 =	smov.u32 s23;
	s23 =	sadd.s32 $0x1000, s23;
	_ =	swait.ge [sflag:s11], $0x4000  }
0x47: {  	[sflag:s11] =	ssyncset.done $0x0  }
0x48: {  	s25 =	sshra.s32 s25, $0x2;
	[sflag:s11] =	ssyncadd.s32 $0xFFFFC000  }
0x49: {  	[spmem:s2] =	stream.indirect.scatter.add.f32 [tilespmem:s12], [sflag:$0x1], $0x10, s25, s13, $0xb8;
	[tilespmem:$0x7B20] =	vst v63  }
0x4a: {  	s26 =	sadd.s32 $0x80, s25  }
0x4b: {  	[spmem:s2] =	stream.indirect.scatter.add.f32 [tilespmem:s14], [sflag:$0x1], $0x10, s26, s13, $0xb8;
	[tilespmem:$0x7B20] =	vst v63  }
0x4c: {  	s26 =	sadd.s32 $0x100, s25  }
0x4d: {  	[spmem:s2] =	stream.indirect.scatter.add.f32 [tilespmem:s15], [sflag:$0x1], $0x10, s26, s13, $0xb8;
	[tilespmem:$0x7B20] =	vst v63  }
0x4e: {  	s26 =	sadd.s32 $0x180, s25  }
0x4f: {  	[spmem:s2] =	stream.indirect.scatter.add.f32 [tilespmem:s16], [sflag:$0x1], $0x10, s26, s13, $0xb8;
	[tilespmem:$0x7B20] =	vst v63  }
0x50: {  	s26 =	sadd.s32 $0x200, s25  }
0x51: {  	[spmem:s2] =	stream.indirect.scatter.add.f32 [tilespmem:s17], [sflag:$0x1], $0x10, s26, s13, $0xb8;
	[tilespmem:$0x7B20] =	vst v63  }
0x52: {  	s26 =	sadd.s32 $0x280, s25  }
0x53: {  	[spmem:s2] =	stream.indirect.scatter.add.f32 [tilespmem:s18], [sflag:$0x1], $0x10, s26, s13, $0xb8;
	[tilespmem:$0x7B20] =	vst v63  }
0x54: {  	s26 =	sadd.s32 $0x300, s25  }
0x55: {  	[spmem:s2] =	stream.indirect.scatter.add.f32 [tilespmem:s19], [sflag:$0x1], $0x10, s26, s13, $0xb8;
	[tilespmem:$0x7B20] =	vst v63  }
0x56: {  	s25 =	sadd.s32 $0x380, s25  }
0x57: {  	[spmem:s2] =	stream.indirect.scatter.add.f32 [tilespmem:s20], [sflag:$0x1], $0x10, s25, s13, $0xb8;
	[tilespmem:$0x7B20] =	vst v63  }
0x58: {  	_ =	swait.ge [sflag:s21], $0x800  }
0x59: {  	[sflag:s21] =	ssyncset.done $0x0  }
0x5a: {  	[sflag:s21] =	ssyncadd.s32 $0xFFFFF800  }
0x5b: {  	_ =	swait.ge [sflag:s21], $0x800  }
0x5c: {  	[sflag:s21] =	ssyncset.done $0x0  }
0x5d: {  	[sflag:s21] =	ssyncadd.s32 $0xFFFFF800  }
0x5e: {  	_ =	swait.ge [sflag:s21], $0x800  }
0x5f: {  	[sflag:s21] =	ssyncset.done $0x0  }
0x60: {  	[sflag:s21] =	ssyncadd.s32 $0xFFFFF800  }
0x61: {  	_ =	swait.ge [sflag:s21], $0x800  }
0x62: {  	[sflag:s21] =	ssyncset.done $0x0  }
0x63: {  	[sflag:s21] =	ssyncadd.s32 $0xFFFFF800  }
0x64: {  	_ =	swait.ge [sflag:s21], $0x800  }
0x65: {  	[sflag:s21] =	ssyncset.done $0x0  }
0x66: {  	[sflag:s21] =	ssyncadd.s32 $0xFFFFF800  }
0x67: {  	_ =	swait.ge [sflag:s21], $0x800  }
0x68: {  	[sflag:s21] =	ssyncset.done $0x0  }
0x69: {  	[sflag:s21] =	ssyncadd.s32 $0xFFFFF800  }
.Ltmp0:
0x6a: {  	_ =	swait.ge [sflag:s21], $0x800;
	(pc) =	sbr.rel @p0 .LBB2_2-.Ltmp0, $4  }
0x6b: {  	[sflag:s21] =	ssyncset.done $0x0  }
0x6c: {  	[sflag:s21] =	ssyncadd.s32 $0xFFFFF800  }
0x6d: {  	_ =	swait.ge [sflag:s21], $0x800  }
0x6e: {  	[sflag:s21] =	ssyncset.done $0x0  }
0x6f: {  	s22 =	sadd.s32 $0x1, s22  }
0x70: {  	[sflag:s21] =	ssyncadd.s32 $0xFFFFF800;
	p0 =	sne.s32 s22, s8  }
.Ltmp1:
0x71: {  	[bflag:$0x0] =	sbarrier.arrive $0xFFFF;
	(pc) =	sbr.rel @p0 .LBB2_1-.Ltmp1, $4  }
0x72: {  	[hbm:s7], [sflag:s5] =	dma.local [spmem:s10], $0x4E4  }
0x73: {  	_ =	swait.ge [sflag:s11], $0x4E4  }
0x74: {  	[sflag:s11] =	ssyncset.done $0x0  }
0x75: {  	[sflag:s11] =	ssyncadd.s32 $0xFFFFFB1C  }
0x76: {  	_ =	sfence.sel $0x180000  }
0x77: {  	[bflag:$0x0] =	sbarrier.arrive $0xFFFF  }
0x78: {  	p0 =	sne.s32 s0, $0x0;
	_ =	strace $0x90000059  }
0x79: {  	s0 =	sadd.s32 @!p0 $0x100000, s1;
	[bflag:$0x2] =	sbarrier.arrive $0xFFFF  }
0x7a: {  	[sflag:s0] =	ssyncadd.tile.s32 @!p0 $0x1;
	_ =	shalt  }
.Lfunc_end2:
_tile_overlayer_lowered:
.L_overlay_start_2:
0x7b: {  	(tag) =	ssettag $0x2  }
0x7c: {  	s0 =	rddreg [dreg:$0x0];
	s2 =	stileid.u32  }
0x7d: {  	s1 =	rddreg [dreg:$0x1];
	p0 =	sne.s32 s2, $0x0  }
0x7e: {  	s3 =	rddreg [dreg:$0x2];
	[bflag:$0x3] =	sbarrier.arrive $0xFFFF;
	s2 =	simm.s32 @!p0 $0x1C02  }
0x7f: {  	[timem:s3], [sflag:s2] =	dma.local @!p0 [hbm:s0], s1  }
0x80: {  	s0 =	simm.s32 @!p0 $0x2  }
0x81: {  	_ =	swait.ge @!p0 [sflag:s0], s1  }
0x82: {  	s1 =	ssub.s32 @!p0 $0x0, s1;
	[sflag:s0] =	ssyncset.done @!p0 $0x0  }
0x83: {  	[sflag:s0] =	ssyncadd.s32 @!p0 s1  }
0x84: {  	[bflag:$0x3] =	sbarrier.arrive $0xFFFF  }
0x85: {  	_ =	shalt  }

</sc_bundles>
